<compile_context>
chip_gen: v7x
topology: tpu7x:2x2x1
jax: 0.10.2.dev20260603
libtpu: 0.0.44.dev20260713+nightly
codegen_flags: <defaults>
</compile_context>

<pallas_src>
import functools

import jax
import jax.numpy as jnp
import numpy as np
from jax import lax
from jax.experimental import pallas as pl
from jax.experimental.pallas import tpu as pltpu
from jax.experimental.pallas import tpu_sc as plsc

_ROWS, _COLS = 128, 32768
_N = _ROWS * _COLS
_CCH = 2048
_NCCH = _COLS // _CCH
_INT_MIN = np.int32(-(2 ** 31))

_NB = 8192
_NCORE, _NSUB, _L = 2, 16, 16
_NW = _NCORE * _NSUB
_ROWS_PER_W = _ROWS // _NW
_PIECE = _COLS // 2
_NPIECE = _ROWS_PER_W * 2
_UNROLL = 8
_SLICE = _NB // _NSUB

_mesh = plsc.VectorSubcoreMesh(core_axis_name="c", subcore_axis_name="s")


def _hist_pass(x_hbm, t_hbm, out_hbm, xb0, xb1, tb0, tb1, sx0, sx1, st0, st1,
               hist, mbuf, shared, bucket_of, mask_of):
    cid = lax.axis_index("c")
    sid = lax.axis_index("s")
    wid = sid * _NCORE + cid
    base_row = wid * _ROWS_PER_W

    def zero_body(i, _):
        hist[pl.ds(i * _L, _L)] = jnp.zeros((_L,), jnp.int32)
        return 0

    lax.fori_loop(0, _NB // _L, zero_body, 0)

    ones = jnp.ones((_L,), jnp.int32)
    xb, tb = (xb0, xb1), (tb0, tb1)
    sx, st = (sx0, sx1), (st0, st1)

    def start(p):
        r = base_row + p // 2
        c = (p % 2) * _PIECE
        hx = pltpu.async_copy(x_hbm.at[r, pl.ds(c, _PIECE)], xb[p % 2],
                              sx[p % 2])
        ht = pltpu.async_copy(t_hbm.at[r, pl.ds(c, _PIECE)], tb[p % 2],
                              st[p % 2])
        return hx, ht

    def process(xbuf, tbuf):
        def vec_body(i, _):
            for u in range(_UNROLL):
                off = (i * _UNROLL + u) * _L
                x = xbuf[pl.ds(off, _L)]
                t = tbuf[pl.ds(off, _L)]
                b = lax.bitcast_convert_type(x, jnp.int32)
                neg = t == 0.0
                plsc.addupdate_scatter(
                    hist, [bucket_of(b)], ones, mask=mask_of(b, neg)
                )
            return 0

        lax.fori_loop(0, _PIECE // (_L * _UNROLL), vec_body, 0)

    pend = start(0)
    for p in range(_NPIECE):
        nxt = start(p + 1) if p + 1 < _NPIECE else None
        pend[0].wait()
        pend[1].wait()
        process(xb[p % 2], tb[p % 2])
        pend = nxt

    pltpu.sync_copy(hist, shared.at[sid])
    plsc.subcore_barrier()

    def fetch_row(r, _):
        pltpu.sync_copy(shared.at[r, pl.ds(sid * _SLICE, _SLICE)], mbuf.at[r])
        return 0

    lax.fori_loop(0, _NSUB, fetch_row, 0)

    def red_body(i, _):
        def row_body(r, a):
            return a + mbuf[r, pl.ds(i * _L, _L)]

        acc = lax.fori_loop(0, _NSUB, row_body, jnp.zeros((_L,), jnp.int32))
        hist[pl.ds(sid * _SLICE + i * _L, _L)] = acc
        return 0

    lax.fori_loop(0, _SLICE // _L, red_body, 0)
    pltpu.sync_copy(
        hist.at[pl.ds(sid * _SLICE, _SLICE)],
        out_hbm.at[cid, pl.ds(sid * _SLICE, _SLICE)],
    )


@functools.partial(
    pl.kernel,
    mesh=_mesh,
    out_type=jax.ShapeDtypeStruct((_NCORE, _NB), jnp.int32),
    compiler_params=pltpu.CompilerParams(needs_layout_passes=False),
    scratch_types=[
        pltpu.VMEM((_PIECE,), jnp.float32),
        pltpu.VMEM((_PIECE,), jnp.float32),
        pltpu.VMEM((_PIECE,), jnp.float32),
        pltpu.VMEM((_PIECE,), jnp.float32),
        pltpu.SemaphoreType.DMA,
        pltpu.SemaphoreType.DMA,
        pltpu.SemaphoreType.DMA,
        pltpu.SemaphoreType.DMA,
        pltpu.VMEM((_NB,), jnp.int32),
        pltpu.VMEM((_NSUB, _SLICE), jnp.int32),
        pltpu.VMEM_SHARED((_NSUB, _NB), jnp.int32),
    ],
)
def _sc_hist1(x_hbm, t_hbm, out_hbm, xb0, xb1, tb0, tb1, sx0, sx1, st0, st1,
              hist, mbuf, shared):
    _hist_pass(
        x_hbm, t_hbm, out_hbm, xb0, xb1, tb0, tb1, sx0, sx1, st0, st1,
        hist, mbuf, shared,
        bucket_of=lambda b: lax.shift_right_logical(b, 19),
        mask_of=lambda b, neg: neg,
    )


@functools.partial(
    pl.kernel,
    mesh=_mesh,
    out_type=jax.ShapeDtypeStruct((_NCORE, _NB), jnp.int32),
    compiler_params=pltpu.CompilerParams(needs_layout_passes=False),
    scratch_types=[
        pltpu.VMEM((_PIECE,), jnp.float32),
        pltpu.VMEM((_PIECE,), jnp.float32),
        pltpu.VMEM((_PIECE,), jnp.float32),
        pltpu.VMEM((_PIECE,), jnp.float32),
        pltpu.SemaphoreType.DMA,
        pltpu.SemaphoreType.DMA,
        pltpu.SemaphoreType.DMA,
        pltpu.SemaphoreType.DMA,
        pltpu.VMEM((_NB,), jnp.int32),
        pltpu.VMEM((_NSUB, _SLICE), jnp.int32),
        pltpu.VMEM_SHARED((_NSUB, _NB), jnp.int32),
        pltpu.VMEM((_NB,), jnp.int32),
        pltpu.VMEM((_NB,), jnp.int32),
    ],
)
def _sc_hist2(x_hbm, t_hbm, h1_hbm, out_hbm, xb0, xb1, tb0, tb1,
              sx0, sx1, st0, st1, hist, mbuf, shared, h1a, h1b):
    pltpu.sync_copy(h1_hbm.at[0], h1a)
    pltpu.sync_copy(h1_hbm.at[1], h1b)

    def tot_body(i, acc):
        return acc + jnp.sum(h1a[pl.ds(i * _L, _L)] + h1b[pl.ds(i * _L, _L)])

    neg_cnt = lax.fori_loop(0, _NB // _L, tot_body, jnp.int32(0))
    pos_cnt = jnp.int32(_N) - neg_cnt
    k = (pos_cnt.astype(jnp.float32) * 3.0).astype(jnp.int32)
    k_eff = jnp.minimum(k, neg_cnt)

    _HALF = _NB // (2 * _L)

    def scan_body(si, carry):
        cum, b1 = carry
        is_pos = si < _HALF
        cc = jnp.where(is_pos, _HALF - 1 - si, si)
        chunk = h1a[pl.ds(cc * _L, _L)] + h1b[pl.ds(cc * _L, _L)]
        ctotal = jnp.sum(chunk)
        suffix_in = lax.rev(jnp.cumsum(lax.rev(chunk, (0,))), (0,))
        pre_in = jnp.cumsum(chunk)
        vals = jnp.where(is_pos, suffix_in, pre_in)
        c_t = jnp.sum((vals + cum >= k_eff).astype(jnp.int32))
        cand = jnp.where(is_pos, cc * _L + c_t - 1, cc * _L + _L - c_t)
        crossed = jnp.logical_and(cum < k_eff, cum + ctotal >= k_eff)
        b1 = jnp.where(crossed, cand, b1)
        return cum + ctotal, b1

    _, b1 = lax.fori_loop(
        0, 2 * _HALF, scan_body, (jnp.int32(0), jnp.int32(_NB // 2 - 1))
    )
    b1v = jnp.full((_L,), b1, jnp.int32)

    _hist_pass(
        x_hbm, t_hbm, out_hbm, xb0, xb1, tb0, tb1, sx0, sx1, st0, st1,
        hist, mbuf, shared,
        bucket_of=lambda b: jnp.bitwise_and(
            lax.shift_right_logical(b, 6), np.int32(0x1FFF)
        ),
        mask_of=lambda b, neg: jnp.logical_and(
            neg, lax.shift_right_logical(b, 19) == b1v
        ),
    )


def _find_bucket(m, k_val, rank):
    def bit_body(i, b):
        cand = jnp.bitwise_or(b, jnp.left_shift(jnp.int32(1), 12 - i))
        cnt = jnp.sum(jnp.where(rank >= cand, m, 0))
        return jnp.where(cnt >= k_val, cand, b)

    return lax.fori_loop(0, 13, bit_body, jnp.int32(0))


def _tc_pos_body(x_ref, t_ref, o_ref):
    def chunk(i, acc):
        x = x_ref[:, pl.ds(i * _CCH, _CCH)]
        t = t_ref[:, pl.ds(i * _CCH, _CCH)]
        sp = jnp.maximum(x, 0.0) + jnp.log1p(jnp.exp(-jnp.abs(x)))
        return acc + jnp.sum(jnp.where(t > 0.0, sp - x * t, 0.0))

    o_ref[0, 0] = lax.fori_loop(0, _NCCH, chunk, jnp.float32(0.0))


def _tc_final_body(x_ref, t_ref, h1_ref, h2_ref, pos_ref, o_ref, acc):
    gi = pl.program_id(0)
    iota = lax.broadcasted_iota(jnp.int32, (1, _NB), 1)
    m1 = h1_ref[0:1, :] + h1_ref[1:2, :]
    m2 = h2_ref[0:1, :] + h2_ref[1:2, :]
    neg_cnt = jnp.sum(m1)
    pos_cnt = jnp.int32(_N) - neg_cnt
    k = (pos_cnt.astype(jnp.float32) * 3.0).astype(jnp.int32)
    k_eff = jnp.minimum(k, neg_cnt)

    a1 = jnp.bitwise_xor(
        iota, jnp.where(iota < _NB // 2, np.int32(0x1000), np.int32(0x1FFF))
    )
    b1a = _find_bucket(m1, k_eff, a1)
    cnt_gt1 = jnp.sum(jnp.where(a1 > b1a, m1, 0))
    k_rem = k_eff - cnt_gt1
    a2 = jnp.where(b1a >= _NB // 2, iota, np.int32(_NB - 1) - iota)
    b2a = _find_bucket(m2, k_rem, a2)

    thr = jnp.bitwise_xor(
        jnp.bitwise_or(jnp.left_shift(b1a, 19), jnp.left_shift(b2a, 6)),
        _INT_MIN,
    )

    x = x_ref[...]
    t = t_ref[...]
    neg = t == 0.0
    sp = jnp.maximum(x, 0.0) + jnp.log1p(jnp.exp(-jnp.abs(x)))
    b = lax.bitcast_convert_type(x, jnp.int32)
    s = jnp.where(b >= 0, b, jnp.bitwise_xor(jnp.bitwise_not(b), _INT_MIN))
    s_pref = jnp.bitwise_and(s, np.int32(-64))
    gt = jnp.logical_and(neg, s_pref > thr)
    eq = jnp.logical_and(neg, s_pref == thr)
    cnt_gt = jnp.sum(gt.astype(jnp.float32))
    sum_gt = jnp.sum(jnp.where(gt, sp, 0.0))
    cnt_eq = jnp.sum(eq.astype(jnp.float32))
    sum_eq = jnp.sum(jnp.where(eq, sp, 0.0))

    @pl.when(gi == 0)
    def _():
        acc[0] = cnt_gt
        acc[1] = sum_gt
        acc[2] = cnt_eq
        acc[3] = sum_eq

    @pl.when(gi > 0)
    def _():
        acc[0] = acc[0] + cnt_gt
        acc[1] = acc[1] + sum_gt
        acc[2] = acc[2] + cnt_eq
        acc[3] = acc[3] + sum_eq

    @pl.when(gi == _NCCH - 1)
    def _():
        tie_cnt = k_eff.astype(jnp.float32) - acc[0]
        sp_thr = jnp.where(acc[2] > 0.0, acc[3] / acc[2], 0.0)
        tie = jnp.where(tie_cnt > 0.0, tie_cnt * sp_thr, 0.0)
        total = pos_ref[0, 0] + acc[1] + tie
        denom = (pos_cnt + k).astype(jnp.float32)
        o_ref[0, 0] = total / denom


def kernel(input, target):
    h1 = _sc_hist1(input, target)
    h2 = _sc_hist2(input, target, h1)
    pos_part = pl.pallas_call(
        _tc_pos_body,
        out_shape=jax.ShapeDtypeStruct((1, 1), jnp.float32),
        in_specs=[
            pl.BlockSpec((_ROWS, _COLS), lambda: (0, 0)),
            pl.BlockSpec((_ROWS, _COLS), lambda: (0, 0)),
        ],
        out_specs=pl.BlockSpec(memory_space=pltpu.SMEM),
    )(input, target)
    out = pl.pallas_call(
        _tc_final_body,
        grid=(_NCCH,),
        out_shape=jax.ShapeDtypeStruct((1, 1), jnp.float32),
        in_specs=[
            pl.BlockSpec((_ROWS, _CCH), lambda i: (0, i)),
            pl.BlockSpec((_ROWS, _CCH), lambda i: (0, i)),
            pl.BlockSpec((_NCORE, _NB), lambda i: (0, 0)),
            pl.BlockSpec((_NCORE, _NB), lambda i: (0, 0)),
            pl.BlockSpec(memory_space=pltpu.SMEM),
        ],
        out_specs=pl.BlockSpec(memory_space=pltpu.SMEM),
        scratch_shapes=[pltpu.SMEM((4,), jnp.float32)],
    )(input, target, h1, h2, pos_part)
    return out[0, 0]

# --- scband reference (transcript-rebuilt; emitter-appended) ---
"""Pipeline reference for scband-ohnmloss-72430328480988 (READ-ONLY COPY).

The authoritative reference and input builder live on the scoring server;
editing this copy changes nothing except your own understanding.
"""

import jax, jax.numpy as jnp
import numpy as np


def setup_inputs(seed: int = 0) -> dict:
    key = jax.random.key(seed)
    k1, k2 = jax.random.split(key)
    inp = jax.random.normal(k1, (128, 32768), dtype=jnp.float32)
    # binary target with ~2% positives (float, as in the torch usage)
    target = jax.random.bernoulli(k2, 0.02, (128, 32768)).astype(jnp.float32)
    return {"input": inp, "target": target}


def _bce_with_logits_mean(x, y):
    # numerically stable binary_cross_entropy_with_logits, reduction='mean'
    return jnp.mean(jnp.maximum(x, 0.0) - x * y + jnp.log1p(jnp.exp(-jnp.abs(x))))


def _bce_with_logits_elem(x, y):
    # numerically stable binary_cross_entropy_with_logits, per element
    return jnp.maximum(x, 0.0) - x * y + jnp.log1p(jnp.exp(-jnp.abs(x)))


def reference(input, target):
    neg_ratio = 3.0
    flat_in = input.reshape(-1)
    flat_tg = target.reshape(-1)
    pos_mask = flat_tg > 0
    neg_mask = flat_tg == 0
    pos_num = jnp.sum(pos_mask).astype(jnp.int32)
    neg_num = (pos_num.astype(jnp.float32) * neg_ratio).astype(jnp.int32)
    # online hard negative mining: keep the neg_num highest-scoring negatives
    neg_vals = jnp.where(neg_mask, flat_in, -jnp.inf)
    neg_sorted = -jnp.sort(-neg_vals)
    sel_mask = jnp.arange(flat_in.shape[0], dtype=jnp.int32) < neg_num
    pos_loss = jnp.where(pos_mask, _bce_with_logits_elem(flat_in, flat_tg), 0.0)
    neg_loss = jnp.where(
        sel_mask, jnp.maximum(neg_sorted, 0.0) + jnp.log1p(jnp.exp(-jnp.abs(neg_sorted))), 0.0
    )
    total = jnp.sum(pos_loss) + jnp.sum(neg_loss)
    count = (pos_num + neg_num).astype(jnp.float32)
    return total / count

if __name__ == "__main__":
    import jax
    _d = setup_inputs()
    print(jax.jit(kernel)(*tuple(_d.values())))

</pallas_src>

<mosaic_0001>
#map = affine_map<(d0, d1) -> (0, 0)>
module attributes {stable_mosaic.version = 14 : i64} {
  func.func @_sc_hist2(%arg0: i32, %arg1: i32, %arg2: memref<128x32768xf32, #tpu.memory_space<hbm>>, %arg3: memref<128x32768xf32, #tpu.memory_space<hbm>>, %arg4: memref<2x8192xi32, #tpu.memory_space<hbm>>, %arg5: memref<2x8192xi32, #tpu.memory_space<hbm>>, %arg6: memref<16384xf32, #tpu.memory_space<vmem>>, %arg7: memref<16384xf32, #tpu.memory_space<vmem>>, %arg8: memref<16384xf32, #tpu.memory_space<vmem>>, %arg9: memref<16384xf32, #tpu.memory_space<vmem>>, %arg10: memref<!tpu.dma_semaphore, #tpu.memory_space<semaphore_mem>>, %arg11: memref<!tpu.dma_semaphore, #tpu.memory_space<semaphore_mem>>, %arg12: memref<!tpu.dma_semaphore, #tpu.memory_space<semaphore_mem>>, %arg13: memref<!tpu.dma_semaphore, #tpu.memory_space<semaphore_mem>>, %arg14: memref<8192xi32, #tpu.memory_space<vmem>>, %arg15: memref<16x512xi32, #tpu.memory_space<vmem>>, %arg16: memref<16x8192xi32, #tpu.memory_space<vmem_shared>>, %arg17: memref<8192xi32, #tpu.memory_space<vmem>>, %arg18: memref<8192xi32, #tpu.memory_space<vmem>>) attributes {dimension_semantics = [#tpu.dimension_semantics<core_parallel>, #tpu.dimension_semantics<subcore_parallel>], iteration_bounds = array<i64: 2, 16>, scalar_prefetch = 0 : i64, scratch_operands = 13 : i64, tpu.core_type = #tpu.core_type<sc_vector_subcore>, window_params = [{transform_indices = #map}, {transform_indices = #map}, {transform_indices = #map}, {transform_indices = #map}]} {
    %run_scoped3A = arith.constant 0 : i32
    "tpu.region"() ({
      %run_scoped3A_311 = tpu.sem_alloc : memref<!tpu.dma_semaphore, #tpu.memory_space<semaphore_mem>>
      %dma_start3A_312 = arith.constant 0 : i32
      %dma_start3A_313 = tpu.memref_slice %arg4[%run_scoped3A, %dma_start3A_312] : memref<2x8192xi32, #tpu.memory_space<hbm>> -> memref<1x8192xi32, #tpu.memory_space<hbm>>
      %dma_start3A_314 = tpu.memref_squeeze %dma_start3A_313 : memref<1x8192xi32, #tpu.memory_space<hbm>> -> memref<8192xi32, #tpu.memory_space<hbm>>
      %dma_start3A_315 = arith.constant 0 : i32
      %dma_start3A_316 = tpu.memref_slice %arg4[%run_scoped3A, %dma_start3A_315] : memref<2x8192xi32, #tpu.memory_space<hbm>> -> memref<1x8192xi32, #tpu.memory_space<hbm>>
      %dma_start3A_317 = tpu.memref_squeeze %dma_start3A_316 : memref<1x8192xi32, #tpu.memory_space<hbm>> -> memref<8192xi32, #tpu.memory_space<hbm>>
      tpu.enqueue_dma source(%dma_start3A_317 : memref<8192xi32, #tpu.memory_space<hbm>>) target(%arg17 : memref<8192xi32, #tpu.memory_space<vmem>>) target_semaphore(%run_scoped3A_311 : memref<!tpu.dma_semaphore, #tpu.memory_space<semaphore_mem>>)
      %dma_wait3A_318 = arith.constant 0 : i32
      %dma_wait3A_319 = tpu.memref_slice %arg4[%run_scoped3A, %dma_wait3A_318] : memref<2x8192xi32, #tpu.memory_space<hbm>> -> memref<1x8192xi32, #tpu.memory_space<hbm>>
      %dma_wait3A_320 = tpu.memref_squeeze %dma_wait3A_319 : memref<1x8192xi32, #tpu.memory_space<hbm>> -> memref<8192xi32, #tpu.memory_space<hbm>>
      %dma_wait3A_321 = arith.constant 0 : i32
      %dma_wait3A_322 = tpu.memref_slice %arg4[%run_scoped3A, %dma_wait3A_321] : memref<2x8192xi32, #tpu.memory_space<hbm>> -> memref<1x8192xi32, #tpu.memory_space<hbm>>
      %dma_wait3A_323 = tpu.memref_squeeze %dma_wait3A_322 : memref<1x8192xi32, #tpu.memory_space<hbm>> -> memref<8192xi32, #tpu.memory_space<hbm>>
      tpu.wait_dma2 semaphore(%run_scoped3A_311 : memref<!tpu.dma_semaphore, #tpu.memory_space<semaphore_mem>>) src(%dma_wait3A_323 : memref<8192xi32, #tpu.memory_space<hbm>>) dst(%arg17 : memref<8192xi32, #tpu.memory_space<vmem>>)
      tpu.yield
    }) : () -> ()
    %run_scoped3A_0 = arith.constant 1 : i32
    "tpu.region"() ({
      %run_scoped3A_311 = tpu.sem_alloc : memref<!tpu.dma_semaphore, #tpu.memory_space<semaphore_mem>>
      %dma_start3A_312 = arith.constant 0 : i32
      %dma_start3A_313 = tpu.memref_slice %arg4[%run_scoped3A_0, %dma_start3A_312] : memref<2x8192xi32, #tpu.memory_space<hbm>> -> memref<1x8192xi32, #tpu.memory_space<hbm>>
      %dma_start3A_314 = tpu.memref_squeeze %dma_start3A_313 : memref<1x8192xi32, #tpu.memory_space<hbm>> -> memref<8192xi32, #tpu.memory_space<hbm>>
      %dma_start3A_315 = arith.constant 0 : i32
      %dma_start3A_316 = tpu.memref_slice %arg4[%run_scoped3A_0, %dma_start3A_315] : memref<2x8192xi32, #tpu.memory_space<hbm>> -> memref<1x8192xi32, #tpu.memory_space<hbm>>
      %dma_start3A_317 = tpu.memref_squeeze %dma_start3A_316 : memref<1x8192xi32, #tpu.memory_space<hbm>> -> memref<8192xi32, #tpu.memory_space<hbm>>
      tpu.enqueue_dma source(%dma_start3A_317 : memref<8192xi32, #tpu.memory_space<hbm>>) target(%arg18 : memref<8192xi32, #tpu.memory_space<vmem>>) target_semaphore(%run_scoped3A_311 : memref<!tpu.dma_semaphore, #tpu.memory_space<semaphore_mem>>)
      %dma_wait3A_318 = arith.constant 0 : i32
      %dma_wait3A_319 = tpu.memref_slice %arg4[%run_scoped3A_0, %dma_wait3A_318] : memref<2x8192xi32, #tpu.memory_space<hbm>> -> memref<1x8192xi32, #tpu.memory_space<hbm>>
      %dma_wait3A_320 = tpu.memref_squeeze %dma_wait3A_319 : memref<1x8192xi32, #tpu.memory_space<hbm>> -> memref<8192xi32, #tpu.memory_space<hbm>>
      %dma_wait3A_321 = arith.constant 0 : i32
      %dma_wait3A_322 = tpu.memref_slice %arg4[%run_scoped3A_0, %dma_wait3A_321] : memref<2x8192xi32, #tpu.memory_space<hbm>> -> memref<1x8192xi32, #tpu.memory_space<hbm>>
      %dma_wait3A_323 = tpu.memref_squeeze %dma_wait3A_322 : memref<1x8192xi32, #tpu.memory_space<hbm>> -> memref<8192xi32, #tpu.memory_space<hbm>>
      tpu.wait_dma2 semaphore(%run_scoped3A_311 : memref<!tpu.dma_semaphore, #tpu.memory_space<semaphore_mem>>) src(%dma_wait3A_323 : memref<8192xi32, #tpu.memory_space<hbm>>) dst(%arg18 : memref<8192xi32, #tpu.memory_space<vmem>>)
      tpu.yield
    }) : () -> ()
    %scan3A = arith.constant 0 : i32
    %scan3A_1 = arith.constant 0 : i32
    %scan3A_2 = arith.constant 512 : i32
    %scan3A_3 = arith.addi %scan3A_1, %scan3A_2 : i32
    %scan3A_4 = arith.constant 1 : i32
    %scan3A_5 = scf.for %scan3A_311 = %scan3A_1 to %scan3A_3 step %scan3A_4 iter_args(%scan3A_312 = %scan3A) -> (i32)  : i32 {
      %mul3A_313 = arith.constant 16 : i32
      %mul3A_314 = arith.muli %scan3A_311, %mul3A_313 : i32
      %get3A = arith.index_cast %mul3A_314 : i32 to index
      %get3A_315 = tpu.vector_load %arg17[%get3A] {strides = array<i32>} : memref<8192xi32, #tpu.memory_space<vmem>>, vector<16xi32>,
      %mul3A_316 = arith.constant 16 : i32
      %mul3A_317 = arith.muli %scan3A_311, %mul3A_316 : i32
      %get3A_318 = arith.index_cast %mul3A_317 : i32 to index
      %get3A_319 = tpu.vector_load %arg18[%get3A_318] {strides = array<i32>} : memref<8192xi32, #tpu.memory_space<vmem>>, vector<16xi32>,
      %add3A_320 = arith.addi %get3A_315, %get3A_319 : vector<16xi32>
      %reduce_sum3A = arith.constant true
      %reduce_sum3A_321 = vector.broadcast %reduce_sum3A : i1 to vector<16xi1>
      %reduce_sum3A_322 = tpu.scan <sum>, %add3A_320 masked %reduce_sum3A_321 : vector<16xi32>, vector<16xi1> -> vector<16xi32>
      %reduce_sum3A_323 = vector.extract %reduce_sum3A_322[15] : i32 from vector<16xi32>
      %add3A_324 = arith.addi %scan3A_312, %reduce_sum3A_323 : i32
      scf.yield %add3A_324 : i32
    }
    %scan3A_6 = arith.constant 512 : i32
    %sub3A = arith.constant 4194304 : i32
    %sub3A_7 = arith.subi %sub3A, %scan3A_5 : i32
    %convert_element_type3A = arith.sitofp %sub3A_7 : i32 to f32
    %mul3A = arith.constant 3.000000e+00 : f32
    %mul3A_8 = arith.mulf %convert_element_type3A, %mul3A : f32
    %convert_element_type3A_9 = arith.fptosi %mul3A_8 : f32 to i32
    %min3A = arith.minsi %convert_element_type3A_9, %scan3A_5 : i32
    %scan3A_10 = arith.constant 0 : i32
    %scan3A_11 = arith.constant 4095 : i32
    %scan3A_12 = arith.constant 0 : i32
    %scan3A_13 = arith.constant 512 : i32
    %scan3A_14 = arith.addi %scan3A_12, %scan3A_13 : i32
    %scan3A_15 = arith.constant 1 : i32
    %scan3A_16:2 = scf.for %scan3A_311 = %scan3A_12 to %scan3A_14 step %scan3A_15 iter_args(%scan3A_312 = %scan3A_10, %scan3A_313 = %scan3A_11) -> (i32, i32)  : i32 {
      %lt3A = arith.constant 256 : i32
      %lt3A_314 = arith.cmpi slt, %scan3A_311, %lt3A : i32
      %sub3A_315 = arith.constant 255 : i32
      %sub3A_316 = arith.subi %sub3A_315, %scan3A_311 : i32
      %select_n3A = arith.select %lt3A_314, %sub3A_316, %scan3A_311 : i32
      %mul3A_317 = arith.constant 16 : i32
      %mul3A_318 = arith.muli %select_n3A, %mul3A_317 : i32
      %get3A = arith.index_cast %mul3A_318 : i32 to index
      %get3A_319 = tpu.vector_load %arg17[%get3A] {strides = array<i32>} : memref<8192xi32, #tpu.memory_space<vmem>>, vector<16xi32>,
      %mul3A_320 = arith.constant 16 : i32
      %mul3A_321 = arith.muli %select_n3A, %mul3A_320 : i32
      %get3A_322 = arith.index_cast %mul3A_321 : i32 to index
      %get3A_323 = tpu.vector_load %arg18[%get3A_322] {strides = array<i32>} : memref<8192xi32, #tpu.memory_space<vmem>>, vector<16xi32>,
      %add3A_324 = arith.addi %get3A_319, %get3A_323 : vector<16xi32>
      %reduce_sum3A = arith.constant true
      %reduce_sum3A_325 = vector.broadcast %reduce_sum3A : i1 to vector<16xi1>
      %reduce_sum3A_326 = tpu.scan <sum>, %add3A_324 masked %reduce_sum3A_325 : vector<16xi32>, vector<16xi1> -> vector<16xi32>
      %reduce_sum3A_327 = vector.extract %reduce_sum3A_326[15] : i32 from vector<16xi32>
      %rev3A = arith.constant 15 : i32
      %rev3A_328 = vector.broadcast %rev3A : i32 to vector<16xi32>
      %rev3A_329 = tpu.iota {dimensions = array<i32: 0>} : vector<16xi32>
      %rev3A_330 = arith.subi %rev3A_328, %rev3A_329 : vector<16xi32>
      %rev3A_331 = tpu.dynamic_gather %add3A_324[%rev3A_330] in [0] : vector<16xi32>, vector<16xi32> -> vector<16xi32>
      %cumsum3A = arith.constant true
      %cumsum3A_332 = vector.broadcast %cumsum3A : i1 to vector<16xi1>
      %cumsum3A_333 = tpu.scan <sum>, %rev3A_331 masked %cumsum3A_332 : vector<16xi32>, vector<16xi1> -> vector<16xi32>
      %rev3A_334 = arith.constant 15 : i32
      %rev3A_335 = vector.broadcast %rev3A_334 : i32 to vector<16xi32>
      %rev3A_336 = tpu.iota {dimensions = array<i32: 0>} : vector<16xi32>
      %rev3A_337 = arith.subi %rev3A_335, %rev3A_336 : vector<16xi32>
      %rev3A_338 = tpu.dynamic_gather %cumsum3A_333[%rev3A_337] in [0] : vector<16xi32>, vector<16xi32> -> vector<16xi32>
      %cumsum3A_339 = arith.constant true
      %cumsum3A_340 = vector.broadcast %cumsum3A_339 : i1 to vector<16xi1>
      %cumsum3A_341 = tpu.scan <sum>, %add3A_324 masked %cumsum3A_340 : vector<16xi32>, vector<16xi1> -> vector<16xi32>
      %select_n3A_342 = arith.select %lt3A_314, %rev3A_338, %cumsum3A_341 : vector<16xi32>
      %add3A_343 = vector.broadcast %scan3A_312 : i32 to vector<16xi32>
      %add3A_344 = arith.addi %select_n3A_342, %add3A_343 : vector<16xi32>
      %ge3A = vector.broadcast %min3A : i32 to vector<16xi32>
      %ge3A_345 = arith.cmpi sge, %add3A_344, %ge3A : vector<16xi32>
      %convert_element_type3A_346 = arith.extui %ge3A_345 : vector<16xi1> to vector<16xi32>
      %reduce_sum3A_347 = arith.constant true
      %reduce_sum3A_348 = vector.broadcast %reduce_sum3A_347 : i1 to vector<16xi1>
      %reduce_sum3A_349 = tpu.scan <sum>, %convert_element_type3A_346 masked %reduce_sum3A_348 : vector<16xi32>, vector<16xi1> -> vector<16xi32>
      %reduce_sum3A_350 = vector.extract %reduce_sum3A_349[15] : i32 from vector<16xi32>
      %mul3A_351 = arith.constant 16 : i32
      %mul3A_352 = arith.muli %select_n3A, %mul3A_351 : i32
      %add3A_353 = arith.addi %mul3A_352, %reduce_sum3A_350 : i32
      %sub3A_354 = arith.constant 1 : i32
      %sub3A_355 = arith.subi %add3A_353, %sub3A_354 : i32
      %mul3A_356 = arith.constant 16 : i32
      %mul3A_357 = arith.muli %select_n3A, %mul3A_356 : i32
      %add3A_358 = arith.constant 16 : i32
      %add3A_359 = arith.addi %mul3A_357, %add3A_358 : i32
      %sub3A_360 = arith.subi %add3A_359, %reduce_sum3A_350 : i32
      %select_n3A_361 = arith.select %lt3A_314, %sub3A_355, %sub3A_360 : i32
      %lt3A_362 = arith.cmpi slt, %scan3A_312, %min3A : i32
      %add3A_363 = arith.addi %scan3A_312, %reduce_sum3A_327 : i32
      %ge3A_364 = arith.cmpi sge, %add3A_363, %min3A : i32
      %and3A = arith.andi %lt3A_362, %ge3A_364 : i1
      %select_n3A_365 = arith.select %and3A, %select_n3A_361, %scan3A_313 : i32
      %add3A_366 = arith.addi %scan3A_312, %reduce_sum3A_327 : i32
      scf.yield %add3A_366, %select_n3A_365 : i32, i32
    }
    %scan3A_17 = arith.constant 512 : i32
    %broadcast_in_dim3A = vector.broadcast %scan3A_16#1 : i32 to vector<16xi32>
    %mul3A_18 = arith.constant 2 : i32
    %mul3A_19 = arith.muli %arg1, %mul3A_18 : i32
    %add3A = arith.addi %mul3A_19, %arg0 : i32
    %mul3A_20 = arith.constant 4 : i32
    %mul3A_21 = arith.muli %add3A, %mul3A_20 : i32
    %scan3A_22 = arith.constant 0 : i32
    %scan3A_23 = arith.constant 0 : i32
    %scan3A_24 = arith.constant 512 : i32
    %scan3A_25 = arith.addi %scan3A_23, %scan3A_24 : i32
    %scan3A_26 = arith.constant 1 : i32
    %scan3A_27 = scf.for %scan3A_311 = %scan3A_23 to %scan3A_25 step %scan3A_26 iter_args(%scan3A_312 = %scan3A_22) -> (i32)  : i32 {
      %broadcast_in_dim3A_313 = arith.constant 0 : i32
      %broadcast_in_dim3A_314 = vector.broadcast %broadcast_in_dim3A_313 : i32 to vector<16xi32>
      %mul3A_315 = arith.constant 16 : i32
      %mul3A_316 = arith.muli %scan3A_311, %mul3A_315 : i32
      %swap3A = arith.index_cast %mul3A_316 : i32 to index
      %swap3A_317 = tpu.vector_load %arg14[%swap3A] {strides = array<i32>} : memref<8192xi32, #tpu.memory_space<vmem>>, vector<16xi32>,
      tpu.vector_store %arg14[%swap3A], %broadcast_in_dim3A_314 {strides = array<i32>} : memref<8192xi32, #tpu.memory_space<vmem>>, vector<16xi32>,
      %scan3A_318 = arith.constant 0 : i32
      scf.yield %scan3A_318 : i32
    }
    %scan3A_28 = arith.constant 512 : i32
    %broadcast_in_dim3A_29 = arith.constant 1 : i32
    %broadcast_in_dim3A_30 = vector.broadcast %broadcast_in_dim3A_29 : i32 to vector<16xi32>
    %add3A_31 = arith.constant 0 : i32
    %add3A_32 = arith.addi %mul3A_21, %add3A_31 : i32
    %dma_start3A = arith.constant 0 : i32
    %dma_start3A_33 = tpu.memref_slice %arg2[%add3A_32, %dma_start3A] : memref<128x32768xf32, #tpu.memory_space<hbm>> -> memref<1x16384xf32, #tpu.memory_space<hbm>>
    %dma_start3A_34 = tpu.memref_squeeze %dma_start3A_33 : memref<1x16384xf32, #tpu.memory_space<hbm>> -> memref<16384xf32, #tpu.memory_space<hbm>>
    %dma_start3A_35 = arith.constant 0 : i32
    %dma_start3A_36 = tpu.memref_slice %arg2[%add3A_32, %dma_start3A_35] : memref<128x32768xf32, #tpu.memory_space<hbm>> -> memref<1x16384xf32, #tpu.memory_space<hbm>>
    %dma_start3A_37 = tpu.memref_squeeze %dma_start3A_36 : memref<1x16384xf32, #tpu.memory_space<hbm>> -> memref<16384xf32, #tpu.memory_space<hbm>>
    tpu.enqueue_dma source(%dma_start3A_37 : memref<16384xf32, #tpu.memory_space<hbm>>) target(%arg6 : memref<16384xf32, #tpu.memory_space<vmem>>) target_semaphore(%arg10 : memref<!tpu.dma_semaphore, #tpu.memory_space<semaphore_mem>>)
    %dma_start3A_38 = arith.constant 0 : i32
    %dma_start3A_39 = tpu.memref_slice %arg3[%add3A_32, %dma_start3A_38] : memref<128x32768xf32, #tpu.memory_space<hbm>> -> memref<1x16384xf32, #tpu.memory_space<hbm>>
    %dma_start3A_40 = tpu.memref_squeeze %dma_start3A_39 : memref<1x16384xf32, #tpu.memory_space<hbm>> -> memref<16384xf32, #tpu.memory_space<hbm>>
    %dma_start3A_41 = arith.constant 0 : i32
    %dma_start3A_42 = tpu.memref_slice %arg3[%add3A_32, %dma_start3A_41] : memref<128x32768xf32, #tpu.memory_space<hbm>> -> memref<1x16384xf32, #tpu.memory_space<hbm>>
    %dma_start3A_43 = tpu.memref_squeeze %dma_start3A_42 : memref<1x16384xf32, #tpu.memory_space<hbm>> -> memref<16384xf32, #tpu.memory_space<hbm>>
    tpu.enqueue_dma source(%dma_start3A_43 : memref<16384xf32, #tpu.memory_space<hbm>>) target(%arg8 : memref<16384xf32, #tpu.memory_space<vmem>>) target_semaphore(%arg12 : memref<!tpu.dma_semaphore, #tpu.memory_space<semaphore_mem>>)
    %add3A_44 = arith.constant 0 : i32
    %add3A_45 = arith.addi %mul3A_21, %add3A_44 : i32
    %dma_start3A_46 = arith.constant 16384 : i32
    %dma_start3A_47 = tpu.memref_slice %arg2[%add3A_45, %dma_start3A_46] : memref<128x32768xf32, #tpu.memory_space<hbm>> -> memref<1x16384xf32, #tpu.memory_space<hbm>>
    %dma_start3A_48 = tpu.memref_squeeze %dma_start3A_47 : memref<1x16384xf32, #tpu.memory_space<hbm>> -> memref<16384xf32, #tpu.memory_space<hbm>>
    %dma_start3A_49 = arith.constant 16384 : i32
    %dma_start3A_50 = tpu.memref_slice %arg2[%add3A_45, %dma_start3A_49] : memref<128x32768xf32, #tpu.memory_space<hbm>> -> memref<1x16384xf32, #tpu.memory_space<hbm>>
    %dma_start3A_51 = tpu.memref_squeeze %dma_start3A_50 : memref<1x16384xf32, #tpu.memory_space<hbm>> -> memref<16384xf32, #tpu.memory_space<hbm>>
    tpu.enqueue_dma source(%dma_start3A_51 : memref<16384xf32, #tpu.memory_space<hbm>>) target(%arg7 : memref<16384xf32, #tpu.memory_space<vmem>>) target_semaphore(%arg11 : memref<!tpu.dma_semaphore, #tpu.memory_space<semaphore_mem>>)
    %dma_start3A_52 = arith.constant 16384 : i32
    %dma_start3A_53 = tpu.memref_slice %arg3[%add3A_45, %dma_start3A_52] : memref<128x32768xf32, #tpu.memory_space<hbm>> -> memref<1x16384xf32, #tpu.memory_space<hbm>>
    %dma_start3A_54 = tpu.memref_squeeze %dma_start3A_53 : memref<1x16384xf32, #tpu.memory_space<hbm>> -> memref<16384xf32, #tpu.memory_space<hbm>>
    %dma_start3A_55 = arith.constant 16384 : i32
    %dma_start3A_56 = tpu.memref_slice %arg3[%add3A_45, %dma_start3A_55] : memref<128x32768xf32, #tpu.memory_space<hbm>> -> memref<1x16384xf32, #tpu.memory_space<hbm>>
    %dma_start3A_57 = tpu.memref_squeeze %dma_start3A_56 : memref<1x16384xf32, #tpu.memory_space<hbm>> -> memref<16384xf32, #tpu.memory_space<hbm>>
    tpu.enqueue_dma source(%dma_start3A_57 : memref<16384xf32, #tpu.memory_space<hbm>>) target(%arg9 : memref<16384xf32, #tpu.memory_space<vmem>>) target_semaphore(%arg13 : memref<!tpu.dma_semaphore, #tpu.memory_space<semaphore_mem>>)
    %dma_wait3A = arith.constant 0 : i32
    %dma_wait3A_58 = tpu.memref_slice %arg2[%add3A_32, %dma_wait3A] : memref<128x32768xf32, #tpu.memory_space<hbm>> -> memref<1x16384xf32, #tpu.memory_space<hbm>>
    %dma_wait3A_59 = tpu.memref_squeeze %dma_wait3A_58 : memref<1x16384xf32, #tpu.memory_space<hbm>> -> memref<16384xf32, #tpu.memory_space<hbm>>
    %dma_wait3A_60 = arith.constant 0 : i32
    %dma_wait3A_61 = tpu.memref_slice %arg2[%add3A_32, %dma_wait3A_60] : memref<128x32768xf32, #tpu.memory_space<hbm>> -> memref<1x16384xf32, #tpu.memory_space<hbm>>
    %dma_wait3A_62 = tpu.memref_squeeze %dma_wait3A_61 : memref<1x16384xf32, #tpu.memory_space<hbm>> -> memref<16384xf32, #tpu.memory_space<hbm>>
    tpu.wait_dma2 semaphore(%arg10 : memref<!tpu.dma_semaphore, #tpu.memory_space<semaphore_mem>>) src(%dma_wait3A_62 : memref<16384xf32, #tpu.memory_space<hbm>>) dst(%arg6 : memref<16384xf32, #tpu.memory_space<vmem>>)
    %dma_wait3A_63 = arith.constant 0 : i32
    %dma_wait3A_64 = tpu.memref_slice %arg3[%add3A_32, %dma_wait3A_63] : memref<128x32768xf32, #tpu.memory_space<hbm>> -> memref<1x16384xf32, #tpu.memory_space<hbm>>
    %dma_wait3A_65 = tpu.memref_squeeze %dma_wait3A_64 : memref<1x16384xf32, #tpu.memory_space<hbm>> -> memref<16384xf32, #tpu.memory_space<hbm>>
    %dma_wait3A_66 = arith.constant 0 : i32
    %dma_wait3A_67 = tpu.memref_slice %arg3[%add3A_32, %dma_wait3A_66] : memref<128x32768xf32, #tpu.memory_space<hbm>> -> memref<1x16384xf32, #tpu.memory_space<hbm>>
    %dma_wait3A_68 = tpu.memref_squeeze %dma_wait3A_67 : memref<1x16384xf32, #tpu.memory_space<hbm>> -> memref<16384xf32, #tpu.memory_space<hbm>>
    tpu.wait_dma2 semaphore(%arg12 : memref<!tpu.dma_semaphore, #tpu.memory_space<semaphore_mem>>) src(%dma_wait3A_68 : memref<16384xf32, #tpu.memory_space<hbm>>) dst(%arg8 : memref<16384xf32, #tpu.memory_space<vmem>>)
    %scan3A_69 = arith.constant 0 : i32
    %scan3A_70 = arith.constant 0 : i32
    %scan3A_71 = arith.constant 128 : i32
    %scan3A_72 = arith.addi %scan3A_70, %scan3A_71 : i32
    %scan3A_73 = arith.constant 1 : i32
    %scan3A_74 = scf.for %scan3A_311 = %scan3A_70 to %scan3A_72 step %scan3A_73 iter_args(%scan3A_312 = %scan3A_69) -> (i32)  : i32 {
      %mul3A_313 = arith.constant 8 : i32
      %mul3A_314 = arith.muli %scan3A_311, %mul3A_313 : i32
      %add3A_315 = arith.constant 0 : i32
      %add3A_316 = arith.addi %mul3A_314, %add3A_315 : i32
      %mul3A_317 = arith.constant 16 : i32
      %mul3A_318 = arith.muli %add3A_316, %mul3A_317 : i32
      %get3A = arith.index_cast %mul3A_318 : i32 to index
      %get3A_319 = tpu.vector_load %arg6[%get3A] {strides = array<i32>} : memref<16384xf32, #tpu.memory_space<vmem>>, vector<16xf32>,
      %get3A_320 = arith.index_cast %mul3A_318 : i32 to index
      %get3A_321 = tpu.vector_load %arg8[%get3A_320] {strides = array<i32>} : memref<16384xf32, #tpu.memory_space<vmem>>, vector<16xf32>,
      %bitcast_convert_type3A = tpu.bitcast %get3A_319 : vector<16xf32> -> vector<16xi32>
      %eq3A = arith.constant 0.000000e+00 : f32
      %eq3A_322 = vector.broadcast %eq3A : f32 to vector<16xf32>
      %eq3A_323 = arith.cmpf oeq, %get3A_321, %eq3A_322 : vector<16xf32>
      %shift_right_logical3A = arith.constant 6 : i32
      %shift_right_logical3A_324 = vector.broadcast %shift_right_logical3A : i32 to vector<16xi32>
      %shift_right_logical3A_325 = arith.shrui %bitcast_convert_type3A, %shift_right_logical3A_324 : vector<16xi32>
      %and3A = arith.constant 8191 : i32
      %and3A_326 = vector.broadcast %and3A : i32 to vector<16xi32>
      %and3A_327 = arith.andi %shift_right_logical3A_325, %and3A_326 : vector<16xi32>
      %shift_right_logical3A_328 = arith.constant 19 : i32
      %shift_right_logical3A_329 = vector.broadcast %shift_right_logical3A_328 : i32 to vector<16xi32>
      %shift_right_logical3A_330 = arith.shrui %bitcast_convert_type3A, %shift_right_logical3A_329 : vector<16xi32>
      %eq3A_331 = arith.cmpi eq, %shift_right_logical3A_330, %broadcast_in_dim3A : vector<16xi32>
      %and3A_332 = arith.andi %eq3A_323, %eq3A_331 : vector<16xi1>
      tpu.vector_store_idx %arg14[%and3A_327], %broadcast_in_dim3A_30 masked %and3A_332 {add = true} : memref<8192xi32, #tpu.memory_space<vmem>>[vector<16xi32>], vector<16xi32>, vector<16xi1>
      %mul3A_333 = arith.constant 8 : i32
      %mul3A_334 = arith.muli %scan3A_311, %mul3A_333 : i32
      %add3A_335 = arith.constant 1 : i32
      %add3A_336 = arith.addi %mul3A_334, %add3A_335 : i32
      %mul3A_337 = arith.constant 16 : i32
      %mul3A_338 = arith.muli %add3A_336, %mul3A_337 : i32
      %get3A_339 = arith.index_cast %mul3A_338 : i32 to index
      %get3A_340 = tpu.vector_load %arg6[%get3A_339] {strides = array<i32>} : memref<16384xf32, #tpu.memory_space<vmem>>, vector<16xf32>,
      %get3A_341 = arith.index_cast %mul3A_338 : i32 to index
      %get3A_342 = tpu.vector_load %arg8[%get3A_341] {strides = array<i32>} : memref<16384xf32, #tpu.memory_space<vmem>>, vector<16xf32>,
      %bitcast_convert_type3A_343 = tpu.bitcast %get3A_340 : vector<16xf32> -> vector<16xi32>
      %eq3A_344 = arith.constant 0.000000e+00 : f32
      %eq3A_345 = vector.broadcast %eq3A_344 : f32 to vector<16xf32>
      %eq3A_346 = arith.cmpf oeq, %get3A_342, %eq3A_345 : vector<16xf32>
      %shift_right_logical3A_347 = arith.constant 6 : i32
      %shift_right_logical3A_348 = vector.broadcast %shift_right_logical3A_347 : i32 to vector<16xi32>
      %shift_right_logical3A_349 = arith.shrui %bitcast_convert_type3A_343, %shift_right_logical3A_348 : vector<16xi32>
      %and3A_350 = arith.constant 8191 : i32
      %and3A_351 = vector.broadcast %and3A_350 : i32 to vector<16xi32>
      %and3A_352 = arith.andi %shift_right_logical3A_349, %and3A_351 : vector<16xi32>
      %shift_right_logical3A_353 = arith.constant 19 : i32
      %shift_right_logical3A_354 = vector.broadcast %shift_right_logical3A_353 : i32 to vector<16xi32>
      %shift_right_logical3A_355 = arith.shrui %bitcast_convert_type3A_343, %shift_right_logical3A_354 : vector<16xi32>
      %eq3A_356 = arith.cmpi eq, %shift_right_logical3A_355, %broadcast_in_dim3A : vector<16xi32>
      %and3A_357 = arith.andi %eq3A_346, %eq3A_356 : vector<16xi1>
      tpu.vector_store_idx %arg14[%and3A_352], %broadcast_in_dim3A_30 masked %and3A_357 {add = true} : memref<8192xi32, #tpu.memory_space<vmem>>[vector<16xi32>], vector<16xi32>, vector<16xi1>
      %mul3A_358 = arith.constant 8 : i32
      %mul3A_359 = arith.muli %scan3A_311, %mul3A_358 : i32
      %add3A_360 = arith.constant 2 : i32
      %add3A_361 = arith.addi %mul3A_359, %add3A_360 : i32
      %mul3A_362 = arith.constant 16 : i32
      %mul3A_363 = arith.muli %add3A_361, %mul3A_362 : i32
      %get3A_364 = arith.index_cast %mul3A_363 : i32 to index
      %get3A_365 = tpu.vector_load %arg6[%get3A_364] {strides = array<i32>} : memref<16384xf32, #tpu.memory_space<vmem>>, vector<16xf32>,
      %get3A_366 = arith.index_cast %mul3A_363 : i32 to index
      %get3A_367 = tpu.vector_load %arg8[%get3A_366] {strides = array<i32>} : memref<16384xf32, #tpu.memory_space<vmem>>, vector<16xf32>,
      %bitcast_convert_type3A_368 = tpu.bitcast %get3A_365 : vector<16xf32> -> vector<16xi32>
      %eq3A_369 = arith.constant 0.000000e+00 : f32
      %eq3A_370 = vector.broadcast %eq3A_369 : f32 to vector<16xf32>
      %eq3A_371 = arith.cmpf oeq, %get3A_367, %eq3A_370 : vector<16xf32>
      %shift_right_logical3A_372 = arith.constant 6 : i32
      %shift_right_logical3A_373 = vector.broadcast %shift_right_logical3A_372 : i32 to vector<16xi32>
      %shift_right_logical3A_374 = arith.shrui %bitcast_convert_type3A_368, %shift_right_logical3A_373 : vector<16xi32>
      %and3A_375 = arith.constant 8191 : i32
      %and3A_376 = vector.broadcast %and3A_375 : i32 to vector<16xi32>
      %and3A_377 = arith.andi %shift_right_logical3A_374, %and3A_376 : vector<16xi32>
      %shift_right_logical3A_378 = arith.constant 19 : i32
      %shift_right_logical3A_379 = vector.broadcast %shift_right_logical3A_378 : i32 to vector<16xi32>
      %shift_right_logical3A_380 = arith.shrui %bitcast_convert_type3A_368, %shift_right_logical3A_379 : vector<16xi32>
      %eq3A_381 = arith.cmpi eq, %shift_right_logical3A_380, %broadcast_in_dim3A : vector<16xi32>
      %and3A_382 = arith.andi %eq3A_371, %eq3A_381 : vector<16xi1>
      tpu.vector_store_idx %arg14[%and3A_377], %broadcast_in_dim3A_30 masked %and3A_382 {add = true} : memref<8192xi32, #tpu.memory_space<vmem>>[vector<16xi32>], vector<16xi32>, vector<16xi1>
      %mul3A_383 = arith.constant 8 : i32
      %mul3A_384 = arith.muli %scan3A_311, %mul3A_383 : i32
      %add3A_385 = arith.constant 3 : i32
      %add3A_386 = arith.addi %mul3A_384, %add3A_385 : i32
      %mul3A_387 = arith.constant 16 : i32
      %mul3A_388 = arith.muli %add3A_386, %mul3A_387 : i32
      %get3A_389 = arith.index_cast %mul3A_388 : i32 to index
      %get3A_390 = tpu.vector_load %arg6[%get3A_389] {strides = array<i32>} : memref<16384xf32, #tpu.memory_space<vmem>>, vector<16xf32>,
      %get3A_391 = arith.index_cast %mul3A_388 : i32 to index
      %get3A_392 = tpu.vector_load %arg8[%get3A_391] {strides = array<i32>} : memref<16384xf32, #tpu.memory_space<vmem>>, vector<16xf32>,
      %bitcast_convert_type3A_393 = tpu.bitcast %get3A_390 : vector<16xf32> -> vector<16xi32>
      %eq3A_394 = arith.constant 0.000000e+00 : f32
      %eq3A_395 = vector.broadcast %eq3A_394 : f32 to vector<16xf32>
      %eq3A_396 = arith.cmpf oeq, %get3A_392, %eq3A_395 : vector<16xf32>
      %shift_right_logical3A_397 = arith.constant 6 : i32
      %shift_right_logical3A_398 = vector.broadcast %shift_right_logical3A_397 : i32 to vector<16xi32>
      %shift_right_logical3A_399 = arith.shrui %bitcast_convert_type3A_393, %shift_right_logical3A_398 : vector<16xi32>
      %and3A_400 = arith.constant 8191 : i32
      %and3A_401 = vector.broadcast %and3A_400 : i32 to vector<16xi32>
      %and3A_402 = arith.andi %shift_right_logical3A_399, %and3A_401 : vector<16xi32>
      %shift_right_logical3A_403 = arith.constant 19 : i32
      %shift_right_logical3A_404 = vector.broadcast %shift_right_logical3A_403 : i32 to vector<16xi32>
      %shift_right_logical3A_405 = arith.shrui %bitcast_convert_type3A_393, %shift_right_logical3A_404 : vector<16xi32>
      %eq3A_406 = arith.cmpi eq, %shift_right_logical3A_405, %broadcast_in_dim3A : vector<16xi32>
      %and3A_407 = arith.andi %eq3A_396, %eq3A_406 : vector<16xi1>
      tpu.vector_store_idx %arg14[%and3A_402], %broadcast_in_dim3A_30 masked %and3A_407 {add = true} : memref<8192xi32, #tpu.memory_space<vmem>>[vector<16xi32>], vector<16xi32>, vector<16xi1>
      %mul3A_408 = arith.constant 8 : i32
      %mul3A_409 = arith.muli %scan3A_311, %mul3A_408 : i32
      %add3A_410 = arith.constant 4 : i32
      %add3A_411 = arith.addi %mul3A_409, %add3A_410 : i32
      %mul3A_412 = arith.constant 16 : i32
      %mul3A_413 = arith.muli %add3A_411, %mul3A_412 : i32
      %get3A_414 = arith.index_cast %mul3A_413 : i32 to index
      %get3A_415 = tpu.vector_load %arg6[%get3A_414] {strides = array<i32>} : memref<16384xf32, #tpu.memory_space<vmem>>, vector<16xf32>,
      %get3A_416 = arith.index_cast %mul3A_413 : i32 to index
      %get3A_417 = tpu.vector_load %arg8[%get3A_416] {strides = array<i32>} : memref<16384xf32, #tpu.memory_space<vmem>>, vector<16xf32>,
      %bitcast_convert_type3A_418 = tpu.bitcast %get3A_415 : vector<16xf32> -> vector<16xi32>
      %eq3A_419 = arith.constant 0.000000e+00 : f32
      %eq3A_420 = vector.broadcast %eq3A_419 : f32 to vector<16xf32>
      %eq3A_421 = arith.cmpf oeq, %get3A_417, %eq3A_420 : vector<16xf32>
      %shift_right_logical3A_422 = arith.constant 6 : i32
      %shift_right_logical3A_423 = vector.broadcast %shift_right_logical3A_422 : i32 to vector<16xi32>
      %shift_right_logical3A_424 = arith.shrui %bitcast_convert_type3A_418, %shift_right_logical3A_423 : vector<16xi32>
      %and3A_425 = arith.constant 8191 : i32
      %and3A_426 = vector.broadcast %and3A_425 : i32 to vector<16xi32>
      %and3A_427 = arith.andi %shift_right_logical3A_424, %and3A_426 : vector<16xi32>
      %shift_right_logical3A_428 = arith.constant 19 : i32
      %shift_right_logical3A_429 = vector.broadcast %shift_right_logical3A_428 : i32 to vector<16xi32>
      %shift_right_logical3A_430 = arith.shrui %bitcast_convert_type3A_418, %shift_right_logical3A_429 : vector<16xi32>
      %eq3A_431 = arith.cmpi eq, %shift_right_logical3A_430, %broadcast_in_dim3A : vector<16xi32>
      %and3A_432 = arith.andi %eq3A_421, %eq3A_431 : vector<16xi1>
      tpu.vector_store_idx %arg14[%and3A_427], %broadcast_in_dim3A_30 masked %and3A_432 {add = true} : memref<8192xi32, #tpu.memory_space<vmem>>[vector<16xi32>], vector<16xi32>, vector<16xi1>
      %mul3A_433 = arith.constant 8 : i32
      %mul3A_434 = arith.muli %scan3A_311, %mul3A_433 : i32
      %add3A_435 = arith.constant 5 : i32
      %add3A_436 = arith.addi %mul3A_434, %add3A_435 : i32
      %mul3A_437 = arith.constant 16 : i32
      %mul3A_438 = arith.muli %add3A_436, %mul3A_437 : i32
      %get3A_439 = arith.index_cast %mul3A_438 : i32 to index
      %get3A_440 = tpu.vector_load %arg6[%get3A_439] {strides = array<i32>} : memref<16384xf32, #tpu.memory_space<vmem>>, vector<16xf32>,
      %get3A_441 = arith.index_cast %mul3A_438 : i32 to index
      %get3A_442 = tpu.vector_load %arg8[%get3A_441] {strides = array<i32>} : memref<16384xf32, #tpu.memory_space<vmem>>, vector<16xf32>,
      %bitcast_convert_type3A_443 = tpu.bitcast %get3A_440 : vector<16xf32> -> vector<16xi32>
      %eq3A_444 = arith.constant 0.000000e+00 : f32
      %eq3A_445 = vector.broadcast %eq3A_444 : f32 to vector<16xf32>
      %eq3A_446 = arith.cmpf oeq, %get3A_442, %eq3A_445 : vector<16xf32>
      %shift_right_logical3A_447 = arith.constant 6 : i32
      %shift_right_logical3A_448 = vector.broadcast %shift_right_logical3A_447 : i32 to vector<16xi32>
      %shift_right_logical3A_449 = arith.shrui %bitcast_convert_type3A_443, %shift_right_logical3A_448 : vector<16xi32>
      %and3A_450 = arith.constant 8191 : i32
      %and3A_451 = vector.broadcast %and3A_450 : i32 to vector<16xi32>
      %and3A_452 = arith.andi %shift_right_logical3A_449, %and3A_451 : vector<16xi32>
      %shift_right_logical3A_453 = arith.constant 19 : i32
      %shift_right_logical3A_454 = vector.broadcast %shift_right_logical3A_453 : i32 to vector<16xi32>
      %shift_right_logical3A_455 = arith.shrui %bitcast_convert_type3A_443, %shift_right_logical3A_454 : vector<16xi32>
      %eq3A_456 = arith.cmpi eq, %shift_right_logical3A_455, %broadcast_in_dim3A : vector<16xi32>
      %and3A_457 = arith.andi %eq3A_446, %eq3A_456 : vector<16xi1>
      tpu.vector_store_idx %arg14[%and3A_452], %broadcast_in_dim3A_30 masked %and3A_457 {add = true} : memref<8192xi32, #tpu.memory_space<vmem>>[vector<16xi32>], vector<16xi32>, vector<16xi1>
      %mul3A_458 = arith.constant 8 : i32
      %mul3A_459 = arith.muli %scan3A_311, %mul3A_458 : i32
      %add3A_460 = arith.constant 6 : i32
      %add3A_461 = arith.addi %mul3A_459, %add3A_460 : i32
      %mul3A_462 = arith.constant 16 : i32
      %mul3A_463 = arith.muli %add3A_461, %mul3A_462 : i32
      %get3A_464 = arith.index_cast %mul3A_463 : i32 to index
      %get3A_465 = tpu.vector_load %arg6[%get3A_464] {strides = array<i32>} : memref<16384xf32, #tpu.memory_space<vmem>>, vector<16xf32>,
      %get3A_466 = arith.index_cast %mul3A_463 : i32 to index
      %get3A_467 = tpu.vector_load %arg8[%get3A_466] {strides = array<i32>} : memref<16384xf32, #tpu.memory_space<vmem>>, vector<16xf32>,
      %bitcast_convert_type3A_468 = tpu.bitcast %get3A_465 : vector<16xf32> -> vector<16xi32>
      %eq3A_469 = arith.constant 0.000000e+00 : f32
      %eq3A_470 = vector.broadcast %eq3A_469 : f32 to vector<16xf32>
      %eq3A_471 = arith.cmpf oeq, %get3A_467, %eq3A_470 : vector<16xf32>
      %shift_right_logical3A_472 = arith.constant 6 : i32
      %shift_right_logical3A_473 = vector.broadcast %shift_right_logical3A_472 : i32 to vector<16xi32>
      %shift_right_logical3A_474 = arith.shrui %bitcast_convert_type3A_468, %shift_right_logical3A_473 : vector<16xi32>
      %and3A_475 = arith.constant 8191 : i32
      %and3A_476 = vector.broadcast %and3A_475 : i32 to vector<16xi32>
      %and3A_477 = arith.andi %shift_right_logical3A_474, %and3A_476 : vector<16xi32>
      %shift_right_logical3A_478 = arith.constant 19 : i32
      %shift_right_logical3A_479 = vector.broadcast %shift_right_logical3A_478 : i32 to vector<16xi32>
      %shift_right_logical3A_480 = arith.shrui %bitcast_convert_type3A_468, %shift_right_logical3A_479 : vector<16xi32>
      %eq3A_481 = arith.cmpi eq, %shift_right_logical3A_480, %broadcast_in_dim3A : vector<16xi32>
      %and3A_482 = arith.andi %eq3A_471, %eq3A_481 : vector<16xi1>
      tpu.vector_store_idx %arg14[%and3A_477], %broadcast_in_dim3A_30 masked %and3A_482 {add = true} : memref<8192xi32, #tpu.memory_space<vmem>>[vector<16xi32>], vector<16xi32>, vector<16xi1>
      %mul3A_483 = arith.constant 8 : i32
      %mul3A_484 = arith.muli %scan3A_311, %mul3A_483 : i32
      %add3A_485 = arith.constant 7 : i32
      %add3A_486 = arith.addi %mul3A_484, %add3A_485 : i32
      %mul3A_487 = arith.constant 16 : i32
      %mul3A_488 = arith.muli %add3A_486, %mul3A_487 : i32
      %get3A_489 = arith.index_cast %mul3A_488 : i32 to index
      %get3A_490 = tpu.vector_load %arg6[%get3A_489] {strides = array<i32>} : memref<16384xf32, #tpu.memory_space<vmem>>, vector<16xf32>,
      %get3A_491 = arith.index_cast %mul3A_488 : i32 to index
      %get3A_492 = tpu.vector_load %arg8[%get3A_491] {strides = array<i32>} : memref<16384xf32, #tpu.memory_space<vmem>>, vector<16xf32>,
      %bitcast_convert_type3A_493 = tpu.bitcast %get3A_490 : vector<16xf32> -> vector<16xi32>
      %eq3A_494 = arith.constant 0.000000e+00 : f32
      %eq3A_495 = vector.broadcast %eq3A_494 : f32 to vector<16xf32>
      %eq3A_496 = arith.cmpf oeq, %get3A_492, %eq3A_495 : vector<16xf32>
      %shift_right_logical3A_497 = arith.constant 6 : i32
      %shift_right_logical3A_498 = vector.broadcast %shift_right_logical3A_497 : i32 to vector<16xi32>
      %shift_right_logical3A_499 = arith.shrui %bitcast_convert_type3A_493, %shift_right_logical3A_498 : vector<16xi32>
      %and3A_500 = arith.constant 8191 : i32
      %and3A_501 = vector.broadcast %and3A_500 : i32 to vector<16xi32>
      %and3A_502 = arith.andi %shift_right_logical3A_499, %and3A_501 : vector<16xi32>
      %shift_right_logical3A_503 = arith.constant 19 : i32
      %shift_right_logical3A_504 = vector.broadcast %shift_right_logical3A_503 : i32 to vector<16xi32>
      %shift_right_logical3A_505 = arith.shrui %bitcast_convert_type3A_493, %shift_right_logical3A_504 : vector<16xi32>
      %eq3A_506 = arith.cmpi eq, %shift_right_logical3A_505, %broadcast_in_dim3A : vector<16xi32>
      %and3A_507 = arith.andi %eq3A_496, %eq3A_506 : vector<16xi1>
      tpu.vector_store_idx %arg14[%and3A_502], %broadcast_in_dim3A_30 masked %and3A_507 {add = true} : memref<8192xi32, #tpu.memory_space<vmem>>[vector<16xi32>], vector<16xi32>, vector<16xi1>
      %scan3A_508 = arith.constant 0 : i32
      scf.yield %scan3A_508 : i32
    }
    %scan3A_75 = arith.constant 128 : i32
    %add3A_76 = arith.constant 1 : i32
    %add3A_77 = arith.addi %mul3A_21, %add3A_76 : i32
    %dma_start3A_78 = arith.constant 0 : i32
    %dma_start3A_79 = tpu.memref_slice %arg2[%add3A_77, %dma_start3A_78] : memref<128x32768xf32, #tpu.memory_space<hbm>> -> memref<1x16384xf32, #tpu.memory_space<hbm>>
    %dma_start3A_80 = tpu.memref_squeeze %dma_start3A_79 : memref<1x16384xf32, #tpu.memory_space<hbm>> -> memref<16384xf32, #tpu.memory_space<hbm>>
    %dma_start3A_81 = arith.constant 0 : i32
    %dma_start3A_82 = tpu.memref_slice %arg2[%add3A_77, %dma_start3A_81] : memref<128x32768xf32, #tpu.memory_space<hbm>> -> memref<1x16384xf32, #tpu.memory_space<hbm>>
    %dma_start3A_83 = tpu.memref_squeeze %dma_start3A_82 : memref<1x16384xf32, #tpu.memory_space<hbm>> -> memref<16384xf32, #tpu.memory_space<hbm>>
    tpu.enqueue_dma source(%dma_start3A_83 : memref<16384xf32, #tpu.memory_space<hbm>>) target(%arg6 : memref<16384xf32, #tpu.memory_space<vmem>>) target_semaphore(%arg10 : memref<!tpu.dma_semaphore, #tpu.memory_space<semaphore_mem>>)
    %dma_start3A_84 = arith.constant 0 : i32
    %dma_start3A_85 = tpu.memref_slice %arg3[%add3A_77, %dma_start3A_84] : memref<128x32768xf32, #tpu.memory_space<hbm>> -> memref<1x16384xf32, #tpu.memory_space<hbm>>
    %dma_start3A_86 = tpu.memref_squeeze %dma_start3A_85 : memref<1x16384xf32, #tpu.memory_space<hbm>> -> memref<16384xf32, #tpu.memory_space<hbm>>
    %dma_start3A_87 = arith.constant 0 : i32
    %dma_start3A_88 = tpu.memref_slice %arg3[%add3A_77, %dma_start3A_87] : memref<128x32768xf32, #tpu.memory_space<hbm>> -> memref<1x16384xf32, #tpu.memory_space<hbm>>
    %dma_start3A_89 = tpu.memref_squeeze %dma_start3A_88 : memref<1x16384xf32, #tpu.memory_space<hbm>> -> memref<16384xf32, #tpu.memory_space<hbm>>
    tpu.enqueue_dma source(%dma_start3A_89 : memref<16384xf32, #tpu.memory_space<hbm>>) target(%arg8 : memref<16384xf32, #tpu.memory_space<vmem>>) target_semaphore(%arg12 : memref<!tpu.dma_semaphore, #tpu.memory_space<semaphore_mem>>)
    %dma_wait3A_90 = arith.constant 16384 : i32
    %dma_wait3A_91 = tpu.memref_slice %arg2[%add3A_45, %dma_wait3A_90] : memref<128x32768xf32, #tpu.memory_space<hbm>> -> memref<1x16384xf32, #tpu.memory_space<hbm>>
    %dma_wait3A_92 = tpu.memref_squeeze %dma_wait3A_91 : memref<1x16384xf32, #tpu.memory_space<hbm>> -> memref<16384xf32, #tpu.memory_space<hbm>>
    %dma_wait3A_93 = arith.constant 16384 : i32
    %dma_wait3A_94 = tpu.memref_slice %arg2[%add3A_45, %dma_wait3A_93] : memref<128x32768xf32, #tpu.memory_space<hbm>> -> memref<1x16384xf32, #tpu.memory_space<hbm>>
    %dma_wait3A_95 = tpu.memref_squeeze %dma_wait3A_94 : memref<1x16384xf32, #tpu.memory_space<hbm>> -> memref<16384xf32, #tpu.memory_space<hbm>>
    tpu.wait_dma2 semaphore(%arg11 : memref<!tpu.dma_semaphore, #tpu.memory_space<semaphore_mem>>) src(%dma_wait3A_95 : memref<16384xf32, #tpu.memory_space<hbm>>) dst(%arg7 : memref<16384xf32, #tpu.memory_space<vmem>>)
    %dma_wait3A_96 = arith.constant 16384 : i32
    %dma_wait3A_97 = tpu.memref_slice %arg3[%add3A_45, %dma_wait3A_96] : memref<128x32768xf32, #tpu.memory_space<hbm>> -> memref<1x16384xf32, #tpu.memory_space<hbm>>
    %dma_wait3A_98 = tpu.memref_squeeze %dma_wait3A_97 : memref<1x16384xf32, #tpu.memory_space<hbm>> -> memref<16384xf32, #tpu.memory_space<hbm>>
    %dma_wait3A_99 = arith.constant 16384 : i32
    %dma_wait3A_100 = tpu.memref_slice %arg3[%add3A_45, %dma_wait3A_99] : memref<128x32768xf32, #tpu.memory_space<hbm>> -> memref<1x16384xf32, #tpu.memory_space<hbm>>
    %dma_wait3A_101 = tpu.memref_squeeze %dma_wait3A_100 : memref<1x16384xf32, #tpu.memory_space<hbm>> -> memref<16384xf32, #tpu.memory_space<hbm>>
    tpu.wait_dma2 semaphore(%arg13 : memref<!tpu.dma_semaphore, #tpu.memory_space<semaphore_mem>>) src(%dma_wait3A_101 : memref<16384xf32, #tpu.memory_space<hbm>>) dst(%arg9 : memref<16384xf32, #tpu.memory_space<vmem>>)
    %scan3A_102 = arith.constant 0 : i32
    %scan3A_103 = arith.constant 0 : i32
    %scan3A_104 = arith.constant 128 : i32
    %scan3A_105 = arith.addi %scan3A_103, %scan3A_104 : i32
    %scan3A_106 = arith.constant 1 : i32
    %scan3A_107 = scf.for %scan3A_311 = %scan3A_103 to %scan3A_105 step %scan3A_106 iter_args(%scan3A_312 = %scan3A_102) -> (i32)  : i32 {
      %mul3A_313 = arith.constant 8 : i32
      %mul3A_314 = arith.muli %scan3A_311, %mul3A_313 : i32
      %add3A_315 = arith.constant 0 : i32
      %add3A_316 = arith.addi %mul3A_314, %add3A_315 : i32
      %mul3A_317 = arith.constant 16 : i32
      %mul3A_318 = arith.muli %add3A_316, %mul3A_317 : i32
      %get3A = arith.index_cast %mul3A_318 : i32 to index
      %get3A_319 = tpu.vector_load %arg7[%get3A] {strides = array<i32>} : memref<16384xf32, #tpu.memory_space<vmem>>, vector<16xf32>,
      %get3A_320 = arith.index_cast %mul3A_318 : i32 to index
      %get3A_321 = tpu.vector_load %arg9[%get3A_320] {strides = array<i32>} : memref<16384xf32, #tpu.memory_space<vmem>>, vector<16xf32>,
      %bitcast_convert_type3A = tpu.bitcast %get3A_319 : vector<16xf32> -> vector<16xi32>
      %eq3A = arith.constant 0.000000e+00 : f32
      %eq3A_322 = vector.broadcast %eq3A : f32 to vector<16xf32>
      %eq3A_323 = arith.cmpf oeq, %get3A_321, %eq3A_322 : vector<16xf32>
      %shift_right_logical3A = arith.constant 6 : i32
      %shift_right_logical3A_324 = vector.broadcast %shift_right_logical3A : i32 to vector<16xi32>
      %shift_right_logical3A_325 = arith.shrui %bitcast_convert_type3A, %shift_right_logical3A_324 : vector<16xi32>
      %and3A = arith.constant 8191 : i32
      %and3A_326 = vector.broadcast %and3A : i32 to vector<16xi32>
      %and3A_327 = arith.andi %shift_right_logical3A_325, %and3A_326 : vector<16xi32>
      %shift_right_logical3A_328 = arith.constant 19 : i32
      %shift_right_logical3A_329 = vector.broadcast %shift_right_logical3A_328 : i32 to vector<16xi32>
      %shift_right_logical3A_330 = arith.shrui %bitcast_convert_type3A, %shift_right_logical3A_329 : vector<16xi32>
      %eq3A_331 = arith.cmpi eq, %shift_right_logical3A_330, %broadcast_in_dim3A : vector<16xi32>
      %and3A_332 = arith.andi %eq3A_323, %eq3A_331 : vector<16xi1>
      tpu.vector_store_idx %arg14[%and3A_327], %broadcast_in_dim3A_30 masked %and3A_332 {add = true} : memref<8192xi32, #tpu.memory_space<vmem>>[vector<16xi32>], vector<16xi32>, vector<16xi1>
      %mul3A_333 = arith.constant 8 : i32
      %mul3A_334 = arith.muli %scan3A_311, %mul3A_333 : i32
      %add3A_335 = arith.constant 1 : i32
      %add3A_336 = arith.addi %mul3A_334, %add3A_335 : i32
      %mul3A_337 = arith.constant 16 : i32
      %mul3A_338 = arith.muli %add3A_336, %mul3A_337 : i32
      %get3A_339 = arith.index_cast %mul3A_338 : i32 to index
      %get3A_340 = tpu.vector_load %arg7[%get3A_339] {strides = array<i32>} : memref<16384xf32, #tpu.memory_space<vmem>>, vector<16xf32>,
      %get3A_341 = arith.index_cast %mul3A_338 : i32 to index
      %get3A_342 = tpu.vector_load %arg9[%get3A_341] {strides = array<i32>} : memref<16384xf32, #tpu.memory_space<vmem>>, vector<16xf32>,
      %bitcast_convert_type3A_343 = tpu.bitcast %get3A_340 : vector<16xf32> -> vector<16xi32>
      %eq3A_344 = arith.constant 0.000000e+00 : f32
      %eq3A_345 = vector.broadcast %eq3A_344 : f32 to vector<16xf32>
      %eq3A_346 = arith.cmpf oeq, %get3A_342, %eq3A_345 : vector<16xf32>
      %shift_right_logical3A_347 = arith.constant 6 : i32
      %shift_right_logical3A_348 = vector.broadcast %shift_right_logical3A_347 : i32 to vector<16xi32>
      %shift_right_logical3A_349 = arith.shrui %bitcast_convert_type3A_343, %shift_right_logical3A_348 : vector<16xi32>
      %and3A_350 = arith.constant 8191 : i32
      %and3A_351 = vector.broadcast %and3A_350 : i32 to vector<16xi32>
      %and3A_352 = arith.andi %shift_right_logical3A_349, %and3A_351 : vector<16xi32>
      %shift_right_logical3A_353 = arith.constant 19 : i32
      %shift_right_logical3A_354 = vector.broadcast %shift_right_logical3A_353 : i32 to vector<16xi32>
      %shift_right_logical3A_355 = arith.shrui %bitcast_convert_type3A_343, %shift_right_logical3A_354 : vector<16xi32>
      %eq3A_356 = arith.cmpi eq, %shift_right_logical3A_355, %broadcast_in_dim3A : vector<16xi32>
      %and3A_357 = arith.andi %eq3A_346, %eq3A_356 : vector<16xi1>
      tpu.vector_store_idx %arg14[%and3A_352], %broadcast_in_dim3A_30 masked %and3A_357 {add = true} : memref<8192xi32, #tpu.memory_space<vmem>>[vector<16xi32>], vector<16xi32>, vector<16xi1>
      %mul3A_358 = arith.constant 8 : i32
      %mul3A_359 = arith.muli %scan3A_311, %mul3A_358 : i32
      %add3A_360 = arith.constant 2 : i32
      %add3A_361 = arith.addi %mul3A_359, %add3A_360 : i32
      %mul3A_362 = arith.constant 16 : i32
      %mul3A_363 = arith.muli %add3A_361, %mul3A_362 : i32
      %get3A_364 = arith.index_cast %mul3A_363 : i32 to index
      %get3A_365 = tpu.vector_load %arg7[%get3A_364] {strides = array<i32>} : memref<16384xf32, #tpu.memory_space<vmem>>, vector<16xf32>,
      %get3A_366 = arith.index_cast %mul3A_363 : i32 to index
      %get3A_367 = tpu.vector_load %arg9[%get3A_366] {strides = array<i32>} : memref<16384xf32, #tpu.memory_space<vmem>>, vector<16xf32>,
      %bitcast_convert_type3A_368 = tpu.bitcast %get3A_365 : vector<16xf32> -> vector<16xi32>
      %eq3A_369 = arith.constant 0.000000e+00 : f32
      %eq3A_370 = vector.broadcast %eq3A_369 : f32 to vector<16xf32>
      %eq3A_371 = arith.cmpf oeq, %get3A_367, %eq3A_370 : vector<16xf32>
      %shift_right_logical3A_372 = arith.constant 6 : i32
      %shift_right_logical3A_373 = vector.broadcast %shift_right_logical3A_372 : i32 to vector<16xi32>
      %shift_right_logical3A_374 = arith.shrui %bitcast_convert_type3A_368, %shift_right_logical3A_373 : vector<16xi32>
      %and3A_375 = arith.constant 8191 : i32
      %and3A_376 = vector.broadcast %and3A_375 : i32 to vector<16xi32>
      %and3A_377 = arith.andi %shift_right_logical3A_374, %and3A_376 : vector<16xi32>
      %shift_right_logical3A_378 = arith.constant 19 : i32
      %shift_right_logical3A_379 = vector.broadcast %shift_right_logical3A_378 : i32 to vector<16xi32>
      %shift_right_logical3A_380 = arith.shrui %bitcast_convert_type3A_368, %shift_right_logical3A_379 : vector<16xi32>
      %eq3A_381 = arith.cmpi eq, %shift_right_logical3A_380, %broadcast_in_dim3A : vector<16xi32>
      %and3A_382 = arith.andi %eq3A_371, %eq3A_381 : vector<16xi1>
      tpu.vector_store_idx %arg14[%and3A_377], %broadcast_in_dim3A_30 masked %and3A_382 {add = true} : memref<8192xi32, #tpu.memory_space<vmem>>[vector<16xi32>], vector<16xi32>, vector<16xi1>
      %mul3A_383 = arith.constant 8 : i32
      %mul3A_384 = arith.muli %scan3A_311, %mul3A_383 : i32
      %add3A_385 = arith.constant 3 : i32
      %add3A_386 = arith.addi %mul3A_384, %add3A_385 : i32
      %mul3A_387 = arith.constant 16 : i32
      %mul3A_388 = arith.muli %add3A_386, %mul3A_387 : i32
      %get3A_389 = arith.index_cast %mul3A_388 : i32 to index
      %get3A_390 = tpu.vector_load %arg7[%get3A_389] {strides = array<i32>} : memref<16384xf32, #tpu.memory_space<vmem>>, vector<16xf32>,
      %get3A_391 = arith.index_cast %mul3A_388 : i32 to index
      %get3A_392 = tpu.vector_load %arg9[%get3A_391] {strides = array<i32>} : memref<16384xf32, #tpu.memory_space<vmem>>, vector<16xf32>,
      %bitcast_convert_type3A_393 = tpu.bitcast %get3A_390 : vector<16xf32> -> vector<16xi32>
      %eq3A_394 = arith.constant 0.000000e+00 : f32
      %eq3A_395 = vector.broadcast %eq3A_394 : f32 to vector<16xf32>
      %eq3A_396 = arith.cmpf oeq, %get3A_392, %eq3A_395 : vector<16xf32>
      %shift_right_logical3A_397 = arith.constant 6 : i32
      %shift_right_logical3A_398 = vector.broadcast %shift_right_logical3A_397 : i32 to vector<16xi32>
      %shift_right_logical3A_399 = arith.shrui %bitcast_convert_type3A_393, %shift_right_logical3A_398 : vector<16xi32>
      %and3A_400 = arith.constant 8191 : i32
      %and3A_401 = vector.broadcast %and3A_400 : i32 to vector<16xi32>
      %and3A_402 = arith.andi %shift_right_logical3A_399, %and3A_401 : vector<16xi32>
      %shift_right_logical3A_403 = arith.constant 19 : i32
      %shift_right_logical3A_404 = vector.broadcast %shift_right_logical3A_403 : i32 to vector<16xi32>
      %shift_right_logical3A_405 = arith.shrui %bitcast_convert_type3A_393, %shift_right_logical3A_404 : vector<16xi32>
      %eq3A_406 = arith.cmpi eq, %shift_right_logical3A_405, %broadcast_in_dim3A : vector<16xi32>
      %and3A_407 = arith.andi %eq3A_396, %eq3A_406 : vector<16xi1>
      tpu.vector_store_idx %arg14[%and3A_402], %broadcast_in_dim3A_30 masked %and3A_407 {add = true} : memref<8192xi32, #tpu.memory_space<vmem>>[vector<16xi32>], vector<16xi32>, vector<16xi1>
      %mul3A_408 = arith.constant 8 : i32
      %mul3A_409 = arith.muli %scan3A_311, %mul3A_408 : i32
      %add3A_410 = arith.constant 4 : i32
      %add3A_411 = arith.addi %mul3A_409, %add3A_410 : i32
      %mul3A_412 = arith.constant 16 : i32
      %mul3A_413 = arith.muli %add3A_411, %mul3A_412 : i32
      %get3A_414 = arith.index_cast %mul3A_413 : i32 to index
      %get3A_415 = tpu.vector_load %arg7[%get3A_414] {strides = array<i32>} : memref<16384xf32, #tpu.memory_space<vmem>>, vector<16xf32>,
      %get3A_416 = arith.index_cast %mul3A_413 : i32 to index
      %get3A_417 = tpu.vector_load %arg9[%get3A_416] {strides = array<i32>} : memref<16384xf32, #tpu.memory_space<vmem>>, vector<16xf32>,
      %bitcast_convert_type3A_418 = tpu.bitcast %get3A_415 : vector<16xf32> -> vector<16xi32>
      %eq3A_419 = arith.constant 0.000000e+00 : f32
      %eq3A_420 = vector.broadcast %eq3A_419 : f32 to vector<16xf32>
      %eq3A_421 = arith.cmpf oeq, %get3A_417, %eq3A_420 : vector<16xf32>
      %shift_right_logical3A_422 = arith.constant 6 : i32
      %shift_right_logical3A_423 = vector.broadcast %shift_right_logical3A_422 : i32 to vector<16xi32>
      %shift_right_logical3A_424 = arith.shrui %bitcast_convert_type3A_418, %shift_right_logical3A_423 : vector<16xi32>
      %and3A_425 = arith.constant 8191 : i32
      %and3A_426 = vector.broadcast %and3A_425 : i32 to vector<16xi32>
      %and3A_427 = arith.andi %shift_right_logical3A_424, %and3A_426 : vector<16xi32>
      %shift_right_logical3A_428 = arith.constant 19 : i32
      %shift_right_logical3A_429 = vector.broadcast %shift_right_logical3A_428 : i32 to vector<16xi32>
      %shift_right_logical3A_430 = arith.shrui %bitcast_convert_type3A_418, %shift_right_logical3A_429 : vector<16xi32>
      %eq3A_431 = arith.cmpi eq, %shift_right_logical3A_430, %broadcast_in_dim3A : vector<16xi32>
      %and3A_432 = arith.andi %eq3A_421, %eq3A_431 : vector<16xi1>
      tpu.vector_store_idx %arg14[%and3A_427], %broadcast_in_dim3A_30 masked %and3A_432 {add = true} : memref<8192xi32, #tpu.memory_space<vmem>>[vector<16xi32>], vector<16xi32>, vector<16xi1>
      %mul3A_433 = arith.constant 8 : i32
      %mul3A_434 = arith.muli %scan3A_311, %mul3A_433 : i32
      %add3A_435 = arith.constant 5 : i32
      %add3A_436 = arith.addi %mul3A_434, %add3A_435 : i32
      %mul3A_437 = arith.constant 16 : i32
      %mul3A_438 = arith.muli %add3A_436, %mul3A_437 : i32
      %get3A_439 = arith.index_cast %mul3A_438 : i32 to index
      %get3A_440 = tpu.vector_load %arg7[%get3A_439] {strides = array<i32>} : memref<16384xf32, #tpu.memory_space<vmem>>, vector<16xf32>,
      %get3A_441 = arith.index_cast %mul3A_438 : i32 to index
      %get3A_442 = tpu.vector_load %arg9[%get3A_441] {strides = array<i32>} : memref<16384xf32, #tpu.memory_space<vmem>>, vector<16xf32>,
      %bitcast_convert_type3A_443 = tpu.bitcast %get3A_440 : vector<16xf32> -> vector<16xi32>
      %eq3A_444 = arith.constant 0.000000e+00 : f32
      %eq3A_445 = vector.broadcast %eq3A_444 : f32 to vector<16xf32>
      %eq3A_446 = arith.cmpf oeq, %get3A_442, %eq3A_445 : vector<16xf32>
      %shift_right_logical3A_447 = arith.constant 6 : i32
      %shift_right_logical3A_448 = vector.broadcast %shift_right_logical3A_447 : i32 to vector<16xi32>
      %shift_right_logical3A_449 = arith.shrui %bitcast_convert_type3A_443, %shift_right_logical3A_448 : vector<16xi32>
      %and3A_450 = arith.constant 8191 : i32
      %and3A_451 = vector.broadcast %and3A_450 : i32 to vector<16xi32>
      %and3A_452 = arith.andi %shift_right_logical3A_449, %and3A_451 : vector<16xi32>
      %shift_right_logical3A_453 = arith.constant 19 : i32
      %shift_right_logical3A_454 = vector.broadcast %shift_right_logical3A_453 : i32 to vector<16xi32>
      %shift_right_logical3A_455 = arith.shrui %bitcast_convert_type3A_443, %shift_right_logical3A_454 : vector<16xi32>
      %eq3A_456 = arith.cmpi eq, %shift_right_logical3A_455, %broadcast_in_dim3A : vector<16xi32>
      %and3A_457 = arith.andi %eq3A_446, %eq3A_456 : vector<16xi1>
      tpu.vector_store_idx %arg14[%and3A_452], %broadcast_in_dim3A_30 masked %and3A_457 {add = true} : memref<8192xi32, #tpu.memory_space<vmem>>[vector<16xi32>], vector<16xi32>, vector<16xi1>
      %mul3A_458 = arith.constant 8 : i32
      %mul3A_459 = arith.muli %scan3A_311, %mul3A_458 : i32
      %add3A_460 = arith.constant 6 : i32
      %add3A_461 = arith.addi %mul3A_459, %add3A_460 : i32
      %mul3A_462 = arith.constant 16 : i32
      %mul3A_463 = arith.muli %add3A_461, %mul3A_462 : i32
      %get3A_464 = arith.index_cast %mul3A_463 : i32 to index
      %get3A_465 = tpu.vector_load %arg7[%get3A_464] {strides = array<i32>} : memref<16384xf32, #tpu.memory_space<vmem>>, vector<16xf32>,
      %get3A_466 = arith.index_cast %mul3A_463 : i32 to index
      %get3A_467 = tpu.vector_load %arg9[%get3A_466] {strides = array<i32>} : memref<16384xf32, #tpu.memory_space<vmem>>, vector<16xf32>,
      %bitcast_convert_type3A_468 = tpu.bitcast %get3A_465 : vector<16xf32> -> vector<16xi32>
      %eq3A_469 = arith.constant 0.000000e+00 : f32
      %eq3A_470 = vector.broadcast %eq3A_469 : f32 to vector<16xf32>
      %eq3A_471 = arith.cmpf oeq, %get3A_467, %eq3A_470 : vector<16xf32>
      %shift_right_logical3A_472 = arith.constant 6 : i32
      %shift_right_logical3A_473 = vector.broadcast %shift_right_logical3A_472 : i32 to vector<16xi32>
      %shift_right_logical3A_474 = arith.shrui %bitcast_convert_type3A_468, %shift_right_logical3A_473 : vector<16xi32>
      %and3A_475 = arith.constant 8191 : i32
      %and3A_476 = vector.broadcast %and3A_475 : i32 to vector<16xi32>
      %and3A_477 = arith.andi %shift_right_logical3A_474, %and3A_476 : vector<16xi32>
      %shift_right_logical3A_478 = arith.constant 19 : i32
      %shift_right_logical3A_479 = vector.broadcast %shift_right_logical3A_478 : i32 to vector<16xi32>
      %shift_right_logical3A_480 = arith.shrui %bitcast_convert_type3A_468, %shift_right_logical3A_479 : vector<16xi32>
      %eq3A_481 = arith.cmpi eq, %shift_right_logical3A_480, %broadcast_in_dim3A : vector<16xi32>
      %and3A_482 = arith.andi %eq3A_471, %eq3A_481 : vector<16xi1>
      tpu.vector_store_idx %arg14[%and3A_477], %broadcast_in_dim3A_30 masked %and3A_482 {add = true} : memref<8192xi32, #tpu.memory_space<vmem>>[vector<16xi32>], vector<16xi32>, vector<16xi1>
      %mul3A_483 = arith.constant 8 : i32
      %mul3A_484 = arith.muli %scan3A_311, %mul3A_483 : i32
      %add3A_485 = arith.constant 7 : i32
      %add3A_486 = arith.addi %mul3A_484, %add3A_485 : i32
      %mul3A_487 = arith.constant 16 : i32
      %mul3A_488 = arith.muli %add3A_486, %mul3A_487 : i32
      %get3A_489 = arith.index_cast %mul3A_488 : i32 to index
      %get3A_490 = tpu.vector_load %arg7[%get3A_489] {strides = array<i32>} : memref<16384xf32, #tpu.memory_space<vmem>>, vector<16xf32>,
      %get3A_491 = arith.index_cast %mul3A_488 : i32 to index
      %get3A_492 = tpu.vector_load %arg9[%get3A_491] {strides = array<i32>} : memref<16384xf32, #tpu.memory_space<vmem>>, vector<16xf32>,
      %bitcast_convert_type3A_493 = tpu.bitcast %get3A_490 : vector<16xf32> -> vector<16xi32>
      %eq3A_494 = arith.constant 0.000000e+00 : f32
      %eq3A_495 = vector.broadcast %eq3A_494 : f32 to vector<16xf32>
      %eq3A_496 = arith.cmpf oeq, %get3A_492, %eq3A_495 : vector<16xf32>
      %shift_right_logical3A_497 = arith.constant 6 : i32
      %shift_right_logical3A_498 = vector.broadcast %shift_right_logical3A_497 : i32 to vector<16xi32>
      %shift_right_logical3A_499 = arith.shrui %bitcast_convert_type3A_493, %shift_right_logical3A_498 : vector<16xi32>
      %and3A_500 = arith.constant 8191 : i32
      %and3A_501 = vector.broadcast %and3A_500 : i32 to vector<16xi32>
      %and3A_502 = arith.andi %shift_right_logical3A_499, %and3A_501 : vector<16xi32>
      %shift_right_logical3A_503 = arith.constant 19 : i32
      %shift_right_logical3A_504 = vector.broadcast %shift_right_logical3A_503 : i32 to vector<16xi32>
      %shift_right_logical3A_505 = arith.shrui %bitcast_convert_type3A_493, %shift_right_logical3A_504 : vector<16xi32>
      %eq3A_506 = arith.cmpi eq, %shift_right_logical3A_505, %broadcast_in_dim3A : vector<16xi32>
      %and3A_507 = arith.andi %eq3A_496, %eq3A_506 : vector<16xi1>
      tpu.vector_store_idx %arg14[%and3A_502], %broadcast_in_dim3A_30 masked %and3A_507 {add = true} : memref<8192xi32, #tpu.memory_space<vmem>>[vector<16xi32>], vector<16xi32>, vector<16xi1>
      %scan3A_508 = arith.constant 0 : i32
      scf.yield %scan3A_508 : i32
    }
    %scan3A_108 = arith.constant 128 : i32
    %add3A_109 = arith.constant 1 : i32
    %add3A_110 = arith.addi %mul3A_21, %add3A_109 : i32
    %dma_start3A_111 = arith.constant 16384 : i32
    %dma_start3A_112 = tpu.memref_slice %arg2[%add3A_110, %dma_start3A_111] : memref<128x32768xf32, #tpu.memory_space<hbm>> -> memref<1x16384xf32, #tpu.memory_space<hbm>>
    %dma_start3A_113 = tpu.memref_squeeze %dma_start3A_112 : memref<1x16384xf32, #tpu.memory_space<hbm>> -> memref<16384xf32, #tpu.memory_space<hbm>>
    %dma_start3A_114 = arith.constant 16384 : i32
    %dma_start3A_115 = tpu.memref_slice %arg2[%add3A_110, %dma_start3A_114] : memref<128x32768xf32, #tpu.memory_space<hbm>> -> memref<1x16384xf32, #tpu.memory_space<hbm>>
    %dma_start3A_116 = tpu.memref_squeeze %dma_start3A_115 : memref<1x16384xf32, #tpu.memory_space<hbm>> -> memref<16384xf32, #tpu.memory_space<hbm>>
    tpu.enqueue_dma source(%dma_start3A_116 : memref<16384xf32, #tpu.memory_space<hbm>>) target(%arg7 : memref<16384xf32, #tpu.memory_space<vmem>>) target_semaphore(%arg11 : memref<!tpu.dma_semaphore, #tpu.memory_space<semaphore_mem>>)
    %dma_start3A_117 = arith.constant 16384 : i32
    %dma_start3A_118 = tpu.memref_slice %arg3[%add3A_110, %dma_start3A_117] : memref<128x32768xf32, #tpu.memory_space<hbm>> -> memref<1x16384xf32, #tpu.memory_space<hbm>>
    %dma_start3A_119 = tpu.memref_squeeze %dma_start3A_118 : memref<1x16384xf32, #tpu.memory_space<hbm>> -> memref<16384xf32, #tpu.memory_space<hbm>>
    %dma_start3A_120 = arith.constant 16384 : i32
    %dma_start3A_121 = tpu.memref_slice %arg3[%add3A_110, %dma_start3A_120] : memref<128x32768xf32, #tpu.memory_space<hbm>> -> memref<1x16384xf32, #tpu.memory_space<hbm>>
    %dma_start3A_122 = tpu.memref_squeeze %dma_start3A_121 : memref<1x16384xf32, #tpu.memory_space<hbm>> -> memref<16384xf32, #tpu.memory_space<hbm>>
    tpu.enqueue_dma source(%dma_start3A_122 : memref<16384xf32, #tpu.memory_space<hbm>>) target(%arg9 : memref<16384xf32, #tpu.memory_space<vmem>>) target_semaphore(%arg13 : memref<!tpu.dma_semaphore, #tpu.memory_space<semaphore_mem>>)
    %dma_wait3A_123 = arith.constant 0 : i32
    %dma_wait3A_124 = tpu.memref_slice %arg2[%add3A_77, %dma_wait3A_123] : memref<128x32768xf32, #tpu.memory_space<hbm>> -> memref<1x16384xf32, #tpu.memory_space<hbm>>
    %dma_wait3A_125 = tpu.memref_squeeze %dma_wait3A_124 : memref<1x16384xf32, #tpu.memory_space<hbm>> -> memref<16384xf32, #tpu.memory_space<hbm>>
    %dma_wait3A_126 = arith.constant 0 : i32
    %dma_wait3A_127 = tpu.memref_slice %arg2[%add3A_77, %dma_wait3A_126] : memref<128x32768xf32, #tpu.memory_space<hbm>> -> memref<1x16384xf32, #tpu.memory_space<hbm>>
    %dma_wait3A_128 = tpu.memref_squeeze %dma_wait3A_127 : memref<1x16384xf32, #tpu.memory_space<hbm>> -> memref<16384xf32, #tpu.memory_space<hbm>>
    tpu.wait_dma2 semaphore(%arg10 : memref<!tpu.dma_semaphore, #tpu.memory_space<semaphore_mem>>) src(%dma_wait3A_128 : memref<16384xf32, #tpu.memory_space<hbm>>) dst(%arg6 : memref<16384xf32, #tpu.memory_space<vmem>>)
    %dma_wait3A_129 = arith.constant 0 : i32
    %dma_wait3A_130 = tpu.memref_slice %arg3[%add3A_77, %dma_wait3A_129] : memref<128x32768xf32, #tpu.memory_space<hbm>> -> memref<1x16384xf32, #tpu.memory_space<hbm>>
    %dma_wait3A_131 = tpu.memref_squeeze %dma_wait3A_130 : memref<1x16384xf32, #tpu.memory_space<hbm>> -> memref<16384xf32, #tpu.memory_space<hbm>>
    %dma_wait3A_132 = arith.constant 0 : i32
    %dma_wait3A_133 = tpu.memref_slice %arg3[%add3A_77, %dma_wait3A_132] : memref<128x32768xf32, #tpu.memory_space<hbm>> -> memref<1x16384xf32, #tpu.memory_space<hbm>>
    %dma_wait3A_134 = tpu.memref_squeeze %dma_wait3A_133 : memref<1x16384xf32, #tpu.memory_space<hbm>> -> memref<16384xf32, #tpu.memory_space<hbm>>
    tpu.wait_dma2 semaphore(%arg12 : memref<!tpu.dma_semaphore, #tpu.memory_space<semaphore_mem>>) src(%dma_wait3A_134 : memref<16384xf32, #tpu.memory_space<hbm>>) dst(%arg8 : memref<16384xf32, #tpu.memory_space<vmem>>)
    %scan3A_135 = arith.constant 0 : i32
    %scan3A_136 = arith.constant 0 : i32
    %scan3A_137 = arith.constant 128 : i32
    %scan3A_138 = arith.addi %scan3A_136, %scan3A_137 : i32
    %scan3A_139 = arith.constant 1 : i32
    %scan3A_140 = scf.for %scan3A_311 = %scan3A_136 to %scan3A_138 step %scan3A_139 iter_args(%scan3A_312 = %scan3A_135) -> (i32)  : i32 {
      %mul3A_313 = arith.constant 8 : i32
      %mul3A_314 = arith.muli %scan3A_311, %mul3A_313 : i32
      %add3A_315 = arith.constant 0 : i32
      %add3A_316 = arith.addi %mul3A_314, %add3A_315 : i32
      %mul3A_317 = arith.constant 16 : i32
      %mul3A_318 = arith.muli %add3A_316, %mul3A_317 : i32
      %get3A = arith.index_cast %mul3A_318 : i32 to index
      %get3A_319 = tpu.vector_load %arg6[%get3A] {strides = array<i32>} : memref<16384xf32, #tpu.memory_space<vmem>>, vector<16xf32>,
      %get3A_320 = arith.index_cast %mul3A_318 : i32 to index
      %get3A_321 = tpu.vector_load %arg8[%get3A_320] {strides = array<i32>} : memref<16384xf32, #tpu.memory_space<vmem>>, vector<16xf32>,
      %bitcast_convert_type3A = tpu.bitcast %get3A_319 : vector<16xf32> -> vector<16xi32>
      %eq3A = arith.constant 0.000000e+00 : f32
      %eq3A_322 = vector.broadcast %eq3A : f32 to vector<16xf32>
      %eq3A_323 = arith.cmpf oeq, %get3A_321, %eq3A_322 : vector<16xf32>
      %shift_right_logical3A = arith.constant 6 : i32
      %shift_right_logical3A_324 = vector.broadcast %shift_right_logical3A : i32 to vector<16xi32>
      %shift_right_logical3A_325 = arith.shrui %bitcast_convert_type3A, %shift_right_logical3A_324 : vector<16xi32>
      %and3A = arith.constant 8191 : i32
      %and3A_326 = vector.broadcast %and3A : i32 to vector<16xi32>
      %and3A_327 = arith.andi %shift_right_logical3A_325, %and3A_326 : vector<16xi32>
      %shift_right_logical3A_328 = arith.constant 19 : i32
      %shift_right_logical3A_329 = vector.broadcast %shift_right_logical3A_328 : i32 to vector<16xi32>
      %shift_right_logical3A_330 = arith.shrui %bitcast_convert_type3A, %shift_right_logical3A_329 : vector<16xi32>
      %eq3A_331 = arith.cmpi eq, %shift_right_logical3A_330, %broadcast_in_dim3A : vector<16xi32>
      %and3A_332 = arith.andi %eq3A_323, %eq3A_331 : vector<16xi1>
      tpu.vector_store_idx %arg14[%and3A_327], %broadcast_in_dim3A_30 masked %and3A_332 {add = true} : memref<8192xi32, #tpu.memory_space<vmem>>[vector<16xi32>], vector<16xi32>, vector<16xi1>
      %mul3A_333 = arith.constant 8 : i32
      %mul3A_334 = arith.muli %scan3A_311, %mul3A_333 : i32
      %add3A_335 = arith.constant 1 : i32
      %add3A_336 = arith.addi %mul3A_334, %add3A_335 : i32
      %mul3A_337 = arith.constant 16 : i32
      %mul3A_338 = arith.muli %add3A_336, %mul3A_337 : i32
      %get3A_339 = arith.index_cast %mul3A_338 : i32 to index
      %get3A_340 = tpu.vector_load %arg6[%get3A_339] {strides = array<i32>} : memref<16384xf32, #tpu.memory_space<vmem>>, vector<16xf32>,
      %get3A_341 = arith.index_cast %mul3A_338 : i32 to index
      %get3A_342 = tpu.vector_load %arg8[%get3A_341] {strides = array<i32>} : memref<16384xf32, #tpu.memory_space<vmem>>, vector<16xf32>,
      %bitcast_convert_type3A_343 = tpu.bitcast %get3A_340 : vector<16xf32> -> vector<16xi32>
      %eq3A_344 = arith.constant 0.000000e+00 : f32
      %eq3A_345 = vector.broadcast %eq3A_344 : f32 to vector<16xf32>
      %eq3A_346 = arith.cmpf oeq, %get3A_342, %eq3A_345 : vector<16xf32>
      %shift_right_logical3A_347 = arith.constant 6 : i32
      %shift_right_logical3A_348 = vector.broadcast %shift_right_logical3A_347 : i32 to vector<16xi32>
      %shift_right_logical3A_349 = arith.shrui %bitcast_convert_type3A_343, %shift_right_logical3A_348 : vector<16xi32>
      %and3A_350 = arith.constant 8191 : i32
      %and3A_351 = vector.broadcast %and3A_350 : i32 to vector<16xi32>
      %and3A_352 = arith.andi %shift_right_logical3A_349, %and3A_351 : vector<16xi32>
      %shift_right_logical3A_353 = arith.constant 19 : i32
      %shift_right_logical3A_354 = vector.broadcast %shift_right_logical3A_353 : i32 to vector<16xi32>
      %shift_right_logical3A_355 = arith.shrui %bitcast_convert_type3A_343, %shift_right_logical3A_354 : vector<16xi32>
      %eq3A_356 = arith.cmpi eq, %shift_right_logical3A_355, %broadcast_in_dim3A : vector<16xi32>
      %and3A_357 = arith.andi %eq3A_346, %eq3A_356 : vector<16xi1>
      tpu.vector_store_idx %arg14[%and3A_352], %broadcast_in_dim3A_30 masked %and3A_357 {add = true} : memref<8192xi32, #tpu.memory_space<vmem>>[vector<16xi32>], vector<16xi32>, vector<16xi1>
      %mul3A_358 = arith.constant 8 : i32
      %mul3A_359 = arith.muli %scan3A_311, %mul3A_358 : i32
      %add3A_360 = arith.constant 2 : i32
      %add3A_361 = arith.addi %mul3A_359, %add3A_360 : i32
      %mul3A_362 = arith.constant 16 : i32
      %mul3A_363 = arith.muli %add3A_361, %mul3A_362 : i32
      %get3A_364 = arith.index_cast %mul3A_363 : i32 to index
      %get3A_365 = tpu.vector_load %arg6[%get3A_364] {strides = array<i32>} : memref<16384xf32, #tpu.memory_space<vmem>>, vector<16xf32>,
      %get3A_366 = arith.index_cast %mul3A_363 : i32 to index
      %get3A_367 = tpu.vector_load %arg8[%get3A_366] {strides = array<i32>} : memref<16384xf32, #tpu.memory_space<vmem>>, vector<16xf32>,
      %bitcast_convert_type3A_368 = tpu.bitcast %get3A_365 : vector<16xf32> -> vector<16xi32>
      %eq3A_369 = arith.constant 0.000000e+00 : f32
      %eq3A_370 = vector.broadcast %eq3A_369 : f32 to vector<16xf32>
      %eq3A_371 = arith.cmpf oeq, %get3A_367, %eq3A_370 : vector<16xf32>
      %shift_right_logical3A_372 = arith.constant 6 : i32
      %shift_right_logical3A_373 = vector.broadcast %shift_right_logical3A_372 : i32 to vector<16xi32>
      %shift_right_logical3A_374 = arith.shrui %bitcast_convert_type3A_368, %shift_right_logical3A_373 : vector<16xi32>
      %and3A_375 = arith.constant 8191 : i32
      %and3A_376 = vector.broadcast %and3A_375 : i32 to vector<16xi32>
      %and3A_377 = arith.andi %shift_right_logical3A_374, %and3A_376 : vector<16xi32>
      %shift_right_logical3A_378 = arith.constant 19 : i32
      %shift_right_logical3A_379 = vector.broadcast %shift_right_logical3A_378 : i32 to vector<16xi32>
      %shift_right_logical3A_380 = arith.shrui %bitcast_convert_type3A_368, %shift_right_logical3A_379 : vector<16xi32>
      %eq3A_381 = arith.cmpi eq, %shift_right_logical3A_380, %broadcast_in_dim3A : vector<16xi32>
      %and3A_382 = arith.andi %eq3A_371, %eq3A_381 : vector<16xi1>
      tpu.vector_store_idx %arg14[%and3A_377], %broadcast_in_dim3A_30 masked %and3A_382 {add = true} : memref<8192xi32, #tpu.memory_space<vmem>>[vector<16xi32>], vector<16xi32>, vector<16xi1>
      %mul3A_383 = arith.constant 8 : i32
      %mul3A_384 = arith.muli %scan3A_311, %mul3A_383 : i32
      %add3A_385 = arith.constant 3 : i32
      %add3A_386 = arith.addi %mul3A_384, %add3A_385 : i32
      %mul3A_387 = arith.constant 16 : i32
      %mul3A_388 = arith.muli %add3A_386, %mul3A_387 : i32
      %get3A_389 = arith.index_cast %mul3A_388 : i32 to index
      %get3A_390 = tpu.vector_load %arg6[%get3A_389] {strides = array<i32>} : memref<16384xf32, #tpu.memory_space<vmem>>, vector<16xf32>,
      %get3A_391 = arith.index_cast %mul3A_388 : i32 to index
      %get3A_392 = tpu.vector_load %arg8[%get3A_391] {strides = array<i32>} : memref<16384xf32, #tpu.memory_space<vmem>>, vector<16xf32>,
      %bitcast_convert_type3A_393 = tpu.bitcast %get3A_390 : vector<16xf32> -> vector<16xi32>
      %eq3A_394 = arith.constant 0.000000e+00 : f32
      %eq3A_395 = vector.broadcast %eq3A_394 : f32 to vector<16xf32>
      %eq3A_396 = arith.cmpf oeq, %get3A_392, %eq3A_395 : vector<16xf32>
      %shift_right_logical3A_397 = arith.constant 6 : i32
      %shift_right_logical3A_398 = vector.broadcast %shift_right_logical3A_397 : i32 to vector<16xi32>
      %shift_right_logical3A_399 = arith.shrui %bitcast_convert_type3A_393, %shift_right_logical3A_398 : vector<16xi32>
      %and3A_400 = arith.constant 8191 : i32
      %and3A_401 = vector.broadcast %and3A_400 : i32 to vector<16xi32>
      %and3A_402 = arith.andi %shift_right_logical3A_399, %and3A_401 : vector<16xi32>
      %shift_right_logical3A_403 = arith.constant 19 : i32
      %shift_right_logical3A_404 = vector.broadcast %shift_right_logical3A_403 : i32 to vector<16xi32>
      %shift_right_logical3A_405 = arith.shrui %bitcast_convert_type3A_393, %shift_right_logical3A_404 : vector<16xi32>
      %eq3A_406 = arith.cmpi eq, %shift_right_logical3A_405, %broadcast_in_dim3A : vector<16xi32>
      %and3A_407 = arith.andi %eq3A_396, %eq3A_406 : vector<16xi1>
      tpu.vector_store_idx %arg14[%and3A_402], %broadcast_in_dim3A_30 masked %and3A_407 {add = true} : memref<8192xi32, #tpu.memory_space<vmem>>[vector<16xi32>], vector<16xi32>, vector<16xi1>
      %mul3A_408 = arith.constant 8 : i32
      %mul3A_409 = arith.muli %scan3A_311, %mul3A_408 : i32
      %add3A_410 = arith.constant 4 : i32
      %add3A_411 = arith.addi %mul3A_409, %add3A_410 : i32
      %mul3A_412 = arith.constant 16 : i32
      %mul3A_413 = arith.muli %add3A_411, %mul3A_412 : i32
      %get3A_414 = arith.index_cast %mul3A_413 : i32 to index
      %get3A_415 = tpu.vector_load %arg6[%get3A_414] {strides = array<i32>} : memref<16384xf32, #tpu.memory_space<vmem>>, vector<16xf32>,
      %get3A_416 = arith.index_cast %mul3A_413 : i32 to index
      %get3A_417 = tpu.vector_load %arg8[%get3A_416] {strides = array<i32>} : memref<16384xf32, #tpu.memory_space<vmem>>, vector<16xf32>,
      %bitcast_convert_type3A_418 = tpu.bitcast %get3A_415 : vector<16xf32> -> vector<16xi32>
      %eq3A_419 = arith.constant 0.000000e+00 : f32
      %eq3A_420 = vector.broadcast %eq3A_419 : f32 to vector<16xf32>
      %eq3A_421 = arith.cmpf oeq, %get3A_417, %eq3A_420 : vector<16xf32>
      %shift_right_logical3A_422 = arith.constant 6 : i32
      %shift_right_logical3A_423 = vector.broadcast %shift_right_logical3A_422 : i32 to vector<16xi32>
      %shift_right_logical3A_424 = arith.shrui %bitcast_convert_type3A_418, %shift_right_logical3A_423 : vector<16xi32>
      %and3A_425 = arith.constant 8191 : i32
      %and3A_426 = vector.broadcast %and3A_425 : i32 to vector<16xi32>
      %and3A_427 = arith.andi %shift_right_logical3A_424, %and3A_426 : vector<16xi32>
      %shift_right_logical3A_428 = arith.constant 19 : i32
      %shift_right_logical3A_429 = vector.broadcast %shift_right_logical3A_428 : i32 to vector<16xi32>
      %shift_right_logical3A_430 = arith.shrui %bitcast_convert_type3A_418, %shift_right_logical3A_429 : vector<16xi32>
      %eq3A_431 = arith.cmpi eq, %shift_right_logical3A_430, %broadcast_in_dim3A : vector<16xi32>
      %and3A_432 = arith.andi %eq3A_421, %eq3A_431 : vector<16xi1>
      tpu.vector_store_idx %arg14[%and3A_427], %broadcast_in_dim3A_30 masked %and3A_432 {add = true} : memref<8192xi32, #tpu.memory_space<vmem>>[vector<16xi32>], vector<16xi32>, vector<16xi1>
      %mul3A_433 = arith.constant 8 : i32
      %mul3A_434 = arith.muli %scan3A_311, %mul3A_433 : i32
      %add3A_435 = arith.constant 5 : i32
      %add3A_436 = arith.addi %mul3A_434, %add3A_435 : i32
      %mul3A_437 = arith.constant 16 : i32
      %mul3A_438 = arith.muli %add3A_436, %mul3A_437 : i32
      %get3A_439 = arith.index_cast %mul3A_438 : i32 to index
      %get3A_440 = tpu.vector_load %arg6[%get3A_439] {strides = array<i32>} : memref<16384xf32, #tpu.memory_space<vmem>>, vector<16xf32>,
      %get3A_441 = arith.index_cast %mul3A_438 : i32 to index
      %get3A_442 = tpu.vector_load %arg8[%get3A_441] {strides = array<i32>} : memref<16384xf32, #tpu.memory_space<vmem>>, vector<16xf32>,
      %bitcast_convert_type3A_443 = tpu.bitcast %get3A_440 : vector<16xf32> -> vector<16xi32>
      %eq3A_444 = arith.constant 0.000000e+00 : f32
      %eq3A_445 = vector.broadcast %eq3A_444 : f32 to vector<16xf32>
      %eq3A_446 = arith.cmpf oeq, %get3A_442, %eq3A_445 : vector<16xf32>
      %shift_right_logical3A_447 = arith.constant 6 : i32
      %shift_right_logical3A_448 = vector.broadcast %shift_right_logical3A_447 : i32 to vector<16xi32>
      %shift_right_logical3A_449 = arith.shrui %bitcast_convert_type3A_443, %shift_right_logical3A_448 : vector<16xi32>
      %and3A_450 = arith.constant 8191 : i32
      %and3A_451 = vector.broadcast %and3A_450 : i32 to vector<16xi32>
      %and3A_452 = arith.andi %shift_right_logical3A_449, %and3A_451 : vector<16xi32>
      %shift_right_logical3A_453 = arith.constant 19 : i32
      %shift_right_logical3A_454 = vector.broadcast %shift_right_logical3A_453 : i32 to vector<16xi32>
      %shift_right_logical3A_455 = arith.shrui %bitcast_convert_type3A_443, %shift_right_logical3A_454 : vector<16xi32>
      %eq3A_456 = arith.cmpi eq, %shift_right_logical3A_455, %broadcast_in_dim3A : vector<16xi32>
      %and3A_457 = arith.andi %eq3A_446, %eq3A_456 : vector<16xi1>
      tpu.vector_store_idx %arg14[%and3A_452], %broadcast_in_dim3A_30 masked %and3A_457 {add = true} : memref<8192xi32, #tpu.memory_space<vmem>>[vector<16xi32>], vector<16xi32>, vector<16xi1>
      %mul3A_458 = arith.constant 8 : i32
      %mul3A_459 = arith.muli %scan3A_311, %mul3A_458 : i32
      %add3A_460 = arith.constant 6 : i32
      %add3A_461 = arith.addi %mul3A_459, %add3A_460 : i32
      %mul3A_462 = arith.constant 16 : i32
      %mul3A_463 = arith.muli %add3A_461, %mul3A_462 : i32
      %get3A_464 = arith.index_cast %mul3A_463 : i32 to index
      %get3A_465 = tpu.vector_load %arg6[%get3A_464] {strides = array<i32>} : memref<16384xf32, #tpu.memory_space<vmem>>, vector<16xf32>,
      %get3A_466 = arith.index_cast %mul3A_463 : i32 to index
      %get3A_467 = tpu.vector_load %arg8[%get3A_466] {strides = array<i32>} : memref<16384xf32, #tpu.memory_space<vmem>>, vector<16xf32>,
      %bitcast_convert_type3A_468 = tpu.bitcast %get3A_465 : vector<16xf32> -> vector<16xi32>
      %eq3A_469 = arith.constant 0.000000e+00 : f32
      %eq3A_470 = vector.broadcast %eq3A_469 : f32 to vector<16xf32>
      %eq3A_471 = arith.cmpf oeq, %get3A_467, %eq3A_470 : vector<16xf32>
      %shift_right_logical3A_472 = arith.constant 6 : i32
      %shift_right_logical3A_473 = vector.broadcast %shift_right_logical3A_472 : i32 to vector<16xi32>
      %shift_right_logical3A_474 = arith.shrui %bitcast_convert_type3A_468, %shift_right_logical3A_473 : vector<16xi32>
      %and3A_475 = arith.constant 8191 : i32
      %and3A_476 = vector.broadcast %and3A_475 : i32 to vector<16xi32>
      %and3A_477 = arith.andi %shift_right_logical3A_474, %and3A_476 : vector<16xi32>
      %shift_right_logical3A_478 = arith.constant 19 : i32
      %shift_right_logical3A_479 = vector.broadcast %shift_right_logical3A_478 : i32 to vector<16xi32>
      %shift_right_logical3A_480 = arith.shrui %bitcast_convert_type3A_468, %shift_right_logical3A_479 : vector<16xi32>
      %eq3A_481 = arith.cmpi eq, %shift_right_logical3A_480, %broadcast_in_dim3A : vector<16xi32>
      %and3A_482 = arith.andi %eq3A_471, %eq3A_481 : vector<16xi1>
      tpu.vector_store_idx %arg14[%and3A_477], %broadcast_in_dim3A_30 masked %and3A_482 {add = true} : memref<8192xi32, #tpu.memory_space<vmem>>[vector<16xi32>], vector<16xi32>, vector<16xi1>
      %mul3A_483 = arith.constant 8 : i32
      %mul3A_484 = arith.muli %scan3A_311, %mul3A_483 : i32
      %add3A_485 = arith.constant 7 : i32
      %add3A_486 = arith.addi %mul3A_484, %add3A_485 : i32
      %mul3A_487 = arith.constant 16 : i32
      %mul3A_488 = arith.muli %add3A_486, %mul3A_487 : i32
      %get3A_489 = arith.index_cast %mul3A_488 : i32 to index
      %get3A_490 = tpu.vector_load %arg6[%get3A_489] {strides = array<i32>} : memref<16384xf32, #tpu.memory_space<vmem>>, vector<16xf32>,
      %get3A_491 = arith.index_cast %mul3A_488 : i32 to index
      %get3A_492 = tpu.vector_load %arg8[%get3A_491] {strides = array<i32>} : memref<16384xf32, #tpu.memory_space<vmem>>, vector<16xf32>,
      %bitcast_convert_type3A_493 = tpu.bitcast %get3A_490 : vector<16xf32> -> vector<16xi32>
      %eq3A_494 = arith.constant 0.000000e+00 : f32
      %eq3A_495 = vector.broadcast %eq3A_494 : f32 to vector<16xf32>
      %eq3A_496 = arith.cmpf oeq, %get3A_492, %eq3A_495 : vector<16xf32>
      %shift_right_logical3A_497 = arith.constant 6 : i32
      %shift_right_logical3A_498 = vector.broadcast %shift_right_logical3A_497 : i32 to vector<16xi32>
      %shift_right_logical3A_499 = arith.shrui %bitcast_convert_type3A_493, %shift_right_logical3A_498 : vector<16xi32>
      %and3A_500 = arith.constant 8191 : i32
      %and3A_501 = vector.broadcast %and3A_500 : i32 to vector<16xi32>
      %and3A_502 = arith.andi %shift_right_logical3A_499, %and3A_501 : vector<16xi32>
      %shift_right_logical3A_503 = arith.constant 19 : i32
      %shift_right_logical3A_504 = vector.broadcast %shift_right_logical3A_503 : i32 to vector<16xi32>
      %shift_right_logical3A_505 = arith.shrui %bitcast_convert_type3A_493, %shift_right_logical3A_504 : vector<16xi32>
      %eq3A_506 = arith.cmpi eq, %shift_right_logical3A_505, %broadcast_in_dim3A : vector<16xi32>
      %and3A_507 = arith.andi %eq3A_496, %eq3A_506 : vector<16xi1>
      tpu.vector_store_idx %arg14[%and3A_502], %broadcast_in_dim3A_30 masked %and3A_507 {add = true} : memref<8192xi32, #tpu.memory_space<vmem>>[vector<16xi32>], vector<16xi32>, vector<16xi1>
      %scan3A_508 = arith.constant 0 : i32
      scf.yield %scan3A_508 : i32
    }
    %scan3A_141 = arith.constant 128 : i32
    %add3A_142 = arith.constant 2 : i32
    %add3A_143 = arith.addi %mul3A_21, %add3A_142 : i32
    %dma_start3A_144 = arith.constant 0 : i32
    %dma_start3A_145 = tpu.memref_slice %arg2[%add3A_143, %dma_start3A_144] : memref<128x32768xf32, #tpu.memory_space<hbm>> -> memref<1x16384xf32, #tpu.memory_space<hbm>>
    %dma_start3A_146 = tpu.memref_squeeze %dma_start3A_145 : memref<1x16384xf32, #tpu.memory_space<hbm>> -> memref<16384xf32, #tpu.memory_space<hbm>>
    %dma_start3A_147 = arith.constant 0 : i32
    %dma_start3A_148 = tpu.memref_slice %arg2[%add3A_143, %dma_start3A_147] : memref<128x32768xf32, #tpu.memory_space<hbm>> -> memref<1x16384xf32, #tpu.memory_space<hbm>>
    %dma_start3A_149 = tpu.memref_squeeze %dma_start3A_148 : memref<1x16384xf32, #tpu.memory_space<hbm>> -> memref<16384xf32, #tpu.memory_space<hbm>>
    tpu.enqueue_dma source(%dma_start3A_149 : memref<16384xf32, #tpu.memory_space<hbm>>) target(%arg6 : memref<16384xf32, #tpu.memory_space<vmem>>) target_semaphore(%arg10 : memref<!tpu.dma_semaphore, #tpu.memory_space<semaphore_mem>>)
    %dma_start3A_150 = arith.constant 0 : i32
    %dma_start3A_151 = tpu.memref_slice %arg3[%add3A_143, %dma_start3A_150] : memref<128x32768xf32, #tpu.memory_space<hbm>> -> memref<1x16384xf32, #tpu.memory_space<hbm>>
    %dma_start3A_152 = tpu.memref_squeeze %dma_start3A_151 : memref<1x16384xf32, #tpu.memory_space<hbm>> -> memref<16384xf32, #tpu.memory_space<hbm>>
    %dma_start3A_153 = arith.constant 0 : i32
    %dma_start3A_154 = tpu.memref_slice %arg3[%add3A_143, %dma_start3A_153] : memref<128x32768xf32, #tpu.memory_space<hbm>> -> memref<1x16384xf32, #tpu.memory_space<hbm>>
    %dma_start3A_155 = tpu.memref_squeeze %dma_start3A_154 : memref<1x16384xf32, #tpu.memory_space<hbm>> -> memref<16384xf32, #tpu.memory_space<hbm>>
    tpu.enqueue_dma source(%dma_start3A_155 : memref<16384xf32, #tpu.memory_space<hbm>>) target(%arg8 : memref<16384xf32, #tpu.memory_space<vmem>>) target_semaphore(%arg12 : memref<!tpu.dma_semaphore, #tpu.memory_space<semaphore_mem>>)
    %dma_wait3A_156 = arith.constant 16384 : i32
    %dma_wait3A_157 = tpu.memref_slice %arg2[%add3A_110, %dma_wait3A_156] : memref<128x32768xf32, #tpu.memory_space<hbm>> -> memref<1x16384xf32, #tpu.memory_space<hbm>>
    %dma_wait3A_158 = tpu.memref_squeeze %dma_wait3A_157 : memref<1x16384xf32, #tpu.memory_space<hbm>> -> memref<16384xf32, #tpu.memory_space<hbm>>
    %dma_wait3A_159 = arith.constant 16384 : i32
    %dma_wait3A_160 = tpu.memref_slice %arg2[%add3A_110, %dma_wait3A_159] : memref<128x32768xf32, #tpu.memory_space<hbm>> -> memref<1x16384xf32, #tpu.memory_space<hbm>>
    %dma_wait3A_161 = tpu.memref_squeeze %dma_wait3A_160 : memref<1x16384xf32, #tpu.memory_space<hbm>> -> memref<16384xf32, #tpu.memory_space<hbm>>
    tpu.wait_dma2 semaphore(%arg11 : memref<!tpu.dma_semaphore, #tpu.memory_space<semaphore_mem>>) src(%dma_wait3A_161 : memref<16384xf32, #tpu.memory_space<hbm>>) dst(%arg7 : memref<16384xf32, #tpu.memory_space<vmem>>)
    %dma_wait3A_162 = arith.constant 16384 : i32
    %dma_wait3A_163 = tpu.memref_slice %arg3[%add3A_110, %dma_wait3A_162] : memref<128x32768xf32, #tpu.memory_space<hbm>> -> memref<1x16384xf32, #tpu.memory_space<hbm>>
    %dma_wait3A_164 = tpu.memref_squeeze %dma_wait3A_163 : memref<1x16384xf32, #tpu.memory_space<hbm>> -> memref<16384xf32, #tpu.memory_space<hbm>>
    %dma_wait3A_165 = arith.constant 16384 : i32
    %dma_wait3A_166 = tpu.memref_slice %arg3[%add3A_110, %dma_wait3A_165] : memref<128x32768xf32, #tpu.memory_space<hbm>> -> memref<1x16384xf32, #tpu.memory_space<hbm>>
    %dma_wait3A_167 = tpu.memref_squeeze %dma_wait3A_166 : memref<1x16384xf32, #tpu.memory_space<hbm>> -> memref<16384xf32, #tpu.memory_space<hbm>>
    tpu.wait_dma2 semaphore(%arg13 : memref<!tpu.dma_semaphore, #tpu.memory_space<semaphore_mem>>) src(%dma_wait3A_167 : memref<16384xf32, #tpu.memory_space<hbm>>) dst(%arg9 : memref<16384xf32, #tpu.memory_space<vmem>>)
    %scan3A_168 = arith.constant 0 : i32
    %scan3A_169 = arith.constant 0 : i32
    %scan3A_170 = arith.constant 128 : i32
    %scan3A_171 = arith.addi %scan3A_169, %scan3A_170 : i32
    %scan3A_172 = arith.constant 1 : i32
    %scan3A_173 = scf.for %scan3A_311 = %scan3A_169 to %scan3A_171 step %scan3A_172 iter_args(%scan3A_312 = %scan3A_168) -> (i32)  : i32 {
      %mul3A_313 = arith.constant 8 : i32
      %mul3A_314 = arith.muli %scan3A_311, %mul3A_313 : i32
      %add3A_315 = arith.constant 0 : i32
      %add3A_316 = arith.addi %mul3A_314, %add3A_315 : i32
      %mul3A_317 = arith.constant 16 : i32
      %mul3A_318 = arith.muli %add3A_316, %mul3A_317 : i32
      %get3A = arith.index_cast %mul3A_318 : i32 to index
      %get3A_319 = tpu.vector_load %arg7[%get3A] {strides = array<i32>} : memref<16384xf32, #tpu.memory_space<vmem>>, vector<16xf32>,
      %get3A_320 = arith.index_cast %mul3A_318 : i32 to index
      %get3A_321 = tpu.vector_load %arg9[%get3A_320] {strides = array<i32>} : memref<16384xf32, #tpu.memory_space<vmem>>, vector<16xf32>,
      %bitcast_convert_type3A = tpu.bitcast %get3A_319 : vector<16xf32> -> vector<16xi32>
      %eq3A = arith.constant 0.000000e+00 : f32
      %eq3A_322 = vector.broadcast %eq3A : f32 to vector<16xf32>
      %eq3A_323 = arith.cmpf oeq, %get3A_321, %eq3A_322 : vector<16xf32>
      %shift_right_logical3A = arith.constant 6 : i32
      %shift_right_logical3A_324 = vector.broadcast %shift_right_logical3A : i32 to vector<16xi32>
      %shift_right_logical3A_325 = arith.shrui %bitcast_convert_type3A, %shift_right_logical3A_324 : vector<16xi32>
      %and3A = arith.constant 8191 : i32
      %and3A_326 = vector.broadcast %and3A : i32 to vector<16xi32>
      %and3A_327 = arith.andi %shift_right_logical3A_325, %and3A_326 : vector<16xi32>
      %shift_right_logical3A_328 = arith.constant 19 : i32
      %shift_right_logical3A_329 = vector.broadcast %shift_right_logical3A_328 : i32 to vector<16xi32>
      %shift_right_logical3A_330 = arith.shrui %bitcast_convert_type3A, %shift_right_logical3A_329 : vector<16xi32>
      %eq3A_331 = arith.cmpi eq, %shift_right_logical3A_330, %broadcast_in_dim3A : vector<16xi32>
      %and3A_332 = arith.andi %eq3A_323, %eq3A_331 : vector<16xi1>
      tpu.vector_store_idx %arg14[%and3A_327], %broadcast_in_dim3A_30 masked %and3A_332 {add = true} : memref<8192xi32, #tpu.memory_space<vmem>>[vector<16xi32>], vector<16xi32>, vector<16xi1>
      %mul3A_333 = arith.constant 8 : i32
      %mul3A_334 = arith.muli %scan3A_311, %mul3A_333 : i32
      %add3A_335 = arith.constant 1 : i32
      %add3A_336 = arith.addi %mul3A_334, %add3A_335 : i32
      %mul3A_337 = arith.constant 16 : i32
      %mul3A_338 = arith.muli %add3A_336, %mul3A_337 : i32
      %get3A_339 = arith.index_cast %mul3A_338 : i32 to index
      %get3A_340 = tpu.vector_load %arg7[%get3A_339] {strides = array<i32>} : memref<16384xf32, #tpu.memory_space<vmem>>, vector<16xf32>,
      %get3A_341 = arith.index_cast %mul3A_338 : i32 to index
      %get3A_342 = tpu.vector_load %arg9[%get3A_341] {strides = array<i32>} : memref<16384xf32, #tpu.memory_space<vmem>>, vector<16xf32>,
      %bitcast_convert_type3A_343 = tpu.bitcast %get3A_340 : vector<16xf32> -> vector<16xi32>
      %eq3A_344 = arith.constant 0.000000e+00 : f32
      %eq3A_345 = vector.broadcast %eq3A_344 : f32 to vector<16xf32>
      %eq3A_346 = arith.cmpf oeq, %get3A_342, %eq3A_345 : vector<16xf32>
      %shift_right_logical3A_347 = arith.constant 6 : i32
      %shift_right_logical3A_348 = vector.broadcast %shift_right_logical3A_347 : i32 to vector<16xi32>
      %shift_right_logical3A_349 = arith.shrui %bitcast_convert_type3A_343, %shift_right_logical3A_348 : vector<16xi32>
      %and3A_350 = arith.constant 8191 : i32
      %and3A_351 = vector.broadcast %and3A_350 : i32 to vector<16xi32>
      %and3A_352 = arith.andi %shift_right_logical3A_349, %and3A_351 : vector<16xi32>
      %shift_right_logical3A_353 = arith.constant 19 : i32
      %shift_right_logical3A_354 = vector.broadcast %shift_right_logical3A_353 : i32 to vector<16xi32>
      %shift_right_logical3A_355 = arith.shrui %bitcast_convert_type3A_343, %shift_right_logical3A_354 : vector<16xi32>
      %eq3A_356 = arith.cmpi eq, %shift_right_logical3A_355, %broadcast_in_dim3A : vector<16xi32>
      %and3A_357 = arith.andi %eq3A_346, %eq3A_356 : vector<16xi1>
      tpu.vector_store_idx %arg14[%and3A_352], %broadcast_in_dim3A_30 masked %and3A_357 {add = true} : memref<8192xi32, #tpu.memory_space<vmem>>[vector<16xi32>], vector<16xi32>, vector<16xi1>
      %mul3A_358 = arith.constant 8 : i32
      %mul3A_359 = arith.muli %scan3A_311, %mul3A_358 : i32
      %add3A_360 = arith.constant 2 : i32
      %add3A_361 = arith.addi %mul3A_359, %add3A_360 : i32
      %mul3A_362 = arith.constant 16 : i32
      %mul3A_363 = arith.muli %add3A_361, %mul3A_362 : i32
      %get3A_364 = arith.index_cast %mul3A_363 : i32 to index
      %get3A_365 = tpu.vector_load %arg7[%get3A_364] {strides = array<i32>} : memref<16384xf32, #tpu.memory_space<vmem>>, vector<16xf32>,
      %get3A_366 = arith.index_cast %mul3A_363 : i32 to index
      %get3A_367 = tpu.vector_load %arg9[%get3A_366] {strides = array<i32>} : memref<16384xf32, #tpu.memory_space<vmem>>, vector<16xf32>,
      %bitcast_convert_type3A_368 = tpu.bitcast %get3A_365 : vector<16xf32> -> vector<16xi32>
      %eq3A_369 = arith.constant 0.000000e+00 : f32
      %eq3A_370 = vector.broadcast %eq3A_369 : f32 to vector<16xf32>
      %eq3A_371 = arith.cmpf oeq, %get3A_367, %eq3A_370 : vector<16xf32>
      %shift_right_logical3A_372 = arith.constant 6 : i32
      %shift_right_logical3A_373 = vector.broadcast %shift_right_logical3A_372 : i32 to vector<16xi32>
      %shift_right_logical3A_374 = arith.shrui %bitcast_convert_type3A_368, %shift_right_logical3A_373 : vector<16xi32>
      %and3A_375 = arith.constant 8191 : i32
      %and3A_376 = vector.broadcast %and3A_375 : i32 to vector<16xi32>
      %and3A_377 = arith.andi %shift_right_logical3A_374, %and3A_376 : vector<16xi32>
      %shift_right_logical3A_378 = arith.constant 19 : i32
      %shift_right_logical3A_379 = vector.broadcast %shift_right_logical3A_378 : i32 to vector<16xi32>
      %shift_right_logical3A_380 = arith.shrui %bitcast_convert_type3A_368, %shift_right_logical3A_379 : vector<16xi32>
      %eq3A_381 = arith.cmpi eq, %shift_right_logical3A_380, %broadcast_in_dim3A : vector<16xi32>
      %and3A_382 = arith.andi %eq3A_371, %eq3A_381 : vector<16xi1>
      tpu.vector_store_idx %arg14[%and3A_377], %broadcast_in_dim3A_30 masked %and3A_382 {add = true} : memref<8192xi32, #tpu.memory_space<vmem>>[vector<16xi32>], vector<16xi32>, vector<16xi1>
      %mul3A_383 = arith.constant 8 : i32
      %mul3A_384 = arith.muli %scan3A_311, %mul3A_383 : i32
      %add3A_385 = arith.constant 3 : i32
      %add3A_386 = arith.addi %mul3A_384, %add3A_385 : i32
      %mul3A_387 = arith.constant 16 : i32
      %mul3A_388 = arith.muli %add3A_386, %mul3A_387 : i32
      %get3A_389 = arith.index_cast %mul3A_388 : i32 to index
      %get3A_390 = tpu.vector_load %arg7[%get3A_389] {strides = array<i32>} : memref<16384xf32, #tpu.memory_space<vmem>>, vector<16xf32>,
      %get3A_391 = arith.index_cast %mul3A_388 : i32 to index
      %get3A_392 = tpu.vector_load %arg9[%get3A_391] {strides = array<i32>} : memref<16384xf32, #tpu.memory_space<vmem>>, vector<16xf32>,
      %bitcast_convert_type3A_393 = tpu.bitcast %get3A_390 : vector<16xf32> -> vector<16xi32>
      %eq3A_394 = arith.constant 0.000000e+00 : f32
      %eq3A_395 = vector.broadcast %eq3A_394 : f32 to vector<16xf32>
      %eq3A_396 = arith.cmpf oeq, %get3A_392, %eq3A_395 : vector<16xf32>
      %shift_right_logical3A_397 = arith.constant 6 : i32
      %shift_right_logical3A_398 = vector.broadcast %shift_right_logical3A_397 : i32 to vector<16xi32>
      %shift_right_logical3A_399 = arith.shrui %bitcast_convert_type3A_393, %shift_right_logical3A_398 : vector<16xi32>
      %and3A_400 = arith.constant 8191 : i32
      %and3A_401 = vector.broadcast %and3A_400 : i32 to vector<16xi32>
      %and3A_402 = arith.andi %shift_right_logical3A_399, %and3A_401 : vector<16xi32>
      %shift_right_logical3A_403 = arith.constant 19 : i32
      %shift_right_logical3A_404 = vector.broadcast %shift_right_logical3A_403 : i32 to vector<16xi32>
      %shift_right_logical3A_405 = arith.shrui %bitcast_convert_type3A_393, %shift_right_logical3A_404 : vector<16xi32>
      %eq3A_406 = arith.cmpi eq, %shift_right_logical3A_405, %broadcast_in_dim3A : vector<16xi32>
      %and3A_407 = arith.andi %eq3A_396, %eq3A_406 : vector<16xi1>
      tpu.vector_store_idx %arg14[%and3A_402], %broadcast_in_dim3A_30 masked %and3A_407 {add = true} : memref<8192xi32, #tpu.memory_space<vmem>>[vector<16xi32>], vector<16xi32>, vector<16xi1>
      %mul3A_408 = arith.constant 8 : i32
      %mul3A_409 = arith.muli %scan3A_311, %mul3A_408 : i32
      %add3A_410 = arith.constant 4 : i32
      %add3A_411 = arith.addi %mul3A_409, %add3A_410 : i32
      %mul3A_412 = arith.constant 16 : i32
      %mul3A_413 = arith.muli %add3A_411, %mul3A_412 : i32
      %get3A_414 = arith.index_cast %mul3A_413 : i32 to index
      %get3A_415 = tpu.vector_load %arg7[%get3A_414] {strides = array<i32>} : memref<16384xf32, #tpu.memory_space<vmem>>, vector<16xf32>,
      %get3A_416 = arith.index_cast %mul3A_413 : i32 to index
      %get3A_417 = tpu.vector_load %arg9[%get3A_416] {strides = array<i32>} : memref<16384xf32, #tpu.memory_space<vmem>>, vector<16xf32>,
      %bitcast_convert_type3A_418 = tpu.bitcast %get3A_415 : vector<16xf32> -> vector<16xi32>
      %eq3A_419 = arith.constant 0.000000e+00 : f32
      %eq3A_420 = vector.broadcast %eq3A_419 : f32 to vector<16xf32>
      %eq3A_421 = arith.cmpf oeq, %get3A_417, %eq3A_420 : vector<16xf32>
      %shift_right_logical3A_422 = arith.constant 6 : i32
      %shift_right_logical3A_423 = vector.broadcast %shift_right_logical3A_422 : i32 to vector<16xi32>
      %shift_right_logical3A_424 = arith.shrui %bitcast_convert_type3A_418, %shift_right_logical3A_423 : vector<16xi32>
      %and3A_425 = arith.constant 8191 : i32
      %and3A_426 = vector.broadcast %and3A_425 : i32 to vector<16xi32>
      %and3A_427 = arith.andi %shift_right_logical3A_424, %and3A_426 : vector<16xi32>
      %shift_right_logical3A_428 = arith.constant 19 : i32
      %shift_right_logical3A_429 = vector.broadcast %shift_right_logical3A_428 : i32 to vector<16xi32>
      %shift_right_logical3A_430 = arith.shrui %bitcast_convert_type3A_418, %shift_right_logical3A_429 : vector<16xi32>
      %eq3A_431 = arith.cmpi eq, %shift_right_logical3A_430, %broadcast_in_dim3A : vector<16xi32>
      %and3A_432 = arith.andi %eq3A_421, %eq3A_431 : vector<16xi1>
      tpu.vector_store_idx %arg14[%and3A_427], %broadcast_in_dim3A_30 masked %and3A_432 {add = true} : memref<8192xi32, #tpu.memory_space<vmem>>[vector<16xi32>], vector<16xi32>, vector<16xi1>
      %mul3A_433 = arith.constant 8 : i32
      %mul3A_434 = arith.muli %scan3A_311, %mul3A_433 : i32
      %add3A_435 = arith.constant 5 : i32
      %add3A_436 = arith.addi %mul3A_434, %add3A_435 : i32
      %mul3A_437 = arith.constant 16 : i32
      %mul3A_438 = arith.muli %add3A_436, %mul3A_437 : i32
      %get3A_439 = arith.index_cast %mul3A_438 : i32 to index
      %get3A_440 = tpu.vector_load %arg7[%get3A_439] {strides = array<i32>} : memref<16384xf32, #tpu.memory_space<vmem>>, vector<16xf32>,
      %get3A_441 = arith.index_cast %mul3A_438 : i32 to index
      %get3A_442 = tpu.vector_load %arg9[%get3A_441] {strides = array<i32>} : memref<16384xf32, #tpu.memory_space<vmem>>, vector<16xf32>,
      %bitcast_convert_type3A_443 = tpu.bitcast %get3A_440 : vector<16xf32> -> vector<16xi32>
      %eq3A_444 = arith.constant 0.000000e+00 : f32
      %eq3A_445 = vector.broadcast %eq3A_444 : f32 to vector<16xf32>
      %eq3A_446 = arith.cmpf oeq, %get3A_442, %eq3A_445 : vector<16xf32>
      %shift_right_logical3A_447 = arith.constant 6 : i32
      %shift_right_logical3A_448 = vector.broadcast %shift_right_logical3A_447 : i32 to vector<16xi32>
      %shift_right_logical3A_449 = arith.shrui %bitcast_convert_type3A_443, %shift_right_logical3A_448 : vector<16xi32>
      %and3A_450 = arith.constant 8191 : i32
      %and3A_451 = vector.broadcast %and3A_450 : i32 to vector<16xi32>
      %and3A_452 = arith.andi %shift_right_logical3A_449, %and3A_451 : vector<16xi32>
      %shift_right_logical3A_453 = arith.constant 19 : i32
      %shift_right_logical3A_454 = vector.broadcast %shift_right_logical3A_453 : i32 to vector<16xi32>
      %shift_right_logical3A_455 = arith.shrui %bitcast_convert_type3A_443, %shift_right_logical3A_454 : vector<16xi32>
      %eq3A_456 = arith.cmpi eq, %shift_right_logical3A_455, %broadcast_in_dim3A : vector<16xi32>
      %and3A_457 = arith.andi %eq3A_446, %eq3A_456 : vector<16xi1>
      tpu.vector_store_idx %arg14[%and3A_452], %broadcast_in_dim3A_30 masked %and3A_457 {add = true} : memref<8192xi32, #tpu.memory_space<vmem>>[vector<16xi32>], vector<16xi32>, vector<16xi1>
      %mul3A_458 = arith.constant 8 : i32
      %mul3A_459 = arith.muli %scan3A_311, %mul3A_458 : i32
      %add3A_460 = arith.constant 6 : i32
      %add3A_461 = arith.addi %mul3A_459, %add3A_460 : i32
      %mul3A_462 = arith.constant 16 : i32
      %mul3A_463 = arith.muli %add3A_461, %mul3A_462 : i32
      %get3A_464 = arith.index_cast %mul3A_463 : i32 to index
      %get3A_465 = tpu.vector_load %arg7[%get3A_464] {strides = array<i32>} : memref<16384xf32, #tpu.memory_space<vmem>>, vector<16xf32>,
      %get3A_466 = arith.index_cast %mul3A_463 : i32 to index
      %get3A_467 = tpu.vector_load %arg9[%get3A_466] {strides = array<i32>} : memref<16384xf32, #tpu.memory_space<vmem>>, vector<16xf32>,
      %bitcast_convert_type3A_468 = tpu.bitcast %get3A_465 : vector<16xf32> -> vector<16xi32>
      %eq3A_469 = arith.constant 0.000000e+00 : f32
      %eq3A_470 = vector.broadcast %eq3A_469 : f32 to vector<16xf32>
      %eq3A_471 = arith.cmpf oeq, %get3A_467, %eq3A_470 : vector<16xf32>
      %shift_right_logical3A_472 = arith.constant 6 : i32
      %shift_right_logical3A_473 = vector.broadcast %shift_right_logical3A_472 : i32 to vector<16xi32>
      %shift_right_logical3A_474 = arith.shrui %bitcast_convert_type3A_468, %shift_right_logical3A_473 : vector<16xi32>
      %and3A_475 = arith.constant 8191 : i32
      %and3A_476 = vector.broadcast %and3A_475 : i32 to vector<16xi32>
      %and3A_477 = arith.andi %shift_right_logical3A_474, %and3A_476 : vector<16xi32>
      %shift_right_logical3A_478 = arith.constant 19 : i32
      %shift_right_logical3A_479 = vector.broadcast %shift_right_logical3A_478 : i32 to vector<16xi32>
      %shift_right_logical3A_480 = arith.shrui %bitcast_convert_type3A_468, %shift_right_logical3A_479 : vector<16xi32>
      %eq3A_481 = arith.cmpi eq, %shift_right_logical3A_480, %broadcast_in_dim3A : vector<16xi32>
      %and3A_482 = arith.andi %eq3A_471, %eq3A_481 : vector<16xi1>
      tpu.vector_store_idx %arg14[%and3A_477], %broadcast_in_dim3A_30 masked %and3A_482 {add = true} : memref<8192xi32, #tpu.memory_space<vmem>>[vector<16xi32>], vector<16xi32>, vector<16xi1>
      %mul3A_483 = arith.constant 8 : i32
      %mul3A_484 = arith.muli %scan3A_311, %mul3A_483 : i32
      %add3A_485 = arith.constant 7 : i32
      %add3A_486 = arith.addi %mul3A_484, %add3A_485 : i32
      %mul3A_487 = arith.constant 16 : i32
      %mul3A_488 = arith.muli %add3A_486, %mul3A_487 : i32
      %get3A_489 = arith.index_cast %mul3A_488 : i32 to index
      %get3A_490 = tpu.vector_load %arg7[%get3A_489] {strides = array<i32>} : memref<16384xf32, #tpu.memory_space<vmem>>, vector<16xf32>,
      %get3A_491 = arith.index_cast %mul3A_488 : i32 to index
      %get3A_492 = tpu.vector_load %arg9[%get3A_491] {strides = array<i32>} : memref<16384xf32, #tpu.memory_space<vmem>>, vector<16xf32>,
      %bitcast_convert_type3A_493 = tpu.bitcast %get3A_490 : vector<16xf32> -> vector<16xi32>
      %eq3A_494 = arith.constant 0.000000e+00 : f32
      %eq3A_495 = vector.broadcast %eq3A_494 : f32 to vector<16xf32>
      %eq3A_496 = arith.cmpf oeq, %get3A_492, %eq3A_495 : vector<16xf32>
      %shift_right_logical3A_497 = arith.constant 6 : i32
      %shift_right_logical3A_498 = vector.broadcast %shift_right_logical3A_497 : i32 to vector<16xi32>
      %shift_right_logical3A_499 = arith.shrui %bitcast_convert_type3A_493, %shift_right_logical3A_498 : vector<16xi32>
      %and3A_500 = arith.constant 8191 : i32
      %and3A_501 = vector.broadcast %and3A_500 : i32 to vector<16xi32>
      %and3A_502 = arith.andi %shift_right_logical3A_499, %and3A_501 : vector<16xi32>
      %shift_right_logical3A_503 = arith.constant 19 : i32
      %shift_right_logical3A_504 = vector.broadcast %shift_right_logical3A_503 : i32 to vector<16xi32>
      %shift_right_logical3A_505 = arith.shrui %bitcast_convert_type3A_493, %shift_right_logical3A_504 : vector<16xi32>
      %eq3A_506 = arith.cmpi eq, %shift_right_logical3A_505, %broadcast_in_dim3A : vector<16xi32>
      %and3A_507 = arith.andi %eq3A_496, %eq3A_506 : vector<16xi1>
      tpu.vector_store_idx %arg14[%and3A_502], %broadcast_in_dim3A_30 masked %and3A_507 {add = true} : memref<8192xi32, #tpu.memory_space<vmem>>[vector<16xi32>], vector<16xi32>, vector<16xi1>
      %scan3A_508 = arith.constant 0 : i32
      scf.yield %scan3A_508 : i32
    }
    %scan3A_174 = arith.constant 128 : i32
    %add3A_175 = arith.constant 2 : i32
    %add3A_176 = arith.addi %mul3A_21, %add3A_175 : i32
    %dma_start3A_177 = arith.constant 16384 : i32
    %dma_start3A_178 = tpu.memref_slice %arg2[%add3A_176, %dma_start3A_177] : memref<128x32768xf32, #tpu.memory_space<hbm>> -> memref<1x16384xf32, #tpu.memory_space<hbm>>
    %dma_start3A_179 = tpu.memref_squeeze %dma_start3A_178 : memref<1x16384xf32, #tpu.memory_space<hbm>> -> memref<16384xf32, #tpu.memory_space<hbm>>
    %dma_start3A_180 = arith.constant 16384 : i32
    %dma_start3A_181 = tpu.memref_slice %arg2[%add3A_176, %dma_start3A_180] : memref<128x32768xf32, #tpu.memory_space<hbm>> -> memref<1x16384xf32, #tpu.memory_space<hbm>>
    %dma_start3A_182 = tpu.memref_squeeze %dma_start3A_181 : memref<1x16384xf32, #tpu.memory_space<hbm>> -> memref<16384xf32, #tpu.memory_space<hbm>>
    tpu.enqueue_dma source(%dma_start3A_182 : memref<16384xf32, #tpu.memory_space<hbm>>) target(%arg7 : memref<16384xf32, #tpu.memory_space<vmem>>) target_semaphore(%arg11 : memref<!tpu.dma_semaphore, #tpu.memory_space<semaphore_mem>>)
    %dma_start3A_183 = arith.constant 16384 : i32
    %dma_start3A_184 = tpu.memref_slice %arg3[%add3A_176, %dma_start3A_183] : memref<128x32768xf32, #tpu.memory_space<hbm>> -> memref<1x16384xf32, #tpu.memory_space<hbm>>
    %dma_start3A_185 = tpu.memref_squeeze %dma_start3A_184 : memref<1x16384xf32, #tpu.memory_space<hbm>> -> memref<16384xf32, #tpu.memory_space<hbm>>
    %dma_start3A_186 = arith.constant 16384 : i32
    %dma_start3A_187 = tpu.memref_slice %arg3[%add3A_176, %dma_start3A_186] : memref<128x32768xf32, #tpu.memory_space<hbm>> -> memref<1x16384xf32, #tpu.memory_space<hbm>>
    %dma_start3A_188 = tpu.memref_squeeze %dma_start3A_187 : memref<1x16384xf32, #tpu.memory_space<hbm>> -> memref<16384xf32, #tpu.memory_space<hbm>>
    tpu.enqueue_dma source(%dma_start3A_188 : memref<16384xf32, #tpu.memory_space<hbm>>) target(%arg9 : memref<16384xf32, #tpu.memory_space<vmem>>) target_semaphore(%arg13 : memref<!tpu.dma_semaphore, #tpu.memory_space<semaphore_mem>>)
    %dma_wait3A_189 = arith.constant 0 : i32
    %dma_wait3A_190 = tpu.memref_slice %arg2[%add3A_143, %dma_wait3A_189] : memref<128x32768xf32, #tpu.memory_space<hbm>> -> memref<1x16384xf32, #tpu.memory_space<hbm>>
    %dma_wait3A_191 = tpu.memref_squeeze %dma_wait3A_190 : memref<1x16384xf32, #tpu.memory_space<hbm>> -> memref<16384xf32, #tpu.memory_space<hbm>>
    %dma_wait3A_192 = arith.constant 0 : i32
    %dma_wait3A_193 = tpu.memref_slice %arg2[%add3A_143, %dma_wait3A_192] : memref<128x32768xf32, #tpu.memory_space<hbm>> -> memref<1x16384xf32, #tpu.memory_space<hbm>>
    %dma_wait3A_194 = tpu.memref_squeeze %dma_wait3A_193 : memref<1x16384xf32, #tpu.memory_space<hbm>> -> memref<16384xf32, #tpu.memory_space<hbm>>
    tpu.wait_dma2 semaphore(%arg10 : memref<!tpu.dma_semaphore, #tpu.memory_space<semaphore_mem>>) src(%dma_wait3A_194 : memref<16384xf32, #tpu.memory_space<hbm>>) dst(%arg6 : memref<16384xf32, #tpu.memory_space<vmem>>)
    %dma_wait3A_195 = arith.constant 0 : i32
    %dma_wait3A_196 = tpu.memref_slice %arg3[%add3A_143, %dma_wait3A_195] : memref<128x32768xf32, #tpu.memory_space<hbm>> -> memref<1x16384xf32, #tpu.memory_space<hbm>>
    %dma_wait3A_197 = tpu.memref_squeeze %dma_wait3A_196 : memref<1x16384xf32, #tpu.memory_space<hbm>> -> memref<16384xf32, #tpu.memory_space<hbm>>
    %dma_wait3A_198 = arith.constant 0 : i32
    %dma_wait3A_199 = tpu.memref_slice %arg3[%add3A_143, %dma_wait3A_198] : memref<128x32768xf32, #tpu.memory_space<hbm>> -> memref<1x16384xf32, #tpu.memory_space<hbm>>
    %dma_wait3A_200 = tpu.memref_squeeze %dma_wait3A_199 : memref<1x16384xf32, #tpu.memory_space<hbm>> -> memref<16384xf32, #tpu.memory_space<hbm>>
    tpu.wait_dma2 semaphore(%arg12 : memref<!tpu.dma_semaphore, #tpu.memory_space<semaphore_mem>>) src(%dma_wait3A_200 : memref<16384xf32, #tpu.memory_space<hbm>>) dst(%arg8 : memref<16384xf32, #tpu.memory_space<vmem>>)
    %scan3A_201 = arith.constant 0 : i32
    %scan3A_202 = arith.constant 0 : i32
    %scan3A_203 = arith.constant 128 : i32
    %scan3A_204 = arith.addi %scan3A_202, %scan3A_203 : i32
    %scan3A_205 = arith.constant 1 : i32
    %scan3A_206 = scf.for %scan3A_311 = %scan3A_202 to %scan3A_204 step %scan3A_205 iter_args(%scan3A_312 = %scan3A_201) -> (i32)  : i32 {
      %mul3A_313 = arith.constant 8 : i32
      %mul3A_314 = arith.muli %scan3A_311, %mul3A_313 : i32
      %add3A_315 = arith.constant 0 : i32
      %add3A_316 = arith.addi %mul3A_314, %add3A_315 : i32
      %mul3A_317 = arith.constant 16 : i32
      %mul3A_318 = arith.muli %add3A_316, %mul3A_317 : i32
      %get3A = arith.index_cast %mul3A_318 : i32 to index
      %get3A_319 = tpu.vector_load %arg6[%get3A] {strides = array<i32>} : memref<16384xf32, #tpu.memory_space<vmem>>, vector<16xf32>,
      %get3A_320 = arith.index_cast %mul3A_318 : i32 to index
      %get3A_321 = tpu.vector_load %arg8[%get3A_320] {strides = array<i32>} : memref<16384xf32, #tpu.memory_space<vmem>>, vector<16xf32>,
      %bitcast_convert_type3A = tpu.bitcast %get3A_319 : vector<16xf32> -> vector<16xi32>
      %eq3A = arith.constant 0.000000e+00 : f32
      %eq3A_322 = vector.broadcast %eq3A : f32 to vector<16xf32>
      %eq3A_323 = arith.cmpf oeq, %get3A_321, %eq3A_322 : vector<16xf32>
      %shift_right_logical3A = arith.constant 6 : i32
      %shift_right_logical3A_324 = vector.broadcast %shift_right_logical3A : i32 to vector<16xi32>
      %shift_right_logical3A_325 = arith.shrui %bitcast_convert_type3A, %shift_right_logical3A_324 : vector<16xi32>
      %and3A = arith.constant 8191 : i32
      %and3A_326 = vector.broadcast %and3A : i32 to vector<16xi32>
      %and3A_327 = arith.andi %shift_right_logical3A_325, %and3A_326 : vector<16xi32>
      %shift_right_logical3A_328 = arith.constant 19 : i32
      %shift_right_logical3A_329 = vector.broadcast %shift_right_logical3A_328 : i32 to vector<16xi32>
      %shift_right_logical3A_330 = arith.shrui %bitcast_convert_type3A, %shift_right_logical3A_329 : vector<16xi32>
      %eq3A_331 = arith.cmpi eq, %shift_right_logical3A_330, %broadcast_in_dim3A : vector<16xi32>
      %and3A_332 = arith.andi %eq3A_323, %eq3A_331 : vector<16xi1>
      tpu.vector_store_idx %arg14[%and3A_327], %broadcast_in_dim3A_30 masked %and3A_332 {add = true} : memref<8192xi32, #tpu.memory_space<vmem>>[vector<16xi32>], vector<16xi32>, vector<16xi1>
      %mul3A_333 = arith.constant 8 : i32
      %mul3A_334 = arith.muli %scan3A_311, %mul3A_333 : i32
      %add3A_335 = arith.constant 1 : i32
      %add3A_336 = arith.addi %mul3A_334, %add3A_335 : i32
      %mul3A_337 = arith.constant 16 : i32
      %mul3A_338 = arith.muli %add3A_336, %mul3A_337 : i32
      %get3A_339 = arith.index_cast %mul3A_338 : i32 to index
      %get3A_340 = tpu.vector_load %arg6[%get3A_339] {strides = array<i32>} : memref<16384xf32, #tpu.memory_space<vmem>>, vector<16xf32>,
      %get3A_341 = arith.index_cast %mul3A_338 : i32 to index
      %get3A_342 = tpu.vector_load %arg8[%get3A_341] {strides = array<i32>} : memref<16384xf32, #tpu.memory_space<vmem>>, vector<16xf32>,
      %bitcast_convert_type3A_343 = tpu.bitcast %get3A_340 : vector<16xf32> -> vector<16xi32>
      %eq3A_344 = arith.constant 0.000000e+00 : f32
      %eq3A_345 = vector.broadcast %eq3A_344 : f32 to vector<16xf32>
      %eq3A_346 = arith.cmpf oeq, %get3A_342, %eq3A_345 : vector<16xf32>
      %shift_right_logical3A_347 = arith.constant 6 : i32
      %shift_right_logical3A_348 = vector.broadcast %shift_right_logical3A_347 : i32 to vector<16xi32>
      %shift_right_logical3A_349 = arith.shrui %bitcast_convert_type3A_343, %shift_right_logical3A_348 : vector<16xi32>
      %and3A_350 = arith.constant 8191 : i32
      %and3A_351 = vector.broadcast %and3A_350 : i32 to vector<16xi32>
      %and3A_352 = arith.andi %shift_right_logical3A_349, %and3A_351 : vector<16xi32>
      %shift_right_logical3A_353 = arith.constant 19 : i32
      %shift_right_logical3A_354 = vector.broadcast %shift_right_logical3A_353 : i32 to vector<16xi32>
      %shift_right_logical3A_355 = arith.shrui %bitcast_convert_type3A_343, %shift_right_logical3A_354 : vector<16xi32>
      %eq3A_356 = arith.cmpi eq, %shift_right_logical3A_355, %broadcast_in_dim3A : vector<16xi32>
      %and3A_357 = arith.andi %eq3A_346, %eq3A_356 : vector<16xi1>
      tpu.vector_store_idx %arg14[%and3A_352], %broadcast_in_dim3A_30 masked %and3A_357 {add = true} : memref<8192xi32, #tpu.memory_space<vmem>>[vector<16xi32>], vector<16xi32>, vector<16xi1>
      %mul3A_358 = arith.constant 8 : i32
      %mul3A_359 = arith.muli %scan3A_311, %mul3A_358 : i32
      %add3A_360 = arith.constant 2 : i32
      %add3A_361 = arith.addi %mul3A_359, %add3A_360 : i32
      %mul3A_362 = arith.constant 16 : i32
      %mul3A_363 = arith.muli %add3A_361, %mul3A_362 : i32
      %get3A_364 = arith.index_cast %mul3A_363 : i32 to index
      %get3A_365 = tpu.vector_load %arg6[%get3A_364] {strides = array<i32>} : memref<16384xf32, #tpu.memory_space<vmem>>, vector<16xf32>,
      %get3A_366 = arith.index_cast %mul3A_363 : i32 to index
      %get3A_367 = tpu.vector_load %arg8[%get3A_366] {strides = array<i32>} : memref<16384xf32, #tpu.memory_space<vmem>>, vector<16xf32>,
      %bitcast_convert_type3A_368 = tpu.bitcast %get3A_365 : vector<16xf32> -> vector<16xi32>
      %eq3A_369 = arith.constant 0.000000e+00 : f32
      %eq3A_370 = vector.broadcast %eq3A_369 : f32 to vector<16xf32>
      %eq3A_371 = arith.cmpf oeq, %get3A_367, %eq3A_370 : vector<16xf32>
      %shift_right_logical3A_372 = arith.constant 6 : i32
      %shift_right_logical3A_373 = vector.broadcast %shift_right_logical3A_372 : i32 to vector<16xi32>
      %shift_right_logical3A_374 = arith.shrui %bitcast_convert_type3A_368, %shift_right_logical3A_373 : vector<16xi32>
      %and3A_375 = arith.constant 8191 : i32
      %and3A_376 = vector.broadcast %and3A_375 : i32 to vector<16xi32>
      %and3A_377 = arith.andi %shift_right_logical3A_374, %and3A_376 : vector<16xi32>
      %shift_right_logical3A_378 = arith.constant 19 : i32
      %shift_right_logical3A_379 = vector.broadcast %shift_right_logical3A_378 : i32 to vector<16xi32>
      %shift_right_logical3A_380 = arith.shrui %bitcast_convert_type3A_368, %shift_right_logical3A_379 : vector<16xi32>
      %eq3A_381 = arith.cmpi eq, %shift_right_logical3A_380, %broadcast_in_dim3A : vector<16xi32>
      %and3A_382 = arith.andi %eq3A_371, %eq3A_381 : vector<16xi1>
      tpu.vector_store_idx %arg14[%and3A_377], %broadcast_in_dim3A_30 masked %and3A_382 {add = true} : memref<8192xi32, #tpu.memory_space<vmem>>[vector<16xi32>], vector<16xi32>, vector<16xi1>
      %mul3A_383 = arith.constant 8 : i32
      %mul3A_384 = arith.muli %scan3A_311, %mul3A_383 : i32
      %add3A_385 = arith.constant 3 : i32
      %add3A_386 = arith.addi %mul3A_384, %add3A_385 : i32
      %mul3A_387 = arith.constant 16 : i32
      %mul3A_388 = arith.muli %add3A_386, %mul3A_387 : i32
      %get3A_389 = arith.index_cast %mul3A_388 : i32 to index
      %get3A_390 = tpu.vector_load %arg6[%get3A_389] {strides = array<i32>} : memref<16384xf32, #tpu.memory_space<vmem>>, vector<16xf32>,
      %get3A_391 = arith.index_cast %mul3A_388 : i32 to index
      %get3A_392 = tpu.vector_load %arg8[%get3A_391] {strides = array<i32>} : memref<16384xf32, #tpu.memory_space<vmem>>, vector<16xf32>,
      %bitcast_convert_type3A_393 = tpu.bitcast %get3A_390 : vector<16xf32> -> vector<16xi32>
      %eq3A_394 = arith.constant 0.000000e+00 : f32
      %eq3A_395 = vector.broadcast %eq3A_394 : f32 to vector<16xf32>
      %eq3A_396 = arith.cmpf oeq, %get3A_392, %eq3A_395 : vector<16xf32>
      %shift_right_logical3A_397 = arith.constant 6 : i32
      %shift_right_logical3A_398 = vector.broadcast %shift_right_logical3A_397 : i32 to vector<16xi32>
      %shift_right_logical3A_399 = arith.shrui %bitcast_convert_type3A_393, %shift_right_logical3A_398 : vector<16xi32>
      %and3A_400 = arith.constant 8191 : i32
      %and3A_401 = vector.broadcast %and3A_400 : i32 to vector<16xi32>
      %and3A_402 = arith.andi %shift_right_logical3A_399, %and3A_401 : vector<16xi32>
      %shift_right_logical3A_403 = arith.constant 19 : i32
      %shift_right_logical3A_404 = vector.broadcast %shift_right_logical3A_403 : i32 to vector<16xi32>
      %shift_right_logical3A_405 = arith.shrui %bitcast_convert_type3A_393, %shift_right_logical3A_404 : vector<16xi32>
      %eq3A_406 = arith.cmpi eq, %shift_right_logical3A_405, %broadcast_in_dim3A : vector<16xi32>
      %and3A_407 = arith.andi %eq3A_396, %eq3A_406 : vector<16xi1>
      tpu.vector_store_idx %arg14[%and3A_402], %broadcast_in_dim3A_30 masked %and3A_407 {add = true} : memref<8192xi32, #tpu.memory_space<vmem>>[vector<16xi32>], vector<16xi32>, vector<16xi1>
      %mul3A_408 = arith.constant 8 : i32
      %mul3A_409 = arith.muli %scan3A_311, %mul3A_408 : i32
      %add3A_410 = arith.constant 4 : i32
      %add3A_411 = arith.addi %mul3A_409, %add3A_410 : i32
      %mul3A_412 = arith.constant 16 : i32
      %mul3A_413 = arith.muli %add3A_411, %mul3A_412 : i32
      %get3A_414 = arith.index_cast %mul3A_413 : i32 to index
      %get3A_415 = tpu.vector_load %arg6[%get3A_414] {strides = array<i32>} : memref<16384xf32, #tpu.memory_space<vmem>>, vector<16xf32>,
      %get3A_416 = arith.index_cast %mul3A_413 : i32 to index
      %get3A_417 = tpu.vector_load %arg8[%get3A_416] {strides = array<i32>} : memref<16384xf32, #tpu.memory_space<vmem>>, vector<16xf32>,
      %bitcast_convert_type3A_418 = tpu.bitcast %get3A_415 : vector<16xf32> -> vector<16xi32>
      %eq3A_419 = arith.constant 0.000000e+00 : f32
      %eq3A_420 = vector.broadcast %eq3A_419 : f32 to vector<16xf32>
      %eq3A_421 = arith.cmpf oeq, %get3A_417, %eq3A_420 : vector<16xf32>
      %shift_right_logical3A_422 = arith.constant 6 : i32
      %shift_right_logical3A_423 = vector.broadcast %shift_right_logical3A_422 : i32 to vector<16xi32>
      %shift_right_logical3A_424 = arith.shrui %bitcast_convert_type3A_418, %shift_right_logical3A_423 : vector<16xi32>
      %and3A_425 = arith.constant 8191 : i32
      %and3A_426 = vector.broadcast %and3A_425 : i32 to vector<16xi32>
      %and3A_427 = arith.andi %shift_right_logical3A_424, %and3A_426 : vector<16xi32>
      %shift_right_logical3A_428 = arith.constant 19 : i32
      %shift_right_logical3A_429 = vector.broadcast %shift_right_logical3A_428 : i32 to vector<16xi32>
      %shift_right_logical3A_430 = arith.shrui %bitcast_convert_type3A_418, %shift_right_logical3A_429 : vector<16xi32>
      %eq3A_431 = arith.cmpi eq, %shift_right_logical3A_430, %broadcast_in_dim3A : vector<16xi32>
      %and3A_432 = arith.andi %eq3A_421, %eq3A_431 : vector<16xi1>
      tpu.vector_store_idx %arg14[%and3A_427], %broadcast_in_dim3A_30 masked %and3A_432 {add = true} : memref<8192xi32, #tpu.memory_space<vmem>>[vector<16xi32>], vector<16xi32>, vector<16xi1>
      %mul3A_433 = arith.constant 8 : i32
      %mul3A_434 = arith.muli %scan3A_311, %mul3A_433 : i32
      %add3A_435 = arith.constant 5 : i32
      %add3A_436 = arith.addi %mul3A_434, %add3A_435 : i32
      %mul3A_437 = arith.constant 16 : i32
      %mul3A_438 = arith.muli %add3A_436, %mul3A_437 : i32
      %get3A_439 = arith.index_cast %mul3A_438 : i32 to index
      %get3A_440 = tpu.vector_load %arg6[%get3A_439] {strides = array<i32>} : memref<16384xf32, #tpu.memory_space<vmem>>, vector<16xf32>,
      %get3A_441 = arith.index_cast %mul3A_438 : i32 to index
      %get3A_442 = tpu.vector_load %arg8[%get3A_441] {strides = array<i32>} : memref<16384xf32, #tpu.memory_space<vmem>>, vector<16xf32>,
      %bitcast_convert_type3A_443 = tpu.bitcast %get3A_440 : vector<16xf32> -> vector<16xi32>
      %eq3A_444 = arith.constant 0.000000e+00 : f32
      %eq3A_445 = vector.broadcast %eq3A_444 : f32 to vector<16xf32>
      %eq3A_446 = arith.cmpf oeq, %get3A_442, %eq3A_445 : vector<16xf32>
      %shift_right_logical3A_447 = arith.constant 6 : i32
      %shift_right_logical3A_448 = vector.broadcast %shift_right_logical3A_447 : i32 to vector<16xi32>
      %shift_right_logical3A_449 = arith.shrui %bitcast_convert_type3A_443, %shift_right_logical3A_448 : vector<16xi32>
      %and3A_450 = arith.constant 8191 : i32
      %and3A_451 = vector.broadcast %and3A_450 : i32 to vector<16xi32>
      %and3A_452 = arith.andi %shift_right_logical3A_449, %and3A_451 : vector<16xi32>
      %shift_right_logical3A_453 = arith.constant 19 : i32
      %shift_right_logical3A_454 = vector.broadcast %shift_right_logical3A_453 : i32 to vector<16xi32>
      %shift_right_logical3A_455 = arith.shrui %bitcast_convert_type3A_443, %shift_right_logical3A_454 : vector<16xi32>
      %eq3A_456 = arith.cmpi eq, %shift_right_logical3A_455, %broadcast_in_dim3A : vector<16xi32>
      %and3A_457 = arith.andi %eq3A_446, %eq3A_456 : vector<16xi1>
      tpu.vector_store_idx %arg14[%and3A_452], %broadcast_in_dim3A_30 masked %and3A_457 {add = true} : memref<8192xi32, #tpu.memory_space<vmem>>[vector<16xi32>], vector<16xi32>, vector<16xi1>
      %mul3A_458 = arith.constant 8 : i32
      %mul3A_459 = arith.muli %scan3A_311, %mul3A_458 : i32
      %add3A_460 = arith.constant 6 : i32
      %add3A_461 = arith.addi %mul3A_459, %add3A_460 : i32
      %mul3A_462 = arith.constant 16 : i32
      %mul3A_463 = arith.muli %add3A_461, %mul3A_462 : i32
      %get3A_464 = arith.index_cast %mul3A_463 : i32 to index
      %get3A_465 = tpu.vector_load %arg6[%get3A_464] {strides = array<i32>} : memref<16384xf32, #tpu.memory_space<vmem>>, vector<16xf32>,
      %get3A_466 = arith.index_cast %mul3A_463 : i32 to index
      %get3A_467 = tpu.vector_load %arg8[%get3A_466] {strides = array<i32>} : memref<16384xf32, #tpu.memory_space<vmem>>, vector<16xf32>,
      %bitcast_convert_type3A_468 = tpu.bitcast %get3A_465 : vector<16xf32> -> vector<16xi32>
      %eq3A_469 = arith.constant 0.000000e+00 : f32
      %eq3A_470 = vector.broadcast %eq3A_469 : f32 to vector<16xf32>
      %eq3A_471 = arith.cmpf oeq, %get3A_467, %eq3A_470 : vector<16xf32>
      %shift_right_logical3A_472 = arith.constant 6 : i32
      %shift_right_logical3A_473 = vector.broadcast %shift_right_logical3A_472 : i32 to vector<16xi32>
      %shift_right_logical3A_474 = arith.shrui %bitcast_convert_type3A_468, %shift_right_logical3A_473 : vector<16xi32>
      %and3A_475 = arith.constant 8191 : i32
      %and3A_476 = vector.broadcast %and3A_475 : i32 to vector<16xi32>
      %and3A_477 = arith.andi %shift_right_logical3A_474, %and3A_476 : vector<16xi32>
      %shift_right_logical3A_478 = arith.constant 19 : i32
      %shift_right_logical3A_479 = vector.broadcast %shift_right_logical3A_478 : i32 to vector<16xi32>
      %shift_right_logical3A_480 = arith.shrui %bitcast_convert_type3A_468, %shift_right_logical3A_479 : vector<16xi32>
      %eq3A_481 = arith.cmpi eq, %shift_right_logical3A_480, %broadcast_in_dim3A : vector<16xi32>
      %and3A_482 = arith.andi %eq3A_471, %eq3A_481 : vector<16xi1>
      tpu.vector_store_idx %arg14[%and3A_477], %broadcast_in_dim3A_30 masked %and3A_482 {add = true} : memref<8192xi32, #tpu.memory_space<vmem>>[vector<16xi32>], vector<16xi32>, vector<16xi1>
      %mul3A_483 = arith.constant 8 : i32
      %mul3A_484 = arith.muli %scan3A_311, %mul3A_483 : i32
      %add3A_485 = arith.constant 7 : i32
      %add3A_486 = arith.addi %mul3A_484, %add3A_485 : i32
      %mul3A_487 = arith.constant 16 : i32
      %mul3A_488 = arith.muli %add3A_486, %mul3A_487 : i32
      %get3A_489 = arith.index_cast %mul3A_488 : i32 to index
      %get3A_490 = tpu.vector_load %arg6[%get3A_489] {strides = array<i32>} : memref<16384xf32, #tpu.memory_space<vmem>>, vector<16xf32>,
      %get3A_491 = arith.index_cast %mul3A_488 : i32 to index
      %get3A_492 = tpu.vector_load %arg8[%get3A_491] {strides = array<i32>} : memref<16384xf32, #tpu.memory_space<vmem>>, vector<16xf32>,
      %bitcast_convert_type3A_493 = tpu.bitcast %get3A_490 : vector<16xf32> -> vector<16xi32>
      %eq3A_494 = arith.constant 0.000000e+00 : f32
      %eq3A_495 = vector.broadcast %eq3A_494 : f32 to vector<16xf32>
      %eq3A_496 = arith.cmpf oeq, %get3A_492, %eq3A_495 : vector<16xf32>
      %shift_right_logical3A_497 = arith.constant 6 : i32
      %shift_right_logical3A_498 = vector.broadcast %shift_right_logical3A_497 : i32 to vector<16xi32>
      %shift_right_logical3A_499 = arith.shrui %bitcast_convert_type3A_493, %shift_right_logical3A_498 : vector<16xi32>
      %and3A_500 = arith.constant 8191 : i32
      %and3A_501 = vector.broadcast %and3A_500 : i32 to vector<16xi32>
      %and3A_502 = arith.andi %shift_right_logical3A_499, %and3A_501 : vector<16xi32>
      %shift_right_logical3A_503 = arith.constant 19 : i32
      %shift_right_logical3A_504 = vector.broadcast %shift_right_logical3A_503 : i32 to vector<16xi32>
      %shift_right_logical3A_505 = arith.shrui %bitcast_convert_type3A_493, %shift_right_logical3A_504 : vector<16xi32>
      %eq3A_506 = arith.cmpi eq, %shift_right_logical3A_505, %broadcast_in_dim3A : vector<16xi32>
      %and3A_507 = arith.andi %eq3A_496, %eq3A_506 : vector<16xi1>
      tpu.vector_store_idx %arg14[%and3A_502], %broadcast_in_dim3A_30 masked %and3A_507 {add = true} : memref<8192xi32, #tpu.memory_space<vmem>>[vector<16xi32>], vector<16xi32>, vector<16xi1>
      %scan3A_508 = arith.constant 0 : i32
      scf.yield %scan3A_508 : i32
    }
    %scan3A_207 = arith.constant 128 : i32
    %add3A_208 = arith.constant 3 : i32
    %add3A_209 = arith.addi %mul3A_21, %add3A_208 : i32
    %dma_start3A_210 = arith.constant 0 : i32
    %dma_start3A_211 = tpu.memref_slice %arg2[%add3A_209, %dma_start3A_210] : memref<128x32768xf32, #tpu.memory_space<hbm>> -> memref<1x16384xf32, #tpu.memory_space<hbm>>
    %dma_start3A_212 = tpu.memref_squeeze %dma_start3A_211 : memref<1x16384xf32, #tpu.memory_space<hbm>> -> memref<16384xf32, #tpu.memory_space<hbm>>
    %dma_start3A_213 = arith.constant 0 : i32
    %dma_start3A_214 = tpu.memref_slice %arg2[%add3A_209, %dma_start3A_213] : memref<128x32768xf32, #tpu.memory_space<hbm>> -> memref<1x16384xf32, #tpu.memory_space<hbm>>
    %dma_start3A_215 = tpu.memref_squeeze %dma_start3A_214 : memref<1x16384xf32, #tpu.memory_space<hbm>> -> memref<16384xf32, #tpu.memory_space<hbm>>
    tpu.enqueue_dma source(%dma_start3A_215 : memref<16384xf32, #tpu.memory_space<hbm>>) target(%arg6 : memref<16384xf32, #tpu.memory_space<vmem>>) target_semaphore(%arg10 : memref<!tpu.dma_semaphore, #tpu.memory_space<semaphore_mem>>)
    %dma_start3A_216 = arith.constant 0 : i32
    %dma_start3A_217 = tpu.memref_slice %arg3[%add3A_209, %dma_start3A_216] : memref<128x32768xf32, #tpu.memory_space<hbm>> -> memref<1x16384xf32, #tpu.memory_space<hbm>>
    %dma_start3A_218 = tpu.memref_squeeze %dma_start3A_217 : memref<1x16384xf32, #tpu.memory_space<hbm>> -> memref<16384xf32, #tpu.memory_space<hbm>>
    %dma_start3A_219 = arith.constant 0 : i32
    %dma_start3A_220 = tpu.memref_slice %arg3[%add3A_209, %dma_start3A_219] : memref<128x32768xf32, #tpu.memory_space<hbm>> -> memref<1x16384xf32, #tpu.memory_space<hbm>>
    %dma_start3A_221 = tpu.memref_squeeze %dma_start3A_220 : memref<1x16384xf32, #tpu.memory_space<hbm>> -> memref<16384xf32, #tpu.memory_space<hbm>>
    tpu.enqueue_dma source(%dma_start3A_221 : memref<16384xf32, #tpu.memory_space<hbm>>) target(%arg8 : memref<16384xf32, #tpu.memory_space<vmem>>) target_semaphore(%arg12 : memref<!tpu.dma_semaphore, #tpu.memory_space<semaphore_mem>>)
    %dma_wait3A_222 = arith.constant 16384 : i32
    %dma_wait3A_223 = tpu.memref_slice %arg2[%add3A_176, %dma_wait3A_222] : memref<128x32768xf32, #tpu.memory_space<hbm>> -> memref<1x16384xf32, #tpu.memory_space<hbm>>
    %dma_wait3A_224 = tpu.memref_squeeze %dma_wait3A_223 : memref<1x16384xf32, #tpu.memory_space<hbm>> -> memref<16384xf32, #tpu.memory_space<hbm>>
    %dma_wait3A_225 = arith.constant 16384 : i32
    %dma_wait3A_226 = tpu.memref_slice %arg2[%add3A_176, %dma_wait3A_225] : memref<128x32768xf32, #tpu.memory_space<hbm>> -> memref<1x16384xf32, #tpu.memory_space<hbm>>
    %dma_wait3A_227 = tpu.memref_squeeze %dma_wait3A_226 : memref<1x16384xf32, #tpu.memory_space<hbm>> -> memref<16384xf32, #tpu.memory_space<hbm>>
    tpu.wait_dma2 semaphore(%arg11 : memref<!tpu.dma_semaphore, #tpu.memory_space<semaphore_mem>>) src(%dma_wait3A_227 : memref<16384xf32, #tpu.memory_space<hbm>>) dst(%arg7 : memref<16384xf32, #tpu.memory_space<vmem>>)
    %dma_wait3A_228 = arith.constant 16384 : i32
    %dma_wait3A_229 = tpu.memref_slice %arg3[%add3A_176, %dma_wait3A_228] : memref<128x32768xf32, #tpu.memory_space<hbm>> -> memref<1x16384xf32, #tpu.memory_space<hbm>>
    %dma_wait3A_230 = tpu.memref_squeeze %dma_wait3A_229 : memref<1x16384xf32, #tpu.memory_space<hbm>> -> memref<16384xf32, #tpu.memory_space<hbm>>
    %dma_wait3A_231 = arith.constant 16384 : i32
    %dma_wait3A_232 = tpu.memref_slice %arg3[%add3A_176, %dma_wait3A_231] : memref<128x32768xf32, #tpu.memory_space<hbm>> -> memref<1x16384xf32, #tpu.memory_space<hbm>>
    %dma_wait3A_233 = tpu.memref_squeeze %dma_wait3A_232 : memref<1x16384xf32, #tpu.memory_space<hbm>> -> memref<16384xf32, #tpu.memory_space<hbm>>
    tpu.wait_dma2 semaphore(%arg13 : memref<!tpu.dma_semaphore, #tpu.memory_space<semaphore_mem>>) src(%dma_wait3A_233 : memref<16384xf32, #tpu.memory_space<hbm>>) dst(%arg9 : memref<16384xf32, #tpu.memory_space<vmem>>)
    %scan3A_234 = arith.constant 0 : i32
    %scan3A_235 = arith.constant 0 : i32
    %scan3A_236 = arith.constant 128 : i32
    %scan3A_237 = arith.addi %scan3A_235, %scan3A_236 : i32
    %scan3A_238 = arith.constant 1 : i32
    %scan3A_239 = scf.for %scan3A_311 = %scan3A_235 to %scan3A_237 step %scan3A_238 iter_args(%scan3A_312 = %scan3A_234) -> (i32)  : i32 {
      %mul3A_313 = arith.constant 8 : i32
      %mul3A_314 = arith.muli %scan3A_311, %mul3A_313 : i32
      %add3A_315 = arith.constant 0 : i32
      %add3A_316 = arith.addi %mul3A_314, %add3A_315 : i32
      %mul3A_317 = arith.constant 16 : i32
      %mul3A_318 = arith.muli %add3A_316, %mul3A_317 : i32
      %get3A = arith.index_cast %mul3A_318 : i32 to index
      %get3A_319 = tpu.vector_load %arg7[%get3A] {strides = array<i32>} : memref<16384xf32, #tpu.memory_space<vmem>>, vector<16xf32>,
      %get3A_320 = arith.index_cast %mul3A_318 : i32 to index
      %get3A_321 = tpu.vector_load %arg9[%get3A_320] {strides = array<i32>} : memref<16384xf32, #tpu.memory_space<vmem>>, vector<16xf32>,
      %bitcast_convert_type3A = tpu.bitcast %get3A_319 : vector<16xf32> -> vector<16xi32>
      %eq3A = arith.constant 0.000000e+00 : f32
      %eq3A_322 = vector.broadcast %eq3A : f32 to vector<16xf32>
      %eq3A_323 = arith.cmpf oeq, %get3A_321, %eq3A_322 : vector<16xf32>
      %shift_right_logical3A = arith.constant 6 : i32
      %shift_right_logical3A_324 = vector.broadcast %shift_right_logical3A : i32 to vector<16xi32>
      %shift_right_logical3A_325 = arith.shrui %bitcast_convert_type3A, %shift_right_logical3A_324 : vector<16xi32>
      %and3A = arith.constant 8191 : i32
      %and3A_326 = vector.broadcast %and3A : i32 to vector<16xi32>
      %and3A_327 = arith.andi %shift_right_logical3A_325, %and3A_326 : vector<16xi32>
      %shift_right_logical3A_328 = arith.constant 19 : i32
      %shift_right_logical3A_329 = vector.broadcast %shift_right_logical3A_328 : i32 to vector<16xi32>
      %shift_right_logical3A_330 = arith.shrui %bitcast_convert_type3A, %shift_right_logical3A_329 : vector<16xi32>
      %eq3A_331 = arith.cmpi eq, %shift_right_logical3A_330, %broadcast_in_dim3A : vector<16xi32>
      %and3A_332 = arith.andi %eq3A_323, %eq3A_331 : vector<16xi1>
      tpu.vector_store_idx %arg14[%and3A_327], %broadcast_in_dim3A_30 masked %and3A_332 {add = true} : memref<8192xi32, #tpu.memory_space<vmem>>[vector<16xi32>], vector<16xi32>, vector<16xi1>
      %mul3A_333 = arith.constant 8 : i32
      %mul3A_334 = arith.muli %scan3A_311, %mul3A_333 : i32
      %add3A_335 = arith.constant 1 : i32
      %add3A_336 = arith.addi %mul3A_334, %add3A_335 : i32
      %mul3A_337 = arith.constant 16 : i32
      %mul3A_338 = arith.muli %add3A_336, %mul3A_337 : i32
      %get3A_339 = arith.index_cast %mul3A_338 : i32 to index
      %get3A_340 = tpu.vector_load %arg7[%get3A_339] {strides = array<i32>} : memref<16384xf32, #tpu.memory_space<vmem>>, vector<16xf32>,
      %get3A_341 = arith.index_cast %mul3A_338 : i32 to index
      %get3A_342 = tpu.vector_load %arg9[%get3A_341] {strides = array<i32>} : memref<16384xf32, #tpu.memory_space<vmem>>, vector<16xf32>,
      %bitcast_convert_type3A_343 = tpu.bitcast %get3A_340 : vector<16xf32> -> vector<16xi32>
      %eq3A_344 = arith.constant 0.000000e+00 : f32
      %eq3A_345 = vector.broadcast %eq3A_344 : f32 to vector<16xf32>
      %eq3A_346 = arith.cmpf oeq, %get3A_342, %eq3A_345 : vector<16xf32>
      %shift_right_logical3A_347 = arith.constant 6 : i32
      %shift_right_logical3A_348 = vector.broadcast %shift_right_logical3A_347 : i32 to vector<16xi32>
      %shift_right_logical3A_349 = arith.shrui %bitcast_convert_type3A_343, %shift_right_logical3A_348 : vector<16xi32>
      %and3A_350 = arith.constant 8191 : i32
      %and3A_351 = vector.broadcast %and3A_350 : i32 to vector<16xi32>
      %and3A_352 = arith.andi %shift_right_logical3A_349, %and3A_351 : vector<16xi32>
      %shift_right_logical3A_353 = arith.constant 19 : i32
      %shift_right_logical3A_354 = vector.broadcast %shift_right_logical3A_353 : i32 to vector<16xi32>
      %shift_right_logical3A_355 = arith.shrui %bitcast_convert_type3A_343, %shift_right_logical3A_354 : vector<16xi32>
      %eq3A_356 = arith.cmpi eq, %shift_right_logical3A_355, %broadcast_in_dim3A : vector<16xi32>
      %and3A_357 = arith.andi %eq3A_346, %eq3A_356 : vector<16xi1>
      tpu.vector_store_idx %arg14[%and3A_352], %broadcast_in_dim3A_30 masked %and3A_357 {add = true} : memref<8192xi32, #tpu.memory_space<vmem>>[vector<16xi32>], vector<16xi32>, vector<16xi1>
      %mul3A_358 = arith.constant 8 : i32
      %mul3A_359 = arith.muli %scan3A_311, %mul3A_358 : i32
      %add3A_360 = arith.constant 2 : i32
      %add3A_361 = arith.addi %mul3A_359, %add3A_360 : i32
      %mul3A_362 = arith.constant 16 : i32
      %mul3A_363 = arith.muli %add3A_361, %mul3A_362 : i32
      %get3A_364 = arith.index_cast %mul3A_363 : i32 to index
      %get3A_365 = tpu.vector_load %arg7[%get3A_364] {strides = array<i32>} : memref<16384xf32, #tpu.memory_space<vmem>>, vector<16xf32>,
      %get3A_366 = arith.index_cast %mul3A_363 : i32 to index
      %get3A_367 = tpu.vector_load %arg9[%get3A_366] {strides = array<i32>} : memref<16384xf32, #tpu.memory_space<vmem>>, vector<16xf32>,
      %bitcast_convert_type3A_368 = tpu.bitcast %get3A_365 : vector<16xf32> -> vector<16xi32>
      %eq3A_369 = arith.constant 0.000000e+00 : f32
      %eq3A_370 = vector.broadcast %eq3A_369 : f32 to vector<16xf32>
      %eq3A_371 = arith.cmpf oeq, %get3A_367, %eq3A_370 : vector<16xf32>
      %shift_right_logical3A_372 = arith.constant 6 : i32
      %shift_right_logical3A_373 = vector.broadcast %shift_right_logical3A_372 : i32 to vector<16xi32>
      %shift_right_logical3A_374 = arith.shrui %bitcast_convert_type3A_368, %shift_right_logical3A_373 : vector<16xi32>
      %and3A_375 = arith.constant 8191 : i32
      %and3A_376 = vector.broadcast %and3A_375 : i32 to vector<16xi32>
      %and3A_377 = arith.andi %shift_right_logical3A_374, %and3A_376 : vector<16xi32>
      %shift_right_logical3A_378 = arith.constant 19 : i32
      %shift_right_logical3A_379 = vector.broadcast %shift_right_logical3A_378 : i32 to vector<16xi32>
      %shift_right_logical3A_380 = arith.shrui %bitcast_convert_type3A_368, %shift_right_logical3A_379 : vector<16xi32>
      %eq3A_381 = arith.cmpi eq, %shift_right_logical3A_380, %broadcast_in_dim3A : vector<16xi32>
      %and3A_382 = arith.andi %eq3A_371, %eq3A_381 : vector<16xi1>
      tpu.vector_store_idx %arg14[%and3A_377], %broadcast_in_dim3A_30 masked %and3A_382 {add = true} : memref<8192xi32, #tpu.memory_space<vmem>>[vector<16xi32>], vector<16xi32>, vector<16xi1>
      %mul3A_383 = arith.constant 8 : i32
      %mul3A_384 = arith.muli %scan3A_311, %mul3A_383 : i32
      %add3A_385 = arith.constant 3 : i32
      %add3A_386 = arith.addi %mul3A_384, %add3A_385 : i32
      %mul3A_387 = arith.constant 16 : i32
      %mul3A_388 = arith.muli %add3A_386, %mul3A_387 : i32
      %get3A_389 = arith.index_cast %mul3A_388 : i32 to index
      %get3A_390 = tpu.vector_load %arg7[%get3A_389] {strides = array<i32>} : memref<16384xf32, #tpu.memory_space<vmem>>, vector<16xf32>,
      %get3A_391 = arith.index_cast %mul3A_388 : i32 to index
      %get3A_392 = tpu.vector_load %arg9[%get3A_391] {strides = array<i32>} : memref<16384xf32, #tpu.memory_space<vmem>>, vector<16xf32>,
      %bitcast_convert_type3A_393 = tpu.bitcast %get3A_390 : vector<16xf32> -> vector<16xi32>
      %eq3A_394 = arith.constant 0.000000e+00 : f32
      %eq3A_395 = vector.broadcast %eq3A_394 : f32 to vector<16xf32>
      %eq3A_396 = arith.cmpf oeq, %get3A_392, %eq3A_395 : vector<16xf32>
      %shift_right_logical3A_397 = arith.constant 6 : i32
      %shift_right_logical3A_398 = vector.broadcast %shift_right_logical3A_397 : i32 to vector<16xi32>
      %shift_right_logical3A_399 = arith.shrui %bitcast_convert_type3A_393, %shift_right_logical3A_398 : vector<16xi32>
      %and3A_400 = arith.constant 8191 : i32
      %and3A_401 = vector.broadcast %and3A_400 : i32 to vector<16xi32>
      %and3A_402 = arith.andi %shift_right_logical3A_399, %and3A_401 : vector<16xi32>
      %shift_right_logical3A_403 = arith.constant 19 : i32
      %shift_right_logical3A_404 = vector.broadcast %shift_right_logical3A_403 : i32 to vector<16xi32>
      %shift_right_logical3A_405 = arith.shrui %bitcast_convert_type3A_393, %shift_right_logical3A_404 : vector<16xi32>
      %eq3A_406 = arith.cmpi eq, %shift_right_logical3A_405, %broadcast_in_dim3A : vector<16xi32>
      %and3A_407 = arith.andi %eq3A_396, %eq3A_406 : vector<16xi1>
      tpu.vector_store_idx %arg14[%and3A_402], %broadcast_in_dim3A_30 masked %and3A_407 {add = true} : memref<8192xi32, #tpu.memory_space<vmem>>[vector<16xi32>], vector<16xi32>, vector<16xi1>
      %mul3A_408 = arith.constant 8 : i32
      %mul3A_409 = arith.muli %scan3A_311, %mul3A_408 : i32
      %add3A_410 = arith.constant 4 : i32
      %add3A_411 = arith.addi %mul3A_409, %add3A_410 : i32
      %mul3A_412 = arith.constant 16 : i32
      %mul3A_413 = arith.muli %add3A_411, %mul3A_412 : i32
      %get3A_414 = arith.index_cast %mul3A_413 : i32 to index
      %get3A_415 = tpu.vector_load %arg7[%get3A_414] {strides = array<i32>} : memref<16384xf32, #tpu.memory_space<vmem>>, vector<16xf32>,
      %get3A_416 = arith.index_cast %mul3A_413 : i32 to index
      %get3A_417 = tpu.vector_load %arg9[%get3A_416] {strides = array<i32>} : memref<16384xf32, #tpu.memory_space<vmem>>, vector<16xf32>,
      %bitcast_convert_type3A_418 = tpu.bitcast %get3A_415 : vector<16xf32> -> vector<16xi32>
      %eq3A_419 = arith.constant 0.000000e+00 : f32
      %eq3A_420 = vector.broadcast %eq3A_419 : f32 to vector<16xf32>
      %eq3A_421 = arith.cmpf oeq, %get3A_417, %eq3A_420 : vector<16xf32>
      %shift_right_logical3A_422 = arith.constant 6 : i32
      %shift_right_logical3A_423 = vector.broadcast %shift_right_logical3A_422 : i32 to vector<16xi32>
      %shift_right_logical3A_424 = arith.shrui %bitcast_convert_type3A_418, %shift_right_logical3A_423 : vector<16xi32>
      %and3A_425 = arith.constant 8191 : i32
      %and3A_426 = vector.broadcast %and3A_425 : i32 to vector<16xi32>
      %and3A_427 = arith.andi %shift_right_logical3A_424, %and3A_426 : vector<16xi32>
      %shift_right_logical3A_428 = arith.constant 19 : i32
      %shift_right_logical3A_429 = vector.broadcast %shift_right_logical3A_428 : i32 to vector<16xi32>
      %shift_right_logical3A_430 = arith.shrui %bitcast_convert_type3A_418, %shift_right_logical3A_429 : vector<16xi32>
      %eq3A_431 = arith.cmpi eq, %shift_right_logical3A_430, %broadcast_in_dim3A : vector<16xi32>
      %and3A_432 = arith.andi %eq3A_421, %eq3A_431 : vector<16xi1>
      tpu.vector_store_idx %arg14[%and3A_427], %broadcast_in_dim3A_30 masked %and3A_432 {add = true} : memref<8192xi32, #tpu.memory_space<vmem>>[vector<16xi32>], vector<16xi32>, vector<16xi1>
      %mul3A_433 = arith.constant 8 : i32
      %mul3A_434 = arith.muli %scan3A_311, %mul3A_433 : i32
      %add3A_435 = arith.constant 5 : i32
      %add3A_436 = arith.addi %mul3A_434, %add3A_435 : i32
      %mul3A_437 = arith.constant 16 : i32
      %mul3A_438 = arith.muli %add3A_436, %mul3A_437 : i32
      %get3A_439 = arith.index_cast %mul3A_438 : i32 to index
      %get3A_440 = tpu.vector_load %arg7[%get3A_439] {strides = array<i32>} : memref<16384xf32, #tpu.memory_space<vmem>>, vector<16xf32>,
      %get3A_441 = arith.index_cast %mul3A_438 : i32 to index
      %get3A_442 = tpu.vector_load %arg9[%get3A_441] {strides = array<i32>} : memref<16384xf32, #tpu.memory_space<vmem>>, vector<16xf32>,
      %bitcast_convert_type3A_443 = tpu.bitcast %get3A_440 : vector<16xf32> -> vector<16xi32>
      %eq3A_444 = arith.constant 0.000000e+00 : f32
      %eq3A_445 = vector.broadcast %eq3A_444 : f32 to vector<16xf32>
      %eq3A_446 = arith.cmpf oeq, %get3A_442, %eq3A_445 : vector<16xf32>
      %shift_right_logical3A_447 = arith.constant 6 : i32
      %shift_right_logical3A_448 = vector.broadcast %shift_right_logical3A_447 : i32 to vector<16xi32>
      %shift_right_logical3A_449 = arith.shrui %bitcast_convert_type3A_443, %shift_right_logical3A_448 : vector<16xi32>
      %and3A_450 = arith.constant 8191 : i32
      %and3A_451 = vector.broadcast %and3A_450 : i32 to vector<16xi32>
      %and3A_452 = arith.andi %shift_right_logical3A_449, %and3A_451 : vector<16xi32>
      %shift_right_logical3A_453 = arith.constant 19 : i32
      %shift_right_logical3A_454 = vector.broadcast %shift_right_logical3A_453 : i32 to vector<16xi32>
      %shift_right_logical3A_455 = arith.shrui %bitcast_convert_type3A_443, %shift_right_logical3A_454 : vector<16xi32>
      %eq3A_456 = arith.cmpi eq, %shift_right_logical3A_455, %broadcast_in_dim3A : vector<16xi32>
      %and3A_457 = arith.andi %eq3A_446, %eq3A_456 : vector<16xi1>
      tpu.vector_store_idx %arg14[%and3A_452], %broadcast_in_dim3A_30 masked %and3A_457 {add = true} : memref<8192xi32, #tpu.memory_space<vmem>>[vector<16xi32>], vector<16xi32>, vector<16xi1>
      %mul3A_458 = arith.constant 8 : i32
      %mul3A_459 = arith.muli %scan3A_311, %mul3A_458 : i32
      %add3A_460 = arith.constant 6 : i32
      %add3A_461 = arith.addi %mul3A_459, %add3A_460 : i32
      %mul3A_462 = arith.constant 16 : i32
      %mul3A_463 = arith.muli %add3A_461, %mul3A_462 : i32
      %get3A_464 = arith.index_cast %mul3A_463 : i32 to index
      %get3A_465 = tpu.vector_load %arg7[%get3A_464] {strides = array<i32>} : memref<16384xf32, #tpu.memory_space<vmem>>, vector<16xf32>,
      %get3A_466 = arith.index_cast %mul3A_463 : i32 to index
      %get3A_467 = tpu.vector_load %arg9[%get3A_466] {strides = array<i32>} : memref<16384xf32, #tpu.memory_space<vmem>>, vector<16xf32>,
      %bitcast_convert_type3A_468 = tpu.bitcast %get3A_465 : vector<16xf32> -> vector<16xi32>
      %eq3A_469 = arith.constant 0.000000e+00 : f32
      %eq3A_470 = vector.broadcast %eq3A_469 : f32 to vector<16xf32>
      %eq3A_471 = arith.cmpf oeq, %get3A_467, %eq3A_470 : vector<16xf32>
      %shift_right_logical3A_472 = arith.constant 6 : i32
      %shift_right_logical3A_473 = vector.broadcast %shift_right_logical3A_472 : i32 to vector<16xi32>
      %shift_right_logical3A_474 = arith.shrui %bitcast_convert_type3A_468, %shift_right_logical3A_473 : vector<16xi32>
      %and3A_475 = arith.constant 8191 : i32
      %and3A_476 = vector.broadcast %and3A_475 : i32 to vector<16xi32>
      %and3A_477 = arith.andi %shift_right_logical3A_474, %and3A_476 : vector<16xi32>
      %shift_right_logical3A_478 = arith.constant 19 : i32
      %shift_right_logical3A_479 = vector.broadcast %shift_right_logical3A_478 : i32 to vector<16xi32>
      %shift_right_logical3A_480 = arith.shrui %bitcast_convert_type3A_468, %shift_right_logical3A_479 : vector<16xi32>
      %eq3A_481 = arith.cmpi eq, %shift_right_logical3A_480, %broadcast_in_dim3A : vector<16xi32>
      %and3A_482 = arith.andi %eq3A_471, %eq3A_481 : vector<16xi1>
      tpu.vector_store_idx %arg14[%and3A_477], %broadcast_in_dim3A_30 masked %and3A_482 {add = true} : memref<8192xi32, #tpu.memory_space<vmem>>[vector<16xi32>], vector<16xi32>, vector<16xi1>
      %mul3A_483 = arith.constant 8 : i32
      %mul3A_484 = arith.muli %scan3A_311, %mul3A_483 : i32
      %add3A_485 = arith.constant 7 : i32
      %add3A_486 = arith.addi %mul3A_484, %add3A_485 : i32
      %mul3A_487 = arith.constant 16 : i32
      %mul3A_488 = arith.muli %add3A_486, %mul3A_487 : i32
      %get3A_489 = arith.index_cast %mul3A_488 : i32 to index
      %get3A_490 = tpu.vector_load %arg7[%get3A_489] {strides = array<i32>} : memref<16384xf32, #tpu.memory_space<vmem>>, vector<16xf32>,
      %get3A_491 = arith.index_cast %mul3A_488 : i32 to index
      %get3A_492 = tpu.vector_load %arg9[%get3A_491] {strides = array<i32>} : memref<16384xf32, #tpu.memory_space<vmem>>, vector<16xf32>,
      %bitcast_convert_type3A_493 = tpu.bitcast %get3A_490 : vector<16xf32> -> vector<16xi32>
      %eq3A_494 = arith.constant 0.000000e+00 : f32
      %eq3A_495 = vector.broadcast %eq3A_494 : f32 to vector<16xf32>
      %eq3A_496 = arith.cmpf oeq, %get3A_492, %eq3A_495 : vector<16xf32>
      %shift_right_logical3A_497 = arith.constant 6 : i32
      %shift_right_logical3A_498 = vector.broadcast %shift_right_logical3A_497 : i32 to vector<16xi32>
      %shift_right_logical3A_499 = arith.shrui %bitcast_convert_type3A_493, %shift_right_logical3A_498 : vector<16xi32>
      %and3A_500 = arith.constant 8191 : i32
      %and3A_501 = vector.broadcast %and3A_500 : i32 to vector<16xi32>
      %and3A_502 = arith.andi %shift_right_logical3A_499, %and3A_501 : vector<16xi32>
      %shift_right_logical3A_503 = arith.constant 19 : i32
      %shift_right_logical3A_504 = vector.broadcast %shift_right_logical3A_503 : i32 to vector<16xi32>
      %shift_right_logical3A_505 = arith.shrui %bitcast_convert_type3A_493, %shift_right_logical3A_504 : vector<16xi32>
      %eq3A_506 = arith.cmpi eq, %shift_right_logical3A_505, %broadcast_in_dim3A : vector<16xi32>
      %and3A_507 = arith.andi %eq3A_496, %eq3A_506 : vector<16xi1>
      tpu.vector_store_idx %arg14[%and3A_502], %broadcast_in_dim3A_30 masked %and3A_507 {add = true} : memref<8192xi32, #tpu.memory_space<vmem>>[vector<16xi32>], vector<16xi32>, vector<16xi1>
      %scan3A_508 = arith.constant 0 : i32
      scf.yield %scan3A_508 : i32
    }
    %scan3A_240 = arith.constant 128 : i32
    %add3A_241 = arith.constant 3 : i32
    %add3A_242 = arith.addi %mul3A_21, %add3A_241 : i32
    %dma_start3A_243 = arith.constant 16384 : i32
    %dma_start3A_244 = tpu.memref_slice %arg2[%add3A_242, %dma_start3A_243] : memref<128x32768xf32, #tpu.memory_space<hbm>> -> memref<1x16384xf32, #tpu.memory_space<hbm>>
    %dma_start3A_245 = tpu.memref_squeeze %dma_start3A_244 : memref<1x16384xf32, #tpu.memory_space<hbm>> -> memref<16384xf32, #tpu.memory_space<hbm>>
    %dma_start3A_246 = arith.constant 16384 : i32
    %dma_start3A_247 = tpu.memref_slice %arg2[%add3A_242, %dma_start3A_246] : memref<128x32768xf32, #tpu.memory_space<hbm>> -> memref<1x16384xf32, #tpu.memory_space<hbm>>
    %dma_start3A_248 = tpu.memref_squeeze %dma_start3A_247 : memref<1x16384xf32, #tpu.memory_space<hbm>> -> memref<16384xf32, #tpu.memory_space<hbm>>
    tpu.enqueue_dma source(%dma_start3A_248 : memref<16384xf32, #tpu.memory_space<hbm>>) target(%arg7 : memref<16384xf32, #tpu.memory_space<vmem>>) target_semaphore(%arg11 : memref<!tpu.dma_semaphore, #tpu.memory_space<semaphore_mem>>)
    %dma_start3A_249 = arith.constant 16384 : i32
    %dma_start3A_250 = tpu.memref_slice %arg3[%add3A_242, %dma_start3A_249] : memref<128x32768xf32, #tpu.memory_space<hbm>> -> memref<1x16384xf32, #tpu.memory_space<hbm>>
    %dma_start3A_251 = tpu.memref_squeeze %dma_start3A_250 : memref<1x16384xf32, #tpu.memory_space<hbm>> -> memref<16384xf32, #tpu.memory_space<hbm>>
    %dma_start3A_252 = arith.constant 16384 : i32
    %dma_start3A_253 = tpu.memref_slice %arg3[%add3A_242, %dma_start3A_252] : memref<128x32768xf32, #tpu.memory_space<hbm>> -> memref<1x16384xf32, #tpu.memory_space<hbm>>
    %dma_start3A_254 = tpu.memref_squeeze %dma_start3A_253 : memref<1x16384xf32, #tpu.memory_space<hbm>> -> memref<16384xf32, #tpu.memory_space<hbm>>
    tpu.enqueue_dma source(%dma_start3A_254 : memref<16384xf32, #tpu.memory_space<hbm>>) target(%arg9 : memref<16384xf32, #tpu.memory_space<vmem>>) target_semaphore(%arg13 : memref<!tpu.dma_semaphore, #tpu.memory_space<semaphore_mem>>)
    %dma_wait3A_255 = arith.constant 0 : i32
    %dma_wait3A_256 = tpu.memref_slice %arg2[%add3A_209, %dma_wait3A_255] : memref<128x32768xf32, #tpu.memory_space<hbm>> -> memref<1x16384xf32, #tpu.memory_space<hbm>>
    %dma_wait3A_257 = tpu.memref_squeeze %dma_wait3A_256 : memref<1x16384xf32, #tpu.memory_space<hbm>> -> memref<16384xf32, #tpu.memory_space<hbm>>
    %dma_wait3A_258 = arith.constant 0 : i32
    %dma_wait3A_259 = tpu.memref_slice %arg2[%add3A_209, %dma_wait3A_258] : memref<128x32768xf32, #tpu.memory_space<hbm>> -> memref<1x16384xf32, #tpu.memory_space<hbm>>
    %dma_wait3A_260 = tpu.memref_squeeze %dma_wait3A_259 : memref<1x16384xf32, #tpu.memory_space<hbm>> -> memref<16384xf32, #tpu.memory_space<hbm>>
    tpu.wait_dma2 semaphore(%arg10 : memref<!tpu.dma_semaphore, #tpu.memory_space<semaphore_mem>>) src(%dma_wait3A_260 : memref<16384xf32, #tpu.memory_space<hbm>>) dst(%arg6 : memref<16384xf32, #tpu.memory_space<vmem>>)
    %dma_wait3A_261 = arith.constant 0 : i32
    %dma_wait3A_262 = tpu.memref_slice %arg3[%add3A_209, %dma_wait3A_261] : memref<128x32768xf32, #tpu.memory_space<hbm>> -> memref<1x16384xf32, #tpu.memory_space<hbm>>
    %dma_wait3A_263 = tpu.memref_squeeze %dma_wait3A_262 : memref<1x16384xf32, #tpu.memory_space<hbm>> -> memref<16384xf32, #tpu.memory_space<hbm>>
    %dma_wait3A_264 = arith.constant 0 : i32
    %dma_wait3A_265 = tpu.memref_slice %arg3[%add3A_209, %dma_wait3A_264] : memref<128x32768xf32, #tpu.memory_space<hbm>> -> memref<1x16384xf32, #tpu.memory_space<hbm>>
    %dma_wait3A_266 = tpu.memref_squeeze %dma_wait3A_265 : memref<1x16384xf32, #tpu.memory_space<hbm>> -> memref<16384xf32, #tpu.memory_space<hbm>>
    tpu.wait_dma2 semaphore(%arg12 : memref<!tpu.dma_semaphore, #tpu.memory_space<semaphore_mem>>) src(%dma_wait3A_266 : memref<16384xf32, #tpu.memory_space<hbm>>) dst(%arg8 : memref<16384xf32, #tpu.memory_space<vmem>>)
    %scan3A_267 = arith.constant 0 : i32
    %scan3A_268 = arith.constant 0 : i32
    %scan3A_269 = arith.constant 128 : i32
    %scan3A_270 = arith.addi %scan3A_268, %scan3A_269 : i32
    %scan3A_271 = arith.constant 1 : i32
    %scan3A_272 = scf.for %scan3A_311 = %scan3A_268 to %scan3A_270 step %scan3A_271 iter_args(%scan3A_312 = %scan3A_267) -> (i32)  : i32 {
      %mul3A_313 = arith.constant 8 : i32
      %mul3A_314 = arith.muli %scan3A_311, %mul3A_313 : i32
      %add3A_315 = arith.constant 0 : i32
      %add3A_316 = arith.addi %mul3A_314, %add3A_315 : i32
      %mul3A_317 = arith.constant 16 : i32
      %mul3A_318 = arith.muli %add3A_316, %mul3A_317 : i32
      %get3A = arith.index_cast %mul3A_318 : i32 to index
      %get3A_319 = tpu.vector_load %arg6[%get3A] {strides = array<i32>} : memref<16384xf32, #tpu.memory_space<vmem>>, vector<16xf32>,
      %get3A_320 = arith.index_cast %mul3A_318 : i32 to index
      %get3A_321 = tpu.vector_load %arg8[%get3A_320] {strides = array<i32>} : memref<16384xf32, #tpu.memory_space<vmem>>, vector<16xf32>,
      %bitcast_convert_type3A = tpu.bitcast %get3A_319 : vector<16xf32> -> vector<16xi32>
      %eq3A = arith.constant 0.000000e+00 : f32
      %eq3A_322 = vector.broadcast %eq3A : f32 to vector<16xf32>
      %eq3A_323 = arith.cmpf oeq, %get3A_321, %eq3A_322 : vector<16xf32>
      %shift_right_logical3A = arith.constant 6 : i32
      %shift_right_logical3A_324 = vector.broadcast %shift_right_logical3A : i32 to vector<16xi32>
      %shift_right_logical3A_325 = arith.shrui %bitcast_convert_type3A, %shift_right_logical3A_324 : vector<16xi32>
      %and3A = arith.constant 8191 : i32
      %and3A_326 = vector.broadcast %and3A : i32 to vector<16xi32>
      %and3A_327 = arith.andi %shift_right_logical3A_325, %and3A_326 : vector<16xi32>
      %shift_right_logical3A_328 = arith.constant 19 : i32
      %shift_right_logical3A_329 = vector.broadcast %shift_right_logical3A_328 : i32 to vector<16xi32>
      %shift_right_logical3A_330 = arith.shrui %bitcast_convert_type3A, %shift_right_logical3A_329 : vector<16xi32>
      %eq3A_331 = arith.cmpi eq, %shift_right_logical3A_330, %broadcast_in_dim3A : vector<16xi32>
      %and3A_332 = arith.andi %eq3A_323, %eq3A_331 : vector<16xi1>
      tpu.vector_store_idx %arg14[%and3A_327], %broadcast_in_dim3A_30 masked %and3A_332 {add = true} : memref<8192xi32, #tpu.memory_space<vmem>>[vector<16xi32>], vector<16xi32>, vector<16xi1>
      %mul3A_333 = arith.constant 8 : i32
      %mul3A_334 = arith.muli %scan3A_311, %mul3A_333 : i32
      %add3A_335 = arith.constant 1 : i32
      %add3A_336 = arith.addi %mul3A_334, %add3A_335 : i32
      %mul3A_337 = arith.constant 16 : i32
      %mul3A_338 = arith.muli %add3A_336, %mul3A_337 : i32
      %get3A_339 = arith.index_cast %mul3A_338 : i32 to index
      %get3A_340 = tpu.vector_load %arg6[%get3A_339] {strides = array<i32>} : memref<16384xf32, #tpu.memory_space<vmem>>, vector<16xf32>,
      %get3A_341 = arith.index_cast %mul3A_338 : i32 to index
      %get3A_342 = tpu.vector_load %arg8[%get3A_341] {strides = array<i32>} : memref<16384xf32, #tpu.memory_space<vmem>>, vector<16xf32>,
      %bitcast_convert_type3A_343 = tpu.bitcast %get3A_340 : vector<16xf32> -> vector<16xi32>
      %eq3A_344 = arith.constant 0.000000e+00 : f32
      %eq3A_345 = vector.broadcast %eq3A_344 : f32 to vector<16xf32>
      %eq3A_346 = arith.cmpf oeq, %get3A_342, %eq3A_345 : vector<16xf32>
      %shift_right_logical3A_347 = arith.constant 6 : i32
      %shift_right_logical3A_348 = vector.broadcast %shift_right_logical3A_347 : i32 to vector<16xi32>
      %shift_right_logical3A_349 = arith.shrui %bitcast_convert_type3A_343, %shift_right_logical3A_348 : vector<16xi32>
      %and3A_350 = arith.constant 8191 : i32
      %and3A_351 = vector.broadcast %and3A_350 : i32 to vector<16xi32>
      %and3A_352 = arith.andi %shift_right_logical3A_349, %and3A_351 : vector<16xi32>
      %shift_right_logical3A_353 = arith.constant 19 : i32
      %shift_right_logical3A_354 = vector.broadcast %shift_right_logical3A_353 : i32 to vector<16xi32>
      %shift_right_logical3A_355 = arith.shrui %bitcast_convert_type3A_343, %shift_right_logical3A_354 : vector<16xi32>
      %eq3A_356 = arith.cmpi eq, %shift_right_logical3A_355, %broadcast_in_dim3A : vector<16xi32>
      %and3A_357 = arith.andi %eq3A_346, %eq3A_356 : vector<16xi1>
      tpu.vector_store_idx %arg14[%and3A_352], %broadcast_in_dim3A_30 masked %and3A_357 {add = true} : memref<8192xi32, #tpu.memory_space<vmem>>[vector<16xi32>], vector<16xi32>, vector<16xi1>
      %mul3A_358 = arith.constant 8 : i32
      %mul3A_359 = arith.muli %scan3A_311, %mul3A_358 : i32
      %add3A_360 = arith.constant 2 : i32
      %add3A_361 = arith.addi %mul3A_359, %add3A_360 : i32
      %mul3A_362 = arith.constant 16 : i32
      %mul3A_363 = arith.muli %add3A_361, %mul3A_362 : i32
      %get3A_364 = arith.index_cast %mul3A_363 : i32 to index
      %get3A_365 = tpu.vector_load %arg6[%get3A_364] {strides = array<i32>} : memref<16384xf32, #tpu.memory_space<vmem>>, vector<16xf32>,
      %get3A_366 = arith.index_cast %mul3A_363 : i32 to index
      %get3A_367 = tpu.vector_load %arg8[%get3A_366] {strides = array<i32>} : memref<16384xf32, #tpu.memory_space<vmem>>, vector<16xf32>,
      %bitcast_convert_type3A_368 = tpu.bitcast %get3A_365 : vector<16xf32> -> vector<16xi32>
      %eq3A_369 = arith.constant 0.000000e+00 : f32
      %eq3A_370 = vector.broadcast %eq3A_369 : f32 to vector<16xf32>
      %eq3A_371 = arith.cmpf oeq, %get3A_367, %eq3A_370 : vector<16xf32>
      %shift_right_logical3A_372 = arith.constant 6 : i32
      %shift_right_logical3A_373 = vector.broadcast %shift_right_logical3A_372 : i32 to vector<16xi32>
      %shift_right_logical3A_374 = arith.shrui %bitcast_convert_type3A_368, %shift_right_logical3A_373 : vector<16xi32>
      %and3A_375 = arith.constant 8191 : i32
      %and3A_376 = vector.broadcast %and3A_375 : i32 to vector<16xi32>
      %and3A_377 = arith.andi %shift_right_logical3A_374, %and3A_376 : vector<16xi32>
      %shift_right_logical3A_378 = arith.constant 19 : i32
      %shift_right_logical3A_379 = vector.broadcast %shift_right_logical3A_378 : i32 to vector<16xi32>
      %shift_right_logical3A_380 = arith.shrui %bitcast_convert_type3A_368, %shift_right_logical3A_379 : vector<16xi32>
      %eq3A_381 = arith.cmpi eq, %shift_right_logical3A_380, %broadcast_in_dim3A : vector<16xi32>
      %and3A_382 = arith.andi %eq3A_371, %eq3A_381 : vector<16xi1>
      tpu.vector_store_idx %arg14[%and3A_377], %broadcast_in_dim3A_30 masked %and3A_382 {add = true} : memref<8192xi32, #tpu.memory_space<vmem>>[vector<16xi32>], vector<16xi32>, vector<16xi1>
      %mul3A_383 = arith.constant 8 : i32
      %mul3A_384 = arith.muli %scan3A_311, %mul3A_383 : i32
      %add3A_385 = arith.constant 3 : i32
      %add3A_386 = arith.addi %mul3A_384, %add3A_385 : i32
      %mul3A_387 = arith.constant 16 : i32
      %mul3A_388 = arith.muli %add3A_386, %mul3A_387 : i32
      %get3A_389 = arith.index_cast %mul3A_388 : i32 to index
      %get3A_390 = tpu.vector_load %arg6[%get3A_389] {strides = array<i32>} : memref<16384xf32, #tpu.memory_space<vmem>>, vector<16xf32>,
      %get3A_391 = arith.index_cast %mul3A_388 : i32 to index
      %get3A_392 = tpu.vector_load %arg8[%get3A_391] {strides = array<i32>} : memref<16384xf32, #tpu.memory_space<vmem>>, vector<16xf32>,
      %bitcast_convert_type3A_393 = tpu.bitcast %get3A_390 : vector<16xf32> -> vector<16xi32>
      %eq3A_394 = arith.constant 0.000000e+00 : f32
      %eq3A_395 = vector.broadcast %eq3A_394 : f32 to vector<16xf32>
      %eq3A_396 = arith.cmpf oeq, %get3A_392, %eq3A_395 : vector<16xf32>
      %shift_right_logical3A_397 = arith.constant 6 : i32
      %shift_right_logical3A_398 = vector.broadcast %shift_right_logical3A_397 : i32 to vector<16xi32>
      %shift_right_logical3A_399 = arith.shrui %bitcast_convert_type3A_393, %shift_right_logical3A_398 : vector<16xi32>
      %and3A_400 = arith.constant 8191 : i32
      %and3A_401 = vector.broadcast %and3A_400 : i32 to vector<16xi32>
      %and3A_402 = arith.andi %shift_right_logical3A_399, %and3A_401 : vector<16xi32>
      %shift_right_logical3A_403 = arith.constant 19 : i32
      %shift_right_logical3A_404 = vector.broadcast %shift_right_logical3A_403 : i32 to vector<16xi32>
      %shift_right_logical3A_405 = arith.shrui %bitcast_convert_type3A_393, %shift_right_logical3A_404 : vector<16xi32>
      %eq3A_406 = arith.cmpi eq, %shift_right_logical3A_405, %broadcast_in_dim3A : vector<16xi32>
      %and3A_407 = arith.andi %eq3A_396, %eq3A_406 : vector<16xi1>
      tpu.vector_store_idx %arg14[%and3A_402], %broadcast_in_dim3A_30 masked %and3A_407 {add = true} : memref<8192xi32, #tpu.memory_space<vmem>>[vector<16xi32>], vector<16xi32>, vector<16xi1>
      %mul3A_408 = arith.constant 8 : i32
      %mul3A_409 = arith.muli %scan3A_311, %mul3A_408 : i32
      %add3A_410 = arith.constant 4 : i32
      %add3A_411 = arith.addi %mul3A_409, %add3A_410 : i32
      %mul3A_412 = arith.constant 16 : i32
      %mul3A_413 = arith.muli %add3A_411, %mul3A_412 : i32
      %get3A_414 = arith.index_cast %mul3A_413 : i32 to index
      %get3A_415 = tpu.vector_load %arg6[%get3A_414] {strides = array<i32>} : memref<16384xf32, #tpu.memory_space<vmem>>, vector<16xf32>,
      %get3A_416 = arith.index_cast %mul3A_413 : i32 to index
      %get3A_417 = tpu.vector_load %arg8[%get3A_416] {strides = array<i32>} : memref<16384xf32, #tpu.memory_space<vmem>>, vector<16xf32>,
      %bitcast_convert_type3A_418 = tpu.bitcast %get3A_415 : vector<16xf32> -> vector<16xi32>
      %eq3A_419 = arith.constant 0.000000e+00 : f32
      %eq3A_420 = vector.broadcast %eq3A_419 : f32 to vector<16xf32>
      %eq3A_421 = arith.cmpf oeq, %get3A_417, %eq3A_420 : vector<16xf32>
      %shift_right_logical3A_422 = arith.constant 6 : i32
      %shift_right_logical3A_423 = vector.broadcast %shift_right_logical3A_422 : i32 to vector<16xi32>
      %shift_right_logical3A_424 = arith.shrui %bitcast_convert_type3A_418, %shift_right_logical3A_423 : vector<16xi32>
      %and3A_425 = arith.constant 8191 : i32
      %and3A_426 = vector.broadcast %and3A_425 : i32 to vector<16xi32>
      %and3A_427 = arith.andi %shift_right_logical3A_424, %and3A_426 : vector<16xi32>
      %shift_right_logical3A_428 = arith.constant 19 : i32
      %shift_right_logical3A_429 = vector.broadcast %shift_right_logical3A_428 : i32 to vector<16xi32>
      %shift_right_logical3A_430 = arith.shrui %bitcast_convert_type3A_418, %shift_right_logical3A_429 : vector<16xi32>
      %eq3A_431 = arith.cmpi eq, %shift_right_logical3A_430, %broadcast_in_dim3A : vector<16xi32>
      %and3A_432 = arith.andi %eq3A_421, %eq3A_431 : vector<16xi1>
      tpu.vector_store_idx %arg14[%and3A_427], %broadcast_in_dim3A_30 masked %and3A_432 {add = true} : memref<8192xi32, #tpu.memory_space<vmem>>[vector<16xi32>], vector<16xi32>, vector<16xi1>
      %mul3A_433 = arith.constant 8 : i32
      %mul3A_434 = arith.muli %scan3A_311, %mul3A_433 : i32
      %add3A_435 = arith.constant 5 : i32
      %add3A_436 = arith.addi %mul3A_434, %add3A_435 : i32
      %mul3A_437 = arith.constant 16 : i32
      %mul3A_438 = arith.muli %add3A_436, %mul3A_437 : i32
      %get3A_439 = arith.index_cast %mul3A_438 : i32 to index
      %get3A_440 = tpu.vector_load %arg6[%get3A_439] {strides = array<i32>} : memref<16384xf32, #tpu.memory_space<vmem>>, vector<16xf32>,
      %get3A_441 = arith.index_cast %mul3A_438 : i32 to index
      %get3A_442 = tpu.vector_load %arg8[%get3A_441] {strides = array<i32>} : memref<16384xf32, #tpu.memory_space<vmem>>, vector<16xf32>,
      %bitcast_convert_type3A_443 = tpu.bitcast %get3A_440 : vector<16xf32> -> vector<16xi32>
      %eq3A_444 = arith.constant 0.000000e+00 : f32
      %eq3A_445 = vector.broadcast %eq3A_444 : f32 to vector<16xf32>
      %eq3A_446 = arith.cmpf oeq, %get3A_442, %eq3A_445 : vector<16xf32>
      %shift_right_logical3A_447 = arith.constant 6 : i32
      %shift_right_logical3A_448 = vector.broadcast %shift_right_logical3A_447 : i32 to vector<16xi32>
      %shift_right_logical3A_449 = arith.shrui %bitcast_convert_type3A_443, %shift_right_logical3A_448 : vector<16xi32>
      %and3A_450 = arith.constant 8191 : i32
      %and3A_451 = vector.broadcast %and3A_450 : i32 to vector<16xi32>
      %and3A_452 = arith.andi %shift_right_logical3A_449, %and3A_451 : vector<16xi32>
      %shift_right_logical3A_453 = arith.constant 19 : i32
      %shift_right_logical3A_454 = vector.broadcast %shift_right_logical3A_453 : i32 to vector<16xi32>
      %shift_right_logical3A_455 = arith.shrui %bitcast_convert_type3A_443, %shift_right_logical3A_454 : vector<16xi32>
      %eq3A_456 = arith.cmpi eq, %shift_right_logical3A_455, %broadcast_in_dim3A : vector<16xi32>
      %and3A_457 = arith.andi %eq3A_446, %eq3A_456 : vector<16xi1>
      tpu.vector_store_idx %arg14[%and3A_452], %broadcast_in_dim3A_30 masked %and3A_457 {add = true} : memref<8192xi32, #tpu.memory_space<vmem>>[vector<16xi32>], vector<16xi32>, vector<16xi1>
      %mul3A_458 = arith.constant 8 : i32
      %mul3A_459 = arith.muli %scan3A_311, %mul3A_458 : i32
      %add3A_460 = arith.constant 6 : i32
      %add3A_461 = arith.addi %mul3A_459, %add3A_460 : i32
      %mul3A_462 = arith.constant 16 : i32
      %mul3A_463 = arith.muli %add3A_461, %mul3A_462 : i32
      %get3A_464 = arith.index_cast %mul3A_463 : i32 to index
      %get3A_465 = tpu.vector_load %arg6[%get3A_464] {strides = array<i32>} : memref<16384xf32, #tpu.memory_space<vmem>>, vector<16xf32>,
      %get3A_466 = arith.index_cast %mul3A_463 : i32 to index
      %get3A_467 = tpu.vector_load %arg8[%get3A_466] {strides = array<i32>} : memref<16384xf32, #tpu.memory_space<vmem>>, vector<16xf32>,
      %bitcast_convert_type3A_468 = tpu.bitcast %get3A_465 : vector<16xf32> -> vector<16xi32>
      %eq3A_469 = arith.constant 0.000000e+00 : f32
      %eq3A_470 = vector.broadcast %eq3A_469 : f32 to vector<16xf32>
      %eq3A_471 = arith.cmpf oeq, %get3A_467, %eq3A_470 : vector<16xf32>
      %shift_right_logical3A_472 = arith.constant 6 : i32
      %shift_right_logical3A_473 = vector.broadcast %shift_right_logical3A_472 : i32 to vector<16xi32>
      %shift_right_logical3A_474 = arith.shrui %bitcast_convert_type3A_468, %shift_right_logical3A_473 : vector<16xi32>
      %and3A_475 = arith.constant 8191 : i32
      %and3A_476 = vector.broadcast %and3A_475 : i32 to vector<16xi32>
      %and3A_477 = arith.andi %shift_right_logical3A_474, %and3A_476 : vector<16xi32>
      %shift_right_logical3A_478 = arith.constant 19 : i32
      %shift_right_logical3A_479 = vector.broadcast %shift_right_logical3A_478 : i32 to vector<16xi32>
      %shift_right_logical3A_480 = arith.shrui %bitcast_convert_type3A_468, %shift_right_logical3A_479 : vector<16xi32>
      %eq3A_481 = arith.cmpi eq, %shift_right_logical3A_480, %broadcast_in_dim3A : vector<16xi32>
      %and3A_482 = arith.andi %eq3A_471, %eq3A_481 : vector<16xi1>
      tpu.vector_store_idx %arg14[%and3A_477], %broadcast_in_dim3A_30 masked %and3A_482 {add = true} : memref<8192xi32, #tpu.memory_space<vmem>>[vector<16xi32>], vector<16xi32>, vector<16xi1>
      %mul3A_483 = arith.constant 8 : i32
      %mul3A_484 = arith.muli %scan3A_311, %mul3A_483 : i32
      %add3A_485 = arith.constant 7 : i32
      %add3A_486 = arith.addi %mul3A_484, %add3A_485 : i32
      %mul3A_487 = arith.constant 16 : i32
      %mul3A_488 = arith.muli %add3A_486, %mul3A_487 : i32
      %get3A_489 = arith.index_cast %mul3A_488 : i32 to index
      %get3A_490 = tpu.vector_load %arg6[%get3A_489] {strides = array<i32>} : memref<16384xf32, #tpu.memory_space<vmem>>, vector<16xf32>,
      %get3A_491 = arith.index_cast %mul3A_488 : i32 to index
      %get3A_492 = tpu.vector_load %arg8[%get3A_491] {strides = array<i32>} : memref<16384xf32, #tpu.memory_space<vmem>>, vector<16xf32>,
      %bitcast_convert_type3A_493 = tpu.bitcast %get3A_490 : vector<16xf32> -> vector<16xi32>
      %eq3A_494 = arith.constant 0.000000e+00 : f32
      %eq3A_495 = vector.broadcast %eq3A_494 : f32 to vector<16xf32>
      %eq3A_496 = arith.cmpf oeq, %get3A_492, %eq3A_495 : vector<16xf32>
      %shift_right_logical3A_497 = arith.constant 6 : i32
      %shift_right_logical3A_498 = vector.broadcast %shift_right_logical3A_497 : i32 to vector<16xi32>
      %shift_right_logical3A_499 = arith.shrui %bitcast_convert_type3A_493, %shift_right_logical3A_498 : vector<16xi32>
      %and3A_500 = arith.constant 8191 : i32
      %and3A_501 = vector.broadcast %and3A_500 : i32 to vector<16xi32>
      %and3A_502 = arith.andi %shift_right_logical3A_499, %and3A_501 : vector<16xi32>
      %shift_right_logical3A_503 = arith.constant 19 : i32
      %shift_right_logical3A_504 = vector.broadcast %shift_right_logical3A_503 : i32 to vector<16xi32>
      %shift_right_logical3A_505 = arith.shrui %bitcast_convert_type3A_493, %shift_right_logical3A_504 : vector<16xi32>
      %eq3A_506 = arith.cmpi eq, %shift_right_logical3A_505, %broadcast_in_dim3A : vector<16xi32>
      %and3A_507 = arith.andi %eq3A_496, %eq3A_506 : vector<16xi1>
      tpu.vector_store_idx %arg14[%and3A_502], %broadcast_in_dim3A_30 masked %and3A_507 {add = true} : memref<8192xi32, #tpu.memory_space<vmem>>[vector<16xi32>], vector<16xi32>, vector<16xi1>
      %scan3A_508 = arith.constant 0 : i32
      scf.yield %scan3A_508 : i32
    }
    %scan3A_273 = arith.constant 128 : i32
    %dma_wait3A_274 = arith.constant 16384 : i32
    %dma_wait3A_275 = tpu.memref_slice %arg2[%add3A_242, %dma_wait3A_274] : memref<128x32768xf32, #tpu.memory_space<hbm>> -> memref<1x16384xf32, #tpu.memory_space<hbm>>
    %dma_wait3A_276 = tpu.memref_squeeze %dma_wait3A_275 : memref<1x16384xf32, #tpu.memory_space<hbm>> -> memref<16384xf32, #tpu.memory_space<hbm>>
    %dma_wait3A_277 = arith.constant 16384 : i32
    %dma_wait3A_278 = tpu.memref_slice %arg2[%add3A_242, %dma_wait3A_277] : memref<128x32768xf32, #tpu.memory_space<hbm>> -> memref<1x16384xf32, #tpu.memory_space<hbm>>
    %dma_wait3A_279 = tpu.memref_squeeze %dma_wait3A_278 : memref<1x16384xf32, #tpu.memory_space<hbm>> -> memref<16384xf32, #tpu.memory_space<hbm>>
    tpu.wait_dma2 semaphore(%arg11 : memref<!tpu.dma_semaphore, #tpu.memory_space<semaphore_mem>>) src(%dma_wait3A_279 : memref<16384xf32, #tpu.memory_space<hbm>>) dst(%arg7 : memref<16384xf32, #tpu.memory_space<vmem>>)
    %dma_wait3A_280 = arith.constant 16384 : i32
    %dma_wait3A_281 = tpu.memref_slice %arg3[%add3A_242, %dma_wait3A_280] : memref<128x32768xf32, #tpu.memory_space<hbm>> -> memref<1x16384xf32, #tpu.memory_space<hbm>>
    %dma_wait3A_282 = tpu.memref_squeeze %dma_wait3A_281 : memref<1x16384xf32, #tpu.memory_space<hbm>> -> memref<16384xf32, #tpu.memory_space<hbm>>
    %dma_wait3A_283 = arith.constant 16384 : i32
    %dma_wait3A_284 = tpu.memref_slice %arg3[%add3A_242, %dma_wait3A_283] : memref<128x32768xf32, #tpu.memory_space<hbm>> -> memref<1x16384xf32, #tpu.memory_space<hbm>>
    %dma_wait3A_285 = tpu.memref_squeeze %dma_wait3A_284 : memref<1x16384xf32, #tpu.memory_space<hbm>> -> memref<16384xf32, #tpu.memory_space<hbm>>
    tpu.wait_dma2 semaphore(%arg13 : memref<!tpu.dma_semaphore, #tpu.memory_space<semaphore_mem>>) src(%dma_wait3A_285 : memref<16384xf32, #tpu.memory_space<hbm>>) dst(%arg9 : memref<16384xf32, #tpu.memory_space<vmem>>)
    %scan3A_286 = arith.constant 0 : i32
    %scan3A_287 = arith.constant 0 : i32
    %scan3A_288 = arith.constant 128 : i32
    %scan3A_289 = arith.addi %scan3A_287, %scan3A_288 : i32
    %scan3A_290 = arith.constant 1 : i32
    %scan3A_291 = scf.for %scan3A_311 = %scan3A_287 to %scan3A_289 step %scan3A_290 iter_args(%scan3A_312 = %scan3A_286) -> (i32)  : i32 {
      %mul3A_313 = arith.constant 8 : i32
      %mul3A_314 = arith.muli %scan3A_311, %mul3A_313 : i32
      %add3A_315 = arith.constant 0 : i32
      %add3A_316 = arith.addi %mul3A_314, %add3A_315 : i32
      %mul3A_317 = arith.constant 16 : i32
      %mul3A_318 = arith.muli %add3A_316, %mul3A_317 : i32
      %get3A = arith.index_cast %mul3A_318 : i32 to index
      %get3A_319 = tpu.vector_load %arg7[%get3A] {strides = array<i32>} : memref<16384xf32, #tpu.memory_space<vmem>>, vector<16xf32>,
      %get3A_320 = arith.index_cast %mul3A_318 : i32 to index
      %get3A_321 = tpu.vector_load %arg9[%get3A_320] {strides = array<i32>} : memref<16384xf32, #tpu.memory_space<vmem>>, vector<16xf32>,
      %bitcast_convert_type3A = tpu.bitcast %get3A_319 : vector<16xf32> -> vector<16xi32>
      %eq3A = arith.constant 0.000000e+00 : f32
      %eq3A_322 = vector.broadcast %eq3A : f32 to vector<16xf32>
      %eq3A_323 = arith.cmpf oeq, %get3A_321, %eq3A_322 : vector<16xf32>
      %shift_right_logical3A = arith.constant 6 : i32
      %shift_right_logical3A_324 = vector.broadcast %shift_right_logical3A : i32 to vector<16xi32>
      %shift_right_logical3A_325 = arith.shrui %bitcast_convert_type3A, %shift_right_logical3A_324 : vector<16xi32>
      %and3A = arith.constant 8191 : i32
      %and3A_326 = vector.broadcast %and3A : i32 to vector<16xi32>
      %and3A_327 = arith.andi %shift_right_logical3A_325, %and3A_326 : vector<16xi32>
      %shift_right_logical3A_328 = arith.constant 19 : i32
      %shift_right_logical3A_329 = vector.broadcast %shift_right_logical3A_328 : i32 to vector<16xi32>
      %shift_right_logical3A_330 = arith.shrui %bitcast_convert_type3A, %shift_right_logical3A_329 : vector<16xi32>
      %eq3A_331 = arith.cmpi eq, %shift_right_logical3A_330, %broadcast_in_dim3A : vector<16xi32>
      %and3A_332 = arith.andi %eq3A_323, %eq3A_331 : vector<16xi1>
      tpu.vector_store_idx %arg14[%and3A_327], %broadcast_in_dim3A_30 masked %and3A_332 {add = true} : memref<8192xi32, #tpu.memory_space<vmem>>[vector<16xi32>], vector<16xi32>, vector<16xi1>
      %mul3A_333 = arith.constant 8 : i32
      %mul3A_334 = arith.muli %scan3A_311, %mul3A_333 : i32
      %add3A_335 = arith.constant 1 : i32
      %add3A_336 = arith.addi %mul3A_334, %add3A_335 : i32
      %mul3A_337 = arith.constant 16 : i32
      %mul3A_338 = arith.muli %add3A_336, %mul3A_337 : i32
      %get3A_339 = arith.index_cast %mul3A_338 : i32 to index
      %get3A_340 = tpu.vector_load %arg7[%get3A_339] {strides = array<i32>} : memref<16384xf32, #tpu.memory_space<vmem>>, vector<16xf32>,
      %get3A_341 = arith.index_cast %mul3A_338 : i32 to index
      %get3A_342 = tpu.vector_load %arg9[%get3A_341] {strides = array<i32>} : memref<16384xf32, #tpu.memory_space<vmem>>, vector<16xf32>,
      %bitcast_convert_type3A_343 = tpu.bitcast %get3A_340 : vector<16xf32> -> vector<16xi32>
      %eq3A_344 = arith.constant 0.000000e+00 : f32
      %eq3A_345 = vector.broadcast %eq3A_344 : f32 to vector<16xf32>
      %eq3A_346 = arith.cmpf oeq, %get3A_342, %eq3A_345 : vector<16xf32>
      %shift_right_logical3A_347 = arith.constant 6 : i32
      %shift_right_logical3A_348 = vector.broadcast %shift_right_logical3A_347 : i32 to vector<16xi32>
      %shift_right_logical3A_349 = arith.shrui %bitcast_convert_type3A_343, %shift_right_logical3A_348 : vector<16xi32>
      %and3A_350 = arith.constant 8191 : i32
      %and3A_351 = vector.broadcast %and3A_350 : i32 to vector<16xi32>
      %and3A_352 = arith.andi %shift_right_logical3A_349, %and3A_351 : vector<16xi32>
      %shift_right_logical3A_353 = arith.constant 19 : i32
      %shift_right_logical3A_354 = vector.broadcast %shift_right_logical3A_353 : i32 to vector<16xi32>
      %shift_right_logical3A_355 = arith.shrui %bitcast_convert_type3A_343, %shift_right_logical3A_354 : vector<16xi32>
      %eq3A_356 = arith.cmpi eq, %shift_right_logical3A_355, %broadcast_in_dim3A : vector<16xi32>
      %and3A_357 = arith.andi %eq3A_346, %eq3A_356 : vector<16xi1>
      tpu.vector_store_idx %arg14[%and3A_352], %broadcast_in_dim3A_30 masked %and3A_357 {add = true} : memref<8192xi32, #tpu.memory_space<vmem>>[vector<16xi32>], vector<16xi32>, vector<16xi1>
      %mul3A_358 = arith.constant 8 : i32
      %mul3A_359 = arith.muli %scan3A_311, %mul3A_358 : i32
      %add3A_360 = arith.constant 2 : i32
      %add3A_361 = arith.addi %mul3A_359, %add3A_360 : i32
      %mul3A_362 = arith.constant 16 : i32
      %mul3A_363 = arith.muli %add3A_361, %mul3A_362 : i32
      %get3A_364 = arith.index_cast %mul3A_363 : i32 to index
      %get3A_365 = tpu.vector_load %arg7[%get3A_364] {strides = array<i32>} : memref<16384xf32, #tpu.memory_space<vmem>>, vector<16xf32>,
      %get3A_366 = arith.index_cast %mul3A_363 : i32 to index
      %get3A_367 = tpu.vector_load %arg9[%get3A_366] {strides = array<i32>} : memref<16384xf32, #tpu.memory_space<vmem>>, vector<16xf32>,
      %bitcast_convert_type3A_368 = tpu.bitcast %get3A_365 : vector<16xf32> -> vector<16xi32>
      %eq3A_369 = arith.constant 0.000000e+00 : f32
      %eq3A_370 = vector.broadcast %eq3A_369 : f32 to vector<16xf32>
      %eq3A_371 = arith.cmpf oeq, %get3A_367, %eq3A_370 : vector<16xf32>
      %shift_right_logical3A_372 = arith.constant 6 : i32
      %shift_right_logical3A_373 = vector.broadcast %shift_right_logical3A_372 : i32 to vector<16xi32>
      %shift_right_logical3A_374 = arith.shrui %bitcast_convert_type3A_368, %shift_right_logical3A_373 : vector<16xi32>
      %and3A_375 = arith.constant 8191 : i32
      %and3A_376 = vector.broadcast %and3A_375 : i32 to vector<16xi32>
      %and3A_377 = arith.andi %shift_right_logical3A_374, %and3A_376 : vector<16xi32>
      %shift_right_logical3A_378 = arith.constant 19 : i32
      %shift_right_logical3A_379 = vector.broadcast %shift_right_logical3A_378 : i32 to vector<16xi32>
      %shift_right_logical3A_380 = arith.shrui %bitcast_convert_type3A_368, %shift_right_logical3A_379 : vector<16xi32>
      %eq3A_381 = arith.cmpi eq, %shift_right_logical3A_380, %broadcast_in_dim3A : vector<16xi32>
      %and3A_382 = arith.andi %eq3A_371, %eq3A_381 : vector<16xi1>
      tpu.vector_store_idx %arg14[%and3A_377], %broadcast_in_dim3A_30 masked %and3A_382 {add = true} : memref<8192xi32, #tpu.memory_space<vmem>>[vector<16xi32>], vector<16xi32>, vector<16xi1>
      %mul3A_383 = arith.constant 8 : i32
      %mul3A_384 = arith.muli %scan3A_311, %mul3A_383 : i32
      %add3A_385 = arith.constant 3 : i32
      %add3A_386 = arith.addi %mul3A_384, %add3A_385 : i32
      %mul3A_387 = arith.constant 16 : i32
      %mul3A_388 = arith.muli %add3A_386, %mul3A_387 : i32
      %get3A_389 = arith.index_cast %mul3A_388 : i32 to index
      %get3A_390 = tpu.vector_load %arg7[%get3A_389] {strides = array<i32>} : memref<16384xf32, #tpu.memory_space<vmem>>, vector<16xf32>,
      %get3A_391 = arith.index_cast %mul3A_388 : i32 to index
      %get3A_392 = tpu.vector_load %arg9[%get3A_391] {strides = array<i32>} : memref<16384xf32, #tpu.memory_space<vmem>>, vector<16xf32>,
      %bitcast_convert_type3A_393 = tpu.bitcast %get3A_390 : vector<16xf32> -> vector<16xi32>
      %eq3A_394 = arith.constant 0.000000e+00 : f32
      %eq3A_395 = vector.broadcast %eq3A_394 : f32 to vector<16xf32>
      %eq3A_396 = arith.cmpf oeq, %get3A_392, %eq3A_395 : vector<16xf32>
      %shift_right_logical3A_397 = arith.constant 6 : i32
      %shift_right_logical3A_398 = vector.broadcast %shift_right_logical3A_397 : i32 to vector<16xi32>
      %shift_right_logical3A_399 = arith.shrui %bitcast_convert_type3A_393, %shift_right_logical3A_398 : vector<16xi32>
      %and3A_400 = arith.constant 8191 : i32
      %and3A_401 = vector.broadcast %and3A_400 : i32 to vector<16xi32>
      %and3A_402 = arith.andi %shift_right_logical3A_399, %and3A_401 : vector<16xi32>
      %shift_right_logical3A_403 = arith.constant 19 : i32
      %shift_right_logical3A_404 = vector.broadcast %shift_right_logical3A_403 : i32 to vector<16xi32>
      %shift_right_logical3A_405 = arith.shrui %bitcast_convert_type3A_393, %shift_right_logical3A_404 : vector<16xi32>
      %eq3A_406 = arith.cmpi eq, %shift_right_logical3A_405, %broadcast_in_dim3A : vector<16xi32>
      %and3A_407 = arith.andi %eq3A_396, %eq3A_406 : vector<16xi1>
      tpu.vector_store_idx %arg14[%and3A_402], %broadcast_in_dim3A_30 masked %and3A_407 {add = true} : memref<8192xi32, #tpu.memory_space<vmem>>[vector<16xi32>], vector<16xi32>, vector<16xi1>
      %mul3A_408 = arith.constant 8 : i32
      %mul3A_409 = arith.muli %scan3A_311, %mul3A_408 : i32
      %add3A_410 = arith.constant 4 : i32
      %add3A_411 = arith.addi %mul3A_409, %add3A_410 : i32
      %mul3A_412 = arith.constant 16 : i32
      %mul3A_413 = arith.muli %add3A_411, %mul3A_412 : i32
      %get3A_414 = arith.index_cast %mul3A_413 : i32 to index
      %get3A_415 = tpu.vector_load %arg7[%get3A_414] {strides = array<i32>} : memref<16384xf32, #tpu.memory_space<vmem>>, vector<16xf32>,
      %get3A_416 = arith.index_cast %mul3A_413 : i32 to index
      %get3A_417 = tpu.vector_load %arg9[%get3A_416] {strides = array<i32>} : memref<16384xf32, #tpu.memory_space<vmem>>, vector<16xf32>,
      %bitcast_convert_type3A_418 = tpu.bitcast %get3A_415 : vector<16xf32> -> vector<16xi32>
      %eq3A_419 = arith.constant 0.000000e+00 : f32
      %eq3A_420 = vector.broadcast %eq3A_419 : f32 to vector<16xf32>
      %eq3A_421 = arith.cmpf oeq, %get3A_417, %eq3A_420 : vector<16xf32>
      %shift_right_logical3A_422 = arith.constant 6 : i32
      %shift_right_logical3A_423 = vector.broadcast %shift_right_logical3A_422 : i32 to vector<16xi32>
      %shift_right_logical3A_424 = arith.shrui %bitcast_convert_type3A_418, %shift_right_logical3A_423 : vector<16xi32>
      %and3A_425 = arith.constant 8191 : i32
      %and3A_426 = vector.broadcast %and3A_425 : i32 to vector<16xi32>
      %and3A_427 = arith.andi %shift_right_logical3A_424, %and3A_426 : vector<16xi32>
      %shift_right_logical3A_428 = arith.constant 19 : i32
      %shift_right_logical3A_429 = vector.broadcast %shift_right_logical3A_428 : i32 to vector<16xi32>
      %shift_right_logical3A_430 = arith.shrui %bitcast_convert_type3A_418, %shift_right_logical3A_429 : vector<16xi32>
      %eq3A_431 = arith.cmpi eq, %shift_right_logical3A_430, %broadcast_in_dim3A : vector<16xi32>
      %and3A_432 = arith.andi %eq3A_421, %eq3A_431 : vector<16xi1>
      tpu.vector_store_idx %arg14[%and3A_427], %broadcast_in_dim3A_30 masked %and3A_432 {add = true} : memref<8192xi32, #tpu.memory_space<vmem>>[vector<16xi32>], vector<16xi32>, vector<16xi1>
      %mul3A_433 = arith.constant 8 : i32
      %mul3A_434 = arith.muli %scan3A_311, %mul3A_433 : i32
      %add3A_435 = arith.constant 5 : i32
      %add3A_436 = arith.addi %mul3A_434, %add3A_435 : i32
      %mul3A_437 = arith.constant 16 : i32
      %mul3A_438 = arith.muli %add3A_436, %mul3A_437 : i32
      %get3A_439 = arith.index_cast %mul3A_438 : i32 to index
      %get3A_440 = tpu.vector_load %arg7[%get3A_439] {strides = array<i32>} : memref<16384xf32, #tpu.memory_space<vmem>>, vector<16xf32>,
      %get3A_441 = arith.index_cast %mul3A_438 : i32 to index
      %get3A_442 = tpu.vector_load %arg9[%get3A_441] {strides = array<i32>} : memref<16384xf32, #tpu.memory_space<vmem>>, vector<16xf32>,
      %bitcast_convert_type3A_443 = tpu.bitcast %get3A_440 : vector<16xf32> -> vector<16xi32>
      %eq3A_444 = arith.constant 0.000000e+00 : f32
      %eq3A_445 = vector.broadcast %eq3A_444 : f32 to vector<16xf32>
      %eq3A_446 = arith.cmpf oeq, %get3A_442, %eq3A_445 : vector<16xf32>
      %shift_right_logical3A_447 = arith.constant 6 : i32
      %shift_right_logical3A_448 = vector.broadcast %shift_right_logical3A_447 : i32 to vector<16xi32>
      %shift_right_logical3A_449 = arith.shrui %bitcast_convert_type3A_443, %shift_right_logical3A_448 : vector<16xi32>
      %and3A_450 = arith.constant 8191 : i32
      %and3A_451 = vector.broadcast %and3A_450 : i32 to vector<16xi32>
      %and3A_452 = arith.andi %shift_right_logical3A_449, %and3A_451 : vector<16xi32>
      %shift_right_logical3A_453 = arith.constant 19 : i32
      %shift_right_logical3A_454 = vector.broadcast %shift_right_logical3A_453 : i32 to vector<16xi32>
      %shift_right_logical3A_455 = arith.shrui %bitcast_convert_type3A_443, %shift_right_logical3A_454 : vector<16xi32>
      %eq3A_456 = arith.cmpi eq, %shift_right_logical3A_455, %broadcast_in_dim3A : vector<16xi32>
      %and3A_457 = arith.andi %eq3A_446, %eq3A_456 : vector<16xi1>
      tpu.vector_store_idx %arg14[%and3A_452], %broadcast_in_dim3A_30 masked %and3A_457 {add = true} : memref<8192xi32, #tpu.memory_space<vmem>>[vector<16xi32>], vector<16xi32>, vector<16xi1>
      %mul3A_458 = arith.constant 8 : i32
      %mul3A_459 = arith.muli %scan3A_311, %mul3A_458 : i32
      %add3A_460 = arith.constant 6 : i32
      %add3A_461 = arith.addi %mul3A_459, %add3A_460 : i32
      %mul3A_462 = arith.constant 16 : i32
      %mul3A_463 = arith.muli %add3A_461, %mul3A_462 : i32
      %get3A_464 = arith.index_cast %mul3A_463 : i32 to index
      %get3A_465 = tpu.vector_load %arg7[%get3A_464] {strides = array<i32>} : memref<16384xf32, #tpu.memory_space<vmem>>, vector<16xf32>,
      %get3A_466 = arith.index_cast %mul3A_463 : i32 to index
      %get3A_467 = tpu.vector_load %arg9[%get3A_466] {strides = array<i32>} : memref<16384xf32, #tpu.memory_space<vmem>>, vector<16xf32>,
      %bitcast_convert_type3A_468 = tpu.bitcast %get3A_465 : vector<16xf32> -> vector<16xi32>
      %eq3A_469 = arith.constant 0.000000e+00 : f32
      %eq3A_470 = vector.broadcast %eq3A_469 : f32 to vector<16xf32>
      %eq3A_471 = arith.cmpf oeq, %get3A_467, %eq3A_470 : vector<16xf32>
      %shift_right_logical3A_472 = arith.constant 6 : i32
      %shift_right_logical3A_473 = vector.broadcast %shift_right_logical3A_472 : i32 to vector<16xi32>
      %shift_right_logical3A_474 = arith.shrui %bitcast_convert_type3A_468, %shift_right_logical3A_473 : vector<16xi32>
      %and3A_475 = arith.constant 8191 : i32
      %and3A_476 = vector.broadcast %and3A_475 : i32 to vector<16xi32>
      %and3A_477 = arith.andi %shift_right_logical3A_474, %and3A_476 : vector<16xi32>
      %shift_right_logical3A_478 = arith.constant 19 : i32
      %shift_right_logical3A_479 = vector.broadcast %shift_right_logical3A_478 : i32 to vector<16xi32>
      %shift_right_logical3A_480 = arith.shrui %bitcast_convert_type3A_468, %shift_right_logical3A_479 : vector<16xi32>
      %eq3A_481 = arith.cmpi eq, %shift_right_logical3A_480, %broadcast_in_dim3A : vector<16xi32>
      %and3A_482 = arith.andi %eq3A_471, %eq3A_481 : vector<16xi1>
      tpu.vector_store_idx %arg14[%and3A_477], %broadcast_in_dim3A_30 masked %and3A_482 {add = true} : memref<8192xi32, #tpu.memory_space<vmem>>[vector<16xi32>], vector<16xi32>, vector<16xi1>
      %mul3A_483 = arith.constant 8 : i32
      %mul3A_484 = arith.muli %scan3A_311, %mul3A_483 : i32
      %add3A_485 = arith.constant 7 : i32
      %add3A_486 = arith.addi %mul3A_484, %add3A_485 : i32
      %mul3A_487 = arith.constant 16 : i32
      %mul3A_488 = arith.muli %add3A_486, %mul3A_487 : i32
      %get3A_489 = arith.index_cast %mul3A_488 : i32 to index
      %get3A_490 = tpu.vector_load %arg7[%get3A_489] {strides = array<i32>} : memref<16384xf32, #tpu.memory_space<vmem>>, vector<16xf32>,
      %get3A_491 = arith.index_cast %mul3A_488 : i32 to index
      %get3A_492 = tpu.vector_load %arg9[%get3A_491] {strides = array<i32>} : memref<16384xf32, #tpu.memory_space<vmem>>, vector<16xf32>,
      %bitcast_convert_type3A_493 = tpu.bitcast %get3A_490 : vector<16xf32> -> vector<16xi32>
      %eq3A_494 = arith.constant 0.000000e+00 : f32
      %eq3A_495 = vector.broadcast %eq3A_494 : f32 to vector<16xf32>
      %eq3A_496 = arith.cmpf oeq, %get3A_492, %eq3A_495 : vector<16xf32>
      %shift_right_logical3A_497 = arith.constant 6 : i32
      %shift_right_logical3A_498 = vector.broadcast %shift_right_logical3A_497 : i32 to vector<16xi32>
      %shift_right_logical3A_499 = arith.shrui %bitcast_convert_type3A_493, %shift_right_logical3A_498 : vector<16xi32>
      %and3A_500 = arith.constant 8191 : i32
      %and3A_501 = vector.broadcast %and3A_500 : i32 to vector<16xi32>
      %and3A_502 = arith.andi %shift_right_logical3A_499, %and3A_501 : vector<16xi32>
      %shift_right_logical3A_503 = arith.constant 19 : i32
      %shift_right_logical3A_504 = vector.broadcast %shift_right_logical3A_503 : i32 to vector<16xi32>
      %shift_right_logical3A_505 = arith.shrui %bitcast_convert_type3A_493, %shift_right_logical3A_504 : vector<16xi32>
      %eq3A_506 = arith.cmpi eq, %shift_right_logical3A_505, %broadcast_in_dim3A : vector<16xi32>
      %and3A_507 = arith.andi %eq3A_496, %eq3A_506 : vector<16xi1>
      tpu.vector_store_idx %arg14[%and3A_502], %broadcast_in_dim3A_30 masked %and3A_507 {add = true} : memref<8192xi32, #tpu.memory_space<vmem>>[vector<16xi32>], vector<16xi32>, vector<16xi1>
      %scan3A_508 = arith.constant 0 : i32
      scf.yield %scan3A_508 : i32
    }
    %scan3A_292 = arith.constant 128 : i32
    "tpu.region"() ({
      %run_scoped3A_311 = tpu.sem_alloc : memref<!tpu.dma_semaphore, #tpu.memory_space<semaphore_mem>>
      %dma_start3A_312 = arith.constant 0 : i32
      %dma_start3A_313 = tpu.memref_slice %arg16[%arg1, %dma_start3A_312] : memref<16x8192xi32, #tpu.memory_space<vmem_shared>> -> memref<1x8192xi32, #tpu.memory_space<vmem_shared>>
      %dma_start3A_314 = tpu.memref_squeeze %dma_start3A_313 : memref<1x8192xi32, #tpu.memory_space<vmem_shared>> -> memref<8192xi32, #tpu.memory_space<vmem_shared>>
      %dma_start3A_315 = arith.constant 0 : i32
      %dma_start3A_316 = tpu.memref_slice %arg16[%arg1, %dma_start3A_315] : memref<16x8192xi32, #tpu.memory_space<vmem_shared>> -> memref<1x8192xi32, #tpu.memory_space<vmem_shared>>
      %dma_start3A_317 = tpu.memref_squeeze %dma_start3A_316 : memref<1x8192xi32, #tpu.memory_space<vmem_shared>> -> memref<8192xi32, #tpu.memory_space<vmem_shared>>
      tpu.enqueue_dma source(%arg14 : memref<8192xi32, #tpu.memory_space<vmem>>) target(%dma_start3A_317 : memref<8192xi32, #tpu.memory_space<vmem_shared>>) target_semaphore(%run_scoped3A_311 : memref<!tpu.dma_semaphore, #tpu.memory_space<semaphore_mem>>)
      %dma_wait3A_318 = arith.constant 0 : i32
      %dma_wait3A_319 = tpu.memref_slice %arg16[%arg1, %dma_wait3A_318] : memref<16x8192xi32, #tpu.memory_space<vmem_shared>> -> memref<1x8192xi32, #tpu.memory_space<vmem_shared>>
      %dma_wait3A_320 = tpu.memref_squeeze %dma_wait3A_319 : memref<1x8192xi32, #tpu.memory_space<vmem_shared>> -> memref<8192xi32, #tpu.memory_space<vmem_shared>>
      %dma_wait3A_321 = arith.constant 0 : i32
      %dma_wait3A_322 = tpu.memref_slice %arg16[%arg1, %dma_wait3A_321] : memref<16x8192xi32, #tpu.memory_space<vmem_shared>> -> memref<1x8192xi32, #tpu.memory_space<vmem_shared>>
      %dma_wait3A_323 = tpu.memref_squeeze %dma_wait3A_322 : memref<1x8192xi32, #tpu.memory_space<vmem_shared>> -> memref<8192xi32, #tpu.memory_space<vmem_shared>>
      tpu.wait_dma2 semaphore(%run_scoped3A_311 : memref<!tpu.dma_semaphore, #tpu.memory_space<semaphore_mem>>) src(%arg14 : memref<8192xi32, #tpu.memory_space<vmem>>) dst(%dma_wait3A_323 : memref<8192xi32, #tpu.memory_space<vmem_shared>>)
      tpu.yield
    }) : () -> ()
    %barrier3A = arith.constant 0 : index
    tpu.barrier barrier_id(%barrier3A)
    %scan3A_293 = arith.constant 0 : i32
    %scan3A_294 = arith.constant 0 : i32
    %scan3A_295 = arith.constant 16 : i32
    %scan3A_296 = arith.addi %scan3A_294, %scan3A_295 : i32
    %scan3A_297 = arith.constant 1 : i32
    %scan3A_298 = scf.for %scan3A_311 = %scan3A_294 to %scan3A_296 step %scan3A_297 iter_args(%scan3A_312 = %scan3A_293) -> (i32)  : i32 {
      %mul3A_313 = arith.constant 512 : i32
      %mul3A_314 = arith.muli %arg1, %mul3A_313 : i32
      "tpu.region"() ({
        %run_scoped3A_316 = tpu.sem_alloc : memref<!tpu.dma_semaphore, #tpu.memory_space<semaphore_mem>>
        %dma_start3A_317 = arith.constant 0 : i32
        %dma_start3A_318 = tpu.memref_slice %arg15[%scan3A_311, %dma_start3A_317] : memref<16x512xi32, #tpu.memory_space<vmem>> -> memref<1x512xi32, #tpu.memory_space<vmem>>
        %dma_start3A_319 = tpu.memref_squeeze %dma_start3A_318 : memref<1x512xi32, #tpu.memory_space<vmem>> -> memref<512xi32, #tpu.memory_space<vmem>>
        %dma_start3A_320 = tpu.memref_slice %arg16[%scan3A_311, %mul3A_314] : memref<16x8192xi32, #tpu.memory_space<vmem_shared>> -> memref<1x512xi32, #tpu.memory_space<vmem_shared>>
        %dma_start3A_321 = tpu.memref_squeeze %dma_start3A_320 : memref<1x512xi32, #tpu.memory_space<vmem_shared>> -> memref<512xi32, #tpu.memory_space<vmem_shared>>
        %dma_start3A_322 = arith.constant 0 : i32
        %dma_start3A_323 = tpu.memref_slice %arg15[%scan3A_311, %dma_start3A_322] : memref<16x512xi32, #tpu.memory_space<vmem>> -> memref<1x512xi32, #tpu.memory_space<vmem>>
        %dma_start3A_324 = tpu.memref_squeeze %dma_start3A_323 : memref<1x512xi32, #tpu.memory_space<vmem>> -> memref<512xi32, #tpu.memory_space<vmem>>
        %dma_start3A_325 = tpu.memref_slice %arg16[%scan3A_311, %mul3A_314] : memref<16x8192xi32, #tpu.memory_space<vmem_shared>> -> memref<1x512xi32, #tpu.memory_space<vmem_shared>>
        %dma_start3A_326 = tpu.memref_squeeze %dma_start3A_325 : memref<1x512xi32, #tpu.memory_space<vmem_shared>> -> memref<512xi32, #tpu.memory_space<vmem_shared>>
        tpu.enqueue_dma source(%dma_start3A_326 : memref<512xi32, #tpu.memory_space<vmem_shared>>) target(%dma_start3A_324 : memref<512xi32, #tpu.memory_space<vmem>>) target_semaphore(%run_scoped3A_316 : memref<!tpu.dma_semaphore, #tpu.memory_space<semaphore_mem>>)
        %dma_wait3A_327 = arith.constant 0 : i32
        %dma_wait3A_328 = tpu.memref_slice %arg15[%scan3A_311, %dma_wait3A_327] : memref<16x512xi32, #tpu.memory_space<vmem>> -> memref<1x512xi32, #tpu.memory_space<vmem>>
        %dma_wait3A_329 = tpu.memref_squeeze %dma_wait3A_328 : memref<1x512xi32, #tpu.memory_space<vmem>> -> memref<512xi32, #tpu.memory_space<vmem>>
        %dma_wait3A_330 = tpu.memref_slice %arg16[%scan3A_311, %mul3A_314] : memref<16x8192xi32, #tpu.memory_space<vmem_shared>> -> memref<1x512xi32, #tpu.memory_space<vmem_shared>>
        %dma_wait3A_331 = tpu.memref_squeeze %dma_wait3A_330 : memref<1x512xi32, #tpu.memory_space<vmem_shared>> -> memref<512xi32, #tpu.memory_space<vmem_shared>>
        %dma_wait3A_332 = arith.constant 0 : i32
        %dma_wait3A_333 = tpu.memref_slice %arg15[%scan3A_311, %dma_wait3A_332] : memref<16x512xi32, #tpu.memory_space<vmem>> -> memref<1x512xi32, #tpu.memory_space<vmem>>
        %dma_wait3A_334 = tpu.memref_squeeze %dma_wait3A_333 : memref<1x512xi32, #tpu.memory_space<vmem>> -> memref<512xi32, #tpu.memory_space<vmem>>
        %dma_wait3A_335 = tpu.memref_slice %arg16[%scan3A_311, %mul3A_314] : memref<16x8192xi32, #tpu.memory_space<vmem_shared>> -> memref<1x512xi32, #tpu.memory_space<vmem_shared>>
        %dma_wait3A_336 = tpu.memref_squeeze %dma_wait3A_335 : memref<1x512xi32, #tpu.memory_space<vmem_shared>> -> memref<512xi32, #tpu.memory_space<vmem_shared>>
        tpu.wait_dma2 semaphore(%run_scoped3A_316 : memref<!tpu.dma_semaphore, #tpu.memory_space<semaphore_mem>>) src(%dma_wait3A_336 : memref<512xi32, #tpu.memory_space<vmem_shared>>) dst(%dma_wait3A_334 : memref<512xi32, #tpu.memory_space<vmem>>)
        tpu.yield
      }) : () -> ()
      %scan3A_315 = arith.constant 0 : i32
      scf.yield %scan3A_315 : i32
    }
    %scan3A_299 = arith.constant 16 : i32
    %scan3A_300 = arith.constant 0 : i32
    %scan3A_301 = arith.constant 0 : i32
    %scan3A_302 = arith.constant 32 : i32
    %scan3A_303 = arith.addi %scan3A_301, %scan3A_302 : i32
    %scan3A_304 = arith.constant 1 : i32
    %scan3A_305 = scf.for %scan3A_311 = %scan3A_301 to %scan3A_303 step %scan3A_304 iter_args(%scan3A_312 = %scan3A_300) -> (i32)  : i32 {
      %broadcast_in_dim3A_313 = arith.constant 0 : i32
      %broadcast_in_dim3A_314 = vector.broadcast %broadcast_in_dim3A_313 : i32 to vector<16xi32>
      %scan3A_315 = arith.constant 0 : i32
      %scan3A_316 = arith.constant 16 : i32
      %scan3A_317 = arith.addi %scan3A_315, %scan3A_316 : i32
      %scan3A_318 = arith.constant 1 : i32
      %scan3A_319 = scf.for %scan3A_328 = %scan3A_315 to %scan3A_317 step %scan3A_318 iter_args(%scan3A_329 = %broadcast_in_dim3A_314) -> (vector<16xi32>)  : i32 {
        %mul3A_330 = arith.constant 16 : i32
        %mul3A_331 = arith.muli %scan3A_311, %mul3A_330 : i32
        %get3A = arith.index_cast %scan3A_328 : i32 to index
        %get3A_332 = arith.index_cast %mul3A_331 : i32 to index
        %get3A_333 = tpu.vector_load %arg15[%get3A, %get3A_332] {strides = array<i32>} : memref<16x512xi32, #tpu.memory_space<vmem>>, vector<16xi32>,
        %add3A_334 = arith.addi %scan3A_329, %get3A_333 : vector<16xi32>
        scf.yield %add3A_334 : vector<16xi32>
      }
      %scan3A_320 = arith.constant 16 : i32
      %mul3A_321 = arith.constant 512 : i32
      %mul3A_322 = arith.muli %arg1, %mul3A_321 : i32
      %mul3A_323 = arith.constant 16 : i32
      %mul3A_324 = arith.muli %scan3A_311, %mul3A_323 : i32
      %add3A_325 = arith.addi %mul3A_322, %mul3A_324 : i32
      %swap3A = arith.index_cast %add3A_325 : i32 to index
      %swap3A_326 = tpu.vector_load %arg14[%swap3A] {strides = array<i32>} : memref<8192xi32, #tpu.memory_space<vmem>>, vector<16xi32>,
      tpu.vector_store %arg14[%swap3A], %scan3A_319 {strides = array<i32>} : memref<8192xi32, #tpu.memory_space<vmem>>, vector<16xi32>,
      %scan3A_327 = arith.constant 0 : i32
      scf.yield %scan3A_327 : i32
    }
    %scan3A_306 = arith.constant 32 : i32
    %mul3A_307 = arith.constant 512 : i32
    %mul3A_308 = arith.muli %arg1, %mul3A_307 : i32
    %mul3A_309 = arith.constant 512 : i32
    %mul3A_310 = arith.muli %arg1, %mul3A_309 : i32
    "tpu.region"() ({
      %run_scoped3A_311 = tpu.sem_alloc : memref<!tpu.dma_semaphore, #tpu.memory_space<semaphore_mem>>
      %dma_start3A_312 = tpu.memref_slice %arg14[%mul3A_308] : memref<8192xi32, #tpu.memory_space<vmem>> -> memref<512xi32, #tpu.memory_space<vmem>>
      %dma_start3A_313 = tpu.memref_slice %arg5[%arg0, %mul3A_310] : memref<2x8192xi32, #tpu.memory_space<hbm>> -> memref<1x512xi32, #tpu.memory_space<hbm>>
      %dma_start3A_314 = tpu.memref_squeeze %dma_start3A_313 : memref<1x512xi32, #tpu.memory_space<hbm>> -> memref<512xi32, #tpu.memory_space<hbm>>
      %dma_start3A_315 = tpu.memref_slice %arg5[%arg0, %mul3A_310] : memref<2x8192xi32, #tpu.memory_space<hbm>> -> memref<1x512xi32, #tpu.memory_space<hbm>>
      %dma_start3A_316 = tpu.memref_squeeze %dma_start3A_315 : memref<1x512xi32, #tpu.memory_space<hbm>> -> memref<512xi32, #tpu.memory_space<hbm>>
      %dma_start3A_317 = tpu.memref_slice %arg14[%mul3A_308] : memref<8192xi32, #tpu.memory_space<vmem>> -> memref<512xi32, #tpu.memory_space<vmem>>
      tpu.enqueue_dma source(%dma_start3A_317 : memref<512xi32, #tpu.memory_space<vmem>>) target(%dma_start3A_316 : memref<512xi32, #tpu.memory_space<hbm>>) target_semaphore(%run_scoped3A_311 : memref<!tpu.dma_semaphore, #tpu.memory_space<semaphore_mem>>)
      %dma_wait3A_318 = tpu.memref_slice %arg14[%mul3A_308] : memref<8192xi32, #tpu.memory_space<vmem>> -> memref<512xi32, #tpu.memory_space<vmem>>
      %dma_wait3A_319 = tpu.memref_slice %arg5[%arg0, %mul3A_310] : memref<2x8192xi32, #tpu.memory_space<hbm>> -> memref<1x512xi32, #tpu.memory_space<hbm>>
      %dma_wait3A_320 = tpu.memref_squeeze %dma_wait3A_319 : memref<1x512xi32, #tpu.memory_space<hbm>> -> memref<512xi32, #tpu.memory_space<hbm>>
      %dma_wait3A_321 = tpu.memref_slice %arg5[%arg0, %mul3A_310] : memref<2x8192xi32, #tpu.memory_space<hbm>> -> memref<1x512xi32, #tpu.memory_space<hbm>>
      %dma_wait3A_322 = tpu.memref_squeeze %dma_wait3A_321 : memref<1x512xi32, #tpu.memory_space<hbm>> -> memref<512xi32, #tpu.memory_space<hbm>>
      %dma_wait3A_323 = tpu.memref_slice %arg14[%mul3A_308] : memref<8192xi32, #tpu.memory_space<vmem>> -> memref<512xi32, #tpu.memory_space<vmem>>
      tpu.wait_dma2 semaphore(%run_scoped3A_311 : memref<!tpu.dma_semaphore, #tpu.memory_space<semaphore_mem>>) src(%dma_wait3A_323 : memref<512xi32, #tpu.memory_space<vmem>>) dst(%dma_wait3A_322 : memref<512xi32, #tpu.memory_space<hbm>>)
      tpu.yield
    }) : () -> ()
    return
  }
}

#map = affine_map<(d0, d1) -> (0, 0)>
module attributes {stable_mosaic.version = 14 : i64} {
  func.func @_sc_hist1(%arg0: i32, %arg1: i32, %arg2: memref<128x32768xf32, #tpu.memory_space<hbm>>, %arg3: memref<128x32768xf32, #tpu.memory_space<hbm>>, %arg4: memref<2x8192xi32, #tpu.memory_space<hbm>>, %arg5: memref<16384xf32, #tpu.memory_space<vmem>>, %arg6: memref<16384xf32, #tpu.memory_space<vmem>>, %arg7: memref<16384xf32, #tpu.memory_space<vmem>>, %arg8: memref<16384xf32, #tpu.memory_space<vmem>>, %arg9: memref<!tpu.dma_semaphore, #tpu.memory_space<semaphore_mem>>, %arg10: memref<!tpu.dma_semaphore, #tpu.memory_space<semaphore_mem>>, %arg11: memref<!tpu.dma_semaphore, #tpu.memory_space<semaphore_mem>>, %arg12: memref<!tpu.dma_semaphore, #tpu.memory_space<semaphore_mem>>, %arg13: memref<8192xi32, #tpu.memory_space<vmem>>, %arg14: memref<16x512xi32, #tpu.memory_space<vmem>>, %arg15: memref<16x8192xi32, #tpu.memory_space<vmem_shared>>) attributes {dimension_semantics = [#tpu.dimension_semantics<core_parallel>, #tpu.dimension_semantics<subcore_parallel>], iteration_bounds = array<i64: 2, 16>, scalar_prefetch = 0 : i64, scratch_operands = 11 : i64, tpu.core_type = #tpu.core_type<sc_vector_subcore>, window_params = [{transform_indices = #map}, {transform_indices = #map}, {transform_indices = #map}]} {
    %mul3A = arith.constant 2 : i32
    %mul3A_0 = arith.muli %arg1, %mul3A : i32
    %add3A = arith.addi %mul3A_0, %arg0 : i32
    %mul3A_1 = arith.constant 4 : i32
    %mul3A_2 = arith.muli %add3A, %mul3A_1 : i32
    %scan3A = arith.constant 0 : i32
    %scan3A_3 = arith.constant 0 : i32
    %scan3A_4 = arith.constant 512 : i32
    %scan3A_5 = arith.addi %scan3A_3, %scan3A_4 : i32
    %scan3A_6 = arith.constant 1 : i32
    %scan3A_7 = scf.for %scan3A_290 = %scan3A_3 to %scan3A_5 step %scan3A_6 iter_args(%scan3A_291 = %scan3A) -> (i32)  : i32 {
      %broadcast_in_dim3A_292 = arith.constant 0 : i32
      %broadcast_in_dim3A_293 = vector.broadcast %broadcast_in_dim3A_292 : i32 to vector<16xi32>
      %mul3A_294 = arith.constant 16 : i32
      %mul3A_295 = arith.muli %scan3A_290, %mul3A_294 : i32
      %swap3A = arith.index_cast %mul3A_295 : i32 to index
      %swap3A_296 = tpu.vector_load %arg13[%swap3A] {strides = array<i32>} : memref<8192xi32, #tpu.memory_space<vmem>>, vector<16xi32>,
      tpu.vector_store %arg13[%swap3A], %broadcast_in_dim3A_293 {strides = array<i32>} : memref<8192xi32, #tpu.memory_space<vmem>>, vector<16xi32>,
      %scan3A_297 = arith.constant 0 : i32
      scf.yield %scan3A_297 : i32
    }
    %scan3A_8 = arith.constant 512 : i32
    %broadcast_in_dim3A = arith.constant 1 : i32
    %broadcast_in_dim3A_9 = vector.broadcast %broadcast_in_dim3A : i32 to vector<16xi32>
    %add3A_10 = arith.constant 0 : i32
    %add3A_11 = arith.addi %mul3A_2, %add3A_10 : i32
    %dma_start3A = arith.constant 0 : i32
    %dma_start3A_12 = tpu.memref_slice %arg2[%add3A_11, %dma_start3A] : memref<128x32768xf32, #tpu.memory_space<hbm>> -> memref<1x16384xf32, #tpu.memory_space<hbm>>
    %dma_start3A_13 = tpu.memref_squeeze %dma_start3A_12 : memref<1x16384xf32, #tpu.memory_space<hbm>> -> memref<16384xf32, #tpu.memory_space<hbm>>
    %dma_start3A_14 = arith.constant 0 : i32
    %dma_start3A_15 = tpu.memref_slice %arg2[%add3A_11, %dma_start3A_14] : memref<128x32768xf32, #tpu.memory_space<hbm>> -> memref<1x16384xf32, #tpu.memory_space<hbm>>
    %dma_start3A_16 = tpu.memref_squeeze %dma_start3A_15 : memref<1x16384xf32, #tpu.memory_space<hbm>> -> memref<16384xf32, #tpu.memory_space<hbm>>
    tpu.enqueue_dma source(%dma_start3A_16 : memref<16384xf32, #tpu.memory_space<hbm>>) target(%arg5 : memref<16384xf32, #tpu.memory_space<vmem>>) target_semaphore(%arg9 : memref<!tpu.dma_semaphore, #tpu.memory_space<semaphore_mem>>)
    %dma_start3A_17 = arith.constant 0 : i32
    %dma_start3A_18 = tpu.memref_slice %arg3[%add3A_11, %dma_start3A_17] : memref<128x32768xf32, #tpu.memory_space<hbm>> -> memref<1x16384xf32, #tpu.memory_space<hbm>>
    %dma_start3A_19 = tpu.memref_squeeze %dma_start3A_18 : memref<1x16384xf32, #tpu.memory_space<hbm>> -> memref<16384xf32, #tpu.memory_space<hbm>>
    %dma_start3A_20 = arith.constant 0 : i32
    %dma_start3A_21 = tpu.memref_slice %arg3[%add3A_11, %dma_start3A_20] : memref<128x32768xf32, #tpu.memory_space<hbm>> -> memref<1x16384xf32, #tpu.memory_space<hbm>>
    %dma_start3A_22 = tpu.memref_squeeze %dma_start3A_21 : memref<1x16384xf32, #tpu.memory_space<hbm>> -> memref<16384xf32, #tpu.memory_space<hbm>>
    tpu.enqueue_dma source(%dma_start3A_22 : memref<16384xf32, #tpu.memory_space<hbm>>) target(%arg7 : memref<16384xf32, #tpu.memory_space<vmem>>) target_semaphore(%arg11 : memref<!tpu.dma_semaphore, #tpu.memory_space<semaphore_mem>>)
    %add3A_23 = arith.constant 0 : i32
    %add3A_24 = arith.addi %mul3A_2, %add3A_23 : i32
    %dma_start3A_25 = arith.constant 16384 : i32
    %dma_start3A_26 = tpu.memref_slice %arg2[%add3A_24, %dma_start3A_25] : memref<128x32768xf32, #tpu.memory_space<hbm>> -> memref<1x16384xf32, #tpu.memory_space<hbm>>
    %dma_start3A_27 = tpu.memref_squeeze %dma_start3A_26 : memref<1x16384xf32, #tpu.memory_space<hbm>> -> memref<16384xf32, #tpu.memory_space<hbm>>
    %dma_start3A_28 = arith.constant 16384 : i32
    %dma_start3A_29 = tpu.memref_slice %arg2[%add3A_24, %dma_start3A_28] : memref<128x32768xf32, #tpu.memory_space<hbm>> -> memref<1x16384xf32, #tpu.memory_space<hbm>>
    %dma_start3A_30 = tpu.memref_squeeze %dma_start3A_29 : memref<1x16384xf32, #tpu.memory_space<hbm>> -> memref<16384xf32, #tpu.memory_space<hbm>>
    tpu.enqueue_dma source(%dma_start3A_30 : memref<16384xf32, #tpu.memory_space<hbm>>) target(%arg6 : memref<16384xf32, #tpu.memory_space<vmem>>) target_semaphore(%arg10 : memref<!tpu.dma_semaphore, #tpu.memory_space<semaphore_mem>>)
    %dma_start3A_31 = arith.constant 16384 : i32
    %dma_start3A_32 = tpu.memref_slice %arg3[%add3A_24, %dma_start3A_31] : memref<128x32768xf32, #tpu.memory_space<hbm>> -> memref<1x16384xf32, #tpu.memory_space<hbm>>
    %dma_start3A_33 = tpu.memref_squeeze %dma_start3A_32 : memref<1x16384xf32, #tpu.memory_space<hbm>> -> memref<16384xf32, #tpu.memory_space<hbm>>
    %dma_start3A_34 = arith.constant 16384 : i32
    %dma_start3A_35 = tpu.memref_slice %arg3[%add3A_24, %dma_start3A_34] : memref<128x32768xf32, #tpu.memory_space<hbm>> -> memref<1x16384xf32, #tpu.memory_space<hbm>>
    %dma_start3A_36 = tpu.memref_squeeze %dma_start3A_35 : memref<1x16384xf32, #tpu.memory_space<hbm>> -> memref<16384xf32, #tpu.memory_space<hbm>>
    tpu.enqueue_dma source(%dma_start3A_36 : memref<16384xf32, #tpu.memory_space<hbm>>) target(%arg8 : memref<16384xf32, #tpu.memory_space<vmem>>) target_semaphore(%arg12 : memref<!tpu.dma_semaphore, #tpu.memory_space<semaphore_mem>>)
    %dma_wait3A = arith.constant 0 : i32
    %dma_wait3A_37 = tpu.memref_slice %arg2[%add3A_11, %dma_wait3A] : memref<128x32768xf32, #tpu.memory_space<hbm>> -> memref<1x16384xf32, #tpu.memory_space<hbm>>
    %dma_wait3A_38 = tpu.memref_squeeze %dma_wait3A_37 : memref<1x16384xf32, #tpu.memory_space<hbm>> -> memref<16384xf32, #tpu.memory_space<hbm>>
    %dma_wait3A_39 = arith.constant 0 : i32
    %dma_wait3A_40 = tpu.memref_slice %arg2[%add3A_11, %dma_wait3A_39] : memref<128x32768xf32, #tpu.memory_space<hbm>> -> memref<1x16384xf32, #tpu.memory_space<hbm>>
    %dma_wait3A_41 = tpu.memref_squeeze %dma_wait3A_40 : memref<1x16384xf32, #tpu.memory_space<hbm>> -> memref<16384xf32, #tpu.memory_space<hbm>>
    tpu.wait_dma2 semaphore(%arg9 : memref<!tpu.dma_semaphore, #tpu.memory_space<semaphore_mem>>) src(%dma_wait3A_41 : memref<16384xf32, #tpu.memory_space<hbm>>) dst(%arg5 : memref<16384xf32, #tpu.memory_space<vmem>>)
    %dma_wait3A_42 = arith.constant 0 : i32
    %dma_wait3A_43 = tpu.memref_slice %arg3[%add3A_11, %dma_wait3A_42] : memref<128x32768xf32, #tpu.memory_space<hbm>> -> memref<1x16384xf32, #tpu.memory_space<hbm>>
    %dma_wait3A_44 = tpu.memref_squeeze %dma_wait3A_43 : memref<1x16384xf32, #tpu.memory_space<hbm>> -> memref<16384xf32, #tpu.memory_space<hbm>>
    %dma_wait3A_45 = arith.constant 0 : i32
    %dma_wait3A_46 = tpu.memref_slice %arg3[%add3A_11, %dma_wait3A_45] : memref<128x32768xf32, #tpu.memory_space<hbm>> -> memref<1x16384xf32, #tpu.memory_space<hbm>>
    %dma_wait3A_47 = tpu.memref_squeeze %dma_wait3A_46 : memref<1x16384xf32, #tpu.memory_space<hbm>> -> memref<16384xf32, #tpu.memory_space<hbm>>
    tpu.wait_dma2 semaphore(%arg11 : memref<!tpu.dma_semaphore, #tpu.memory_space<semaphore_mem>>) src(%dma_wait3A_47 : memref<16384xf32, #tpu.memory_space<hbm>>) dst(%arg7 : memref<16384xf32, #tpu.memory_space<vmem>>)
    %scan3A_48 = arith.constant 0 : i32
    %scan3A_49 = arith.constant 0 : i32
    %scan3A_50 = arith.constant 128 : i32
    %scan3A_51 = arith.addi %scan3A_49, %scan3A_50 : i32
    %scan3A_52 = arith.constant 1 : i32
    %scan3A_53 = scf.for %scan3A_290 = %scan3A_49 to %scan3A_51 step %scan3A_52 iter_args(%scan3A_291 = %scan3A_48) -> (i32)  : i32 {
      %mul3A_292 = arith.constant 8 : i32
      %mul3A_293 = arith.muli %scan3A_290, %mul3A_292 : i32
      %add3A_294 = arith.constant 0 : i32
      %add3A_295 = arith.addi %mul3A_293, %add3A_294 : i32
      %mul3A_296 = arith.constant 16 : i32
      %mul3A_297 = arith.muli %add3A_295, %mul3A_296 : i32
      %get3A = arith.index_cast %mul3A_297 : i32 to index
      %get3A_298 = tpu.vector_load %arg5[%get3A] {strides = array<i32>} : memref<16384xf32, #tpu.memory_space<vmem>>, vector<16xf32>,
      %get3A_299 = arith.index_cast %mul3A_297 : i32 to index
      %get3A_300 = tpu.vector_load %arg7[%get3A_299] {strides = array<i32>} : memref<16384xf32, #tpu.memory_space<vmem>>, vector<16xf32>,
      %bitcast_convert_type3A = tpu.bitcast %get3A_298 : vector<16xf32> -> vector<16xi32>
      %eq3A = arith.constant 0.000000e+00 : f32
      %eq3A_301 = vector.broadcast %eq3A : f32 to vector<16xf32>
      %eq3A_302 = arith.cmpf oeq, %get3A_300, %eq3A_301 : vector<16xf32>
      %shift_right_logical3A = arith.constant 19 : i32
      %shift_right_logical3A_303 = vector.broadcast %shift_right_logical3A : i32 to vector<16xi32>
      %shift_right_logical3A_304 = arith.shrui %bitcast_convert_type3A, %shift_right_logical3A_303 : vector<16xi32>
      tpu.vector_store_idx %arg13[%shift_right_logical3A_304], %broadcast_in_dim3A_9 masked %eq3A_302 {add = true} : memref<8192xi32, #tpu.memory_space<vmem>>[vector<16xi32>], vector<16xi32>, vector<16xi1>
      %mul3A_305 = arith.constant 8 : i32
      %mul3A_306 = arith.muli %scan3A_290, %mul3A_305 : i32
      %add3A_307 = arith.constant 1 : i32
      %add3A_308 = arith.addi %mul3A_306, %add3A_307 : i32
      %mul3A_309 = arith.constant 16 : i32
      %mul3A_310 = arith.muli %add3A_308, %mul3A_309 : i32
      %get3A_311 = arith.index_cast %mul3A_310 : i32 to index
      %get3A_312 = tpu.vector_load %arg5[%get3A_311] {strides = array<i32>} : memref<16384xf32, #tpu.memory_space<vmem>>, vector<16xf32>,
      %get3A_313 = arith.index_cast %mul3A_310 : i32 to index
      %get3A_314 = tpu.vector_load %arg7[%get3A_313] {strides = array<i32>} : memref<16384xf32, #tpu.memory_space<vmem>>, vector<16xf32>,
      %bitcast_convert_type3A_315 = tpu.bitcast %get3A_312 : vector<16xf32> -> vector<16xi32>
      %eq3A_316 = arith.constant 0.000000e+00 : f32
      %eq3A_317 = vector.broadcast %eq3A_316 : f32 to vector<16xf32>
      %eq3A_318 = arith.cmpf oeq, %get3A_314, %eq3A_317 : vector<16xf32>
      %shift_right_logical3A_319 = arith.constant 19 : i32
      %shift_right_logical3A_320 = vector.broadcast %shift_right_logical3A_319 : i32 to vector<16xi32>
      %shift_right_logical3A_321 = arith.shrui %bitcast_convert_type3A_315, %shift_right_logical3A_320 : vector<16xi32>
      tpu.vector_store_idx %arg13[%shift_right_logical3A_321], %broadcast_in_dim3A_9 masked %eq3A_318 {add = true} : memref<8192xi32, #tpu.memory_space<vmem>>[vector<16xi32>], vector<16xi32>, vector<16xi1>
      %mul3A_322 = arith.constant 8 : i32
      %mul3A_323 = arith.muli %scan3A_290, %mul3A_322 : i32
      %add3A_324 = arith.constant 2 : i32
      %add3A_325 = arith.addi %mul3A_323, %add3A_324 : i32
      %mul3A_326 = arith.constant 16 : i32
      %mul3A_327 = arith.muli %add3A_325, %mul3A_326 : i32
      %get3A_328 = arith.index_cast %mul3A_327 : i32 to index
      %get3A_329 = tpu.vector_load %arg5[%get3A_328] {strides = array<i32>} : memref<16384xf32, #tpu.memory_space<vmem>>, vector<16xf32>,
      %get3A_330 = arith.index_cast %mul3A_327 : i32 to index
      %get3A_331 = tpu.vector_load %arg7[%get3A_330] {strides = array<i32>} : memref<16384xf32, #tpu.memory_space<vmem>>, vector<16xf32>,
      %bitcast_convert_type3A_332 = tpu.bitcast %get3A_329 : vector<16xf32> -> vector<16xi32>
      %eq3A_333 = arith.constant 0.000000e+00 : f32
      %eq3A_334 = vector.broadcast %eq3A_333 : f32 to vector<16xf32>
      %eq3A_335 = arith.cmpf oeq, %get3A_331, %eq3A_334 : vector<16xf32>
      %shift_right_logical3A_336 = arith.constant 19 : i32
      %shift_right_logical3A_337 = vector.broadcast %shift_right_logical3A_336 : i32 to vector<16xi32>
      %shift_right_logical3A_338 = arith.shrui %bitcast_convert_type3A_332, %shift_right_logical3A_337 : vector<16xi32>
      tpu.vector_store_idx %arg13[%shift_right_logical3A_338], %broadcast_in_dim3A_9 masked %eq3A_335 {add = true} : memref<8192xi32, #tpu.memory_space<vmem>>[vector<16xi32>], vector<16xi32>, vector<16xi1>
      %mul3A_339 = arith.constant 8 : i32
      %mul3A_340 = arith.muli %scan3A_290, %mul3A_339 : i32
      %add3A_341 = arith.constant 3 : i32
      %add3A_342 = arith.addi %mul3A_340, %add3A_341 : i32
      %mul3A_343 = arith.constant 16 : i32
      %mul3A_344 = arith.muli %add3A_342, %mul3A_343 : i32
      %get3A_345 = arith.index_cast %mul3A_344 : i32 to index
      %get3A_346 = tpu.vector_load %arg5[%get3A_345] {strides = array<i32>} : memref<16384xf32, #tpu.memory_space<vmem>>, vector<16xf32>,
      %get3A_347 = arith.index_cast %mul3A_344 : i32 to index
      %get3A_348 = tpu.vector_load %arg7[%get3A_347] {strides = array<i32>} : memref<16384xf32, #tpu.memory_space<vmem>>, vector<16xf32>,
      %bitcast_convert_type3A_349 = tpu.bitcast %get3A_346 : vector<16xf32> -> vector<16xi32>
      %eq3A_350 = arith.constant 0.000000e+00 : f32
      %eq3A_351 = vector.broadcast %eq3A_350 : f32 to vector<16xf32>
      %eq3A_352 = arith.cmpf oeq, %get3A_348, %eq3A_351 : vector<16xf32>
      %shift_right_logical3A_353 = arith.constant 19 : i32
      %shift_right_logical3A_354 = vector.broadcast %shift_right_logical3A_353 : i32 to vector<16xi32>
      %shift_right_logical3A_355 = arith.shrui %bitcast_convert_type3A_349, %shift_right_logical3A_354 : vector<16xi32>
      tpu.vector_store_idx %arg13[%shift_right_logical3A_355], %broadcast_in_dim3A_9 masked %eq3A_352 {add = true} : memref<8192xi32, #tpu.memory_space<vmem>>[vector<16xi32>], vector<16xi32>, vector<16xi1>
      %mul3A_356 = arith.constant 8 : i32
      %mul3A_357 = arith.muli %scan3A_290, %mul3A_356 : i32
      %add3A_358 = arith.constant 4 : i32
      %add3A_359 = arith.addi %mul3A_357, %add3A_358 : i32
      %mul3A_360 = arith.constant 16 : i32
      %mul3A_361 = arith.muli %add3A_359, %mul3A_360 : i32
      %get3A_362 = arith.index_cast %mul3A_361 : i32 to index
      %get3A_363 = tpu.vector_load %arg5[%get3A_362] {strides = array<i32>} : memref<16384xf32, #tpu.memory_space<vmem>>, vector<16xf32>,
      %get3A_364 = arith.index_cast %mul3A_361 : i32 to index
      %get3A_365 = tpu.vector_load %arg7[%get3A_364] {strides = array<i32>} : memref<16384xf32, #tpu.memory_space<vmem>>, vector<16xf32>,
      %bitcast_convert_type3A_366 = tpu.bitcast %get3A_363 : vector<16xf32> -> vector<16xi32>
      %eq3A_367 = arith.constant 0.000000e+00 : f32
      %eq3A_368 = vector.broadcast %eq3A_367 : f32 to vector<16xf32>
      %eq3A_369 = arith.cmpf oeq, %get3A_365, %eq3A_368 : vector<16xf32>
      %shift_right_logical3A_370 = arith.constant 19 : i32
      %shift_right_logical3A_371 = vector.broadcast %shift_right_logical3A_370 : i32 to vector<16xi32>
      %shift_right_logical3A_372 = arith.shrui %bitcast_convert_type3A_366, %shift_right_logical3A_371 : vector<16xi32>
      tpu.vector_store_idx %arg13[%shift_right_logical3A_372], %broadcast_in_dim3A_9 masked %eq3A_369 {add = true} : memref<8192xi32, #tpu.memory_space<vmem>>[vector<16xi32>], vector<16xi32>, vector<16xi1>
      %mul3A_373 = arith.constant 8 : i32
      %mul3A_374 = arith.muli %scan3A_290, %mul3A_373 : i32
      %add3A_375 = arith.constant 5 : i32
      %add3A_376 = arith.addi %mul3A_374, %add3A_375 : i32
      %mul3A_377 = arith.constant 16 : i32
      %mul3A_378 = arith.muli %add3A_376, %mul3A_377 : i32
      %get3A_379 = arith.index_cast %mul3A_378 : i32 to index
      %get3A_380 = tpu.vector_load %arg5[%get3A_379] {strides = array<i32>} : memref<16384xf32, #tpu.memory_space<vmem>>, vector<16xf32>,
      %get3A_381 = arith.index_cast %mul3A_378 : i32 to index
      %get3A_382 = tpu.vector_load %arg7[%get3A_381] {strides = array<i32>} : memref<16384xf32, #tpu.memory_space<vmem>>, vector<16xf32>,
      %bitcast_convert_type3A_383 = tpu.bitcast %get3A_380 : vector<16xf32> -> vector<16xi32>
      %eq3A_384 = arith.constant 0.000000e+00 : f32
      %eq3A_385 = vector.broadcast %eq3A_384 : f32 to vector<16xf32>
      %eq3A_386 = arith.cmpf oeq, %get3A_382, %eq3A_385 : vector<16xf32>
      %shift_right_logical3A_387 = arith.constant 19 : i32
      %shift_right_logical3A_388 = vector.broadcast %shift_right_logical3A_387 : i32 to vector<16xi32>
      %shift_right_logical3A_389 = arith.shrui %bitcast_convert_type3A_383, %shift_right_logical3A_388 : vector<16xi32>
      tpu.vector_store_idx %arg13[%shift_right_logical3A_389], %broadcast_in_dim3A_9 masked %eq3A_386 {add = true} : memref<8192xi32, #tpu.memory_space<vmem>>[vector<16xi32>], vector<16xi32>, vector<16xi1>
      %mul3A_390 = arith.constant 8 : i32
      %mul3A_391 = arith.muli %scan3A_290, %mul3A_390 : i32
      %add3A_392 = arith.constant 6 : i32
      %add3A_393 = arith.addi %mul3A_391, %add3A_392 : i32
      %mul3A_394 = arith.constant 16 : i32
      %mul3A_395 = arith.muli %add3A_393, %mul3A_394 : i32
      %get3A_396 = arith.index_cast %mul3A_395 : i32 to index
      %get3A_397 = tpu.vector_load %arg5[%get3A_396] {strides = array<i32>} : memref<16384xf32, #tpu.memory_space<vmem>>, vector<16xf32>,
      %get3A_398 = arith.index_cast %mul3A_395 : i32 to index
      %get3A_399 = tpu.vector_load %arg7[%get3A_398] {strides = array<i32>} : memref<16384xf32, #tpu.memory_space<vmem>>, vector<16xf32>,
      %bitcast_convert_type3A_400 = tpu.bitcast %get3A_397 : vector<16xf32> -> vector<16xi32>
      %eq3A_401 = arith.constant 0.000000e+00 : f32
      %eq3A_402 = vector.broadcast %eq3A_401 : f32 to vector<16xf32>
      %eq3A_403 = arith.cmpf oeq, %get3A_399, %eq3A_402 : vector<16xf32>
      %shift_right_logical3A_404 = arith.constant 19 : i32
      %shift_right_logical3A_405 = vector.broadcast %shift_right_logical3A_404 : i32 to vector<16xi32>
      %shift_right_logical3A_406 = arith.shrui %bitcast_convert_type3A_400, %shift_right_logical3A_405 : vector<16xi32>
      tpu.vector_store_idx %arg13[%shift_right_logical3A_406], %broadcast_in_dim3A_9 masked %eq3A_403 {add = true} : memref<8192xi32, #tpu.memory_space<vmem>>[vector<16xi32>], vector<16xi32>, vector<16xi1>
      %mul3A_407 = arith.constant 8 : i32
      %mul3A_408 = arith.muli %scan3A_290, %mul3A_407 : i32
      %add3A_409 = arith.constant 7 : i32
      %add3A_410 = arith.addi %mul3A_408, %add3A_409 : i32
      %mul3A_411 = arith.constant 16 : i32
      %mul3A_412 = arith.muli %add3A_410, %mul3A_411 : i32
      %get3A_413 = arith.index_cast %mul3A_412 : i32 to index
      %get3A_414 = tpu.vector_load %arg5[%get3A_413] {strides = array<i32>} : memref<16384xf32, #tpu.memory_space<vmem>>, vector<16xf32>,
      %get3A_415 = arith.index_cast %mul3A_412 : i32 to index
      %get3A_416 = tpu.vector_load %arg7[%get3A_415] {strides = array<i32>} : memref<16384xf32, #tpu.memory_space<vmem>>, vector<16xf32>,
      %bitcast_convert_type3A_417 = tpu.bitcast %get3A_414 : vector<16xf32> -> vector<16xi32>
      %eq3A_418 = arith.constant 0.000000e+00 : f32
      %eq3A_419 = vector.broadcast %eq3A_418 : f32 to vector<16xf32>
      %eq3A_420 = arith.cmpf oeq, %get3A_416, %eq3A_419 : vector<16xf32>
      %shift_right_logical3A_421 = arith.constant 19 : i32
      %shift_right_logical3A_422 = vector.broadcast %shift_right_logical3A_421 : i32 to vector<16xi32>
      %shift_right_logical3A_423 = arith.shrui %bitcast_convert_type3A_417, %shift_right_logical3A_422 : vector<16xi32>
      tpu.vector_store_idx %arg13[%shift_right_logical3A_423], %broadcast_in_dim3A_9 masked %eq3A_420 {add = true} : memref<8192xi32, #tpu.memory_space<vmem>>[vector<16xi32>], vector<16xi32>, vector<16xi1>
      %scan3A_424 = arith.constant 0 : i32
      scf.yield %scan3A_424 : i32
    }
    %scan3A_54 = arith.constant 128 : i32
    %add3A_55 = arith.constant 1 : i32
    %add3A_56 = arith.addi %mul3A_2, %add3A_55 : i32
    %dma_start3A_57 = arith.constant 0 : i32
    %dma_start3A_58 = tpu.memref_slice %arg2[%add3A_56, %dma_start3A_57] : memref<128x32768xf32, #tpu.memory_space<hbm>> -> memref<1x16384xf32, #tpu.memory_space<hbm>>
    %dma_start3A_59 = tpu.memref_squeeze %dma_start3A_58 : memref<1x16384xf32, #tpu.memory_space<hbm>> -> memref<16384xf32, #tpu.memory_space<hbm>>
    %dma_start3A_60 = arith.constant 0 : i32
    %dma_start3A_61 = tpu.memref_slice %arg2[%add3A_56, %dma_start3A_60] : memref<128x32768xf32, #tpu.memory_space<hbm>> -> memref<1x16384xf32, #tpu.memory_space<hbm>>
    %dma_start3A_62 = tpu.memref_squeeze %dma_start3A_61 : memref<1x16384xf32, #tpu.memory_space<hbm>> -> memref<16384xf32, #tpu.memory_space<hbm>>
    tpu.enqueue_dma source(%dma_start3A_62 : memref<16384xf32, #tpu.memory_space<hbm>>) target(%arg5 : memref<16384xf32, #tpu.memory_space<vmem>>) target_semaphore(%arg9 : memref<!tpu.dma_semaphore, #tpu.memory_space<semaphore_mem>>)
    %dma_start3A_63 = arith.constant 0 : i32
    %dma_start3A_64 = tpu.memref_slice %arg3[%add3A_56, %dma_start3A_63] : memref<128x32768xf32, #tpu.memory_space<hbm>> -> memref<1x16384xf32, #tpu.memory_space<hbm>>
    %dma_start3A_65 = tpu.memref_squeeze %dma_start3A_64 : memref<1x16384xf32, #tpu.memory_space<hbm>> -> memref<16384xf32, #tpu.memory_space<hbm>>
    %dma_start3A_66 = arith.constant 0 : i32
    %dma_start3A_67 = tpu.memref_slice %arg3[%add3A_56, %dma_start3A_66] : memref<128x32768xf32, #tpu.memory_space<hbm>> -> memref<1x16384xf32, #tpu.memory_space<hbm>>
    %dma_start3A_68 = tpu.memref_squeeze %dma_start3A_67 : memref<1x16384xf32, #tpu.memory_space<hbm>> -> memref<16384xf32, #tpu.memory_space<hbm>>
    tpu.enqueue_dma source(%dma_start3A_68 : memref<16384xf32, #tpu.memory_space<hbm>>) target(%arg7 : memref<16384xf32, #tpu.memory_space<vmem>>) target_semaphore(%arg11 : memref<!tpu.dma_semaphore, #tpu.memory_space<semaphore_mem>>)
    %dma_wait3A_69 = arith.constant 16384 : i32
    %dma_wait3A_70 = tpu.memref_slice %arg2[%add3A_24, %dma_wait3A_69] : memref<128x32768xf32, #tpu.memory_space<hbm>> -> memref<1x16384xf32, #tpu.memory_space<hbm>>
    %dma_wait3A_71 = tpu.memref_squeeze %dma_wait3A_70 : memref<1x16384xf32, #tpu.memory_space<hbm>> -> memref<16384xf32, #tpu.memory_space<hbm>>
    %dma_wait3A_72 = arith.constant 16384 : i32
    %dma_wait3A_73 = tpu.memref_slice %arg2[%add3A_24, %dma_wait3A_72] : memref<128x32768xf32, #tpu.memory_space<hbm>> -> memref<1x16384xf32, #tpu.memory_space<hbm>>
    %dma_wait3A_74 = tpu.memref_squeeze %dma_wait3A_73 : memref<1x16384xf32, #tpu.memory_space<hbm>> -> memref<16384xf32, #tpu.memory_space<hbm>>
    tpu.wait_dma2 semaphore(%arg10 : memref<!tpu.dma_semaphore, #tpu.memory_space<semaphore_mem>>) src(%dma_wait3A_74 : memref<16384xf32, #tpu.memory_space<hbm>>) dst(%arg6 : memref<16384xf32, #tpu.memory_space<vmem>>)
    %dma_wait3A_75 = arith.constant 16384 : i32
    %dma_wait3A_76 = tpu.memref_slice %arg3[%add3A_24, %dma_wait3A_75] : memref<128x32768xf32, #tpu.memory_space<hbm>> -> memref<1x16384xf32, #tpu.memory_space<hbm>>
    %dma_wait3A_77 = tpu.memref_squeeze %dma_wait3A_76 : memref<1x16384xf32, #tpu.memory_space<hbm>> -> memref<16384xf32, #tpu.memory_space<hbm>>
    %dma_wait3A_78 = arith.constant 16384 : i32
    %dma_wait3A_79 = tpu.memref_slice %arg3[%add3A_24, %dma_wait3A_78] : memref<128x32768xf32, #tpu.memory_space<hbm>> -> memref<1x16384xf32, #tpu.memory_space<hbm>>
    %dma_wait3A_80 = tpu.memref_squeeze %dma_wait3A_79 : memref<1x16384xf32, #tpu.memory_space<hbm>> -> memref<16384xf32, #tpu.memory_space<hbm>>
    tpu.wait_dma2 semaphore(%arg12 : memref<!tpu.dma_semaphore, #tpu.memory_space<semaphore_mem>>) src(%dma_wait3A_80 : memref<16384xf32, #tpu.memory_space<hbm>>) dst(%arg8 : memref<16384xf32, #tpu.memory_space<vmem>>)
    %scan3A_81 = arith.constant 0 : i32
    %scan3A_82 = arith.constant 0 : i32
    %scan3A_83 = arith.constant 128 : i32
    %scan3A_84 = arith.addi %scan3A_82, %scan3A_83 : i32
    %scan3A_85 = arith.constant 1 : i32
    %scan3A_86 = scf.for %scan3A_290 = %scan3A_82 to %scan3A_84 step %scan3A_85 iter_args(%scan3A_291 = %scan3A_81) -> (i32)  : i32 {
      %mul3A_292 = arith.constant 8 : i32
      %mul3A_293 = arith.muli %scan3A_290, %mul3A_292 : i32
      %add3A_294 = arith.constant 0 : i32
      %add3A_295 = arith.addi %mul3A_293, %add3A_294 : i32
      %mul3A_296 = arith.constant 16 : i32
      %mul3A_297 = arith.muli %add3A_295, %mul3A_296 : i32
      %get3A = arith.index_cast %mul3A_297 : i32 to index
      %get3A_298 = tpu.vector_load %arg6[%get3A] {strides = array<i32>} : memref<16384xf32, #tpu.memory_space<vmem>>, vector<16xf32>,
      %get3A_299 = arith.index_cast %mul3A_297 : i32 to index
      %get3A_300 = tpu.vector_load %arg8[%get3A_299] {strides = array<i32>} : memref<16384xf32, #tpu.memory_space<vmem>>, vector<16xf32>,
      %bitcast_convert_type3A = tpu.bitcast %get3A_298 : vector<16xf32> -> vector<16xi32>
      %eq3A = arith.constant 0.000000e+00 : f32
      %eq3A_301 = vector.broadcast %eq3A : f32 to vector<16xf32>
      %eq3A_302 = arith.cmpf oeq, %get3A_300, %eq3A_301 : vector<16xf32>
      %shift_right_logical3A = arith.constant 19 : i32
      %shift_right_logical3A_303 = vector.broadcast %shift_right_logical3A : i32 to vector<16xi32>
      %shift_right_logical3A_304 = arith.shrui %bitcast_convert_type3A, %shift_right_logical3A_303 : vector<16xi32>
      tpu.vector_store_idx %arg13[%shift_right_logical3A_304], %broadcast_in_dim3A_9 masked %eq3A_302 {add = true} : memref<8192xi32, #tpu.memory_space<vmem>>[vector<16xi32>], vector<16xi32>, vector<16xi1>
      %mul3A_305 = arith.constant 8 : i32
      %mul3A_306 = arith.muli %scan3A_290, %mul3A_305 : i32
      %add3A_307 = arith.constant 1 : i32
      %add3A_308 = arith.addi %mul3A_306, %add3A_307 : i32
      %mul3A_309 = arith.constant 16 : i32
      %mul3A_310 = arith.muli %add3A_308, %mul3A_309 : i32
      %get3A_311 = arith.index_cast %mul3A_310 : i32 to index
      %get3A_312 = tpu.vector_load %arg6[%get3A_311] {strides = array<i32>} : memref<16384xf32, #tpu.memory_space<vmem>>, vector<16xf32>,
      %get3A_313 = arith.index_cast %mul3A_310 : i32 to index
      %get3A_314 = tpu.vector_load %arg8[%get3A_313] {strides = array<i32>} : memref<16384xf32, #tpu.memory_space<vmem>>, vector<16xf32>,
      %bitcast_convert_type3A_315 = tpu.bitcast %get3A_312 : vector<16xf32> -> vector<16xi32>
      %eq3A_316 = arith.constant 0.000000e+00 : f32
      %eq3A_317 = vector.broadcast %eq3A_316 : f32 to vector<16xf32>
      %eq3A_318 = arith.cmpf oeq, %get3A_314, %eq3A_317 : vector<16xf32>
      %shift_right_logical3A_319 = arith.constant 19 : i32
      %shift_right_logical3A_320 = vector.broadcast %shift_right_logical3A_319 : i32 to vector<16xi32>
      %shift_right_logical3A_321 = arith.shrui %bitcast_convert_type3A_315, %shift_right_logical3A_320 : vector<16xi32>
      tpu.vector_store_idx %arg13[%shift_right_logical3A_321], %broadcast_in_dim3A_9 masked %eq3A_318 {add = true} : memref<8192xi32, #tpu.memory_space<vmem>>[vector<16xi32>], vector<16xi32>, vector<16xi1>
      %mul3A_322 = arith.constant 8 : i32
      %mul3A_323 = arith.muli %scan3A_290, %mul3A_322 : i32
      %add3A_324 = arith.constant 2 : i32
      %add3A_325 = arith.addi %mul3A_323, %add3A_324 : i32
      %mul3A_326 = arith.constant 16 : i32
      %mul3A_327 = arith.muli %add3A_325, %mul3A_326 : i32
      %get3A_328 = arith.index_cast %mul3A_327 : i32 to index
      %get3A_329 = tpu.vector_load %arg6[%get3A_328] {strides = array<i32>} : memref<16384xf32, #tpu.memory_space<vmem>>, vector<16xf32>,
      %get3A_330 = arith.index_cast %mul3A_327 : i32 to index
      %get3A_331 = tpu.vector_load %arg8[%get3A_330] {strides = array<i32>} : memref<16384xf32, #tpu.memory_space<vmem>>, vector<16xf32>,
      %bitcast_convert_type3A_332 = tpu.bitcast %get3A_329 : vector<16xf32> -> vector<16xi32>
      %eq3A_333 = arith.constant 0.000000e+00 : f32
      %eq3A_334 = vector.broadcast %eq3A_333 : f32 to vector<16xf32>
      %eq3A_335 = arith.cmpf oeq, %get3A_331, %eq3A_334 : vector<16xf32>
      %shift_right_logical3A_336 = arith.constant 19 : i32
      %shift_right_logical3A_337 = vector.broadcast %shift_right_logical3A_336 : i32 to vector<16xi32>
      %shift_right_logical3A_338 = arith.shrui %bitcast_convert_type3A_332, %shift_right_logical3A_337 : vector<16xi32>
      tpu.vector_store_idx %arg13[%shift_right_logical3A_338], %broadcast_in_dim3A_9 masked %eq3A_335 {add = true} : memref<8192xi32, #tpu.memory_space<vmem>>[vector<16xi32>], vector<16xi32>, vector<16xi1>
      %mul3A_339 = arith.constant 8 : i32
      %mul3A_340 = arith.muli %scan3A_290, %mul3A_339 : i32
      %add3A_341 = arith.constant 3 : i32
      %add3A_342 = arith.addi %mul3A_340, %add3A_341 : i32
      %mul3A_343 = arith.constant 16 : i32
      %mul3A_344 = arith.muli %add3A_342, %mul3A_343 : i32
      %get3A_345 = arith.index_cast %mul3A_344 : i32 to index
      %get3A_346 = tpu.vector_load %arg6[%get3A_345] {strides = array<i32>} : memref<16384xf32, #tpu.memory_space<vmem>>, vector<16xf32>,
      %get3A_347 = arith.index_cast %mul3A_344 : i32 to index
      %get3A_348 = tpu.vector_load %arg8[%get3A_347] {strides = array<i32>} : memref<16384xf32, #tpu.memory_space<vmem>>, vector<16xf32>,
      %bitcast_convert_type3A_349 = tpu.bitcast %get3A_346 : vector<16xf32> -> vector<16xi32>
      %eq3A_350 = arith.constant 0.000000e+00 : f32
      %eq3A_351 = vector.broadcast %eq3A_350 : f32 to vector<16xf32>
      %eq3A_352 = arith.cmpf oeq, %get3A_348, %eq3A_351 : vector<16xf32>
      %shift_right_logical3A_353 = arith.constant 19 : i32
      %shift_right_logical3A_354 = vector.broadcast %shift_right_logical3A_353 : i32 to vector<16xi32>
      %shift_right_logical3A_355 = arith.shrui %bitcast_convert_type3A_349, %shift_right_logical3A_354 : vector<16xi32>
      tpu.vector_store_idx %arg13[%shift_right_logical3A_355], %broadcast_in_dim3A_9 masked %eq3A_352 {add = true} : memref<8192xi32, #tpu.memory_space<vmem>>[vector<16xi32>], vector<16xi32>, vector<16xi1>
      %mul3A_356 = arith.constant 8 : i32
      %mul3A_357 = arith.muli %scan3A_290, %mul3A_356 : i32
      %add3A_358 = arith.constant 4 : i32
      %add3A_359 = arith.addi %mul3A_357, %add3A_358 : i32
      %mul3A_360 = arith.constant 16 : i32
      %mul3A_361 = arith.muli %add3A_359, %mul3A_360 : i32
      %get3A_362 = arith.index_cast %mul3A_361 : i32 to index
      %get3A_363 = tpu.vector_load %arg6[%get3A_362] {strides = array<i32>} : memref<16384xf32, #tpu.memory_space<vmem>>, vector<16xf32>,
      %get3A_364 = arith.index_cast %mul3A_361 : i32 to index
      %get3A_365 = tpu.vector_load %arg8[%get3A_364] {strides = array<i32>} : memref<16384xf32, #tpu.memory_space<vmem>>, vector<16xf32>,
      %bitcast_convert_type3A_366 = tpu.bitcast %get3A_363 : vector<16xf32> -> vector<16xi32>
      %eq3A_367 = arith.constant 0.000000e+00 : f32
      %eq3A_368 = vector.broadcast %eq3A_367 : f32 to vector<16xf32>
      %eq3A_369 = arith.cmpf oeq, %get3A_365, %eq3A_368 : vector<16xf32>
      %shift_right_logical3A_370 = arith.constant 19 : i32
      %shift_right_logical3A_371 = vector.broadcast %shift_right_logical3A_370 : i32 to vector<16xi32>
      %shift_right_logical3A_372 = arith.shrui %bitcast_convert_type3A_366, %shift_right_logical3A_371 : vector<16xi32>
      tpu.vector_store_idx %arg13[%shift_right_logical3A_372], %broadcast_in_dim3A_9 masked %eq3A_369 {add = true} : memref<8192xi32, #tpu.memory_space<vmem>>[vector<16xi32>], vector<16xi32>, vector<16xi1>
      %mul3A_373 = arith.constant 8 : i32
      %mul3A_374 = arith.muli %scan3A_290, %mul3A_373 : i32
      %add3A_375 = arith.constant 5 : i32
      %add3A_376 = arith.addi %mul3A_374, %add3A_375 : i32
      %mul3A_377 = arith.constant 16 : i32
      %mul3A_378 = arith.muli %add3A_376, %mul3A_377 : i32
      %get3A_379 = arith.index_cast %mul3A_378 : i32 to index
      %get3A_380 = tpu.vector_load %arg6[%get3A_379] {strides = array<i32>} : memref<16384xf32, #tpu.memory_space<vmem>>, vector<16xf32>,
      %get3A_381 = arith.index_cast %mul3A_378 : i32 to index
      %get3A_382 = tpu.vector_load %arg8[%get3A_381] {strides = array<i32>} : memref<16384xf32, #tpu.memory_space<vmem>>, vector<16xf32>,
      %bitcast_convert_type3A_383 = tpu.bitcast %get3A_380 : vector<16xf32> -> vector<16xi32>
      %eq3A_384 = arith.constant 0.000000e+00 : f32
      %eq3A_385 = vector.broadcast %eq3A_384 : f32 to vector<16xf32>
      %eq3A_386 = arith.cmpf oeq, %get3A_382, %eq3A_385 : vector<16xf32>
      %shift_right_logical3A_387 = arith.constant 19 : i32
      %shift_right_logical3A_388 = vector.broadcast %shift_right_logical3A_387 : i32 to vector<16xi32>
      %shift_right_logical3A_389 = arith.shrui %bitcast_convert_type3A_383, %shift_right_logical3A_388 : vector<16xi32>
      tpu.vector_store_idx %arg13[%shift_right_logical3A_389], %broadcast_in_dim3A_9 masked %eq3A_386 {add = true} : memref<8192xi32, #tpu.memory_space<vmem>>[vector<16xi32>], vector<16xi32>, vector<16xi1>
      %mul3A_390 = arith.constant 8 : i32
      %mul3A_391 = arith.muli %scan3A_290, %mul3A_390 : i32
      %add3A_392 = arith.constant 6 : i32
      %add3A_393 = arith.addi %mul3A_391, %add3A_392 : i32
      %mul3A_394 = arith.constant 16 : i32
      %mul3A_395 = arith.muli %add3A_393, %mul3A_394 : i32
      %get3A_396 = arith.index_cast %mul3A_395 : i32 to index
      %get3A_397 = tpu.vector_load %arg6[%get3A_396] {strides = array<i32>} : memref<16384xf32, #tpu.memory_space<vmem>>, vector<16xf32>,
      %get3A_398 = arith.index_cast %mul3A_395 : i32 to index
      %get3A_399 = tpu.vector_load %arg8[%get3A_398] {strides = array<i32>} : memref<16384xf32, #tpu.memory_space<vmem>>, vector<16xf32>,
      %bitcast_convert_type3A_400 = tpu.bitcast %get3A_397 : vector<16xf32> -> vector<16xi32>
      %eq3A_401 = arith.constant 0.000000e+00 : f32
      %eq3A_402 = vector.broadcast %eq3A_401 : f32 to vector<16xf32>
      %eq3A_403 = arith.cmpf oeq, %get3A_399, %eq3A_402 : vector<16xf32>
      %shift_right_logical3A_404 = arith.constant 19 : i32
      %shift_right_logical3A_405 = vector.broadcast %shift_right_logical3A_404 : i32 to vector<16xi32>
      %shift_right_logical3A_406 = arith.shrui %bitcast_convert_type3A_400, %shift_right_logical3A_405 : vector<16xi32>
      tpu.vector_store_idx %arg13[%shift_right_logical3A_406], %broadcast_in_dim3A_9 masked %eq3A_403 {add = true} : memref<8192xi32, #tpu.memory_space<vmem>>[vector<16xi32>], vector<16xi32>, vector<16xi1>
      %mul3A_407 = arith.constant 8 : i32
      %mul3A_408 = arith.muli %scan3A_290, %mul3A_407 : i32
      %add3A_409 = arith.constant 7 : i32
      %add3A_410 = arith.addi %mul3A_408, %add3A_409 : i32
      %mul3A_411 = arith.constant 16 : i32
      %mul3A_412 = arith.muli %add3A_410, %mul3A_411 : i32
      %get3A_413 = arith.index_cast %mul3A_412 : i32 to index
      %get3A_414 = tpu.vector_load %arg6[%get3A_413] {strides = array<i32>} : memref<16384xf32, #tpu.memory_space<vmem>>, vector<16xf32>,
      %get3A_415 = arith.index_cast %mul3A_412 : i32 to index
      %get3A_416 = tpu.vector_load %arg8[%get3A_415] {strides = array<i32>} : memref<16384xf32, #tpu.memory_space<vmem>>, vector<16xf32>,
      %bitcast_convert_type3A_417 = tpu.bitcast %get3A_414 : vector<16xf32> -> vector<16xi32>
      %eq3A_418 = arith.constant 0.000000e+00 : f32
      %eq3A_419 = vector.broadcast %eq3A_418 : f32 to vector<16xf32>
      %eq3A_420 = arith.cmpf oeq, %get3A_416, %eq3A_419 : vector<16xf32>
      %shift_right_logical3A_421 = arith.constant 19 : i32
      %shift_right_logical3A_422 = vector.broadcast %shift_right_logical3A_421 : i32 to vector<16xi32>
      %shift_right_logical3A_423 = arith.shrui %bitcast_convert_type3A_417, %shift_right_logical3A_422 : vector<16xi32>
      tpu.vector_store_idx %arg13[%shift_right_logical3A_423], %broadcast_in_dim3A_9 masked %eq3A_420 {add = true} : memref<8192xi32, #tpu.memory_space<vmem>>[vector<16xi32>], vector<16xi32>, vector<16xi1>
      %scan3A_424 = arith.constant 0 : i32
      scf.yield %scan3A_424 : i32
    }
    %scan3A_87 = arith.constant 128 : i32
    %add3A_88 = arith.constant 1 : i32
    %add3A_89 = arith.addi %mul3A_2, %add3A_88 : i32
    %dma_start3A_90 = arith.constant 16384 : i32
    %dma_start3A_91 = tpu.memref_slice %arg2[%add3A_89, %dma_start3A_90] : memref<128x32768xf32, #tpu.memory_space<hbm>> -> memref<1x16384xf32, #tpu.memory_space<hbm>>
    %dma_start3A_92 = tpu.memref_squeeze %dma_start3A_91 : memref<1x16384xf32, #tpu.memory_space<hbm>> -> memref<16384xf32, #tpu.memory_space<hbm>>
    %dma_start3A_93 = arith.constant 16384 : i32
    %dma_start3A_94 = tpu.memref_slice %arg2[%add3A_89, %dma_start3A_93] : memref<128x32768xf32, #tpu.memory_space<hbm>> -> memref<1x16384xf32, #tpu.memory_space<hbm>>
    %dma_start3A_95 = tpu.memref_squeeze %dma_start3A_94 : memref<1x16384xf32, #tpu.memory_space<hbm>> -> memref<16384xf32, #tpu.memory_space<hbm>>
    tpu.enqueue_dma source(%dma_start3A_95 : memref<16384xf32, #tpu.memory_space<hbm>>) target(%arg6 : memref<16384xf32, #tpu.memory_space<vmem>>) target_semaphore(%arg10 : memref<!tpu.dma_semaphore, #tpu.memory_space<semaphore_mem>>)
    %dma_start3A_96 = arith.constant 16384 : i32
    %dma_start3A_97 = tpu.memref_slice %arg3[%add3A_89, %dma_start3A_96] : memref<128x32768xf32, #tpu.memory_space<hbm>> -> memref<1x16384xf32, #tpu.memory_space<hbm>>
    %dma_start3A_98 = tpu.memref_squeeze %dma_start3A_97 : memref<1x16384xf32, #tpu.memory_space<hbm>> -> memref<16384xf32, #tpu.memory_space<hbm>>
    %dma_start3A_99 = arith.constant 16384 : i32
    %dma_start3A_100 = tpu.memref_slice %arg3[%add3A_89, %dma_start3A_99] : memref<128x32768xf32, #tpu.memory_space<hbm>> -> memref<1x16384xf32, #tpu.memory_space<hbm>>
    %dma_start3A_101 = tpu.memref_squeeze %dma_start3A_100 : memref<1x16384xf32, #tpu.memory_space<hbm>> -> memref<16384xf32, #tpu.memory_space<hbm>>
    tpu.enqueue_dma source(%dma_start3A_101 : memref<16384xf32, #tpu.memory_space<hbm>>) target(%arg8 : memref<16384xf32, #tpu.memory_space<vmem>>) target_semaphore(%arg12 : memref<!tpu.dma_semaphore, #tpu.memory_space<semaphore_mem>>)
    %dma_wait3A_102 = arith.constant 0 : i32
    %dma_wait3A_103 = tpu.memref_slice %arg2[%add3A_56, %dma_wait3A_102] : memref<128x32768xf32, #tpu.memory_space<hbm>> -> memref<1x16384xf32, #tpu.memory_space<hbm>>
    %dma_wait3A_104 = tpu.memref_squeeze %dma_wait3A_103 : memref<1x16384xf32, #tpu.memory_space<hbm>> -> memref<16384xf32, #tpu.memory_space<hbm>>
    %dma_wait3A_105 = arith.constant 0 : i32
    %dma_wait3A_106 = tpu.memref_slice %arg2[%add3A_56, %dma_wait3A_105] : memref<128x32768xf32, #tpu.memory_space<hbm>> -> memref<1x16384xf32, #tpu.memory_space<hbm>>
    %dma_wait3A_107 = tpu.memref_squeeze %dma_wait3A_106 : memref<1x16384xf32, #tpu.memory_space<hbm>> -> memref<16384xf32, #tpu.memory_space<hbm>>
    tpu.wait_dma2 semaphore(%arg9 : memref<!tpu.dma_semaphore, #tpu.memory_space<semaphore_mem>>) src(%dma_wait3A_107 : memref<16384xf32, #tpu.memory_space<hbm>>) dst(%arg5 : memref<16384xf32, #tpu.memory_space<vmem>>)
    %dma_wait3A_108 = arith.constant 0 : i32
    %dma_wait3A_109 = tpu.memref_slice %arg3[%add3A_56, %dma_wait3A_108] : memref<128x32768xf32, #tpu.memory_space<hbm>> -> memref<1x16384xf32, #tpu.memory_space<hbm>>
    %dma_wait3A_110 = tpu.memref_squeeze %dma_wait3A_109 : memref<1x16384xf32, #tpu.memory_space<hbm>> -> memref<16384xf32, #tpu.memory_space<hbm>>
    %dma_wait3A_111 = arith.constant 0 : i32
    %dma_wait3A_112 = tpu.memref_slice %arg3[%add3A_56, %dma_wait3A_111] : memref<128x32768xf32, #tpu.memory_space<hbm>> -> memref<1x16384xf32, #tpu.memory_space<hbm>>
    %dma_wait3A_113 = tpu.memref_squeeze %dma_wait3A_112 : memref<1x16384xf32, #tpu.memory_space<hbm>> -> memref<16384xf32, #tpu.memory_space<hbm>>
    tpu.wait_dma2 semaphore(%arg11 : memref<!tpu.dma_semaphore, #tpu.memory_space<semaphore_mem>>) src(%dma_wait3A_113 : memref<16384xf32, #tpu.memory_space<hbm>>) dst(%arg7 : memref<16384xf32, #tpu.memory_space<vmem>>)
    %scan3A_114 = arith.constant 0 : i32
    %scan3A_115 = arith.constant 0 : i32
    %scan3A_116 = arith.constant 128 : i32
    %scan3A_117 = arith.addi %scan3A_115, %scan3A_116 : i32
    %scan3A_118 = arith.constant 1 : i32
    %scan3A_119 = scf.for %scan3A_290 = %scan3A_115 to %scan3A_117 step %scan3A_118 iter_args(%scan3A_291 = %scan3A_114) -> (i32)  : i32 {
      %mul3A_292 = arith.constant 8 : i32
      %mul3A_293 = arith.muli %scan3A_290, %mul3A_292 : i32
      %add3A_294 = arith.constant 0 : i32
      %add3A_295 = arith.addi %mul3A_293, %add3A_294 : i32
      %mul3A_296 = arith.constant 16 : i32
      %mul3A_297 = arith.muli %add3A_295, %mul3A_296 : i32
      %get3A = arith.index_cast %mul3A_297 : i32 to index
      %get3A_298 = tpu.vector_load %arg5[%get3A] {strides = array<i32>} : memref<16384xf32, #tpu.memory_space<vmem>>, vector<16xf32>,
      %get3A_299 = arith.index_cast %mul3A_297 : i32 to index
      %get3A_300 = tpu.vector_load %arg7[%get3A_299] {strides = array<i32>} : memref<16384xf32, #tpu.memory_space<vmem>>, vector<16xf32>,
      %bitcast_convert_type3A = tpu.bitcast %get3A_298 : vector<16xf32> -> vector<16xi32>
      %eq3A = arith.constant 0.000000e+00 : f32
      %eq3A_301 = vector.broadcast %eq3A : f32 to vector<16xf32>
      %eq3A_302 = arith.cmpf oeq, %get3A_300, %eq3A_301 : vector<16xf32>
      %shift_right_logical3A = arith.constant 19 : i32
      %shift_right_logical3A_303 = vector.broadcast %shift_right_logical3A : i32 to vector<16xi32>
      %shift_right_logical3A_304 = arith.shrui %bitcast_convert_type3A, %shift_right_logical3A_303 : vector<16xi32>
      tpu.vector_store_idx %arg13[%shift_right_logical3A_304], %broadcast_in_dim3A_9 masked %eq3A_302 {add = true} : memref<8192xi32, #tpu.memory_space<vmem>>[vector<16xi32>], vector<16xi32>, vector<16xi1>
      %mul3A_305 = arith.constant 8 : i32
      %mul3A_306 = arith.muli %scan3A_290, %mul3A_305 : i32
      %add3A_307 = arith.constant 1 : i32
      %add3A_308 = arith.addi %mul3A_306, %add3A_307 : i32
      %mul3A_309 = arith.constant 16 : i32
      %mul3A_310 = arith.muli %add3A_308, %mul3A_309 : i32
      %get3A_311 = arith.index_cast %mul3A_310 : i32 to index
      %get3A_312 = tpu.vector_load %arg5[%get3A_311] {strides = array<i32>} : memref<16384xf32, #tpu.memory_space<vmem>>, vector<16xf32>,
      %get3A_313 = arith.index_cast %mul3A_310 : i32 to index
      %get3A_314 = tpu.vector_load %arg7[%get3A_313] {strides = array<i32>} : memref<16384xf32, #tpu.memory_space<vmem>>, vector<16xf32>,
      %bitcast_convert_type3A_315 = tpu.bitcast %get3A_312 : vector<16xf32> -> vector<16xi32>
      %eq3A_316 = arith.constant 0.000000e+00 : f32
      %eq3A_317 = vector.broadcast %eq3A_316 : f32 to vector<16xf32>
      %eq3A_318 = arith.cmpf oeq, %get3A_314, %eq3A_317 : vector<16xf32>
      %shift_right_logical3A_319 = arith.constant 19 : i32
      %shift_right_logical3A_320 = vector.broadcast %shift_right_logical3A_319 : i32 to vector<16xi32>
      %shift_right_logical3A_321 = arith.shrui %bitcast_convert_type3A_315, %shift_right_logical3A_320 : vector<16xi32>
      tpu.vector_store_idx %arg13[%shift_right_logical3A_321], %broadcast_in_dim3A_9 masked %eq3A_318 {add = true} : memref<8192xi32, #tpu.memory_space<vmem>>[vector<16xi32>], vector<16xi32>, vector<16xi1>
      %mul3A_322 = arith.constant 8 : i32
      %mul3A_323 = arith.muli %scan3A_290, %mul3A_322 : i32
      %add3A_324 = arith.constant 2 : i32
      %add3A_325 = arith.addi %mul3A_323, %add3A_324 : i32
      %mul3A_326 = arith.constant 16 : i32
      %mul3A_327 = arith.muli %add3A_325, %mul3A_326 : i32
      %get3A_328 = arith.index_cast %mul3A_327 : i32 to index
      %get3A_329 = tpu.vector_load %arg5[%get3A_328] {strides = array<i32>} : memref<16384xf32, #tpu.memory_space<vmem>>, vector<16xf32>,
      %get3A_330 = arith.index_cast %mul3A_327 : i32 to index
      %get3A_331 = tpu.vector_load %arg7[%get3A_330] {strides = array<i32>} : memref<16384xf32, #tpu.memory_space<vmem>>, vector<16xf32>,
      %bitcast_convert_type3A_332 = tpu.bitcast %get3A_329 : vector<16xf32> -> vector<16xi32>
      %eq3A_333 = arith.constant 0.000000e+00 : f32
      %eq3A_334 = vector.broadcast %eq3A_333 : f32 to vector<16xf32>
      %eq3A_335 = arith.cmpf oeq, %get3A_331, %eq3A_334 : vector<16xf32>
      %shift_right_logical3A_336 = arith.constant 19 : i32
      %shift_right_logical3A_337 = vector.broadcast %shift_right_logical3A_336 : i32 to vector<16xi32>
      %shift_right_logical3A_338 = arith.shrui %bitcast_convert_type3A_332, %shift_right_logical3A_337 : vector<16xi32>
      tpu.vector_store_idx %arg13[%shift_right_logical3A_338], %broadcast_in_dim3A_9 masked %eq3A_335 {add = true} : memref<8192xi32, #tpu.memory_space<vmem>>[vector<16xi32>], vector<16xi32>, vector<16xi1>
      %mul3A_339 = arith.constant 8 : i32
      %mul3A_340 = arith.muli %scan3A_290, %mul3A_339 : i32
      %add3A_341 = arith.constant 3 : i32
      %add3A_342 = arith.addi %mul3A_340, %add3A_341 : i32
      %mul3A_343 = arith.constant 16 : i32
      %mul3A_344 = arith.muli %add3A_342, %mul3A_343 : i32
      %get3A_345 = arith.index_cast %mul3A_344 : i32 to index
      %get3A_346 = tpu.vector_load %arg5[%get3A_345] {strides = array<i32>} : memref<16384xf32, #tpu.memory_space<vmem>>, vector<16xf32>,
      %get3A_347 = arith.index_cast %mul3A_344 : i32 to index
      %get3A_348 = tpu.vector_load %arg7[%get3A_347] {strides = array<i32>} : memref<16384xf32, #tpu.memory_space<vmem>>, vector<16xf32>,
      %bitcast_convert_type3A_349 = tpu.bitcast %get3A_346 : vector<16xf32> -> vector<16xi32>
      %eq3A_350 = arith.constant 0.000000e+00 : f32
      %eq3A_351 = vector.broadcast %eq3A_350 : f32 to vector<16xf32>
      %eq3A_352 = arith.cmpf oeq, %get3A_348, %eq3A_351 : vector<16xf32>
      %shift_right_logical3A_353 = arith.constant 19 : i32
      %shift_right_logical3A_354 = vector.broadcast %shift_right_logical3A_353 : i32 to vector<16xi32>
      %shift_right_logical3A_355 = arith.shrui %bitcast_convert_type3A_349, %shift_right_logical3A_354 : vector<16xi32>
      tpu.vector_store_idx %arg13[%shift_right_logical3A_355], %broadcast_in_dim3A_9 masked %eq3A_352 {add = true} : memref<8192xi32, #tpu.memory_space<vmem>>[vector<16xi32>], vector<16xi32>, vector<16xi1>
      %mul3A_356 = arith.constant 8 : i32
      %mul3A_357 = arith.muli %scan3A_290, %mul3A_356 : i32
      %add3A_358 = arith.constant 4 : i32
      %add3A_359 = arith.addi %mul3A_357, %add3A_358 : i32
      %mul3A_360 = arith.constant 16 : i32
      %mul3A_361 = arith.muli %add3A_359, %mul3A_360 : i32
      %get3A_362 = arith.index_cast %mul3A_361 : i32 to index
      %get3A_363 = tpu.vector_load %arg5[%get3A_362] {strides = array<i32>} : memref<16384xf32, #tpu.memory_space<vmem>>, vector<16xf32>,
      %get3A_364 = arith.index_cast %mul3A_361 : i32 to index
      %get3A_365 = tpu.vector_load %arg7[%get3A_364] {strides = array<i32>} : memref<16384xf32, #tpu.memory_space<vmem>>, vector<16xf32>,
      %bitcast_convert_type3A_366 = tpu.bitcast %get3A_363 : vector<16xf32> -> vector<16xi32>
      %eq3A_367 = arith.constant 0.000000e+00 : f32
      %eq3A_368 = vector.broadcast %eq3A_367 : f32 to vector<16xf32>
      %eq3A_369 = arith.cmpf oeq, %get3A_365, %eq3A_368 : vector<16xf32>
      %shift_right_logical3A_370 = arith.constant 19 : i32
      %shift_right_logical3A_371 = vector.broadcast %shift_right_logical3A_370 : i32 to vector<16xi32>
      %shift_right_logical3A_372 = arith.shrui %bitcast_convert_type3A_366, %shift_right_logical3A_371 : vector<16xi32>
      tpu.vector_store_idx %arg13[%shift_right_logical3A_372], %broadcast_in_dim3A_9 masked %eq3A_369 {add = true} : memref<8192xi32, #tpu.memory_space<vmem>>[vector<16xi32>], vector<16xi32>, vector<16xi1>
      %mul3A_373 = arith.constant 8 : i32
      %mul3A_374 = arith.muli %scan3A_290, %mul3A_373 : i32
      %add3A_375 = arith.constant 5 : i32
      %add3A_376 = arith.addi %mul3A_374, %add3A_375 : i32
      %mul3A_377 = arith.constant 16 : i32
      %mul3A_378 = arith.muli %add3A_376, %mul3A_377 : i32
      %get3A_379 = arith.index_cast %mul3A_378 : i32 to index
      %get3A_380 = tpu.vector_load %arg5[%get3A_379] {strides = array<i32>} : memref<16384xf32, #tpu.memory_space<vmem>>, vector<16xf32>,
      %get3A_381 = arith.index_cast %mul3A_378 : i32 to index
      %get3A_382 = tpu.vector_load %arg7[%get3A_381] {strides = array<i32>} : memref<16384xf32, #tpu.memory_space<vmem>>, vector<16xf32>,
      %bitcast_convert_type3A_383 = tpu.bitcast %get3A_380 : vector<16xf32> -> vector<16xi32>
      %eq3A_384 = arith.constant 0.000000e+00 : f32
      %eq3A_385 = vector.broadcast %eq3A_384 : f32 to vector<16xf32>
      %eq3A_386 = arith.cmpf oeq, %get3A_382, %eq3A_385 : vector<16xf32>
      %shift_right_logical3A_387 = arith.constant 19 : i32
      %shift_right_logical3A_388 = vector.broadcast %shift_right_logical3A_387 : i32 to vector<16xi32>
      %shift_right_logical3A_389 = arith.shrui %bitcast_convert_type3A_383, %shift_right_logical3A_388 : vector<16xi32>
      tpu.vector_store_idx %arg13[%shift_right_logical3A_389], %broadcast_in_dim3A_9 masked %eq3A_386 {add = true} : memref<8192xi32, #tpu.memory_space<vmem>>[vector<16xi32>], vector<16xi32>, vector<16xi1>
      %mul3A_390 = arith.constant 8 : i32
      %mul3A_391 = arith.muli %scan3A_290, %mul3A_390 : i32
      %add3A_392 = arith.constant 6 : i32
      %add3A_393 = arith.addi %mul3A_391, %add3A_392 : i32
      %mul3A_394 = arith.constant 16 : i32
      %mul3A_395 = arith.muli %add3A_393, %mul3A_394 : i32
      %get3A_396 = arith.index_cast %mul3A_395 : i32 to index
      %get3A_397 = tpu.vector_load %arg5[%get3A_396] {strides = array<i32>} : memref<16384xf32, #tpu.memory_space<vmem>>, vector<16xf32>,
      %get3A_398 = arith.index_cast %mul3A_395 : i32 to index
      %get3A_399 = tpu.vector_load %arg7[%get3A_398] {strides = array<i32>} : memref<16384xf32, #tpu.memory_space<vmem>>, vector<16xf32>,
      %bitcast_convert_type3A_400 = tpu.bitcast %get3A_397 : vector<16xf32> -> vector<16xi32>
      %eq3A_401 = arith.constant 0.000000e+00 : f32
      %eq3A_402 = vector.broadcast %eq3A_401 : f32 to vector<16xf32>
      %eq3A_403 = arith.cmpf oeq, %get3A_399, %eq3A_402 : vector<16xf32>
      %shift_right_logical3A_404 = arith.constant 19 : i32
      %shift_right_logical3A_405 = vector.broadcast %shift_right_logical3A_404 : i32 to vector<16xi32>
      %shift_right_logical3A_406 = arith.shrui %bitcast_convert_type3A_400, %shift_right_logical3A_405 : vector<16xi32>
      tpu.vector_store_idx %arg13[%shift_right_logical3A_406], %broadcast_in_dim3A_9 masked %eq3A_403 {add = true} : memref<8192xi32, #tpu.memory_space<vmem>>[vector<16xi32>], vector<16xi32>, vector<16xi1>
      %mul3A_407 = arith.constant 8 : i32
      %mul3A_408 = arith.muli %scan3A_290, %mul3A_407 : i32
      %add3A_409 = arith.constant 7 : i32
      %add3A_410 = arith.addi %mul3A_408, %add3A_409 : i32
      %mul3A_411 = arith.constant 16 : i32
      %mul3A_412 = arith.muli %add3A_410, %mul3A_411 : i32
      %get3A_413 = arith.index_cast %mul3A_412 : i32 to index
      %get3A_414 = tpu.vector_load %arg5[%get3A_413] {strides = array<i32>} : memref<16384xf32, #tpu.memory_space<vmem>>, vector<16xf32>,
      %get3A_415 = arith.index_cast %mul3A_412 : i32 to index
      %get3A_416 = tpu.vector_load %arg7[%get3A_415] {strides = array<i32>} : memref<16384xf32, #tpu.memory_space<vmem>>, vector<16xf32>,
      %bitcast_convert_type3A_417 = tpu.bitcast %get3A_414 : vector<16xf32> -> vector<16xi32>
      %eq3A_418 = arith.constant 0.000000e+00 : f32
      %eq3A_419 = vector.broadcast %eq3A_418 : f32 to vector<16xf32>
      %eq3A_420 = arith.cmpf oeq, %get3A_416, %eq3A_419 : vector<16xf32>
      %shift_right_logical3A_421 = arith.constant 19 : i32
      %shift_right_logical3A_422 = vector.broadcast %shift_right_logical3A_421 : i32 to vector<16xi32>
      %shift_right_logical3A_423 = arith.shrui %bitcast_convert_type3A_417, %shift_right_logical3A_422 : vector<16xi32>
      tpu.vector_store_idx %arg13[%shift_right_logical3A_423], %broadcast_in_dim3A_9 masked %eq3A_420 {add = true} : memref<8192xi32, #tpu.memory_space<vmem>>[vector<16xi32>], vector<16xi32>, vector<16xi1>
      %scan3A_424 = arith.constant 0 : i32
      scf.yield %scan3A_424 : i32
    }
    %scan3A_120 = arith.constant 128 : i32
    %add3A_121 = arith.constant 2 : i32
    %add3A_122 = arith.addi %mul3A_2, %add3A_121 : i32
    %dma_start3A_123 = arith.constant 0 : i32
    %dma_start3A_124 = tpu.memref_slice %arg2[%add3A_122, %dma_start3A_123] : memref<128x32768xf32, #tpu.memory_space<hbm>> -> memref<1x16384xf32, #tpu.memory_space<hbm>>
    %dma_start3A_125 = tpu.memref_squeeze %dma_start3A_124 : memref<1x16384xf32, #tpu.memory_space<hbm>> -> memref<16384xf32, #tpu.memory_space<hbm>>
    %dma_start3A_126 = arith.constant 0 : i32
    %dma_start3A_127 = tpu.memref_slice %arg2[%add3A_122, %dma_start3A_126] : memref<128x32768xf32, #tpu.memory_space<hbm>> -> memref<1x16384xf32, #tpu.memory_space<hbm>>
    %dma_start3A_128 = tpu.memref_squeeze %dma_start3A_127 : memref<1x16384xf32, #tpu.memory_space<hbm>> -> memref<16384xf32, #tpu.memory_space<hbm>>
    tpu.enqueue_dma source(%dma_start3A_128 : memref<16384xf32, #tpu.memory_space<hbm>>) target(%arg5 : memref<16384xf32, #tpu.memory_space<vmem>>) target_semaphore(%arg9 : memref<!tpu.dma_semaphore, #tpu.memory_space<semaphore_mem>>)
    %dma_start3A_129 = arith.constant 0 : i32
    %dma_start3A_130 = tpu.memref_slice %arg3[%add3A_122, %dma_start3A_129] : memref<128x32768xf32, #tpu.memory_space<hbm>> -> memref<1x16384xf32, #tpu.memory_space<hbm>>
    %dma_start3A_131 = tpu.memref_squeeze %dma_start3A_130 : memref<1x16384xf32, #tpu.memory_space<hbm>> -> memref<16384xf32, #tpu.memory_space<hbm>>
    %dma_start3A_132 = arith.constant 0 : i32
    %dma_start3A_133 = tpu.memref_slice %arg3[%add3A_122, %dma_start3A_132] : memref<128x32768xf32, #tpu.memory_space<hbm>> -> memref<1x16384xf32, #tpu.memory_space<hbm>>
    %dma_start3A_134 = tpu.memref_squeeze %dma_start3A_133 : memref<1x16384xf32, #tpu.memory_space<hbm>> -> memref<16384xf32, #tpu.memory_space<hbm>>
    tpu.enqueue_dma source(%dma_start3A_134 : memref<16384xf32, #tpu.memory_space<hbm>>) target(%arg7 : memref<16384xf32, #tpu.memory_space<vmem>>) target_semaphore(%arg11 : memref<!tpu.dma_semaphore, #tpu.memory_space<semaphore_mem>>)
    %dma_wait3A_135 = arith.constant 16384 : i32
    %dma_wait3A_136 = tpu.memref_slice %arg2[%add3A_89, %dma_wait3A_135] : memref<128x32768xf32, #tpu.memory_space<hbm>> -> memref<1x16384xf32, #tpu.memory_space<hbm>>
    %dma_wait3A_137 = tpu.memref_squeeze %dma_wait3A_136 : memref<1x16384xf32, #tpu.memory_space<hbm>> -> memref<16384xf32, #tpu.memory_space<hbm>>
    %dma_wait3A_138 = arith.constant 16384 : i32
    %dma_wait3A_139 = tpu.memref_slice %arg2[%add3A_89, %dma_wait3A_138] : memref<128x32768xf32, #tpu.memory_space<hbm>> -> memref<1x16384xf32, #tpu.memory_space<hbm>>
    %dma_wait3A_140 = tpu.memref_squeeze %dma_wait3A_139 : memref<1x16384xf32, #tpu.memory_space<hbm>> -> memref<16384xf32, #tpu.memory_space<hbm>>
    tpu.wait_dma2 semaphore(%arg10 : memref<!tpu.dma_semaphore, #tpu.memory_space<semaphore_mem>>) src(%dma_wait3A_140 : memref<16384xf32, #tpu.memory_space<hbm>>) dst(%arg6 : memref<16384xf32, #tpu.memory_space<vmem>>)
    %dma_wait3A_141 = arith.constant 16384 : i32
    %dma_wait3A_142 = tpu.memref_slice %arg3[%add3A_89, %dma_wait3A_141] : memref<128x32768xf32, #tpu.memory_space<hbm>> -> memref<1x16384xf32, #tpu.memory_space<hbm>>
    %dma_wait3A_143 = tpu.memref_squeeze %dma_wait3A_142 : memref<1x16384xf32, #tpu.memory_space<hbm>> -> memref<16384xf32, #tpu.memory_space<hbm>>
    %dma_wait3A_144 = arith.constant 16384 : i32
    %dma_wait3A_145 = tpu.memref_slice %arg3[%add3A_89, %dma_wait3A_144] : memref<128x32768xf32, #tpu.memory_space<hbm>> -> memref<1x16384xf32, #tpu.memory_space<hbm>>
    %dma_wait3A_146 = tpu.memref_squeeze %dma_wait3A_145 : memref<1x16384xf32, #tpu.memory_space<hbm>> -> memref<16384xf32, #tpu.memory_space<hbm>>
    tpu.wait_dma2 semaphore(%arg12 : memref<!tpu.dma_semaphore, #tpu.memory_space<semaphore_mem>>) src(%dma_wait3A_146 : memref<16384xf32, #tpu.memory_space<hbm>>) dst(%arg8 : memref<16384xf32, #tpu.memory_space<vmem>>)
    %scan3A_147 = arith.constant 0 : i32
    %scan3A_148 = arith.constant 0 : i32
    %scan3A_149 = arith.constant 128 : i32
    %scan3A_150 = arith.addi %scan3A_148, %scan3A_149 : i32
    %scan3A_151 = arith.constant 1 : i32
    %scan3A_152 = scf.for %scan3A_290 = %scan3A_148 to %scan3A_150 step %scan3A_151 iter_args(%scan3A_291 = %scan3A_147) -> (i32)  : i32 {
      %mul3A_292 = arith.constant 8 : i32
      %mul3A_293 = arith.muli %scan3A_290, %mul3A_292 : i32
      %add3A_294 = arith.constant 0 : i32
      %add3A_295 = arith.addi %mul3A_293, %add3A_294 : i32
      %mul3A_296 = arith.constant 16 : i32
      %mul3A_297 = arith.muli %add3A_295, %mul3A_296 : i32
      %get3A = arith.index_cast %mul3A_297 : i32 to index
      %get3A_298 = tpu.vector_load %arg6[%get3A] {strides = array<i32>} : memref<16384xf32, #tpu.memory_space<vmem>>, vector<16xf32>,
      %get3A_299 = arith.index_cast %mul3A_297 : i32 to index
      %get3A_300 = tpu.vector_load %arg8[%get3A_299] {strides = array<i32>} : memref<16384xf32, #tpu.memory_space<vmem>>, vector<16xf32>,
      %bitcast_convert_type3A = tpu.bitcast %get3A_298 : vector<16xf32> -> vector<16xi32>
      %eq3A = arith.constant 0.000000e+00 : f32
      %eq3A_301 = vector.broadcast %eq3A : f32 to vector<16xf32>
      %eq3A_302 = arith.cmpf oeq, %get3A_300, %eq3A_301 : vector<16xf32>
      %shift_right_logical3A = arith.constant 19 : i32
      %shift_right_logical3A_303 = vector.broadcast %shift_right_logical3A : i32 to vector<16xi32>
      %shift_right_logical3A_304 = arith.shrui %bitcast_convert_type3A, %shift_right_logical3A_303 : vector<16xi32>
      tpu.vector_store_idx %arg13[%shift_right_logical3A_304], %broadcast_in_dim3A_9 masked %eq3A_302 {add = true} : memref<8192xi32, #tpu.memory_space<vmem>>[vector<16xi32>], vector<16xi32>, vector<16xi1>
      %mul3A_305 = arith.constant 8 : i32
      %mul3A_306 = arith.muli %scan3A_290, %mul3A_305 : i32
      %add3A_307 = arith.constant 1 : i32
      %add3A_308 = arith.addi %mul3A_306, %add3A_307 : i32
      %mul3A_309 = arith.constant 16 : i32
      %mul3A_310 = arith.muli %add3A_308, %mul3A_309 : i32
      %get3A_311 = arith.index_cast %mul3A_310 : i32 to index
      %get3A_312 = tpu.vector_load %arg6[%get3A_311] {strides = array<i32>} : memref<16384xf32, #tpu.memory_space<vmem>>, vector<16xf32>,
      %get3A_313 = arith.index_cast %mul3A_310 : i32 to index
      %get3A_314 = tpu.vector_load %arg8[%get3A_313] {strides = array<i32>} : memref<16384xf32, #tpu.memory_space<vmem>>, vector<16xf32>,
      %bitcast_convert_type3A_315 = tpu.bitcast %get3A_312 : vector<16xf32> -> vector<16xi32>
      %eq3A_316 = arith.constant 0.000000e+00 : f32
      %eq3A_317 = vector.broadcast %eq3A_316 : f32 to vector<16xf32>
      %eq3A_318 = arith.cmpf oeq, %get3A_314, %eq3A_317 : vector<16xf32>
      %shift_right_logical3A_319 = arith.constant 19 : i32
      %shift_right_logical3A_320 = vector.broadcast %shift_right_logical3A_319 : i32 to vector<16xi32>
      %shift_right_logical3A_321 = arith.shrui %bitcast_convert_type3A_315, %shift_right_logical3A_320 : vector<16xi32>
      tpu.vector_store_idx %arg13[%shift_right_logical3A_321], %broadcast_in_dim3A_9 masked %eq3A_318 {add = true} : memref<8192xi32, #tpu.memory_space<vmem>>[vector<16xi32>], vector<16xi32>, vector<16xi1>
      %mul3A_322 = arith.constant 8 : i32
      %mul3A_323 = arith.muli %scan3A_290, %mul3A_322 : i32
      %add3A_324 = arith.constant 2 : i32
      %add3A_325 = arith.addi %mul3A_323, %add3A_324 : i32
      %mul3A_326 = arith.constant 16 : i32
      %mul3A_327 = arith.muli %add3A_325, %mul3A_326 : i32
      %get3A_328 = arith.index_cast %mul3A_327 : i32 to index
      %get3A_329 = tpu.vector_load %arg6[%get3A_328] {strides = array<i32>} : memref<16384xf32, #tpu.memory_space<vmem>>, vector<16xf32>,
      %get3A_330 = arith.index_cast %mul3A_327 : i32 to index
      %get3A_331 = tpu.vector_load %arg8[%get3A_330] {strides = array<i32>} : memref<16384xf32, #tpu.memory_space<vmem>>, vector<16xf32>,
      %bitcast_convert_type3A_332 = tpu.bitcast %get3A_329 : vector<16xf32> -> vector<16xi32>
      %eq3A_333 = arith.constant 0.000000e+00 : f32
      %eq3A_334 = vector.broadcast %eq3A_333 : f32 to vector<16xf32>
      %eq3A_335 = arith.cmpf oeq, %get3A_331, %eq3A_334 : vector<16xf32>
      %shift_right_logical3A_336 = arith.constant 19 : i32
      %shift_right_logical3A_337 = vector.broadcast %shift_right_logical3A_336 : i32 to vector<16xi32>
      %shift_right_logical3A_338 = arith.shrui %bitcast_convert_type3A_332, %shift_right_logical3A_337 : vector<16xi32>
      tpu.vector_store_idx %arg13[%shift_right_logical3A_338], %broadcast_in_dim3A_9 masked %eq3A_335 {add = true} : memref<8192xi32, #tpu.memory_space<vmem>>[vector<16xi32>], vector<16xi32>, vector<16xi1>
      %mul3A_339 = arith.constant 8 : i32
      %mul3A_340 = arith.muli %scan3A_290, %mul3A_339 : i32
      %add3A_341 = arith.constant 3 : i32
      %add3A_342 = arith.addi %mul3A_340, %add3A_341 : i32
      %mul3A_343 = arith.constant 16 : i32
      %mul3A_344 = arith.muli %add3A_342, %mul3A_343 : i32
      %get3A_345 = arith.index_cast %mul3A_344 : i32 to index
      %get3A_346 = tpu.vector_load %arg6[%get3A_345] {strides = array<i32>} : memref<16384xf32, #tpu.memory_space<vmem>>, vector<16xf32>,
      %get3A_347 = arith.index_cast %mul3A_344 : i32 to index
      %get3A_348 = tpu.vector_load %arg8[%get3A_347] {strides = array<i32>} : memref<16384xf32, #tpu.memory_space<vmem>>, vector<16xf32>,
      %bitcast_convert_type3A_349 = tpu.bitcast %get3A_346 : vector<16xf32> -> vector<16xi32>
      %eq3A_350 = arith.constant 0.000000e+00 : f32
      %eq3A_351 = vector.broadcast %eq3A_350 : f32 to vector<16xf32>
      %eq3A_352 = arith.cmpf oeq, %get3A_348, %eq3A_351 : vector<16xf32>
      %shift_right_logical3A_353 = arith.constant 19 : i32
      %shift_right_logical3A_354 = vector.broadcast %shift_right_logical3A_353 : i32 to vector<16xi32>
      %shift_right_logical3A_355 = arith.shrui %bitcast_convert_type3A_349, %shift_right_logical3A_354 : vector<16xi32>
      tpu.vector_store_idx %arg13[%shift_right_logical3A_355], %broadcast_in_dim3A_9 masked %eq3A_352 {add = true} : memref<8192xi32, #tpu.memory_space<vmem>>[vector<16xi32>], vector<16xi32>, vector<16xi1>
      %mul3A_356 = arith.constant 8 : i32
      %mul3A_357 = arith.muli %scan3A_290, %mul3A_356 : i32
      %add3A_358 = arith.constant 4 : i32
      %add3A_359 = arith.addi %mul3A_357, %add3A_358 : i32
      %mul3A_360 = arith.constant 16 : i32
      %mul3A_361 = arith.muli %add3A_359, %mul3A_360 : i32
      %get3A_362 = arith.index_cast %mul3A_361 : i32 to index
      %get3A_363 = tpu.vector_load %arg6[%get3A_362] {strides = array<i32>} : memref<16384xf32, #tpu.memory_space<vmem>>, vector<16xf32>,
      %get3A_364 = arith.index_cast %mul3A_361 : i32 to index
      %get3A_365 = tpu.vector_load %arg8[%get3A_364] {strides = array<i32>} : memref<16384xf32, #tpu.memory_space<vmem>>, vector<16xf32>,
      %bitcast_convert_type3A_366 = tpu.bitcast %get3A_363 : vector<16xf32> -> vector<16xi32>
      %eq3A_367 = arith.constant 0.000000e+00 : f32
      %eq3A_368 = vector.broadcast %eq3A_367 : f32 to vector<16xf32>
      %eq3A_369 = arith.cmpf oeq, %get3A_365, %eq3A_368 : vector<16xf32>
      %shift_right_logical3A_370 = arith.constant 19 : i32
      %shift_right_logical3A_371 = vector.broadcast %shift_right_logical3A_370 : i32 to vector<16xi32>
      %shift_right_logical3A_372 = arith.shrui %bitcast_convert_type3A_366, %shift_right_logical3A_371 : vector<16xi32>
      tpu.vector_store_idx %arg13[%shift_right_logical3A_372], %broadcast_in_dim3A_9 masked %eq3A_369 {add = true} : memref<8192xi32, #tpu.memory_space<vmem>>[vector<16xi32>], vector<16xi32>, vector<16xi1>
      %mul3A_373 = arith.constant 8 : i32
      %mul3A_374 = arith.muli %scan3A_290, %mul3A_373 : i32
      %add3A_375 = arith.constant 5 : i32
      %add3A_376 = arith.addi %mul3A_374, %add3A_375 : i32
      %mul3A_377 = arith.constant 16 : i32
      %mul3A_378 = arith.muli %add3A_376, %mul3A_377 : i32
      %get3A_379 = arith.index_cast %mul3A_378 : i32 to index
      %get3A_380 = tpu.vector_load %arg6[%get3A_379] {strides = array<i32>} : memref<16384xf32, #tpu.memory_space<vmem>>, vector<16xf32>,
      %get3A_381 = arith.index_cast %mul3A_378 : i32 to index
      %get3A_382 = tpu.vector_load %arg8[%get3A_381] {strides = array<i32>} : memref<16384xf32, #tpu.memory_space<vmem>>, vector<16xf32>,
      %bitcast_convert_type3A_383 = tpu.bitcast %get3A_380 : vector<16xf32> -> vector<16xi32>
      %eq3A_384 = arith.constant 0.000000e+00 : f32
      %eq3A_385 = vector.broadcast %eq3A_384 : f32 to vector<16xf32>
      %eq3A_386 = arith.cmpf oeq, %get3A_382, %eq3A_385 : vector<16xf32>
      %shift_right_logical3A_387 = arith.constant 19 : i32
      %shift_right_logical3A_388 = vector.broadcast %shift_right_logical3A_387 : i32 to vector<16xi32>
      %shift_right_logical3A_389 = arith.shrui %bitcast_convert_type3A_383, %shift_right_logical3A_388 : vector<16xi32>
      tpu.vector_store_idx %arg13[%shift_right_logical3A_389], %broadcast_in_dim3A_9 masked %eq3A_386 {add = true} : memref<8192xi32, #tpu.memory_space<vmem>>[vector<16xi32>], vector<16xi32>, vector<16xi1>
      %mul3A_390 = arith.constant 8 : i32
      %mul3A_391 = arith.muli %scan3A_290, %mul3A_390 : i32
      %add3A_392 = arith.constant 6 : i32
      %add3A_393 = arith.addi %mul3A_391, %add3A_392 : i32
      %mul3A_394 = arith.constant 16 : i32
      %mul3A_395 = arith.muli %add3A_393, %mul3A_394 : i32
      %get3A_396 = arith.index_cast %mul3A_395 : i32 to index
      %get3A_397 = tpu.vector_load %arg6[%get3A_396] {strides = array<i32>} : memref<16384xf32, #tpu.memory_space<vmem>>, vector<16xf32>,
      %get3A_398 = arith.index_cast %mul3A_395 : i32 to index
      %get3A_399 = tpu.vector_load %arg8[%get3A_398] {strides = array<i32>} : memref<16384xf32, #tpu.memory_space<vmem>>, vector<16xf32>,
      %bitcast_convert_type3A_400 = tpu.bitcast %get3A_397 : vector<16xf32> -> vector<16xi32>
      %eq3A_401 = arith.constant 0.000000e+00 : f32
      %eq3A_402 = vector.broadcast %eq3A_401 : f32 to vector<16xf32>
      %eq3A_403 = arith.cmpf oeq, %get3A_399, %eq3A_402 : vector<16xf32>
      %shift_right_logical3A_404 = arith.constant 19 : i32
      %shift_right_logical3A_405 = vector.broadcast %shift_right_logical3A_404 : i32 to vector<16xi32>
      %shift_right_logical3A_406 = arith.shrui %bitcast_convert_type3A_400, %shift_right_logical3A_405 : vector<16xi32>
      tpu.vector_store_idx %arg13[%shift_right_logical3A_406], %broadcast_in_dim3A_9 masked %eq3A_403 {add = true} : memref<8192xi32, #tpu.memory_space<vmem>>[vector<16xi32>], vector<16xi32>, vector<16xi1>
      %mul3A_407 = arith.constant 8 : i32
      %mul3A_408 = arith.muli %scan3A_290, %mul3A_407 : i32
      %add3A_409 = arith.constant 7 : i32
      %add3A_410 = arith.addi %mul3A_408, %add3A_409 : i32
      %mul3A_411 = arith.constant 16 : i32
      %mul3A_412 = arith.muli %add3A_410, %mul3A_411 : i32
      %get3A_413 = arith.index_cast %mul3A_412 : i32 to index
      %get3A_414 = tpu.vector_load %arg6[%get3A_413] {strides = array<i32>} : memref<16384xf32, #tpu.memory_space<vmem>>, vector<16xf32>,
      %get3A_415 = arith.index_cast %mul3A_412 : i32 to index
      %get3A_416 = tpu.vector_load %arg8[%get3A_415] {strides = array<i32>} : memref<16384xf32, #tpu.memory_space<vmem>>, vector<16xf32>,
      %bitcast_convert_type3A_417 = tpu.bitcast %get3A_414 : vector<16xf32> -> vector<16xi32>
      %eq3A_418 = arith.constant 0.000000e+00 : f32
      %eq3A_419 = vector.broadcast %eq3A_418 : f32 to vector<16xf32>
      %eq3A_420 = arith.cmpf oeq, %get3A_416, %eq3A_419 : vector<16xf32>
      %shift_right_logical3A_421 = arith.constant 19 : i32
      %shift_right_logical3A_422 = vector.broadcast %shift_right_logical3A_421 : i32 to vector<16xi32>
      %shift_right_logical3A_423 = arith.shrui %bitcast_convert_type3A_417, %shift_right_logical3A_422 : vector<16xi32>
      tpu.vector_store_idx %arg13[%shift_right_logical3A_423], %broadcast_in_dim3A_9 masked %eq3A_420 {add = true} : memref<8192xi32, #tpu.memory_space<vmem>>[vector<16xi32>], vector<16xi32>, vector<16xi1>
      %scan3A_424 = arith.constant 0 : i32
      scf.yield %scan3A_424 : i32
    }
    %scan3A_153 = arith.constant 128 : i32
    %add3A_154 = arith.constant 2 : i32
    %add3A_155 = arith.addi %mul3A_2, %add3A_154 : i32
    %dma_start3A_156 = arith.constant 16384 : i32
    %dma_start3A_157 = tpu.memref_slice %arg2[%add3A_155, %dma_start3A_156] : memref<128x32768xf32, #tpu.memory_space<hbm>> -> memref<1x16384xf32, #tpu.memory_space<hbm>>
    %dma_start3A_158 = tpu.memref_squeeze %dma_start3A_157 : memref<1x16384xf32, #tpu.memory_space<hbm>> -> memref<16384xf32, #tpu.memory_space<hbm>>
    %dma_start3A_159 = arith.constant 16384 : i32
    %dma_start3A_160 = tpu.memref_slice %arg2[%add3A_155, %dma_start3A_159] : memref<128x32768xf32, #tpu.memory_space<hbm>> -> memref<1x16384xf32, #tpu.memory_space<hbm>>
    %dma_start3A_161 = tpu.memref_squeeze %dma_start3A_160 : memref<1x16384xf32, #tpu.memory_space<hbm>> -> memref<16384xf32, #tpu.memory_space<hbm>>
    tpu.enqueue_dma source(%dma_start3A_161 : memref<16384xf32, #tpu.memory_space<hbm>>) target(%arg6 : memref<16384xf32, #tpu.memory_space<vmem>>) target_semaphore(%arg10 : memref<!tpu.dma_semaphore, #tpu.memory_space<semaphore_mem>>)
    %dma_start3A_162 = arith.constant 16384 : i32
    %dma_start3A_163 = tpu.memref_slice %arg3[%add3A_155, %dma_start3A_162] : memref<128x32768xf32, #tpu.memory_space<hbm>> -> memref<1x16384xf32, #tpu.memory_space<hbm>>
    %dma_start3A_164 = tpu.memref_squeeze %dma_start3A_163 : memref<1x16384xf32, #tpu.memory_space<hbm>> -> memref<16384xf32, #tpu.memory_space<hbm>>
    %dma_start3A_165 = arith.constant 16384 : i32
    %dma_start3A_166 = tpu.memref_slice %arg3[%add3A_155, %dma_start3A_165] : memref<128x32768xf32, #tpu.memory_space<hbm>> -> memref<1x16384xf32, #tpu.memory_space<hbm>>
    %dma_start3A_167 = tpu.memref_squeeze %dma_start3A_166 : memref<1x16384xf32, #tpu.memory_space<hbm>> -> memref<16384xf32, #tpu.memory_space<hbm>>
    tpu.enqueue_dma source(%dma_start3A_167 : memref<16384xf32, #tpu.memory_space<hbm>>) target(%arg8 : memref<16384xf32, #tpu.memory_space<vmem>>) target_semaphore(%arg12 : memref<!tpu.dma_semaphore, #tpu.memory_space<semaphore_mem>>)
    %dma_wait3A_168 = arith.constant 0 : i32
    %dma_wait3A_169 = tpu.memref_slice %arg2[%add3A_122, %dma_wait3A_168] : memref<128x32768xf32, #tpu.memory_space<hbm>> -> memref<1x16384xf32, #tpu.memory_space<hbm>>
    %dma_wait3A_170 = tpu.memref_squeeze %dma_wait3A_169 : memref<1x16384xf32, #tpu.memory_space<hbm>> -> memref<16384xf32, #tpu.memory_space<hbm>>
    %dma_wait3A_171 = arith.constant 0 : i32
    %dma_wait3A_172 = tpu.memref_slice %arg2[%add3A_122, %dma_wait3A_171] : memref<128x32768xf32, #tpu.memory_space<hbm>> -> memref<1x16384xf32, #tpu.memory_space<hbm>>
    %dma_wait3A_173 = tpu.memref_squeeze %dma_wait3A_172 : memref<1x16384xf32, #tpu.memory_space<hbm>> -> memref<16384xf32, #tpu.memory_space<hbm>>
    tpu.wait_dma2 semaphore(%arg9 : memref<!tpu.dma_semaphore, #tpu.memory_space<semaphore_mem>>) src(%dma_wait3A_173 : memref<16384xf32, #tpu.memory_space<hbm>>) dst(%arg5 : memref<16384xf32, #tpu.memory_space<vmem>>)
    %dma_wait3A_174 = arith.constant 0 : i32
    %dma_wait3A_175 = tpu.memref_slice %arg3[%add3A_122, %dma_wait3A_174] : memref<128x32768xf32, #tpu.memory_space<hbm>> -> memref<1x16384xf32, #tpu.memory_space<hbm>>
    %dma_wait3A_176 = tpu.memref_squeeze %dma_wait3A_175 : memref<1x16384xf32, #tpu.memory_space<hbm>> -> memref<16384xf32, #tpu.memory_space<hbm>>
    %dma_wait3A_177 = arith.constant 0 : i32
    %dma_wait3A_178 = tpu.memref_slice %arg3[%add3A_122, %dma_wait3A_177] : memref<128x32768xf32, #tpu.memory_space<hbm>> -> memref<1x16384xf32, #tpu.memory_space<hbm>>
    %dma_wait3A_179 = tpu.memref_squeeze %dma_wait3A_178 : memref<1x16384xf32, #tpu.memory_space<hbm>> -> memref<16384xf32, #tpu.memory_space<hbm>>
    tpu.wait_dma2 semaphore(%arg11 : memref<!tpu.dma_semaphore, #tpu.memory_space<semaphore_mem>>) src(%dma_wait3A_179 : memref<16384xf32, #tpu.memory_space<hbm>>) dst(%arg7 : memref<16384xf32, #tpu.memory_space<vmem>>)
    %scan3A_180 = arith.constant 0 : i32
    %scan3A_181 = arith.constant 0 : i32
    %scan3A_182 = arith.constant 128 : i32
    %scan3A_183 = arith.addi %scan3A_181, %scan3A_182 : i32
    %scan3A_184 = arith.constant 1 : i32
    %scan3A_185 = scf.for %scan3A_290 = %scan3A_181 to %scan3A_183 step %scan3A_184 iter_args(%scan3A_291 = %scan3A_180) -> (i32)  : i32 {
      %mul3A_292 = arith.constant 8 : i32
      %mul3A_293 = arith.muli %scan3A_290, %mul3A_292 : i32
      %add3A_294 = arith.constant 0 : i32
      %add3A_295 = arith.addi %mul3A_293, %add3A_294 : i32
      %mul3A_296 = arith.constant 16 : i32
      %mul3A_297 = arith.muli %add3A_295, %mul3A_296 : i32
      %get3A = arith.index_cast %mul3A_297 : i32 to index
      %get3A_298 = tpu.vector_load %arg5[%get3A] {strides = array<i32>} : memref<16384xf32, #tpu.memory_space<vmem>>, vector<16xf32>,
      %get3A_299 = arith.index_cast %mul3A_297 : i32 to index
      %get3A_300 = tpu.vector_load %arg7[%get3A_299] {strides = array<i32>} : memref<16384xf32, #tpu.memory_space<vmem>>, vector<16xf32>,
      %bitcast_convert_type3A = tpu.bitcast %get3A_298 : vector<16xf32> -> vector<16xi32>
      %eq3A = arith.constant 0.000000e+00 : f32
      %eq3A_301 = vector.broadcast %eq3A : f32 to vector<16xf32>
      %eq3A_302 = arith.cmpf oeq, %get3A_300, %eq3A_301 : vector<16xf32>
      %shift_right_logical3A = arith.constant 19 : i32
      %shift_right_logical3A_303 = vector.broadcast %shift_right_logical3A : i32 to vector<16xi32>
      %shift_right_logical3A_304 = arith.shrui %bitcast_convert_type3A, %shift_right_logical3A_303 : vector<16xi32>
      tpu.vector_store_idx %arg13[%shift_right_logical3A_304], %broadcast_in_dim3A_9 masked %eq3A_302 {add = true} : memref<8192xi32, #tpu.memory_space<vmem>>[vector<16xi32>], vector<16xi32>, vector<16xi1>
      %mul3A_305 = arith.constant 8 : i32
      %mul3A_306 = arith.muli %scan3A_290, %mul3A_305 : i32
      %add3A_307 = arith.constant 1 : i32
      %add3A_308 = arith.addi %mul3A_306, %add3A_307 : i32
      %mul3A_309 = arith.constant 16 : i32
      %mul3A_310 = arith.muli %add3A_308, %mul3A_309 : i32
      %get3A_311 = arith.index_cast %mul3A_310 : i32 to index
      %get3A_312 = tpu.vector_load %arg5[%get3A_311] {strides = array<i32>} : memref<16384xf32, #tpu.memory_space<vmem>>, vector<16xf32>,
      %get3A_313 = arith.index_cast %mul3A_310 : i32 to index
      %get3A_314 = tpu.vector_load %arg7[%get3A_313] {strides = array<i32>} : memref<16384xf32, #tpu.memory_space<vmem>>, vector<16xf32>,
      %bitcast_convert_type3A_315 = tpu.bitcast %get3A_312 : vector<16xf32> -> vector<16xi32>
      %eq3A_316 = arith.constant 0.000000e+00 : f32
      %eq3A_317 = vector.broadcast %eq3A_316 : f32 to vector<16xf32>
      %eq3A_318 = arith.cmpf oeq, %get3A_314, %eq3A_317 : vector<16xf32>
      %shift_right_logical3A_319 = arith.constant 19 : i32
      %shift_right_logical3A_320 = vector.broadcast %shift_right_logical3A_319 : i32 to vector<16xi32>
      %shift_right_logical3A_321 = arith.shrui %bitcast_convert_type3A_315, %shift_right_logical3A_320 : vector<16xi32>
      tpu.vector_store_idx %arg13[%shift_right_logical3A_321], %broadcast_in_dim3A_9 masked %eq3A_318 {add = true} : memref<8192xi32, #tpu.memory_space<vmem>>[vector<16xi32>], vector<16xi32>, vector<16xi1>
      %mul3A_322 = arith.constant 8 : i32
      %mul3A_323 = arith.muli %scan3A_290, %mul3A_322 : i32
      %add3A_324 = arith.constant 2 : i32
      %add3A_325 = arith.addi %mul3A_323, %add3A_324 : i32
      %mul3A_326 = arith.constant 16 : i32
      %mul3A_327 = arith.muli %add3A_325, %mul3A_326 : i32
      %get3A_328 = arith.index_cast %mul3A_327 : i32 to index
      %get3A_329 = tpu.vector_load %arg5[%get3A_328] {strides = array<i32>} : memref<16384xf32, #tpu.memory_space<vmem>>, vector<16xf32>,
      %get3A_330 = arith.index_cast %mul3A_327 : i32 to index
      %get3A_331 = tpu.vector_load %arg7[%get3A_330] {strides = array<i32>} : memref<16384xf32, #tpu.memory_space<vmem>>, vector<16xf32>,
      %bitcast_convert_type3A_332 = tpu.bitcast %get3A_329 : vector<16xf32> -> vector<16xi32>
      %eq3A_333 = arith.constant 0.000000e+00 : f32
      %eq3A_334 = vector.broadcast %eq3A_333 : f32 to vector<16xf32>
      %eq3A_335 = arith.cmpf oeq, %get3A_331, %eq3A_334 : vector<16xf32>
      %shift_right_logical3A_336 = arith.constant 19 : i32
      %shift_right_logical3A_337 = vector.broadcast %shift_right_logical3A_336 : i32 to vector<16xi32>
      %shift_right_logical3A_338 = arith.shrui %bitcast_convert_type3A_332, %shift_right_logical3A_337 : vector<16xi32>
      tpu.vector_store_idx %arg13[%shift_right_logical3A_338], %broadcast_in_dim3A_9 masked %eq3A_335 {add = true} : memref<8192xi32, #tpu.memory_space<vmem>>[vector<16xi32>], vector<16xi32>, vector<16xi1>
      %mul3A_339 = arith.constant 8 : i32
      %mul3A_340 = arith.muli %scan3A_290, %mul3A_339 : i32
      %add3A_341 = arith.constant 3 : i32
      %add3A_342 = arith.addi %mul3A_340, %add3A_341 : i32
      %mul3A_343 = arith.constant 16 : i32
      %mul3A_344 = arith.muli %add3A_342, %mul3A_343 : i32
      %get3A_345 = arith.index_cast %mul3A_344 : i32 to index
      %get3A_346 = tpu.vector_load %arg5[%get3A_345] {strides = array<i32>} : memref<16384xf32, #tpu.memory_space<vmem>>, vector<16xf32>,
      %get3A_347 = arith.index_cast %mul3A_344 : i32 to index
      %get3A_348 = tpu.vector_load %arg7[%get3A_347] {strides = array<i32>} : memref<16384xf32, #tpu.memory_space<vmem>>, vector<16xf32>,
      %bitcast_convert_type3A_349 = tpu.bitcast %get3A_346 : vector<16xf32> -> vector<16xi32>
      %eq3A_350 = arith.constant 0.000000e+00 : f32
      %eq3A_351 = vector.broadcast %eq3A_350 : f32 to vector<16xf32>
      %eq3A_352 = arith.cmpf oeq, %get3A_348, %eq3A_351 : vector<16xf32>
      %shift_right_logical3A_353 = arith.constant 19 : i32
      %shift_right_logical3A_354 = vector.broadcast %shift_right_logical3A_353 : i32 to vector<16xi32>
      %shift_right_logical3A_355 = arith.shrui %bitcast_convert_type3A_349, %shift_right_logical3A_354 : vector<16xi32>
      tpu.vector_store_idx %arg13[%shift_right_logical3A_355], %broadcast_in_dim3A_9 masked %eq3A_352 {add = true} : memref<8192xi32, #tpu.memory_space<vmem>>[vector<16xi32>], vector<16xi32>, vector<16xi1>
      %mul3A_356 = arith.constant 8 : i32
      %mul3A_357 = arith.muli %scan3A_290, %mul3A_356 : i32
      %add3A_358 = arith.constant 4 : i32
      %add3A_359 = arith.addi %mul3A_357, %add3A_358 : i32
      %mul3A_360 = arith.constant 16 : i32
      %mul3A_361 = arith.muli %add3A_359, %mul3A_360 : i32
      %get3A_362 = arith.index_cast %mul3A_361 : i32 to index
      %get3A_363 = tpu.vector_load %arg5[%get3A_362] {strides = array<i32>} : memref<16384xf32, #tpu.memory_space<vmem>>, vector<16xf32>,
      %get3A_364 = arith.index_cast %mul3A_361 : i32 to index
      %get3A_365 = tpu.vector_load %arg7[%get3A_364] {strides = array<i32>} : memref<16384xf32, #tpu.memory_space<vmem>>, vector<16xf32>,
      %bitcast_convert_type3A_366 = tpu.bitcast %get3A_363 : vector<16xf32> -> vector<16xi32>
      %eq3A_367 = arith.constant 0.000000e+00 : f32
      %eq3A_368 = vector.broadcast %eq3A_367 : f32 to vector<16xf32>
      %eq3A_369 = arith.cmpf oeq, %get3A_365, %eq3A_368 : vector<16xf32>
      %shift_right_logical3A_370 = arith.constant 19 : i32
      %shift_right_logical3A_371 = vector.broadcast %shift_right_logical3A_370 : i32 to vector<16xi32>
      %shift_right_logical3A_372 = arith.shrui %bitcast_convert_type3A_366, %shift_right_logical3A_371 : vector<16xi32>
      tpu.vector_store_idx %arg13[%shift_right_logical3A_372], %broadcast_in_dim3A_9 masked %eq3A_369 {add = true} : memref<8192xi32, #tpu.memory_space<vmem>>[vector<16xi32>], vector<16xi32>, vector<16xi1>
      %mul3A_373 = arith.constant 8 : i32
      %mul3A_374 = arith.muli %scan3A_290, %mul3A_373 : i32
      %add3A_375 = arith.constant 5 : i32
      %add3A_376 = arith.addi %mul3A_374, %add3A_375 : i32
      %mul3A_377 = arith.constant 16 : i32
      %mul3A_378 = arith.muli %add3A_376, %mul3A_377 : i32
      %get3A_379 = arith.index_cast %mul3A_378 : i32 to index
      %get3A_380 = tpu.vector_load %arg5[%get3A_379] {strides = array<i32>} : memref<16384xf32, #tpu.memory_space<vmem>>, vector<16xf32>,
      %get3A_381 = arith.index_cast %mul3A_378 : i32 to index
      %get3A_382 = tpu.vector_load %arg7[%get3A_381] {strides = array<i32>} : memref<16384xf32, #tpu.memory_space<vmem>>, vector<16xf32>,
      %bitcast_convert_type3A_383 = tpu.bitcast %get3A_380 : vector<16xf32> -> vector<16xi32>
      %eq3A_384 = arith.constant 0.000000e+00 : f32
      %eq3A_385 = vector.broadcast %eq3A_384 : f32 to vector<16xf32>
      %eq3A_386 = arith.cmpf oeq, %get3A_382, %eq3A_385 : vector<16xf32>
      %shift_right_logical3A_387 = arith.constant 19 : i32
      %shift_right_logical3A_388 = vector.broadcast %shift_right_logical3A_387 : i32 to vector<16xi32>
      %shift_right_logical3A_389 = arith.shrui %bitcast_convert_type3A_383, %shift_right_logical3A_388 : vector<16xi32>
      tpu.vector_store_idx %arg13[%shift_right_logical3A_389], %broadcast_in_dim3A_9 masked %eq3A_386 {add = true} : memref<8192xi32, #tpu.memory_space<vmem>>[vector<16xi32>], vector<16xi32>, vector<16xi1>
      %mul3A_390 = arith.constant 8 : i32
      %mul3A_391 = arith.muli %scan3A_290, %mul3A_390 : i32
      %add3A_392 = arith.constant 6 : i32
      %add3A_393 = arith.addi %mul3A_391, %add3A_392 : i32
      %mul3A_394 = arith.constant 16 : i32
      %mul3A_395 = arith.muli %add3A_393, %mul3A_394 : i32
      %get3A_396 = arith.index_cast %mul3A_395 : i32 to index
      %get3A_397 = tpu.vector_load %arg5[%get3A_396] {strides = array<i32>} : memref<16384xf32, #tpu.memory_space<vmem>>, vector<16xf32>,
      %get3A_398 = arith.index_cast %mul3A_395 : i32 to index
      %get3A_399 = tpu.vector_load %arg7[%get3A_398] {strides = array<i32>} : memref<16384xf32, #tpu.memory_space<vmem>>, vector<16xf32>,
      %bitcast_convert_type3A_400 = tpu.bitcast %get3A_397 : vector<16xf32> -> vector<16xi32>
      %eq3A_401 = arith.constant 0.000000e+00 : f32
      %eq3A_402 = vector.broadcast %eq3A_401 : f32 to vector<16xf32>
      %eq3A_403 = arith.cmpf oeq, %get3A_399, %eq3A_402 : vector<16xf32>
      %shift_right_logical3A_404 = arith.constant 19 : i32
      %shift_right_logical3A_405 = vector.broadcast %shift_right_logical3A_404 : i32 to vector<16xi32>
      %shift_right_logical3A_406 = arith.shrui %bitcast_convert_type3A_400, %shift_right_logical3A_405 : vector<16xi32>
      tpu.vector_store_idx %arg13[%shift_right_logical3A_406], %broadcast_in_dim3A_9 masked %eq3A_403 {add = true} : memref<8192xi32, #tpu.memory_space<vmem>>[vector<16xi32>], vector<16xi32>, vector<16xi1>
      %mul3A_407 = arith.constant 8 : i32
      %mul3A_408 = arith.muli %scan3A_290, %mul3A_407 : i32
      %add3A_409 = arith.constant 7 : i32
      %add3A_410 = arith.addi %mul3A_408, %add3A_409 : i32
      %mul3A_411 = arith.constant 16 : i32
      %mul3A_412 = arith.muli %add3A_410, %mul3A_411 : i32
      %get3A_413 = arith.index_cast %mul3A_412 : i32 to index
      %get3A_414 = tpu.vector_load %arg5[%get3A_413] {strides = array<i32>} : memref<16384xf32, #tpu.memory_space<vmem>>, vector<16xf32>,
      %get3A_415 = arith.index_cast %mul3A_412 : i32 to index
      %get3A_416 = tpu.vector_load %arg7[%get3A_415] {strides = array<i32>} : memref<16384xf32, #tpu.memory_space<vmem>>, vector<16xf32>,
      %bitcast_convert_type3A_417 = tpu.bitcast %get3A_414 : vector<16xf32> -> vector<16xi32>
      %eq3A_418 = arith.constant 0.000000e+00 : f32
      %eq3A_419 = vector.broadcast %eq3A_418 : f32 to vector<16xf32>
      %eq3A_420 = arith.cmpf oeq, %get3A_416, %eq3A_419 : vector<16xf32>
      %shift_right_logical3A_421 = arith.constant 19 : i32
      %shift_right_logical3A_422 = vector.broadcast %shift_right_logical3A_421 : i32 to vector<16xi32>
      %shift_right_logical3A_423 = arith.shrui %bitcast_convert_type3A_417, %shift_right_logical3A_422 : vector<16xi32>
      tpu.vector_store_idx %arg13[%shift_right_logical3A_423], %broadcast_in_dim3A_9 masked %eq3A_420 {add = true} : memref<8192xi32, #tpu.memory_space<vmem>>[vector<16xi32>], vector<16xi32>, vector<16xi1>
      %scan3A_424 = arith.constant 0 : i32
      scf.yield %scan3A_424 : i32
    }
    %scan3A_186 = arith.constant 128 : i32
    %add3A_187 = arith.constant 3 : i32
    %add3A_188 = arith.addi %mul3A_2, %add3A_187 : i32
    %dma_start3A_189 = arith.constant 0 : i32
    %dma_start3A_190 = tpu.memref_slice %arg2[%add3A_188, %dma_start3A_189] : memref<128x32768xf32, #tpu.memory_space<hbm>> -> memref<1x16384xf32, #tpu.memory_space<hbm>>
    %dma_start3A_191 = tpu.memref_squeeze %dma_start3A_190 : memref<1x16384xf32, #tpu.memory_space<hbm>> -> memref<16384xf32, #tpu.memory_space<hbm>>
    %dma_start3A_192 = arith.constant 0 : i32
    %dma_start3A_193 = tpu.memref_slice %arg2[%add3A_188, %dma_start3A_192] : memref<128x32768xf32, #tpu.memory_space<hbm>> -> memref<1x16384xf32, #tpu.memory_space<hbm>>
    %dma_start3A_194 = tpu.memref_squeeze %dma_start3A_193 : memref<1x16384xf32, #tpu.memory_space<hbm>> -> memref<16384xf32, #tpu.memory_space<hbm>>
    tpu.enqueue_dma source(%dma_start3A_194 : memref<16384xf32, #tpu.memory_space<hbm>>) target(%arg5 : memref<16384xf32, #tpu.memory_space<vmem>>) target_semaphore(%arg9 : memref<!tpu.dma_semaphore, #tpu.memory_space<semaphore_mem>>)
    %dma_start3A_195 = arith.constant 0 : i32
    %dma_start3A_196 = tpu.memref_slice %arg3[%add3A_188, %dma_start3A_195] : memref<128x32768xf32, #tpu.memory_space<hbm>> -> memref<1x16384xf32, #tpu.memory_space<hbm>>
    %dma_start3A_197 = tpu.memref_squeeze %dma_start3A_196 : memref<1x16384xf32, #tpu.memory_space<hbm>> -> memref<16384xf32, #tpu.memory_space<hbm>>
    %dma_start3A_198 = arith.constant 0 : i32
    %dma_start3A_199 = tpu.memref_slice %arg3[%add3A_188, %dma_start3A_198] : memref<128x32768xf32, #tpu.memory_space<hbm>> -> memref<1x16384xf32, #tpu.memory_space<hbm>>
    %dma_start3A_200 = tpu.memref_squeeze %dma_start3A_199 : memref<1x16384xf32, #tpu.memory_space<hbm>> -> memref<16384xf32, #tpu.memory_space<hbm>>
    tpu.enqueue_dma source(%dma_start3A_200 : memref<16384xf32, #tpu.memory_space<hbm>>) target(%arg7 : memref<16384xf32, #tpu.memory_space<vmem>>) target_semaphore(%arg11 : memref<!tpu.dma_semaphore, #tpu.memory_space<semaphore_mem>>)
    %dma_wait3A_201 = arith.constant 16384 : i32
    %dma_wait3A_202 = tpu.memref_slice %arg2[%add3A_155, %dma_wait3A_201] : memref<128x32768xf32, #tpu.memory_space<hbm>> -> memref<1x16384xf32, #tpu.memory_space<hbm>>
    %dma_wait3A_203 = tpu.memref_squeeze %dma_wait3A_202 : memref<1x16384xf32, #tpu.memory_space<hbm>> -> memref<16384xf32, #tpu.memory_space<hbm>>
    %dma_wait3A_204 = arith.constant 16384 : i32
    %dma_wait3A_205 = tpu.memref_slice %arg2[%add3A_155, %dma_wait3A_204] : memref<128x32768xf32, #tpu.memory_space<hbm>> -> memref<1x16384xf32, #tpu.memory_space<hbm>>
    %dma_wait3A_206 = tpu.memref_squeeze %dma_wait3A_205 : memref<1x16384xf32, #tpu.memory_space<hbm>> -> memref<16384xf32, #tpu.memory_space<hbm>>
    tpu.wait_dma2 semaphore(%arg10 : memref<!tpu.dma_semaphore, #tpu.memory_space<semaphore_mem>>) src(%dma_wait3A_206 : memref<16384xf32, #tpu.memory_space<hbm>>) dst(%arg6 : memref<16384xf32, #tpu.memory_space<vmem>>)
    %dma_wait3A_207 = arith.constant 16384 : i32
    %dma_wait3A_208 = tpu.memref_slice %arg3[%add3A_155, %dma_wait3A_207] : memref<128x32768xf32, #tpu.memory_space<hbm>> -> memref<1x16384xf32, #tpu.memory_space<hbm>>
    %dma_wait3A_209 = tpu.memref_squeeze %dma_wait3A_208 : memref<1x16384xf32, #tpu.memory_space<hbm>> -> memref<16384xf32, #tpu.memory_space<hbm>>
    %dma_wait3A_210 = arith.constant 16384 : i32
    %dma_wait3A_211 = tpu.memref_slice %arg3[%add3A_155, %dma_wait3A_210] : memref<128x32768xf32, #tpu.memory_space<hbm>> -> memref<1x16384xf32, #tpu.memory_space<hbm>>
    %dma_wait3A_212 = tpu.memref_squeeze %dma_wait3A_211 : memref<1x16384xf32, #tpu.memory_space<hbm>> -> memref<16384xf32, #tpu.memory_space<hbm>>
    tpu.wait_dma2 semaphore(%arg12 : memref<!tpu.dma_semaphore, #tpu.memory_space<semaphore_mem>>) src(%dma_wait3A_212 : memref<16384xf32, #tpu.memory_space<hbm>>) dst(%arg8 : memref<16384xf32, #tpu.memory_space<vmem>>)
    %scan3A_213 = arith.constant 0 : i32
    %scan3A_214 = arith.constant 0 : i32
    %scan3A_215 = arith.constant 128 : i32
    %scan3A_216 = arith.addi %scan3A_214, %scan3A_215 : i32
    %scan3A_217 = arith.constant 1 : i32
    %scan3A_218 = scf.for %scan3A_290 = %scan3A_214 to %scan3A_216 step %scan3A_217 iter_args(%scan3A_291 = %scan3A_213) -> (i32)  : i32 {
      %mul3A_292 = arith.constant 8 : i32
      %mul3A_293 = arith.muli %scan3A_290, %mul3A_292 : i32
      %add3A_294 = arith.constant 0 : i32
      %add3A_295 = arith.addi %mul3A_293, %add3A_294 : i32
      %mul3A_296 = arith.constant 16 : i32
      %mul3A_297 = arith.muli %add3A_295, %mul3A_296 : i32
      %get3A = arith.index_cast %mul3A_297 : i32 to index
      %get3A_298 = tpu.vector_load %arg6[%get3A] {strides = array<i32>} : memref<16384xf32, #tpu.memory_space<vmem>>, vector<16xf32>,
      %get3A_299 = arith.index_cast %mul3A_297 : i32 to index
      %get3A_300 = tpu.vector_load %arg8[%get3A_299] {strides = array<i32>} : memref<16384xf32, #tpu.memory_space<vmem>>, vector<16xf32>,
      %bitcast_convert_type3A = tpu.bitcast %get3A_298 : vector<16xf32> -> vector<16xi32>
      %eq3A = arith.constant 0.000000e+00 : f32
      %eq3A_301 = vector.broadcast %eq3A : f32 to vector<16xf32>
      %eq3A_302 = arith.cmpf oeq, %get3A_300, %eq3A_301 : vector<16xf32>
      %shift_right_logical3A = arith.constant 19 : i32
      %shift_right_logical3A_303 = vector.broadcast %shift_right_logical3A : i32 to vector<16xi32>
      %shift_right_logical3A_304 = arith.shrui %bitcast_convert_type3A, %shift_right_logical3A_303 : vector<16xi32>
      tpu.vector_store_idx %arg13[%shift_right_logical3A_304], %broadcast_in_dim3A_9 masked %eq3A_302 {add = true} : memref<8192xi32, #tpu.memory_space<vmem>>[vector<16xi32>], vector<16xi32>, vector<16xi1>
      %mul3A_305 = arith.constant 8 : i32
      %mul3A_306 = arith.muli %scan3A_290, %mul3A_305 : i32
      %add3A_307 = arith.constant 1 : i32
      %add3A_308 = arith.addi %mul3A_306, %add3A_307 : i32
      %mul3A_309 = arith.constant 16 : i32
      %mul3A_310 = arith.muli %add3A_308, %mul3A_309 : i32
      %get3A_311 = arith.index_cast %mul3A_310 : i32 to index
      %get3A_312 = tpu.vector_load %arg6[%get3A_311] {strides = array<i32>} : memref<16384xf32, #tpu.memory_space<vmem>>, vector<16xf32>,
      %get3A_313 = arith.index_cast %mul3A_310 : i32 to index
      %get3A_314 = tpu.vector_load %arg8[%get3A_313] {strides = array<i32>} : memref<16384xf32, #tpu.memory_space<vmem>>, vector<16xf32>,
      %bitcast_convert_type3A_315 = tpu.bitcast %get3A_312 : vector<16xf32> -> vector<16xi32>
      %eq3A_316 = arith.constant 0.000000e+00 : f32
      %eq3A_317 = vector.broadcast %eq3A_316 : f32 to vector<16xf32>
      %eq3A_318 = arith.cmpf oeq, %get3A_314, %eq3A_317 : vector<16xf32>
      %shift_right_logical3A_319 = arith.constant 19 : i32
      %shift_right_logical3A_320 = vector.broadcast %shift_right_logical3A_319 : i32 to vector<16xi32>
      %shift_right_logical3A_321 = arith.shrui %bitcast_convert_type3A_315, %shift_right_logical3A_320 : vector<16xi32>
      tpu.vector_store_idx %arg13[%shift_right_logical3A_321], %broadcast_in_dim3A_9 masked %eq3A_318 {add = true} : memref<8192xi32, #tpu.memory_space<vmem>>[vector<16xi32>], vector<16xi32>, vector<16xi1>
      %mul3A_322 = arith.constant 8 : i32
      %mul3A_323 = arith.muli %scan3A_290, %mul3A_322 : i32
      %add3A_324 = arith.constant 2 : i32
      %add3A_325 = arith.addi %mul3A_323, %add3A_324 : i32
      %mul3A_326 = arith.constant 16 : i32
      %mul3A_327 = arith.muli %add3A_325, %mul3A_326 : i32
      %get3A_328 = arith.index_cast %mul3A_327 : i32 to index
      %get3A_329 = tpu.vector_load %arg6[%get3A_328] {strides = array<i32>} : memref<16384xf32, #tpu.memory_space<vmem>>, vector<16xf32>,
      %get3A_330 = arith.index_cast %mul3A_327 : i32 to index
      %get3A_331 = tpu.vector_load %arg8[%get3A_330] {strides = array<i32>} : memref<16384xf32, #tpu.memory_space<vmem>>, vector<16xf32>,
      %bitcast_convert_type3A_332 = tpu.bitcast %get3A_329 : vector<16xf32> -> vector<16xi32>
      %eq3A_333 = arith.constant 0.000000e+00 : f32
      %eq3A_334 = vector.broadcast %eq3A_333 : f32 to vector<16xf32>
      %eq3A_335 = arith.cmpf oeq, %get3A_331, %eq3A_334 : vector<16xf32>
      %shift_right_logical3A_336 = arith.constant 19 : i32
      %shift_right_logical3A_337 = vector.broadcast %shift_right_logical3A_336 : i32 to vector<16xi32>
      %shift_right_logical3A_338 = arith.shrui %bitcast_convert_type3A_332, %shift_right_logical3A_337 : vector<16xi32>
      tpu.vector_store_idx %arg13[%shift_right_logical3A_338], %broadcast_in_dim3A_9 masked %eq3A_335 {add = true} : memref<8192xi32, #tpu.memory_space<vmem>>[vector<16xi32>], vector<16xi32>, vector<16xi1>
      %mul3A_339 = arith.constant 8 : i32
      %mul3A_340 = arith.muli %scan3A_290, %mul3A_339 : i32
      %add3A_341 = arith.constant 3 : i32
      %add3A_342 = arith.addi %mul3A_340, %add3A_341 : i32
      %mul3A_343 = arith.constant 16 : i32
      %mul3A_344 = arith.muli %add3A_342, %mul3A_343 : i32
      %get3A_345 = arith.index_cast %mul3A_344 : i32 to index
      %get3A_346 = tpu.vector_load %arg6[%get3A_345] {strides = array<i32>} : memref<16384xf32, #tpu.memory_space<vmem>>, vector<16xf32>,
      %get3A_347 = arith.index_cast %mul3A_344 : i32 to index
      %get3A_348 = tpu.vector_load %arg8[%get3A_347] {strides = array<i32>} : memref<16384xf32, #tpu.memory_space<vmem>>, vector<16xf32>,
      %bitcast_convert_type3A_349 = tpu.bitcast %get3A_346 : vector<16xf32> -> vector<16xi32>
      %eq3A_350 = arith.constant 0.000000e+00 : f32
      %eq3A_351 = vector.broadcast %eq3A_350 : f32 to vector<16xf32>
      %eq3A_352 = arith.cmpf oeq, %get3A_348, %eq3A_351 : vector<16xf32>
      %shift_right_logical3A_353 = arith.constant 19 : i32
      %shift_right_logical3A_354 = vector.broadcast %shift_right_logical3A_353 : i32 to vector<16xi32>
      %shift_right_logical3A_355 = arith.shrui %bitcast_convert_type3A_349, %shift_right_logical3A_354 : vector<16xi32>
      tpu.vector_store_idx %arg13[%shift_right_logical3A_355], %broadcast_in_dim3A_9 masked %eq3A_352 {add = true} : memref<8192xi32, #tpu.memory_space<vmem>>[vector<16xi32>], vector<16xi32>, vector<16xi1>
      %mul3A_356 = arith.constant 8 : i32
      %mul3A_357 = arith.muli %scan3A_290, %mul3A_356 : i32
      %add3A_358 = arith.constant 4 : i32
      %add3A_359 = arith.addi %mul3A_357, %add3A_358 : i32
      %mul3A_360 = arith.constant 16 : i32
      %mul3A_361 = arith.muli %add3A_359, %mul3A_360 : i32
      %get3A_362 = arith.index_cast %mul3A_361 : i32 to index
      %get3A_363 = tpu.vector_load %arg6[%get3A_362] {strides = array<i32>} : memref<16384xf32, #tpu.memory_space<vmem>>, vector<16xf32>,
      %get3A_364 = arith.index_cast %mul3A_361 : i32 to index
      %get3A_365 = tpu.vector_load %arg8[%get3A_364] {strides = array<i32>} : memref<16384xf32, #tpu.memory_space<vmem>>, vector<16xf32>,
      %bitcast_convert_type3A_366 = tpu.bitcast %get3A_363 : vector<16xf32> -> vector<16xi32>
      %eq3A_367 = arith.constant 0.000000e+00 : f32
      %eq3A_368 = vector.broadcast %eq3A_367 : f32 to vector<16xf32>
      %eq3A_369 = arith.cmpf oeq, %get3A_365, %eq3A_368 : vector<16xf32>
      %shift_right_logical3A_370 = arith.constant 19 : i32
      %shift_right_logical3A_371 = vector.broadcast %shift_right_logical3A_370 : i32 to vector<16xi32>
      %shift_right_logical3A_372 = arith.shrui %bitcast_convert_type3A_366, %shift_right_logical3A_371 : vector<16xi32>
      tpu.vector_store_idx %arg13[%shift_right_logical3A_372], %broadcast_in_dim3A_9 masked %eq3A_369 {add = true} : memref<8192xi32, #tpu.memory_space<vmem>>[vector<16xi32>], vector<16xi32>, vector<16xi1>
      %mul3A_373 = arith.constant 8 : i32
      %mul3A_374 = arith.muli %scan3A_290, %mul3A_373 : i32
      %add3A_375 = arith.constant 5 : i32
      %add3A_376 = arith.addi %mul3A_374, %add3A_375 : i32
      %mul3A_377 = arith.constant 16 : i32
      %mul3A_378 = arith.muli %add3A_376, %mul3A_377 : i32
      %get3A_379 = arith.index_cast %mul3A_378 : i32 to index
      %get3A_380 = tpu.vector_load %arg6[%get3A_379] {strides = array<i32>} : memref<16384xf32, #tpu.memory_space<vmem>>, vector<16xf32>,
      %get3A_381 = arith.index_cast %mul3A_378 : i32 to index
      %get3A_382 = tpu.vector_load %arg8[%get3A_381] {strides = array<i32>} : memref<16384xf32, #tpu.memory_space<vmem>>, vector<16xf32>,
      %bitcast_convert_type3A_383 = tpu.bitcast %get3A_380 : vector<16xf32> -> vector<16xi32>
      %eq3A_384 = arith.constant 0.000000e+00 : f32
      %eq3A_385 = vector.broadcast %eq3A_384 : f32 to vector<16xf32>
      %eq3A_386 = arith.cmpf oeq, %get3A_382, %eq3A_385 : vector<16xf32>
      %shift_right_logical3A_387 = arith.constant 19 : i32
      %shift_right_logical3A_388 = vector.broadcast %shift_right_logical3A_387 : i32 to vector<16xi32>
      %shift_right_logical3A_389 = arith.shrui %bitcast_convert_type3A_383, %shift_right_logical3A_388 : vector<16xi32>
      tpu.vector_store_idx %arg13[%shift_right_logical3A_389], %broadcast_in_dim3A_9 masked %eq3A_386 {add = true} : memref<8192xi32, #tpu.memory_space<vmem>>[vector<16xi32>], vector<16xi32>, vector<16xi1>
      %mul3A_390 = arith.constant 8 : i32
      %mul3A_391 = arith.muli %scan3A_290, %mul3A_390 : i32
      %add3A_392 = arith.constant 6 : i32
      %add3A_393 = arith.addi %mul3A_391, %add3A_392 : i32
      %mul3A_394 = arith.constant 16 : i32
      %mul3A_395 = arith.muli %add3A_393, %mul3A_394 : i32
      %get3A_396 = arith.index_cast %mul3A_395 : i32 to index
      %get3A_397 = tpu.vector_load %arg6[%get3A_396] {strides = array<i32>} : memref<16384xf32, #tpu.memory_space<vmem>>, vector<16xf32>,
      %get3A_398 = arith.index_cast %mul3A_395 : i32 to index
      %get3A_399 = tpu.vector_load %arg8[%get3A_398] {strides = array<i32>} : memref<16384xf32, #tpu.memory_space<vmem>>, vector<16xf32>,
      %bitcast_convert_type3A_400 = tpu.bitcast %get3A_397 : vector<16xf32> -> vector<16xi32>
      %eq3A_401 = arith.constant 0.000000e+00 : f32
      %eq3A_402 = vector.broadcast %eq3A_401 : f32 to vector<16xf32>
      %eq3A_403 = arith.cmpf oeq, %get3A_399, %eq3A_402 : vector<16xf32>
      %shift_right_logical3A_404 = arith.constant 19 : i32
      %shift_right_logical3A_405 = vector.broadcast %shift_right_logical3A_404 : i32 to vector<16xi32>
      %shift_right_logical3A_406 = arith.shrui %bitcast_convert_type3A_400, %shift_right_logical3A_405 : vector<16xi32>
      tpu.vector_store_idx %arg13[%shift_right_logical3A_406], %broadcast_in_dim3A_9 masked %eq3A_403 {add = true} : memref<8192xi32, #tpu.memory_space<vmem>>[vector<16xi32>], vector<16xi32>, vector<16xi1>
      %mul3A_407 = arith.constant 8 : i32
      %mul3A_408 = arith.muli %scan3A_290, %mul3A_407 : i32
      %add3A_409 = arith.constant 7 : i32
      %add3A_410 = arith.addi %mul3A_408, %add3A_409 : i32
      %mul3A_411 = arith.constant 16 : i32
      %mul3A_412 = arith.muli %add3A_410, %mul3A_411 : i32
      %get3A_413 = arith.index_cast %mul3A_412 : i32 to index
      %get3A_414 = tpu.vector_load %arg6[%get3A_413] {strides = array<i32>} : memref<16384xf32, #tpu.memory_space<vmem>>, vector<16xf32>,
      %get3A_415 = arith.index_cast %mul3A_412 : i32 to index
      %get3A_416 = tpu.vector_load %arg8[%get3A_415] {strides = array<i32>} : memref<16384xf32, #tpu.memory_space<vmem>>, vector<16xf32>,
      %bitcast_convert_type3A_417 = tpu.bitcast %get3A_414 : vector<16xf32> -> vector<16xi32>
      %eq3A_418 = arith.constant 0.000000e+00 : f32
      %eq3A_419 = vector.broadcast %eq3A_418 : f32 to vector<16xf32>
      %eq3A_420 = arith.cmpf oeq, %get3A_416, %eq3A_419 : vector<16xf32>
      %shift_right_logical3A_421 = arith.constant 19 : i32
      %shift_right_logical3A_422 = vector.broadcast %shift_right_logical3A_421 : i32 to vector<16xi32>
      %shift_right_logical3A_423 = arith.shrui %bitcast_convert_type3A_417, %shift_right_logical3A_422 : vector<16xi32>
      tpu.vector_store_idx %arg13[%shift_right_logical3A_423], %broadcast_in_dim3A_9 masked %eq3A_420 {add = true} : memref<8192xi32, #tpu.memory_space<vmem>>[vector<16xi32>], vector<16xi32>, vector<16xi1>
      %scan3A_424 = arith.constant 0 : i32
      scf.yield %scan3A_424 : i32
    }
    %scan3A_219 = arith.constant 128 : i32
    %add3A_220 = arith.constant 3 : i32
    %add3A_221 = arith.addi %mul3A_2, %add3A_220 : i32
    %dma_start3A_222 = arith.constant 16384 : i32
    %dma_start3A_223 = tpu.memref_slice %arg2[%add3A_221, %dma_start3A_222] : memref<128x32768xf32, #tpu.memory_space<hbm>> -> memref<1x16384xf32, #tpu.memory_space<hbm>>
    %dma_start3A_224 = tpu.memref_squeeze %dma_start3A_223 : memref<1x16384xf32, #tpu.memory_space<hbm>> -> memref<16384xf32, #tpu.memory_space<hbm>>
    %dma_start3A_225 = arith.constant 16384 : i32
    %dma_start3A_226 = tpu.memref_slice %arg2[%add3A_221, %dma_start3A_225] : memref<128x32768xf32, #tpu.memory_space<hbm>> -> memref<1x16384xf32, #tpu.memory_space<hbm>>
    %dma_start3A_227 = tpu.memref_squeeze %dma_start3A_226 : memref<1x16384xf32, #tpu.memory_space<hbm>> -> memref<16384xf32, #tpu.memory_space<hbm>>
    tpu.enqueue_dma source(%dma_start3A_227 : memref<16384xf32, #tpu.memory_space<hbm>>) target(%arg6 : memref<16384xf32, #tpu.memory_space<vmem>>) target_semaphore(%arg10 : memref<!tpu.dma_semaphore, #tpu.memory_space<semaphore_mem>>)
    %dma_start3A_228 = arith.constant 16384 : i32
    %dma_start3A_229 = tpu.memref_slice %arg3[%add3A_221, %dma_start3A_228] : memref<128x32768xf32, #tpu.memory_space<hbm>> -> memref<1x16384xf32, #tpu.memory_space<hbm>>
    %dma_start3A_230 = tpu.memref_squeeze %dma_start3A_229 : memref<1x16384xf32, #tpu.memory_space<hbm>> -> memref<16384xf32, #tpu.memory_space<hbm>>
    %dma_start3A_231 = arith.constant 16384 : i32
    %dma_start3A_232 = tpu.memref_slice %arg3[%add3A_221, %dma_start3A_231] : memref<128x32768xf32, #tpu.memory_space<hbm>> -> memref<1x16384xf32, #tpu.memory_space<hbm>>
    %dma_start3A_233 = tpu.memref_squeeze %dma_start3A_232 : memref<1x16384xf32, #tpu.memory_space<hbm>> -> memref<16384xf32, #tpu.memory_space<hbm>>
    tpu.enqueue_dma source(%dma_start3A_233 : memref<16384xf32, #tpu.memory_space<hbm>>) target(%arg8 : memref<16384xf32, #tpu.memory_space<vmem>>) target_semaphore(%arg12 : memref<!tpu.dma_semaphore, #tpu.memory_space<semaphore_mem>>)
    %dma_wait3A_234 = arith.constant 0 : i32
    %dma_wait3A_235 = tpu.memref_slice %arg2[%add3A_188, %dma_wait3A_234] : memref<128x32768xf32, #tpu.memory_space<hbm>> -> memref<1x16384xf32, #tpu.memory_space<hbm>>
    %dma_wait3A_236 = tpu.memref_squeeze %dma_wait3A_235 : memref<1x16384xf32, #tpu.memory_space<hbm>> -> memref<16384xf32, #tpu.memory_space<hbm>>
    %dma_wait3A_237 = arith.constant 0 : i32
    %dma_wait3A_238 = tpu.memref_slice %arg2[%add3A_188, %dma_wait3A_237] : memref<128x32768xf32, #tpu.memory_space<hbm>> -> memref<1x16384xf32, #tpu.memory_space<hbm>>
    %dma_wait3A_239 = tpu.memref_squeeze %dma_wait3A_238 : memref<1x16384xf32, #tpu.memory_space<hbm>> -> memref<16384xf32, #tpu.memory_space<hbm>>
    tpu.wait_dma2 semaphore(%arg9 : memref<!tpu.dma_semaphore, #tpu.memory_space<semaphore_mem>>) src(%dma_wait3A_239 : memref<16384xf32, #tpu.memory_space<hbm>>) dst(%arg5 : memref<16384xf32, #tpu.memory_space<vmem>>)
    %dma_wait3A_240 = arith.constant 0 : i32
    %dma_wait3A_241 = tpu.memref_slice %arg3[%add3A_188, %dma_wait3A_240] : memref<128x32768xf32, #tpu.memory_space<hbm>> -> memref<1x16384xf32, #tpu.memory_space<hbm>>
    %dma_wait3A_242 = tpu.memref_squeeze %dma_wait3A_241 : memref<1x16384xf32, #tpu.memory_space<hbm>> -> memref<16384xf32, #tpu.memory_space<hbm>>
    %dma_wait3A_243 = arith.constant 0 : i32
    %dma_wait3A_244 = tpu.memref_slice %arg3[%add3A_188, %dma_wait3A_243] : memref<128x32768xf32, #tpu.memory_space<hbm>> -> memref<1x16384xf32, #tpu.memory_space<hbm>>
    %dma_wait3A_245 = tpu.memref_squeeze %dma_wait3A_244 : memref<1x16384xf32, #tpu.memory_space<hbm>> -> memref<16384xf32, #tpu.memory_space<hbm>>
    tpu.wait_dma2 semaphore(%arg11 : memref<!tpu.dma_semaphore, #tpu.memory_space<semaphore_mem>>) src(%dma_wait3A_245 : memref<16384xf32, #tpu.memory_space<hbm>>) dst(%arg7 : memref<16384xf32, #tpu.memory_space<vmem>>)
    %scan3A_246 = arith.constant 0 : i32
    %scan3A_247 = arith.constant 0 : i32
    %scan3A_248 = arith.constant 128 : i32
    %scan3A_249 = arith.addi %scan3A_247, %scan3A_248 : i32
    %scan3A_250 = arith.constant 1 : i32
    %scan3A_251 = scf.for %scan3A_290 = %scan3A_247 to %scan3A_249 step %scan3A_250 iter_args(%scan3A_291 = %scan3A_246) -> (i32)  : i32 {
      %mul3A_292 = arith.constant 8 : i32
      %mul3A_293 = arith.muli %scan3A_290, %mul3A_292 : i32
      %add3A_294 = arith.constant 0 : i32
      %add3A_295 = arith.addi %mul3A_293, %add3A_294 : i32
      %mul3A_296 = arith.constant 16 : i32
      %mul3A_297 = arith.muli %add3A_295, %mul3A_296 : i32
      %get3A = arith.index_cast %mul3A_297 : i32 to index
      %get3A_298 = tpu.vector_load %arg5[%get3A] {strides = array<i32>} : memref<16384xf32, #tpu.memory_space<vmem>>, vector<16xf32>,
      %get3A_299 = arith.index_cast %mul3A_297 : i32 to index
      %get3A_300 = tpu.vector_load %arg7[%get3A_299] {strides = array<i32>} : memref<16384xf32, #tpu.memory_space<vmem>>, vector<16xf32>,
      %bitcast_convert_type3A = tpu.bitcast %get3A_298 : vector<16xf32> -> vector<16xi32>
      %eq3A = arith.constant 0.000000e+00 : f32
      %eq3A_301 = vector.broadcast %eq3A : f32 to vector<16xf32>
      %eq3A_302 = arith.cmpf oeq, %get3A_300, %eq3A_301 : vector<16xf32>
      %shift_right_logical3A = arith.constant 19 : i32
      %shift_right_logical3A_303 = vector.broadcast %shift_right_logical3A : i32 to vector<16xi32>
      %shift_right_logical3A_304 = arith.shrui %bitcast_convert_type3A, %shift_right_logical3A_303 : vector<16xi32>
      tpu.vector_store_idx %arg13[%shift_right_logical3A_304], %broadcast_in_dim3A_9 masked %eq3A_302 {add = true} : memref<8192xi32, #tpu.memory_space<vmem>>[vector<16xi32>], vector<16xi32>, vector<16xi1>
      %mul3A_305 = arith.constant 8 : i32
      %mul3A_306 = arith.muli %scan3A_290, %mul3A_305 : i32
      %add3A_307 = arith.constant 1 : i32
      %add3A_308 = arith.addi %mul3A_306, %add3A_307 : i32
      %mul3A_309 = arith.constant 16 : i32
      %mul3A_310 = arith.muli %add3A_308, %mul3A_309 : i32
      %get3A_311 = arith.index_cast %mul3A_310 : i32 to index
      %get3A_312 = tpu.vector_load %arg5[%get3A_311] {strides = array<i32>} : memref<16384xf32, #tpu.memory_space<vmem>>, vector<16xf32>,
      %get3A_313 = arith.index_cast %mul3A_310 : i32 to index
      %get3A_314 = tpu.vector_load %arg7[%get3A_313] {strides = array<i32>} : memref<16384xf32, #tpu.memory_space<vmem>>, vector<16xf32>,
      %bitcast_convert_type3A_315 = tpu.bitcast %get3A_312 : vector<16xf32> -> vector<16xi32>
      %eq3A_316 = arith.constant 0.000000e+00 : f32
      %eq3A_317 = vector.broadcast %eq3A_316 : f32 to vector<16xf32>
      %eq3A_318 = arith.cmpf oeq, %get3A_314, %eq3A_317 : vector<16xf32>
      %shift_right_logical3A_319 = arith.constant 19 : i32
      %shift_right_logical3A_320 = vector.broadcast %shift_right_logical3A_319 : i32 to vector<16xi32>
      %shift_right_logical3A_321 = arith.shrui %bitcast_convert_type3A_315, %shift_right_logical3A_320 : vector<16xi32>
      tpu.vector_store_idx %arg13[%shift_right_logical3A_321], %broadcast_in_dim3A_9 masked %eq3A_318 {add = true} : memref<8192xi32, #tpu.memory_space<vmem>>[vector<16xi32>], vector<16xi32>, vector<16xi1>
      %mul3A_322 = arith.constant 8 : i32
      %mul3A_323 = arith.muli %scan3A_290, %mul3A_322 : i32
      %add3A_324 = arith.constant 2 : i32
      %add3A_325 = arith.addi %mul3A_323, %add3A_324 : i32
      %mul3A_326 = arith.constant 16 : i32
      %mul3A_327 = arith.muli %add3A_325, %mul3A_326 : i32
      %get3A_328 = arith.index_cast %mul3A_327 : i32 to index
      %get3A_329 = tpu.vector_load %arg5[%get3A_328] {strides = array<i32>} : memref<16384xf32, #tpu.memory_space<vmem>>, vector<16xf32>,
      %get3A_330 = arith.index_cast %mul3A_327 : i32 to index
      %get3A_331 = tpu.vector_load %arg7[%get3A_330] {strides = array<i32>} : memref<16384xf32, #tpu.memory_space<vmem>>, vector<16xf32>,
      %bitcast_convert_type3A_332 = tpu.bitcast %get3A_329 : vector<16xf32> -> vector<16xi32>
      %eq3A_333 = arith.constant 0.000000e+00 : f32
      %eq3A_334 = vector.broadcast %eq3A_333 : f32 to vector<16xf32>
      %eq3A_335 = arith.cmpf oeq, %get3A_331, %eq3A_334 : vector<16xf32>
      %shift_right_logical3A_336 = arith.constant 19 : i32
      %shift_right_logical3A_337 = vector.broadcast %shift_right_logical3A_336 : i32 to vector<16xi32>
      %shift_right_logical3A_338 = arith.shrui %bitcast_convert_type3A_332, %shift_right_logical3A_337 : vector<16xi32>
      tpu.vector_store_idx %arg13[%shift_right_logical3A_338], %broadcast_in_dim3A_9 masked %eq3A_335 {add = true} : memref<8192xi32, #tpu.memory_space<vmem>>[vector<16xi32>], vector<16xi32>, vector<16xi1>
      %mul3A_339 = arith.constant 8 : i32
      %mul3A_340 = arith.muli %scan3A_290, %mul3A_339 : i32
      %add3A_341 = arith.constant 3 : i32
      %add3A_342 = arith.addi %mul3A_340, %add3A_341 : i32
      %mul3A_343 = arith.constant 16 : i32
      %mul3A_344 = arith.muli %add3A_342, %mul3A_343 : i32
      %get3A_345 = arith.index_cast %mul3A_344 : i32 to index
      %get3A_346 = tpu.vector_load %arg5[%get3A_345] {strides = array<i32>} : memref<16384xf32, #tpu.memory_space<vmem>>, vector<16xf32>,
      %get3A_347 = arith.index_cast %mul3A_344 : i32 to index
      %get3A_348 = tpu.vector_load %arg7[%get3A_347] {strides = array<i32>} : memref<16384xf32, #tpu.memory_space<vmem>>, vector<16xf32>,
      %bitcast_convert_type3A_349 = tpu.bitcast %get3A_346 : vector<16xf32> -> vector<16xi32>
      %eq3A_350 = arith.constant 0.000000e+00 : f32
      %eq3A_351 = vector.broadcast %eq3A_350 : f32 to vector<16xf32>
      %eq3A_352 = arith.cmpf oeq, %get3A_348, %eq3A_351 : vector<16xf32>
      %shift_right_logical3A_353 = arith.constant 19 : i32
      %shift_right_logical3A_354 = vector.broadcast %shift_right_logical3A_353 : i32 to vector<16xi32>
      %shift_right_logical3A_355 = arith.shrui %bitcast_convert_type3A_349, %shift_right_logical3A_354 : vector<16xi32>
      tpu.vector_store_idx %arg13[%shift_right_logical3A_355], %broadcast_in_dim3A_9 masked %eq3A_352 {add = true} : memref<8192xi32, #tpu.memory_space<vmem>>[vector<16xi32>], vector<16xi32>, vector<16xi1>
      %mul3A_356 = arith.constant 8 : i32
      %mul3A_357 = arith.muli %scan3A_290, %mul3A_356 : i32
      %add3A_358 = arith.constant 4 : i32
      %add3A_359 = arith.addi %mul3A_357, %add3A_358 : i32
      %mul3A_360 = arith.constant 16 : i32
      %mul3A_361 = arith.muli %add3A_359, %mul3A_360 : i32
      %get3A_362 = arith.index_cast %mul3A_361 : i32 to index
      %get3A_363 = tpu.vector_load %arg5[%get3A_362] {strides = array<i32>} : memref<16384xf32, #tpu.memory_space<vmem>>, vector<16xf32>,
      %get3A_364 = arith.index_cast %mul3A_361 : i32 to index
      %get3A_365 = tpu.vector_load %arg7[%get3A_364] {strides = array<i32>} : memref<16384xf32, #tpu.memory_space<vmem>>, vector<16xf32>,
      %bitcast_convert_type3A_366 = tpu.bitcast %get3A_363 : vector<16xf32> -> vector<16xi32>
      %eq3A_367 = arith.constant 0.000000e+00 : f32
      %eq3A_368 = vector.broadcast %eq3A_367 : f32 to vector<16xf32>
      %eq3A_369 = arith.cmpf oeq, %get3A_365, %eq3A_368 : vector<16xf32>
      %shift_right_logical3A_370 = arith.constant 19 : i32
      %shift_right_logical3A_371 = vector.broadcast %shift_right_logical3A_370 : i32 to vector<16xi32>
      %shift_right_logical3A_372 = arith.shrui %bitcast_convert_type3A_366, %shift_right_logical3A_371 : vector<16xi32>
      tpu.vector_store_idx %arg13[%shift_right_logical3A_372], %broadcast_in_dim3A_9 masked %eq3A_369 {add = true} : memref<8192xi32, #tpu.memory_space<vmem>>[vector<16xi32>], vector<16xi32>, vector<16xi1>
      %mul3A_373 = arith.constant 8 : i32
      %mul3A_374 = arith.muli %scan3A_290, %mul3A_373 : i32
      %add3A_375 = arith.constant 5 : i32
      %add3A_376 = arith.addi %mul3A_374, %add3A_375 : i32
      %mul3A_377 = arith.constant 16 : i32
      %mul3A_378 = arith.muli %add3A_376, %mul3A_377 : i32
      %get3A_379 = arith.index_cast %mul3A_378 : i32 to index
      %get3A_380 = tpu.vector_load %arg5[%get3A_379] {strides = array<i32>} : memref<16384xf32, #tpu.memory_space<vmem>>, vector<16xf32>,
      %get3A_381 = arith.index_cast %mul3A_378 : i32 to index
      %get3A_382 = tpu.vector_load %arg7[%get3A_381] {strides = array<i32>} : memref<16384xf32, #tpu.memory_space<vmem>>, vector<16xf32>,
      %bitcast_convert_type3A_383 = tpu.bitcast %get3A_380 : vector<16xf32> -> vector<16xi32>
      %eq3A_384 = arith.constant 0.000000e+00 : f32
      %eq3A_385 = vector.broadcast %eq3A_384 : f32 to vector<16xf32>
      %eq3A_386 = arith.cmpf oeq, %get3A_382, %eq3A_385 : vector<16xf32>
      %shift_right_logical3A_387 = arith.constant 19 : i32
      %shift_right_logical3A_388 = vector.broadcast %shift_right_logical3A_387 : i32 to vector<16xi32>
      %shift_right_logical3A_389 = arith.shrui %bitcast_convert_type3A_383, %shift_right_logical3A_388 : vector<16xi32>
      tpu.vector_store_idx %arg13[%shift_right_logical3A_389], %broadcast_in_dim3A_9 masked %eq3A_386 {add = true} : memref<8192xi32, #tpu.memory_space<vmem>>[vector<16xi32>], vector<16xi32>, vector<16xi1>
      %mul3A_390 = arith.constant 8 : i32
      %mul3A_391 = arith.muli %scan3A_290, %mul3A_390 : i32
      %add3A_392 = arith.constant 6 : i32
      %add3A_393 = arith.addi %mul3A_391, %add3A_392 : i32
      %mul3A_394 = arith.constant 16 : i32
      %mul3A_395 = arith.muli %add3A_393, %mul3A_394 : i32
      %get3A_396 = arith.index_cast %mul3A_395 : i32 to index
      %get3A_397 = tpu.vector_load %arg5[%get3A_396] {strides = array<i32>} : memref<16384xf32, #tpu.memory_space<vmem>>, vector<16xf32>,
      %get3A_398 = arith.index_cast %mul3A_395 : i32 to index
      %get3A_399 = tpu.vector_load %arg7[%get3A_398] {strides = array<i32>} : memref<16384xf32, #tpu.memory_space<vmem>>, vector<16xf32>,
      %bitcast_convert_type3A_400 = tpu.bitcast %get3A_397 : vector<16xf32> -> vector<16xi32>
      %eq3A_401 = arith.constant 0.000000e+00 : f32
      %eq3A_402 = vector.broadcast %eq3A_401 : f32 to vector<16xf32>
      %eq3A_403 = arith.cmpf oeq, %get3A_399, %eq3A_402 : vector<16xf32>
      %shift_right_logical3A_404 = arith.constant 19 : i32
      %shift_right_logical3A_405 = vector.broadcast %shift_right_logical3A_404 : i32 to vector<16xi32>
      %shift_right_logical3A_406 = arith.shrui %bitcast_convert_type3A_400, %shift_right_logical3A_405 : vector<16xi32>
      tpu.vector_store_idx %arg13[%shift_right_logical3A_406], %broadcast_in_dim3A_9 masked %eq3A_403 {add = true} : memref<8192xi32, #tpu.memory_space<vmem>>[vector<16xi32>], vector<16xi32>, vector<16xi1>
      %mul3A_407 = arith.constant 8 : i32
      %mul3A_408 = arith.muli %scan3A_290, %mul3A_407 : i32
      %add3A_409 = arith.constant 7 : i32
      %add3A_410 = arith.addi %mul3A_408, %add3A_409 : i32
      %mul3A_411 = arith.constant 16 : i32
      %mul3A_412 = arith.muli %add3A_410, %mul3A_411 : i32
      %get3A_413 = arith.index_cast %mul3A_412 : i32 to index
      %get3A_414 = tpu.vector_load %arg5[%get3A_413] {strides = array<i32>} : memref<16384xf32, #tpu.memory_space<vmem>>, vector<16xf32>,
      %get3A_415 = arith.index_cast %mul3A_412 : i32 to index
      %get3A_416 = tpu.vector_load %arg7[%get3A_415] {strides = array<i32>} : memref<16384xf32, #tpu.memory_space<vmem>>, vector<16xf32>,
      %bitcast_convert_type3A_417 = tpu.bitcast %get3A_414 : vector<16xf32> -> vector<16xi32>
      %eq3A_418 = arith.constant 0.000000e+00 : f32
      %eq3A_419 = vector.broadcast %eq3A_418 : f32 to vector<16xf32>
      %eq3A_420 = arith.cmpf oeq, %get3A_416, %eq3A_419 : vector<16xf32>
      %shift_right_logical3A_421 = arith.constant 19 : i32
      %shift_right_logical3A_422 = vector.broadcast %shift_right_logical3A_421 : i32 to vector<16xi32>
      %shift_right_logical3A_423 = arith.shrui %bitcast_convert_type3A_417, %shift_right_logical3A_422 : vector<16xi32>
      tpu.vector_store_idx %arg13[%shift_right_logical3A_423], %broadcast_in_dim3A_9 masked %eq3A_420 {add = true} : memref<8192xi32, #tpu.memory_space<vmem>>[vector<16xi32>], vector<16xi32>, vector<16xi1>
      %scan3A_424 = arith.constant 0 : i32
      scf.yield %scan3A_424 : i32
    }
    %scan3A_252 = arith.constant 128 : i32
    %dma_wait3A_253 = arith.constant 16384 : i32
    %dma_wait3A_254 = tpu.memref_slice %arg2[%add3A_221, %dma_wait3A_253] : memref<128x32768xf32, #tpu.memory_space<hbm>> -> memref<1x16384xf32, #tpu.memory_space<hbm>>
    %dma_wait3A_255 = tpu.memref_squeeze %dma_wait3A_254 : memref<1x16384xf32, #tpu.memory_space<hbm>> -> memref<16384xf32, #tpu.memory_space<hbm>>
    %dma_wait3A_256 = arith.constant 16384 : i32
    %dma_wait3A_257 = tpu.memref_slice %arg2[%add3A_221, %dma_wait3A_256] : memref<128x32768xf32, #tpu.memory_space<hbm>> -> memref<1x16384xf32, #tpu.memory_space<hbm>>
    %dma_wait3A_258 = tpu.memref_squeeze %dma_wait3A_257 : memref<1x16384xf32, #tpu.memory_space<hbm>> -> memref<16384xf32, #tpu.memory_space<hbm>>
    tpu.wait_dma2 semaphore(%arg10 : memref<!tpu.dma_semaphore, #tpu.memory_space<semaphore_mem>>) src(%dma_wait3A_258 : memref<16384xf32, #tpu.memory_space<hbm>>) dst(%arg6 : memref<16384xf32, #tpu.memory_space<vmem>>)
    %dma_wait3A_259 = arith.constant 16384 : i32
    %dma_wait3A_260 = tpu.memref_slice %arg3[%add3A_221, %dma_wait3A_259] : memref<128x32768xf32, #tpu.memory_space<hbm>> -> memref<1x16384xf32, #tpu.memory_space<hbm>>
    %dma_wait3A_261 = tpu.memref_squeeze %dma_wait3A_260 : memref<1x16384xf32, #tpu.memory_space<hbm>> -> memref<16384xf32, #tpu.memory_space<hbm>>
    %dma_wait3A_262 = arith.constant 16384 : i32
    %dma_wait3A_263 = tpu.memref_slice %arg3[%add3A_221, %dma_wait3A_262] : memref<128x32768xf32, #tpu.memory_space<hbm>> -> memref<1x16384xf32, #tpu.memory_space<hbm>>
    %dma_wait3A_264 = tpu.memref_squeeze %dma_wait3A_263 : memref<1x16384xf32, #tpu.memory_space<hbm>> -> memref<16384xf32, #tpu.memory_space<hbm>>
    tpu.wait_dma2 semaphore(%arg12 : memref<!tpu.dma_semaphore, #tpu.memory_space<semaphore_mem>>) src(%dma_wait3A_264 : memref<16384xf32, #tpu.memory_space<hbm>>) dst(%arg8 : memref<16384xf32, #tpu.memory_space<vmem>>)
    %scan3A_265 = arith.constant 0 : i32
    %scan3A_266 = arith.constant 0 : i32
    %scan3A_267 = arith.constant 128 : i32
    %scan3A_268 = arith.addi %scan3A_266, %scan3A_267 : i32
    %scan3A_269 = arith.constant 1 : i32
    %scan3A_270 = scf.for %scan3A_290 = %scan3A_266 to %scan3A_268 step %scan3A_269 iter_args(%scan3A_291 = %scan3A_265) -> (i32)  : i32 {
      %mul3A_292 = arith.constant 8 : i32
      %mul3A_293 = arith.muli %scan3A_290, %mul3A_292 : i32
      %add3A_294 = arith.constant 0 : i32
      %add3A_295 = arith.addi %mul3A_293, %add3A_294 : i32
      %mul3A_296 = arith.constant 16 : i32
      %mul3A_297 = arith.muli %add3A_295, %mul3A_296 : i32
      %get3A = arith.index_cast %mul3A_297 : i32 to index
      %get3A_298 = tpu.vector_load %arg6[%get3A] {strides = array<i32>} : memref<16384xf32, #tpu.memory_space<vmem>>, vector<16xf32>,
      %get3A_299 = arith.index_cast %mul3A_297 : i32 to index
      %get3A_300 = tpu.vector_load %arg8[%get3A_299] {strides = array<i32>} : memref<16384xf32, #tpu.memory_space<vmem>>, vector<16xf32>,
      %bitcast_convert_type3A = tpu.bitcast %get3A_298 : vector<16xf32> -> vector<16xi32>
      %eq3A = arith.constant 0.000000e+00 : f32
      %eq3A_301 = vector.broadcast %eq3A : f32 to vector<16xf32>
      %eq3A_302 = arith.cmpf oeq, %get3A_300, %eq3A_301 : vector<16xf32>
      %shift_right_logical3A = arith.constant 19 : i32
      %shift_right_logical3A_303 = vector.broadcast %shift_right_logical3A : i32 to vector<16xi32>
      %shift_right_logical3A_304 = arith.shrui %bitcast_convert_type3A, %shift_right_logical3A_303 : vector<16xi32>
      tpu.vector_store_idx %arg13[%shift_right_logical3A_304], %broadcast_in_dim3A_9 masked %eq3A_302 {add = true} : memref<8192xi32, #tpu.memory_space<vmem>>[vector<16xi32>], vector<16xi32>, vector<16xi1>
      %mul3A_305 = arith.constant 8 : i32
      %mul3A_306 = arith.muli %scan3A_290, %mul3A_305 : i32
      %add3A_307 = arith.constant 1 : i32
      %add3A_308 = arith.addi %mul3A_306, %add3A_307 : i32
      %mul3A_309 = arith.constant 16 : i32
      %mul3A_310 = arith.muli %add3A_308, %mul3A_309 : i32
      %get3A_311 = arith.index_cast %mul3A_310 : i32 to index
      %get3A_312 = tpu.vector_load %arg6[%get3A_311] {strides = array<i32>} : memref<16384xf32, #tpu.memory_space<vmem>>, vector<16xf32>,
      %get3A_313 = arith.index_cast %mul3A_310 : i32 to index
      %get3A_314 = tpu.vector_load %arg8[%get3A_313] {strides = array<i32>} : memref<16384xf32, #tpu.memory_space<vmem>>, vector<16xf32>,
      %bitcast_convert_type3A_315 = tpu.bitcast %get3A_312 : vector<16xf32> -> vector<16xi32>
      %eq3A_316 = arith.constant 0.000000e+00 : f32
      %eq3A_317 = vector.broadcast %eq3A_316 : f32 to vector<16xf32>
      %eq3A_318 = arith.cmpf oeq, %get3A_314, %eq3A_317 : vector<16xf32>
      %shift_right_logical3A_319 = arith.constant 19 : i32
      %shift_right_logical3A_320 = vector.broadcast %shift_right_logical3A_319 : i32 to vector<16xi32>
      %shift_right_logical3A_321 = arith.shrui %bitcast_convert_type3A_315, %shift_right_logical3A_320 : vector<16xi32>
      tpu.vector_store_idx %arg13[%shift_right_logical3A_321], %broadcast_in_dim3A_9 masked %eq3A_318 {add = true} : memref<8192xi32, #tpu.memory_space<vmem>>[vector<16xi32>], vector<16xi32>, vector<16xi1>
      %mul3A_322 = arith.constant 8 : i32
      %mul3A_323 = arith.muli %scan3A_290, %mul3A_322 : i32
      %add3A_324 = arith.constant 2 : i32
      %add3A_325 = arith.addi %mul3A_323, %add3A_324 : i32
      %mul3A_326 = arith.constant 16 : i32
      %mul3A_327 = arith.muli %add3A_325, %mul3A_326 : i32
      %get3A_328 = arith.index_cast %mul3A_327 : i32 to index
      %get3A_329 = tpu.vector_load %arg6[%get3A_328] {strides = array<i32>} : memref<16384xf32, #tpu.memory_space<vmem>>, vector<16xf32>,
      %get3A_330 = arith.index_cast %mul3A_327 : i32 to index
      %get3A_331 = tpu.vector_load %arg8[%get3A_330] {strides = array<i32>} : memref<16384xf32, #tpu.memory_space<vmem>>, vector<16xf32>,
      %bitcast_convert_type3A_332 = tpu.bitcast %get3A_329 : vector<16xf32> -> vector<16xi32>
      %eq3A_333 = arith.constant 0.000000e+00 : f32
      %eq3A_334 = vector.broadcast %eq3A_333 : f32 to vector<16xf32>
      %eq3A_335 = arith.cmpf oeq, %get3A_331, %eq3A_334 : vector<16xf32>
      %shift_right_logical3A_336 = arith.constant 19 : i32
      %shift_right_logical3A_337 = vector.broadcast %shift_right_logical3A_336 : i32 to vector<16xi32>
      %shift_right_logical3A_338 = arith.shrui %bitcast_convert_type3A_332, %shift_right_logical3A_337 : vector<16xi32>
      tpu.vector_store_idx %arg13[%shift_right_logical3A_338], %broadcast_in_dim3A_9 masked %eq3A_335 {add = true} : memref<8192xi32, #tpu.memory_space<vmem>>[vector<16xi32>], vector<16xi32>, vector<16xi1>
      %mul3A_339 = arith.constant 8 : i32
      %mul3A_340 = arith.muli %scan3A_290, %mul3A_339 : i32
      %add3A_341 = arith.constant 3 : i32
      %add3A_342 = arith.addi %mul3A_340, %add3A_341 : i32
      %mul3A_343 = arith.constant 16 : i32
      %mul3A_344 = arith.muli %add3A_342, %mul3A_343 : i32
      %get3A_345 = arith.index_cast %mul3A_344 : i32 to index
      %get3A_346 = tpu.vector_load %arg6[%get3A_345] {strides = array<i32>} : memref<16384xf32, #tpu.memory_space<vmem>>, vector<16xf32>,
      %get3A_347 = arith.index_cast %mul3A_344 : i32 to index
      %get3A_348 = tpu.vector_load %arg8[%get3A_347] {strides = array<i32>} : memref<16384xf32, #tpu.memory_space<vmem>>, vector<16xf32>,
      %bitcast_convert_type3A_349 = tpu.bitcast %get3A_346 : vector<16xf32> -> vector<16xi32>
      %eq3A_350 = arith.constant 0.000000e+00 : f32
      %eq3A_351 = vector.broadcast %eq3A_350 : f32 to vector<16xf32>
      %eq3A_352 = arith.cmpf oeq, %get3A_348, %eq3A_351 : vector<16xf32>
      %shift_right_logical3A_353 = arith.constant 19 : i32
      %shift_right_logical3A_354 = vector.broadcast %shift_right_logical3A_353 : i32 to vector<16xi32>
      %shift_right_logical3A_355 = arith.shrui %bitcast_convert_type3A_349, %shift_right_logical3A_354 : vector<16xi32>
      tpu.vector_store_idx %arg13[%shift_right_logical3A_355], %broadcast_in_dim3A_9 masked %eq3A_352 {add = true} : memref<8192xi32, #tpu.memory_space<vmem>>[vector<16xi32>], vector<16xi32>, vector<16xi1>
      %mul3A_356 = arith.constant 8 : i32
      %mul3A_357 = arith.muli %scan3A_290, %mul3A_356 : i32
      %add3A_358 = arith.constant 4 : i32
      %add3A_359 = arith.addi %mul3A_357, %add3A_358 : i32
      %mul3A_360 = arith.constant 16 : i32
      %mul3A_361 = arith.muli %add3A_359, %mul3A_360 : i32
      %get3A_362 = arith.index_cast %mul3A_361 : i32 to index
      %get3A_363 = tpu.vector_load %arg6[%get3A_362] {strides = array<i32>} : memref<16384xf32, #tpu.memory_space<vmem>>, vector<16xf32>,
      %get3A_364 = arith.index_cast %mul3A_361 : i32 to index
      %get3A_365 = tpu.vector_load %arg8[%get3A_364] {strides = array<i32>} : memref<16384xf32, #tpu.memory_space<vmem>>, vector<16xf32>,
      %bitcast_convert_type3A_366 = tpu.bitcast %get3A_363 : vector<16xf32> -> vector<16xi32>
      %eq3A_367 = arith.constant 0.000000e+00 : f32
      %eq3A_368 = vector.broadcast %eq3A_367 : f32 to vector<16xf32>
      %eq3A_369 = arith.cmpf oeq, %get3A_365, %eq3A_368 : vector<16xf32>
      %shift_right_logical3A_370 = arith.constant 19 : i32
      %shift_right_logical3A_371 = vector.broadcast %shift_right_logical3A_370 : i32 to vector<16xi32>
      %shift_right_logical3A_372 = arith.shrui %bitcast_convert_type3A_366, %shift_right_logical3A_371 : vector<16xi32>
      tpu.vector_store_idx %arg13[%shift_right_logical3A_372], %broadcast_in_dim3A_9 masked %eq3A_369 {add = true} : memref<8192xi32, #tpu.memory_space<vmem>>[vector<16xi32>], vector<16xi32>, vector<16xi1>
      %mul3A_373 = arith.constant 8 : i32
      %mul3A_374 = arith.muli %scan3A_290, %mul3A_373 : i32
      %add3A_375 = arith.constant 5 : i32
      %add3A_376 = arith.addi %mul3A_374, %add3A_375 : i32
      %mul3A_377 = arith.constant 16 : i32
      %mul3A_378 = arith.muli %add3A_376, %mul3A_377 : i32
      %get3A_379 = arith.index_cast %mul3A_378 : i32 to index
      %get3A_380 = tpu.vector_load %arg6[%get3A_379] {strides = array<i32>} : memref<16384xf32, #tpu.memory_space<vmem>>, vector<16xf32>,
      %get3A_381 = arith.index_cast %mul3A_378 : i32 to index
      %get3A_382 = tpu.vector_load %arg8[%get3A_381] {strides = array<i32>} : memref<16384xf32, #tpu.memory_space<vmem>>, vector<16xf32>,
      %bitcast_convert_type3A_383 = tpu.bitcast %get3A_380 : vector<16xf32> -> vector<16xi32>
      %eq3A_384 = arith.constant 0.000000e+00 : f32
      %eq3A_385 = vector.broadcast %eq3A_384 : f32 to vector<16xf32>
      %eq3A_386 = arith.cmpf oeq, %get3A_382, %eq3A_385 : vector<16xf32>
      %shift_right_logical3A_387 = arith.constant 19 : i32
      %shift_right_logical3A_388 = vector.broadcast %shift_right_logical3A_387 : i32 to vector<16xi32>
      %shift_right_logical3A_389 = arith.shrui %bitcast_convert_type3A_383, %shift_right_logical3A_388 : vector<16xi32>
      tpu.vector_store_idx %arg13[%shift_right_logical3A_389], %broadcast_in_dim3A_9 masked %eq3A_386 {add = true} : memref<8192xi32, #tpu.memory_space<vmem>>[vector<16xi32>], vector<16xi32>, vector<16xi1>
      %mul3A_390 = arith.constant 8 : i32
      %mul3A_391 = arith.muli %scan3A_290, %mul3A_390 : i32
      %add3A_392 = arith.constant 6 : i32
      %add3A_393 = arith.addi %mul3A_391, %add3A_392 : i32
      %mul3A_394 = arith.constant 16 : i32
      %mul3A_395 = arith.muli %add3A_393, %mul3A_394 : i32
      %get3A_396 = arith.index_cast %mul3A_395 : i32 to index
      %get3A_397 = tpu.vector_load %arg6[%get3A_396] {strides = array<i32>} : memref<16384xf32, #tpu.memory_space<vmem>>, vector<16xf32>,
      %get3A_398 = arith.index_cast %mul3A_395 : i32 to index
      %get3A_399 = tpu.vector_load %arg8[%get3A_398] {strides = array<i32>} : memref<16384xf32, #tpu.memory_space<vmem>>, vector<16xf32>,
      %bitcast_convert_type3A_400 = tpu.bitcast %get3A_397 : vector<16xf32> -> vector<16xi32>
      %eq3A_401 = arith.constant 0.000000e+00 : f32
      %eq3A_402 = vector.broadcast %eq3A_401 : f32 to vector<16xf32>
      %eq3A_403 = arith.cmpf oeq, %get3A_399, %eq3A_402 : vector<16xf32>
      %shift_right_logical3A_404 = arith.constant 19 : i32
      %shift_right_logical3A_405 = vector.broadcast %shift_right_logical3A_404 : i32 to vector<16xi32>
      %shift_right_logical3A_406 = arith.shrui %bitcast_convert_type3A_400, %shift_right_logical3A_405 : vector<16xi32>
      tpu.vector_store_idx %arg13[%shift_right_logical3A_406], %broadcast_in_dim3A_9 masked %eq3A_403 {add = true} : memref<8192xi32, #tpu.memory_space<vmem>>[vector<16xi32>], vector<16xi32>, vector<16xi1>
      %mul3A_407 = arith.constant 8 : i32
      %mul3A_408 = arith.muli %scan3A_290, %mul3A_407 : i32
      %add3A_409 = arith.constant 7 : i32
      %add3A_410 = arith.addi %mul3A_408, %add3A_409 : i32
      %mul3A_411 = arith.constant 16 : i32
      %mul3A_412 = arith.muli %add3A_410, %mul3A_411 : i32
      %get3A_413 = arith.index_cast %mul3A_412 : i32 to index
      %get3A_414 = tpu.vector_load %arg6[%get3A_413] {strides = array<i32>} : memref<16384xf32, #tpu.memory_space<vmem>>, vector<16xf32>,
      %get3A_415 = arith.index_cast %mul3A_412 : i32 to index
      %get3A_416 = tpu.vector_load %arg8[%get3A_415] {strides = array<i32>} : memref<16384xf32, #tpu.memory_space<vmem>>, vector<16xf32>,
      %bitcast_convert_type3A_417 = tpu.bitcast %get3A_414 : vector<16xf32> -> vector<16xi32>
      %eq3A_418 = arith.constant 0.000000e+00 : f32
      %eq3A_419 = vector.broadcast %eq3A_418 : f32 to vector<16xf32>
      %eq3A_420 = arith.cmpf oeq, %get3A_416, %eq3A_419 : vector<16xf32>
      %shift_right_logical3A_421 = arith.constant 19 : i32
      %shift_right_logical3A_422 = vector.broadcast %shift_right_logical3A_421 : i32 to vector<16xi32>
      %shift_right_logical3A_423 = arith.shrui %bitcast_convert_type3A_417, %shift_right_logical3A_422 : vector<16xi32>
      tpu.vector_store_idx %arg13[%shift_right_logical3A_423], %broadcast_in_dim3A_9 masked %eq3A_420 {add = true} : memref<8192xi32, #tpu.memory_space<vmem>>[vector<16xi32>], vector<16xi32>, vector<16xi1>
      %scan3A_424 = arith.constant 0 : i32
      scf.yield %scan3A_424 : i32
    }
    %scan3A_271 = arith.constant 128 : i32
    "tpu.region"() ({
      %run_scoped3A = tpu.sem_alloc : memref<!tpu.dma_semaphore, #tpu.memory_space<semaphore_mem>>
      %dma_start3A_290 = arith.constant 0 : i32
      %dma_start3A_291 = tpu.memref_slice %arg15[%arg1, %dma_start3A_290] : memref<16x8192xi32, #tpu.memory_space<vmem_shared>> -> memref<1x8192xi32, #tpu.memory_space<vmem_shared>>
      %dma_start3A_292 = tpu.memref_squeeze %dma_start3A_291 : memref<1x8192xi32, #tpu.memory_space<vmem_shared>> -> memref<8192xi32, #tpu.memory_space<vmem_shared>>
      %dma_start3A_293 = arith.constant 0 : i32
      %dma_start3A_294 = tpu.memref_slice %arg15[%arg1, %dma_start3A_293] : memref<16x8192xi32, #tpu.memory_space<vmem_shared>> -> memref<1x8192xi32, #tpu.memory_space<vmem_shared>>
      %dma_start3A_295 = tpu.memref_squeeze %dma_start3A_294 : memref<1x8192xi32, #tpu.memory_space<vmem_shared>> -> memref<8192xi32, #tpu.memory_space<vmem_shared>>
      tpu.enqueue_dma source(%arg13 : memref<8192xi32, #tpu.memory_space<vmem>>) target(%dma_start3A_295 : memref<8192xi32, #tpu.memory_space<vmem_shared>>) target_semaphore(%run_scoped3A : memref<!tpu.dma_semaphore, #tpu.memory_space<semaphore_mem>>)
      %dma_wait3A_296 = arith.constant 0 : i32
      %dma_wait3A_297 = tpu.memref_slice %arg15[%arg1, %dma_wait3A_296] : memref<16x8192xi32, #tpu.memory_space<vmem_shared>> -> memref<1x8192xi32, #tpu.memory_space<vmem_shared>>
      %dma_wait3A_298 = tpu.memref_squeeze %dma_wait3A_297 : memref<1x8192xi32, #tpu.memory_space<vmem_shared>> -> memref<8192xi32, #tpu.memory_space<vmem_shared>>
      %dma_wait3A_299 = arith.constant 0 : i32
      %dma_wait3A_300 = tpu.memref_slice %arg15[%arg1, %dma_wait3A_299] : memref<16x8192xi32, #tpu.memory_space<vmem_shared>> -> memref<1x8192xi32, #tpu.memory_space<vmem_shared>>
      %dma_wait3A_301 = tpu.memref_squeeze %dma_wait3A_300 : memref<1x8192xi32, #tpu.memory_space<vmem_shared>> -> memref<8192xi32, #tpu.memory_space<vmem_shared>>
      tpu.wait_dma2 semaphore(%run_scoped3A : memref<!tpu.dma_semaphore, #tpu.memory_space<semaphore_mem>>) src(%arg13 : memref<8192xi32, #tpu.memory_space<vmem>>) dst(%dma_wait3A_301 : memref<8192xi32, #tpu.memory_space<vmem_shared>>)
      tpu.yield
    }) : () -> ()
    %barrier3A = arith.constant 0 : index
    tpu.barrier barrier_id(%barrier3A)
    %scan3A_272 = arith.constant 0 : i32
    %scan3A_273 = arith.constant 0 : i32
    %scan3A_274 = arith.constant 16 : i32
    %scan3A_275 = arith.addi %scan3A_273, %scan3A_274 : i32
    %scan3A_276 = arith.constant 1 : i32
    %scan3A_277 = scf.for %scan3A_290 = %scan3A_273 to %scan3A_275 step %scan3A_276 iter_args(%scan3A_291 = %scan3A_272) -> (i32)  : i32 {
      %mul3A_292 = arith.constant 512 : i32
      %mul3A_293 = arith.muli %arg1, %mul3A_292 : i32
      "tpu.region"() ({
        %run_scoped3A = tpu.sem_alloc : memref<!tpu.dma_semaphore, #tpu.memory_space<semaphore_mem>>
        %dma_start3A_295 = arith.constant 0 : i32
        %dma_start3A_296 = tpu.memref_slice %arg14[%scan3A_290, %dma_start3A_295] : memref<16x512xi32, #tpu.memory_space<vmem>> -> memref<1x512xi32, #tpu.memory_space<vmem>>
        %dma_start3A_297 = tpu.memref_squeeze %dma_start3A_296 : memref<1x512xi32, #tpu.memory_space<vmem>> -> memref<512xi32, #tpu.memory_space<vmem>>
        %dma_start3A_298 = tpu.memref_slice %arg15[%scan3A_290, %mul3A_293] : memref<16x8192xi32, #tpu.memory_space<vmem_shared>> -> memref<1x512xi32, #tpu.memory_space<vmem_shared>>
        %dma_start3A_299 = tpu.memref_squeeze %dma_start3A_298 : memref<1x512xi32, #tpu.memory_space<vmem_shared>> -> memref<512xi32, #tpu.memory_space<vmem_shared>>
        %dma_start3A_300 = arith.constant 0 : i32
        %dma_start3A_301 = tpu.memref_slice %arg14[%scan3A_290, %dma_start3A_300] : memref<16x512xi32, #tpu.memory_space<vmem>> -> memref<1x512xi32, #tpu.memory_space<vmem>>
        %dma_start3A_302 = tpu.memref_squeeze %dma_start3A_301 : memref<1x512xi32, #tpu.memory_space<vmem>> -> memref<512xi32, #tpu.memory_space<vmem>>
        %dma_start3A_303 = tpu.memref_slice %arg15[%scan3A_290, %mul3A_293] : memref<16x8192xi32, #tpu.memory_space<vmem_shared>> -> memref<1x512xi32, #tpu.memory_space<vmem_shared>>
        %dma_start3A_304 = tpu.memref_squeeze %dma_start3A_303 : memref<1x512xi32, #tpu.memory_space<vmem_shared>> -> memref<512xi32, #tpu.memory_space<vmem_shared>>
        tpu.enqueue_dma source(%dma_start3A_304 : memref<512xi32, #tpu.memory_space<vmem_shared>>) target(%dma_start3A_302 : memref<512xi32, #tpu.memory_space<vmem>>) target_semaphore(%run_scoped3A : memref<!tpu.dma_semaphore, #tpu.memory_space<semaphore_mem>>)
        %dma_wait3A_305 = arith.constant 0 : i32
        %dma_wait3A_306 = tpu.memref_slice %arg14[%scan3A_290, %dma_wait3A_305] : memref<16x512xi32, #tpu.memory_space<vmem>> -> memref<1x512xi32, #tpu.memory_space<vmem>>
        %dma_wait3A_307 = tpu.memref_squeeze %dma_wait3A_306 : memref<1x512xi32, #tpu.memory_space<vmem>> -> memref<512xi32, #tpu.memory_space<vmem>>
        %dma_wait3A_308 = tpu.memref_slice %arg15[%scan3A_290, %mul3A_293] : memref<16x8192xi32, #tpu.memory_space<vmem_shared>> -> memref<1x512xi32, #tpu.memory_space<vmem_shared>>
        %dma_wait3A_309 = tpu.memref_squeeze %dma_wait3A_308 : memref<1x512xi32, #tpu.memory_space<vmem_shared>> -> memref<512xi32, #tpu.memory_space<vmem_shared>>
        %dma_wait3A_310 = arith.constant 0 : i32
        %dma_wait3A_311 = tpu.memref_slice %arg14[%scan3A_290, %dma_wait3A_310] : memref<16x512xi32, #tpu.memory_space<vmem>> -> memref<1x512xi32, #tpu.memory_space<vmem>>
        %dma_wait3A_312 = tpu.memref_squeeze %dma_wait3A_311 : memref<1x512xi32, #tpu.memory_space<vmem>> -> memref<512xi32, #tpu.memory_space<vmem>>
        %dma_wait3A_313 = tpu.memref_slice %arg15[%scan3A_290, %mul3A_293] : memref<16x8192xi32, #tpu.memory_space<vmem_shared>> -> memref<1x512xi32, #tpu.memory_space<vmem_shared>>
        %dma_wait3A_314 = tpu.memref_squeeze %dma_wait3A_313 : memref<1x512xi32, #tpu.memory_space<vmem_shared>> -> memref<512xi32, #tpu.memory_space<vmem_shared>>
        tpu.wait_dma2 semaphore(%run_scoped3A : memref<!tpu.dma_semaphore, #tpu.memory_space<semaphore_mem>>) src(%dma_wait3A_314 : memref<512xi32, #tpu.memory_space<vmem_shared>>) dst(%dma_wait3A_312 : memref<512xi32, #tpu.memory_space<vmem>>)
        tpu.yield
      }) : () -> ()
      %scan3A_294 = arith.constant 0 : i32
      scf.yield %scan3A_294 : i32
    }
    %scan3A_278 = arith.constant 16 : i32
    %scan3A_279 = arith.constant 0 : i32
    %scan3A_280 = arith.constant 0 : i32
    %scan3A_281 = arith.constant 32 : i32
    %scan3A_282 = arith.addi %scan3A_280, %scan3A_281 : i32
    %scan3A_283 = arith.constant 1 : i32
    %scan3A_284 = scf.for %scan3A_290 = %scan3A_280 to %scan3A_282 step %scan3A_283 iter_args(%scan3A_291 = %scan3A_279) -> (i32)  : i32 {
      %broadcast_in_dim3A_292 = arith.constant 0 : i32
      %broadcast_in_dim3A_293 = vector.broadcast %broadcast_in_dim3A_292 : i32 to vector<16xi32>
      %scan3A_294 = arith.constant 0 : i32
      %scan3A_295 = arith.constant 16 : i32
      %scan3A_296 = arith.addi %scan3A_294, %scan3A_295 : i32
      %scan3A_297 = arith.constant 1 : i32
      %scan3A_298 = scf.for %scan3A_307 = %scan3A_294 to %scan3A_296 step %scan3A_297 iter_args(%scan3A_308 = %broadcast_in_dim3A_293) -> (vector<16xi32>)  : i32 {
        %mul3A_309 = arith.constant 16 : i32
        %mul3A_310 = arith.muli %scan3A_290, %mul3A_309 : i32
        %get3A = arith.index_cast %scan3A_307 : i32 to index
        %get3A_311 = arith.index_cast %mul3A_310 : i32 to index
        %get3A_312 = tpu.vector_load %arg14[%get3A, %get3A_311] {strides = array<i32>} : memref<16x512xi32, #tpu.memory_space<vmem>>, vector<16xi32>,
        %add3A_313 = arith.addi %scan3A_308, %get3A_312 : vector<16xi32>
        scf.yield %add3A_313 : vector<16xi32>
      }
      %scan3A_299 = arith.constant 16 : i32
      %mul3A_300 = arith.constant 512 : i32
      %mul3A_301 = arith.muli %arg1, %mul3A_300 : i32
      %mul3A_302 = arith.constant 16 : i32
      %mul3A_303 = arith.muli %scan3A_290, %mul3A_302 : i32
      %add3A_304 = arith.addi %mul3A_301, %mul3A_303 : i32
      %swap3A = arith.index_cast %add3A_304 : i32 to index
      %swap3A_305 = tpu.vector_load %arg13[%swap3A] {strides = array<i32>} : memref<8192xi32, #tpu.memory_space<vmem>>, vector<16xi32>,
      tpu.vector_store %arg13[%swap3A], %scan3A_298 {strides = array<i32>} : memref<8192xi32, #tpu.memory_space<vmem>>, vector<16xi32>,
      %scan3A_306 = arith.constant 0 : i32
      scf.yield %scan3A_306 : i32
    }
    %scan3A_285 = arith.constant 32 : i32
    %mul3A_286 = arith.constant 512 : i32
    %mul3A_287 = arith.muli %arg1, %mul3A_286 : i32
    %mul3A_288 = arith.constant 512 : i32
    %mul3A_289 = arith.muli %arg1, %mul3A_288 : i32
    "tpu.region"() ({
      %run_scoped3A = tpu.sem_alloc : memref<!tpu.dma_semaphore, #tpu.memory_space<semaphore_mem>>
      %dma_start3A_290 = tpu.memref_slice %arg13[%mul3A_287] : memref<8192xi32, #tpu.memory_space<vmem>> -> memref<512xi32, #tpu.memory_space<vmem>>
      %dma_start3A_291 = tpu.memref_slice %arg4[%arg0, %mul3A_289] : memref<2x8192xi32, #tpu.memory_space<hbm>> -> memref<1x512xi32, #tpu.memory_space<hbm>>
      %dma_start3A_292 = tpu.memref_squeeze %dma_start3A_291 : memref<1x512xi32, #tpu.memory_space<hbm>> -> memref<512xi32, #tpu.memory_space<hbm>>
      %dma_start3A_293 = tpu.memref_slice %arg4[%arg0, %mul3A_289] : memref<2x8192xi32, #tpu.memory_space<hbm>> -> memref<1x512xi32, #tpu.memory_space<hbm>>
      %dma_start3A_294 = tpu.memref_squeeze %dma_start3A_293 : memref<1x512xi32, #tpu.memory_space<hbm>> -> memref<512xi32, #tpu.memory_space<hbm>>
      %dma_start3A_295 = tpu.memref_slice %arg13[%mul3A_287] : memref<8192xi32, #tpu.memory_space<vmem>> -> memref<512xi32, #tpu.memory_space<vmem>>
      tpu.enqueue_dma source(%dma_start3A_295 : memref<512xi32, #tpu.memory_space<vmem>>) target(%dma_start3A_294 : memref<512xi32, #tpu.memory_space<hbm>>) target_semaphore(%run_scoped3A : memref<!tpu.dma_semaphore, #tpu.memory_space<semaphore_mem>>)
      %dma_wait3A_296 = tpu.memref_slice %arg13[%mul3A_287] : memref<8192xi32, #tpu.memory_space<vmem>> -> memref<512xi32, #tpu.memory_space<vmem>>
      %dma_wait3A_297 = tpu.memref_slice %arg4[%arg0, %mul3A_289] : memref<2x8192xi32, #tpu.memory_space<hbm>> -> memref<1x512xi32, #tpu.memory_space<hbm>>
      %dma_wait3A_298 = tpu.memref_squeeze %dma_wait3A_297 : memref<1x512xi32, #tpu.memory_space<hbm>> -> memref<512xi32, #tpu.memory_space<hbm>>
      %dma_wait3A_299 = tpu.memref_slice %arg4[%arg0, %mul3A_289] : memref<2x8192xi32, #tpu.memory_space<hbm>> -> memref<1x512xi32, #tpu.memory_space<hbm>>
      %dma_wait3A_300 = tpu.memref_squeeze %dma_wait3A_299 : memref<1x512xi32, #tpu.memory_space<hbm>> -> memref<512xi32, #tpu.memory_space<hbm>>
      %dma_wait3A_301 = tpu.memref_slice %arg13[%mul3A_287] : memref<8192xi32, #tpu.memory_space<vmem>> -> memref<512xi32, #tpu.memory_space<vmem>>
      tpu.wait_dma2 semaphore(%run_scoped3A : memref<!tpu.dma_semaphore, #tpu.memory_space<semaphore_mem>>) src(%dma_wait3A_301 : memref<512xi32, #tpu.memory_space<vmem>>) dst(%dma_wait3A_300 : memref<512xi32, #tpu.memory_space<hbm>>)
      tpu.yield
    }) : () -> ()
    return
  }
}

module attributes {stable_mosaic.version = 14 : i64} {
  func.func @_tc_pos_body(%arg0: memref<128x32768xf32, #tpu.memory_space<vmem>>, %arg1: memref<128x32768xf32, #tpu.memory_space<vmem>>, %arg2: memref<1x1xf32, #tpu.memory_space<smem>>) attributes {dimension_semantics = [], scalar_prefetch = 0 : i64, scratch_operands = 0 : i64, tpu.core_type = #tpu.core_type<tc>} {
    %scan3A = arith.constant 0.000000e+00 : f32
    %scan3A_0 = arith.constant 0 : i32
    %scan3A_1 = arith.constant 16 : i32
    %scan3A_2 = arith.addi %scan3A_0, %scan3A_1 : i32
    %scan3A_3 = arith.constant 1 : i32
    %scan3A_4 = scf.for %scan3A_8 = %scan3A_0 to %scan3A_2 step %scan3A_3 iter_args(%scan3A_9 = %scan3A) -> (f32)  : i32 {
      %mul3A = arith.constant 2048 : i32
      %mul3A_10 = arith.muli %scan3A_8, %mul3A : i32
      %get3A = arith.constant 0 : index
      %get3A_11 = arith.index_cast %mul3A_10 : i32 to index
      %get3A_12 = vector.load %arg0[%get3A, %get3A_11] : memref<128x32768xf32, #tpu.memory_space<vmem>>, vector<128x2048xf32>
      %mul3A_13 = arith.constant 2048 : i32
      %mul3A_14 = arith.muli %scan3A_8, %mul3A_13 : i32
      %get3A_15 = arith.constant 0 : index
      %get3A_16 = arith.index_cast %mul3A_14 : i32 to index
      %get3A_17 = vector.load %arg1[%get3A_15, %get3A_16] : memref<128x32768xf32, #tpu.memory_space<vmem>>, vector<128x2048xf32>
      %max3A = arith.constant 0.000000e+00 : f32
      %max3A_18 = vector.broadcast %max3A : f32 to vector<128x2048xf32>
      %max3A_19 = arith.maximumf %get3A_12, %max3A_18 : vector<128x2048xf32>
      %abs3A = math.absf %get3A_12 : vector<128x2048xf32>
      %neg3A = arith.constant 0.000000e+00 : f32
      %neg3A_20 = vector.broadcast %neg3A : f32 to vector<128x2048xf32>
      %neg3A_21 = arith.subf %neg3A_20, %abs3A : vector<128x2048xf32>
      %exp3A = math.exp %neg3A_21 : vector<128x2048xf32>
      %log1p3A = math.log1p %exp3A : vector<128x2048xf32>
      %add3A = arith.addf %max3A_19, %log1p3A : vector<128x2048xf32>
      %gt3A = arith.constant 0.000000e+00 : f32
      %gt3A_22 = vector.broadcast %gt3A : f32 to vector<128x2048xf32>
      %gt3A_23 = arith.cmpf ogt, %get3A_17, %gt3A_22 : vector<128x2048xf32>
      %mul3A_24 = arith.mulf %get3A_12, %get3A_17 : vector<128x2048xf32>
      %sub3A = arith.subf %add3A, %mul3A_24 : vector<128x2048xf32>
      %jit3A = arith.constant 0.000000e+00 : f32
      %broadcast_in_dim3A = vector.broadcast %jit3A : f32 to vector<128x2048xf32>
      %select_n3A = arith.select %gt3A_23, %sub3A, %broadcast_in_dim3A : vector<128x2048xi1>, vector<128x2048xf32>
      %reduce_sum3A = vector.shape_cast %select_n3A : vector<128x2048xf32> to vector<1x128x2048xf32>
      %reduce_sum3A_25 = arith.constant dense<0.000000e+00> : vector<1xf32>
      %reduce_sum3A_26 = vector.multi_reduction <add>, %reduce_sum3A, %reduce_sum3A_25 [1, 2] : vector<1x128x2048xf32> to vector<1xf32>
      %reduce_sum3A_27 = vector.shape_cast %reduce_sum3A_26 : vector<1xf32> to vector<1x1x1xf32>
      %reduce_sum3A_28 = vector.extract %reduce_sum3A_27[0, 0, 0] : f32 from vector<1x1x1xf32>
      %add3A_29 = arith.addf %scan3A_9, %reduce_sum3A_28 : f32
      scf.yield %add3A_29 : f32
    }
    %scan3A_5 = arith.constant 16 : i32
    %swap3A = arith.constant 0 : index
    %swap3A_6 = arith.constant 0 : index
    %swap3A_7 = memref.load %arg2[%swap3A, %swap3A_6] : memref<1x1xf32, #tpu.memory_space<smem>>
    memref.store %scan3A_4, %arg2[%swap3A, %swap3A_6] : memref<1x1xf32, #tpu.memory_space<smem>>
    return
  }
}

module attributes {stable_mosaic.version = 14 : i64} {
  func.func @_tc_final_body(%arg0: i32, %arg1: memref<128x2048xf32, #tpu.memory_space<vmem>>, %arg2: memref<128x2048xf32, #tpu.memory_space<vmem>>, %arg3: memref<2x8192xi32, #tpu.memory_space<vmem>>, %arg4: memref<2x8192xi32, #tpu.memory_space<vmem>>, %arg5: memref<1x1xf32, #tpu.memory_space<smem>>, %arg6: memref<1x1xf32, #tpu.memory_space<smem>>, %arg7: memref<4xf32, #tpu.memory_space<smem>>) attributes {dimension_semantics = [#tpu.dimension_semantics<arbitrary>], iteration_bounds = array<i64: 16>, scalar_prefetch = 0 : i64, scratch_operands = 1 : i64, tpu.core_type = #tpu.core_type<tc>, window_params = [{transform_indices = @transform_0, window_bounds = array<i64: 128, 2048>}, {transform_indices = @transform_1, window_bounds = array<i64: 128, 2048>}, {pipeline_mode = #tpu.pipeline_mode<synchronous>, transform_indices = @transform_2, window_bounds = array<i64: 2, 8192>}, {pipeline_mode = #tpu.pipeline_mode<synchronous>, transform_indices = @transform_3, window_bounds = array<i64: 2, 8192>}, {transform_indices = @transform_4, window_bounds = array<i64: 1, 1>}, {transform_indices = @transform_5, window_bounds = array<i64: 1, 1>}]} {
    %iota3A = tpu.iota {dimensions = array<i32: 1>} : vector<1x8192xi32>
    %get3A = arith.constant 0 : index
    %get3A_0 = arith.constant 0 : index
    %get3A_1 = vector.load %arg3[%get3A, %get3A_0] : memref<2x8192xi32, #tpu.memory_space<vmem>>, vector<1x8192xi32>
    %get3A_2 = arith.constant 1 : index
    %get3A_3 = arith.constant 0 : index
    %get3A_4 = vector.load %arg3[%get3A_2, %get3A_3] : memref<2x8192xi32, #tpu.memory_space<vmem>>, vector<1x8192xi32>
    %add3A = arith.addi %get3A_1, %get3A_4 : vector<1x8192xi32>
    %get3A_5 = arith.constant 0 : index
    %get3A_6 = arith.constant 0 : index
    %get3A_7 = vector.load %arg4[%get3A_5, %get3A_6] : memref<2x8192xi32, #tpu.memory_space<vmem>>, vector<1x8192xi32>
    %get3A_8 = arith.constant 1 : index
    %get3A_9 = arith.constant 0 : index
    %get3A_10 = vector.load %arg4[%get3A_8, %get3A_9] : memref<2x8192xi32, #tpu.memory_space<vmem>>, vector<1x8192xi32>
    %add3A_11 = arith.addi %get3A_7, %get3A_10 : vector<1x8192xi32>
    %reduce_sum3A = vector.shape_cast %add3A : vector<1x8192xi32> to vector<1x1x8192xi32>
    %reduce_sum3A_12 = arith.constant dense<0> : vector<1xi32>
    %reduce_sum3A_13 = vector.multi_reduction <add>, %reduce_sum3A, %reduce_sum3A_12 [1, 2] : vector<1x1x8192xi32> to vector<1xi32>
    %reduce_sum3A_14 = vector.shape_cast %reduce_sum3A_13 : vector<1xi32> to vector<1x1x1xi32>
    %reduce_sum3A_15 = vector.extract %reduce_sum3A_14[0, 0, 0] : i32 from vector<1x1x1xi32>
    %sub3A = arith.constant 4194304 : i32
    %sub3A_16 = arith.subi %sub3A, %reduce_sum3A_15 : i32
    %convert_element_type3A = arith.sitofp %sub3A_16 : i32 to f32
    %mul3A = arith.constant 3.000000e+00 : f32
    %mul3A_17 = arith.mulf %convert_element_type3A, %mul3A : f32
    %convert_element_type3A_18 = arith.fptosi %mul3A_17 : f32 to i32
    %min3A = arith.minsi %convert_element_type3A_18, %reduce_sum3A_15 : i32
    %lt3A = arith.constant 4096 : i32
    %lt3A_19 = vector.broadcast %lt3A : i32 to vector<1x8192xi32>
    %lt3A_20 = arith.cmpi slt, %iota3A, %lt3A_19 : vector<1x8192xi32>
    %jit3A = arith.constant 4096 : i32
    %jit3A_21 = arith.constant 8191 : i32
    %broadcast_in_dim3A = vector.broadcast %jit3A : i32 to vector<1x8192xi32>
    %broadcast_in_dim3A_22 = vector.broadcast %jit3A_21 : i32 to vector<1x8192xi32>
    %select_n3A = arith.select %lt3A_20, %broadcast_in_dim3A, %broadcast_in_dim3A_22 : vector<1x8192xi1>, vector<1x8192xi32>
    %xor3A = arith.xori %iota3A, %select_n3A : vector<1x8192xi32>
    %scan3A = arith.constant 0 : i32
    %scan3A_23 = arith.constant 0 : i32
    %scan3A_24 = arith.constant 13 : i32
    %scan3A_25 = arith.addi %scan3A_23, %scan3A_24 : i32
    %scan3A_26 = arith.constant 1 : i32
    %scan3A_27 = scf.for %scan3A_129 = %scan3A_23 to %scan3A_25 step %scan3A_26 iter_args(%scan3A_130 = %scan3A) -> (i32)  : i32 {
      %sub3A_131 = arith.constant 12 : i32
      %sub3A_132 = arith.subi %sub3A_131, %scan3A_129 : i32
      %shift_left3A_133 = arith.constant 1 : i32
      %shift_left3A_134 = arith.shli %shift_left3A_133, %sub3A_132 : i32
      %or3A_135 = arith.ori %scan3A_130, %shift_left3A_134 : i32
      %ge3A_136 = vector.broadcast %or3A_135 : i32 to vector<1x8192xi32>
      %ge3A_137 = arith.cmpi sge, %xor3A, %ge3A_136 : vector<1x8192xi32>
      %jit3A_138 = arith.constant 0 : i32
      %broadcast_in_dim3A_139 = vector.broadcast %jit3A_138 : i32 to vector<1x8192xi32>
      %select_n3A_140 = arith.select %ge3A_137, %add3A, %broadcast_in_dim3A_139 : vector<1x8192xi1>, vector<1x8192xi32>
      %reduce_sum3A_141 = vector.shape_cast %select_n3A_140 : vector<1x8192xi32> to vector<1x1x8192xi32>
      %reduce_sum3A_142 = arith.constant dense<0> : vector<1xi32>
      %reduce_sum3A_143 = vector.multi_reduction <add>, %reduce_sum3A_141, %reduce_sum3A_142 [1, 2] : vector<1x1x8192xi32> to vector<1xi32>
      %reduce_sum3A_144 = vector.shape_cast %reduce_sum3A_143 : vector<1xi32> to vector<1x1x1xi32>
      %reduce_sum3A_145 = vector.extract %reduce_sum3A_144[0, 0, 0] : i32 from vector<1x1x1xi32>
      %ge3A_146 = arith.cmpi sge, %reduce_sum3A_145, %min3A : i32
      %select_n3A_147 = arith.select %ge3A_146, %or3A_135, %scan3A_130 : i32
      scf.yield %select_n3A_147 : i32
    }
    %scan3A_28 = arith.constant 13 : i32
    %gt3A = vector.broadcast %scan3A_27 : i32 to vector<1x8192xi32>
    %gt3A_29 = arith.cmpi sgt, %xor3A, %gt3A : vector<1x8192xi32>
    %jit3A_30 = arith.constant 0 : i32
    %broadcast_in_dim3A_31 = vector.broadcast %jit3A_30 : i32 to vector<1x8192xi32>
    %select_n3A_32 = arith.select %gt3A_29, %add3A, %broadcast_in_dim3A_31 : vector<1x8192xi1>, vector<1x8192xi32>
    %reduce_sum3A_33 = vector.shape_cast %select_n3A_32 : vector<1x8192xi32> to vector<1x1x8192xi32>
    %reduce_sum3A_34 = arith.constant dense<0> : vector<1xi32>
    %reduce_sum3A_35 = vector.multi_reduction <add>, %reduce_sum3A_33, %reduce_sum3A_34 [1, 2] : vector<1x1x8192xi32> to vector<1xi32>
    %reduce_sum3A_36 = vector.shape_cast %reduce_sum3A_35 : vector<1xi32> to vector<1x1x1xi32>
    %reduce_sum3A_37 = vector.extract %reduce_sum3A_36[0, 0, 0] : i32 from vector<1x1x1xi32>
    %sub3A_38 = arith.subi %min3A, %reduce_sum3A_37 : i32
    %ge3A = arith.constant 4096 : i32
    %ge3A_39 = arith.cmpi sge, %scan3A_27, %ge3A : i32
    %sub3A_40 = arith.constant 8191 : i32
    %sub3A_41 = vector.broadcast %sub3A_40 : i32 to vector<1x8192xi32>
    %sub3A_42 = arith.subi %sub3A_41, %iota3A : vector<1x8192xi32>
    %select_n3A_43 = arith.select %ge3A_39, %iota3A, %sub3A_42 : vector<1x8192xi32>
    %scan3A_44 = arith.constant 0 : i32
    %scan3A_45 = arith.constant 0 : i32
    %scan3A_46 = arith.constant 13 : i32
    %scan3A_47 = arith.addi %scan3A_45, %scan3A_46 : i32
    %scan3A_48 = arith.constant 1 : i32
    %scan3A_49 = scf.for %scan3A_129 = %scan3A_45 to %scan3A_47 step %scan3A_48 iter_args(%scan3A_130 = %scan3A_44) -> (i32)  : i32 {
      %sub3A_131 = arith.constant 12 : i32
      %sub3A_132 = arith.subi %sub3A_131, %scan3A_129 : i32
      %shift_left3A_133 = arith.constant 1 : i32
      %shift_left3A_134 = arith.shli %shift_left3A_133, %sub3A_132 : i32
      %or3A_135 = arith.ori %scan3A_130, %shift_left3A_134 : i32
      %ge3A_136 = vector.broadcast %or3A_135 : i32 to vector<1x8192xi32>
      %ge3A_137 = arith.cmpi sge, %select_n3A_43, %ge3A_136 : vector<1x8192xi32>
      %jit3A_138 = arith.constant 0 : i32
      %broadcast_in_dim3A_139 = vector.broadcast %jit3A_138 : i32 to vector<1x8192xi32>
      %select_n3A_140 = arith.select %ge3A_137, %add3A_11, %broadcast_in_dim3A_139 : vector<1x8192xi1>, vector<1x8192xi32>
      %reduce_sum3A_141 = vector.shape_cast %select_n3A_140 : vector<1x8192xi32> to vector<1x1x8192xi32>
      %reduce_sum3A_142 = arith.constant dense<0> : vector<1xi32>
      %reduce_sum3A_143 = vector.multi_reduction <add>, %reduce_sum3A_141, %reduce_sum3A_142 [1, 2] : vector<1x1x8192xi32> to vector<1xi32>
      %reduce_sum3A_144 = vector.shape_cast %reduce_sum3A_143 : vector<1xi32> to vector<1x1x1xi32>
      %reduce_sum3A_145 = vector.extract %reduce_sum3A_144[0, 0, 0] : i32 from vector<1x1x1xi32>
      %ge3A_146 = arith.cmpi sge, %reduce_sum3A_145, %sub3A_38 : i32
      %select_n3A_147 = arith.select %ge3A_146, %or3A_135, %scan3A_130 : i32
      scf.yield %select_n3A_147 : i32
    }
    %scan3A_50 = arith.constant 13 : i32
    %shift_left3A = arith.constant 19 : i32
    %shift_left3A_51 = arith.shli %scan3A_27, %shift_left3A : i32
    %shift_left3A_52 = arith.constant 6 : i32
    %shift_left3A_53 = arith.shli %scan3A_49, %shift_left3A_52 : i32
    %or3A = arith.ori %shift_left3A_51, %shift_left3A_53 : i32
    %xor3A_54 = arith.constant -2147483648 : i32
    %xor3A_55 = arith.xori %or3A, %xor3A_54 : i32
    %get3A_56 = arith.constant 0 : index
    %get3A_57 = arith.constant 0 : index
    %get3A_58 = vector.load %arg1[%get3A_56, %get3A_57] : memref<128x2048xf32, #tpu.memory_space<vmem>>, vector<128x2048xf32>
    %get3A_59 = arith.constant 0 : index
    %get3A_60 = arith.constant 0 : index
    %get3A_61 = vector.load %arg2[%get3A_59, %get3A_60] : memref<128x2048xf32, #tpu.memory_space<vmem>>, vector<128x2048xf32>
    %eq3A = arith.constant 0.000000e+00 : f32
    %eq3A_62 = vector.broadcast %eq3A : f32 to vector<128x2048xf32>
    %eq3A_63 = arith.cmpf oeq, %get3A_61, %eq3A_62 : vector<128x2048xf32>
    %max3A = arith.constant 0.000000e+00 : f32
    %max3A_64 = vector.broadcast %max3A : f32 to vector<128x2048xf32>
    %max3A_65 = arith.maximumf %get3A_58, %max3A_64 : vector<128x2048xf32>
    %abs3A = math.absf %get3A_58 : vector<128x2048xf32>
    %neg3A = arith.constant 0.000000e+00 : f32
    %neg3A_66 = vector.broadcast %neg3A : f32 to vector<128x2048xf32>
    %neg3A_67 = arith.subf %neg3A_66, %abs3A : vector<128x2048xf32>
    %exp3A = math.exp %neg3A_67 : vector<128x2048xf32>
    %log1p3A = math.log1p %exp3A : vector<128x2048xf32>
    %add3A_68 = arith.addf %max3A_65, %log1p3A : vector<128x2048xf32>
    %bitcast_convert_type3A = tpu.bitcast %get3A_58 : vector<128x2048xf32> -> vector<128x2048xi32>
    %ge3A_69 = arith.constant 0 : i32
    %ge3A_70 = vector.broadcast %ge3A_69 : i32 to vector<128x2048xi32>
    %ge3A_71 = arith.cmpi sge, %bitcast_convert_type3A, %ge3A_70 : vector<128x2048xi32>
    %not3A = arith.constant dense<-1> : vector<128x2048xi32>
    %not3A_72 = arith.xori %bitcast_convert_type3A, %not3A : vector<128x2048xi32>
    %xor3A_73 = arith.constant -2147483648 : i32
    %xor3A_74 = vector.broadcast %xor3A_73 : i32 to vector<128x2048xi32>
    %xor3A_75 = arith.xori %not3A_72, %xor3A_74 : vector<128x2048xi32>
    %select_n3A_76 = arith.select %ge3A_71, %bitcast_convert_type3A, %xor3A_75 : vector<128x2048xi1>, vector<128x2048xi32>
    %and3A = arith.constant -64 : i32
    %and3A_77 = vector.broadcast %and3A : i32 to vector<128x2048xi32>
    %and3A_78 = arith.andi %select_n3A_76, %and3A_77 : vector<128x2048xi32>
    %gt3A_79 = vector.broadcast %xor3A_55 : i32 to vector<128x2048xi32>
    %gt3A_80 = arith.cmpi sgt, %and3A_78, %gt3A_79 : vector<128x2048xi32>
    %and3A_81 = arith.andi %eq3A_63, %gt3A_80 : vector<128x2048xi1>
    %eq3A_82 = vector.broadcast %xor3A_55 : i32 to vector<128x2048xi32>
    %eq3A_83 = arith.cmpi eq, %and3A_78, %eq3A_82 : vector<128x2048xi32>
    %and3A_84 = arith.andi %eq3A_63, %eq3A_83 : vector<128x2048xi1>
    %convert_element_type3A_85 = arith.extui %and3A_81 : vector<128x2048xi1> to vector<128x2048xi32>
    %convert_element_type3A_86 = arith.sitofp %convert_element_type3A_85 : vector<128x2048xi32> to vector<128x2048xf32>
    %reduce_sum3A_87 = vector.shape_cast %convert_element_type3A_86 : vector<128x2048xf32> to vector<1x128x2048xf32>
    %reduce_sum3A_88 = arith.constant dense<0.000000e+00> : vector<1xf32>
    %reduce_sum3A_89 = vector.multi_reduction <add>, %reduce_sum3A_87, %reduce_sum3A_88 [1, 2] : vector<1x128x2048xf32> to vector<1xf32>
    %reduce_sum3A_90 = vector.shape_cast %reduce_sum3A_89 : vector<1xf32> to vector<1x1x1xf32>
    %reduce_sum3A_91 = vector.extract %reduce_sum3A_90[0, 0, 0] : f32 from vector<1x1x1xf32>
    %jit3A_92 = arith.constant 0.000000e+00 : f32
    %broadcast_in_dim3A_93 = vector.broadcast %jit3A_92 : f32 to vector<128x2048xf32>
    %select_n3A_94 = arith.select %and3A_81, %add3A_68, %broadcast_in_dim3A_93 : vector<128x2048xi1>, vector<128x2048xf32>
    %reduce_sum3A_95 = vector.shape_cast %select_n3A_94 : vector<128x2048xf32> to vector<1x128x2048xf32>
    %reduce_sum3A_96 = arith.constant dense<0.000000e+00> : vector<1xf32>
    %reduce_sum3A_97 = vector.multi_reduction <add>, %reduce_sum3A_95, %reduce_sum3A_96 [1, 2] : vector<1x128x2048xf32> to vector<1xf32>
    %reduce_sum3A_98 = vector.shape_cast %reduce_sum3A_97 : vector<1xf32> to vector<1x1x1xf32>
    %reduce_sum3A_99 = vector.extract %reduce_sum3A_98[0, 0, 0] : f32 from vector<1x1x1xf32>
    %convert_element_type3A_100 = arith.extui %and3A_84 : vector<128x2048xi1> to vector<128x2048xi32>
    %convert_element_type3A_101 = arith.sitofp %convert_element_type3A_100 : vector<128x2048xi32> to vector<128x2048xf32>
    %reduce_sum3A_102 = vector.shape_cast %convert_element_type3A_101 : vector<128x2048xf32> to vector<1x128x2048xf32>
    %reduce_sum3A_103 = arith.constant dense<0.000000e+00> : vector<1xf32>
    %reduce_sum3A_104 = vector.multi_reduction <add>, %reduce_sum3A_102, %reduce_sum3A_103 [1, 2] : vector<1x128x2048xf32> to vector<1xf32>
    %reduce_sum3A_105 = vector.shape_cast %reduce_sum3A_104 : vector<1xf32> to vector<1x1x1xf32>
    %reduce_sum3A_106 = vector.extract %reduce_sum3A_105[0, 0, 0] : f32 from vector<1x1x1xf32>
    %jit3A_107 = arith.constant 0.000000e+00 : f32
    %broadcast_in_dim3A_108 = vector.broadcast %jit3A_107 : f32 to vector<128x2048xf32>
    %select_n3A_109 = arith.select %and3A_84, %add3A_68, %broadcast_in_dim3A_108 : vector<128x2048xi1>, vector<128x2048xf32>
    %reduce_sum3A_110 = vector.shape_cast %select_n3A_109 : vector<128x2048xf32> to vector<1x128x2048xf32>
    %reduce_sum3A_111 = arith.constant dense<0.000000e+00> : vector<1xf32>
    %reduce_sum3A_112 = vector.multi_reduction <add>, %reduce_sum3A_110, %reduce_sum3A_111 [1, 2] : vector<1x128x2048xf32> to vector<1xf32>
    %reduce_sum3A_113 = vector.shape_cast %reduce_sum3A_112 : vector<1xf32> to vector<1x1x1xf32>
    %reduce_sum3A_114 = vector.extract %reduce_sum3A_113[0, 0, 0] : f32 from vector<1x1x1xf32>
    %eq3A_115 = arith.constant 0 : i32
    %eq3A_116 = arith.cmpi eq, %arg0, %eq3A_115 : i32
    %convert_element_type3A_117 = arith.extui %eq3A_116 : i1 to i32
    %cond3A = arith.constant 0 : i32
    %cond3A_118 = arith.cmpi ne, %convert_element_type3A_117, %cond3A : i32
    scf.if %cond3A_118 {
      %swap3A = arith.constant 0 : index
      %swap3A_129 = memref.load %arg7[%swap3A] : memref<4xf32, #tpu.memory_space<smem>>
      memref.store %reduce_sum3A_91, %arg7[%swap3A] : memref<4xf32, #tpu.memory_space<smem>>
      %swap3A_130 = arith.constant 1 : index
      %swap3A_131 = memref.load %arg7[%swap3A_130] : memref<4xf32, #tpu.memory_space<smem>>
      memref.store %reduce_sum3A_99, %arg7[%swap3A_130] : memref<4xf32, #tpu.memory_space<smem>>
      %swap3A_132 = arith.constant 2 : index
      %swap3A_133 = memref.load %arg7[%swap3A_132] : memref<4xf32, #tpu.memory_space<smem>>
      memref.store %reduce_sum3A_106, %arg7[%swap3A_132] : memref<4xf32, #tpu.memory_space<smem>>
      %swap3A_134 = arith.constant 3 : index
      %swap3A_135 = memref.load %arg7[%swap3A_134] : memref<4xf32, #tpu.memory_space<smem>>
      memref.store %reduce_sum3A_114, %arg7[%swap3A_134] : memref<4xf32, #tpu.memory_space<smem>>
    } else {
    }
    %gt3A_119 = arith.constant 0 : i32
    %gt3A_120 = arith.cmpi sgt, %arg0, %gt3A_119 : i32
    %convert_element_type3A_121 = arith.extui %gt3A_120 : i1 to i32
    %cond3A_122 = arith.constant 0 : i32
    %cond3A_123 = arith.cmpi ne, %convert_element_type3A_121, %cond3A_122 : i32
    scf.if %cond3A_123 {
      %get3A_129 = arith.constant 0 : index
      %get3A_130 = memref.load %arg7[%get3A_129] : memref<4xf32, #tpu.memory_space<smem>>
      %add3A_131 = arith.addf %get3A_130, %reduce_sum3A_91 : f32
      %swap3A = arith.constant 0 : index
      %swap3A_132 = memref.load %arg7[%swap3A] : memref<4xf32, #tpu.memory_space<smem>>
      memref.store %add3A_131, %arg7[%swap3A] : memref<4xf32, #tpu.memory_space<smem>>
      %get3A_133 = arith.constant 1 : index
      %get3A_134 = memref.load %arg7[%get3A_133] : memref<4xf32, #tpu.memory_space<smem>>
      %add3A_135 = arith.addf %get3A_134, %reduce_sum3A_99 : f32
      %swap3A_136 = arith.constant 1 : index
      %swap3A_137 = memref.load %arg7[%swap3A_136] : memref<4xf32, #tpu.memory_space<smem>>
      memref.store %add3A_135, %arg7[%swap3A_136] : memref<4xf32, #tpu.memory_space<smem>>
      %get3A_138 = arith.constant 2 : index
      %get3A_139 = memref.load %arg7[%get3A_138] : memref<4xf32, #tpu.memory_space<smem>>
      %add3A_140 = arith.addf %get3A_139, %reduce_sum3A_106 : f32
      %swap3A_141 = arith.constant 2 : index
      %swap3A_142 = memref.load %arg7[%swap3A_141] : memref<4xf32, #tpu.memory_space<smem>>
      memref.store %add3A_140, %arg7[%swap3A_141] : memref<4xf32, #tpu.memory_space<smem>>
      %get3A_143 = arith.constant 3 : index
      %get3A_144 = memref.load %arg7[%get3A_143] : memref<4xf32, #tpu.memory_space<smem>>
      %add3A_145 = arith.addf %get3A_144, %reduce_sum3A_114 : f32
      %swap3A_146 = arith.constant 3 : index
      %swap3A_147 = memref.load %arg7[%swap3A_146] : memref<4xf32, #tpu.memory_space<smem>>
      memref.store %add3A_145, %arg7[%swap3A_146] : memref<4xf32, #tpu.memory_space<smem>>
    } else {
    }
    %eq3A_124 = arith.constant 15 : i32
    %eq3A_125 = arith.cmpi eq, %arg0, %eq3A_124 : i32
    %convert_element_type3A_126 = arith.extui %eq3A_125 : i1 to i32
    %cond3A_127 = arith.constant 0 : i32
    %cond3A_128 = arith.cmpi ne, %convert_element_type3A_126, %cond3A_127 : i32
    scf.if %cond3A_128 {
      %convert_element_type3A_129 = arith.sitofp %min3A : i32 to f32
      %get3A_130 = arith.constant 0 : index
      %get3A_131 = memref.load %arg7[%get3A_130] : memref<4xf32, #tpu.memory_space<smem>>
      %sub3A_132 = arith.subf %convert_element_type3A_129, %get3A_131 : f32
      %get3A_133 = arith.constant 2 : index
      %get3A_134 = memref.load %arg7[%get3A_133] : memref<4xf32, #tpu.memory_space<smem>>
      %gt3A_135 = arith.constant 0.000000e+00 : f32
      %gt3A_136 = arith.cmpf ogt, %get3A_134, %gt3A_135 : f32
      %get3A_137 = arith.constant 3 : index
      %get3A_138 = memref.load %arg7[%get3A_137] : memref<4xf32, #tpu.memory_space<smem>>
      %get3A_139 = arith.constant 2 : index
      %get3A_140 = memref.load %arg7[%get3A_139] : memref<4xf32, #tpu.memory_space<smem>>
      %div3A = arith.divf %get3A_138, %get3A_140 : f32
      %jit3A_141 = arith.constant 0.000000e+00 : f32
      %select_n3A_142 = arith.select %gt3A_136, %div3A, %jit3A_141 : f32
      %gt3A_143 = arith.constant 0.000000e+00 : f32
      %gt3A_144 = arith.cmpf ogt, %sub3A_132, %gt3A_143 : f32
      %mul3A_145 = arith.mulf %sub3A_132, %select_n3A_142 : f32
      %jit3A_146 = arith.constant 0.000000e+00 : f32
      %select_n3A_147 = arith.select %gt3A_144, %mul3A_145, %jit3A_146 : f32
      %get3A_148 = arith.constant 0 : index
      %get3A_149 = arith.constant 0 : index
      %get3A_150 = memref.load %arg5[%get3A_148, %get3A_149] : memref<1x1xf32, #tpu.memory_space<smem>>
      %get3A_151 = arith.constant 1 : index
      %get3A_152 = memref.load %arg7[%get3A_151] : memref<4xf32, #tpu.memory_space<smem>>
      %add3A_153 = arith.addf %get3A_150, %get3A_152 : f32
      %add3A_154 = arith.addf %add3A_153, %select_n3A_147 : f32
      %add3A_155 = arith.addi %sub3A_16, %convert_element_type3A_18 : i32
      %convert_element_type3A_156 = arith.sitofp %add3A_155 : i32 to f32
      %div3A_157 = arith.divf %add3A_154, %convert_element_type3A_156 : f32
      %swap3A = arith.constant 0 : index
      %swap3A_158 = arith.constant 0 : index
      %swap3A_159 = memref.load %arg6[%swap3A, %swap3A_158] : memref<1x1xf32, #tpu.memory_space<smem>>
      memref.store %div3A_157, %arg6[%swap3A, %swap3A_158] : memref<1x1xf32, #tpu.memory_space<smem>>
    } else {
    }
    return
  }
  func.func @transform_0(%arg0: i32) -> (i32, i32) {
    %c0_i32 = arith.constant 0 : i32
    %c0_i32_0 = arith.constant 0 : i32
    return %c0_i32, %arg0 : i32, i32
  }
  func.func @transform_1(%arg0: i32) -> (i32, i32) {
    %c0_i32 = arith.constant 0 : i32
    %c0_i32_0 = arith.constant 0 : i32
    return %c0_i32, %arg0 : i32, i32
  }
  func.func @transform_2(%arg0: i32) -> (i32, i32) {
    %c0_i32 = arith.constant 0 : i32
    %c0_i32_0 = arith.constant 0 : i32
    %c0_i32_1 = arith.constant 0 : i32
    return %c0_i32, %c0_i32_0 : i32, i32
  }
  func.func @transform_3(%arg0: i32) -> (i32, i32) {
    %c0_i32 = arith.constant 0 : i32
    %c0_i32_0 = arith.constant 0 : i32
    %c0_i32_1 = arith.constant 0 : i32
    return %c0_i32, %c0_i32_0 : i32, i32
  }
  func.func @transform_4(%arg0: i32) -> (i32, i32) {
    %c0_i32 = arith.constant 0 : i32
    %c0_i32_0 = arith.constant 0 : i32
    %c0_i32_1 = arith.constant 0 : i32
    return %c0_i32, %c0_i32_0 : i32, i32
  }
  func.func @transform_5(%arg0: i32) -> (i32, i32) {
    %c0_i32 = arith.constant 0 : i32
    %c0_i32_0 = arith.constant 0 : i32
    %c0_i32_1 = arith.constant 0 : i32
    return %c0_i32, %c0_i32_0 : i32, i32
  }
}

</mosaic_0001>

<sc_bundles>
// kernel: kernel.6.cloned.1.call-start
scs
__scs_entry_jumppad:
0x0: {  	(pc) =	sbr.rel $0x88, $3  }
0x1: {  	(tag) =	ssettag $0x0;
	lr =	simm.s32 $0x1  }
0x2: {  	[smem:$0x3F9F] =	sst lr;
	_ =	strace $0xD0000000  }
0x3: {  	_ = 	snop  }
0x4: {  	_ = 	snop  }
0x5: {  	_ = 	snop  }
0x6: {  	_ = 	snop  }
0x7: {  	_ = 	snop  }
__scs_overlays_trampoline_lowered:
0x8: {  	[smem:$0x3FAE] =	sst s0  }
0x9: {  	[smem:$0x3FAF] =	sst s1  }
0xa: {  	[smem:$0x3FB0] =	sst s2  }
0xb: {  	[smem:$0x3FB1] =	sst s3  }
0xc: {  	[smem:$0x3FB2] =	sst s4  }
0xd: {  	[smem:$0x3FB3] =	sst s5  }
0xe: {  	[smem:$0x3FB4] =	sst s6  }
0xf: {  	[smem:$0x3FB5] =	sst s7  }
0x10: {  	[smem:$0x3FB6] =	sst s8  }
0x11: {  	[smem:$0x3FB7] =	sst s9;
	s0 =	simm.s32 @!p0 $0x0  }
0x12: {  	s1 =	sld [smem:$0x3F9D];
	s0 =	simm.s32 @p0 $0x1  }
0x13: {  	[smem:$0x3FB8] =	sst s0;
	s0 =	simm.s32 @!p1 $0x0  }
0x14: {  	s2 =	sld [smem:$0x3F9C];
	s0 =	simm.s32 @p1 $0x1  }
0x15: {  	[smem:$0x3FB9] =	sst s0;
	s0 =	simm.s32 @!p2 $0x0  }
0x16: {  	s3 =	sld [smem:$0x3FDB];
	s0 =	simm.s32 @p2 $0x1  }
0x17: {  	s4 =	simm.s32 $0x1BF5;
	[smem:$0x3FBB] =	sst s0  }
0x18: {  	s0 =	sld [smem:$0x3F9E];
	_ =	swait.ge [sflag:s4], $0x0  }
0x19: {  	s7 =	sld [smem:$0x3F9F]  }
0x1a: {  	s8 =	sadd.s32 $0xFFFFE003, lr  }
0x1b: {  	s9 =	sadd.s32 $0xFFFFFEF7, lr;
	s5 =	simm.s32 $0xFFFFFFFF;
	p2 =	slt.u32 s8, $0xFFFFF086  }
0x1c: {  	p1 =	slt.u32 s9, $0xF7A;
	s5 =	simm.s32 @!p2 $0x0  }
0x1d: {  	s5 =	simm.s32 @p1 $0x1;
	p0 =	seq.s32 s7, s2  }
0x1e: {  	s7 =	smul.u32 @!p0 $0xF7A, s2;
	p2 =	seq.s32 @!p0 s5, $0x0  }
0x1f: {  	s9 =	smul.u32 $0xF7A, s1;
	s8 =	simm.s32 @!p0 $0x1BF5;
	p2 =	por !p2, p0  }
0x20: {  	[sflag:s8] =	ssyncset.s32 @!p0 $0xFFFFF086;
	s6 =	sadd.s32 @!p0 s3, s7;
	s7 =	simm.s32 @!p0 $0x108  }
0x21: {  	s3 =	sadd.s32 s3, s9;
	s6 =	sadd.s32 @!p0 $0x88, s6;
	s7 =	simm.s32 @p2 $0x1082  }
0x22: {  	[simem:s7], [sflag:s8] =	dma.local @!p0 [hbm:s6], $0xF7A  }
0x23: {  	s9 =	sor.u32 $0xD0000000, s2;
	s6 =	simm.s32 $0x108;
	_ =	swait.ge @!p0 [sflag:s8], $0x0  }
0x24: {  	s3 =	sadd.s32 $0x88, s3;
	s6 =	simm.s32 @!p1 $0x1082;
	[sflag:s4] =	ssyncset.s32 $0xFFFFF086  }
0x25: {  	[simem:s6], [sflag:s4] =	dma.local [hbm:s3], $0xF7A  }
0x26: {  	[smem:$0x3F9F] =	sst s1;
	(tag) =	ssettag s2;
	_ =	strace s9  }
0x27: {  	s1 =	sld [smem:$0x3FAF]  }
0x28: {  	s2 =	sld [smem:$0x3FB0]  }
0x29: {  	s4 =	sld [smem:$0x3FB2]  }
0x2a: {  	p0 =	seq.s32 s5, $0x0;
	s5 =	sld [smem:$0x3FB3]  }
0x2b: {  	s6 =	sld [smem:$0x3FB4]  }
0x2c: {  	s7 =	sld [smem:$0x3FB5]  }
0x2d: {  	s3 =	simm.s32 $0x108;
	s8 =	sld [smem:$0x3FB6]  }
0x2e: {  	s3 =	simm.s32 @!p0 $0x1082;
	s9 =	sld [smem:$0x3FB7]  }
0x2f: {  	lr =	sadd.s32 s0, s3;
	s0 =	sld [smem:$0x3FAE]  }
0x30: {  	s3 =	sld [smem:$0x3FB1]  }
0x31: {  	[smem:$0x3FBA] =	sst s10  }
0x32: {  	s10 =	sld [smem:$0x3FB8];
	_ =	sdelay $0x3  }
0x33: {  	p0 =	seq.s32 s10, $0x1;
	s10 =	sld [smem:$0x3FBA];
	_ =	sdelay $0x3  }
0x34: {  	[smem:$0x3FBA] =	sst s10  }
0x35: {  	s10 =	sld [smem:$0x3FB9];
	_ =	sdelay $0x3  }
0x36: {  	p1 =	seq.s32 s10, $0x1;
	s10 =	sld [smem:$0x3FBA];
	_ =	sdelay $0x3  }
0x37: {  	[smem:$0x3FBA] =	sst s10  }
0x38: {  	s10 =	sld [smem:$0x3FBB]  }
0x39: {  	_ = 	snop;
	(pc) =	sbr.ind lr, $3  }
0x3a: {  	_ = 	snop  }
0x3b: {  	_ = 	snop  }
0x3c: {  	p2 =	seq.s32 s10, $0x1;
	s10 =	sld [smem:$0x3FBA]  }
0x3d: {  	_ =	shalt  }
0x3e: {  	_ =	shalt  }
0x3f: {  	_ =	shalt  }
0x40: {  	_ =	shalt  }
0x41: {  	_ =	shalt  }
0x42: {  	_ =	shalt  }
0x43: {  	_ =	shalt  }
0x44: {  	_ =	shalt  }
0x45: {  	_ =	shalt  }
0x46: {  	_ =	shalt  }
0x47: {  	_ =	shalt  }
0x48: {  	_ =	shalt  }
0x49: {  	_ =	shalt  }
0x4a: {  	_ =	shalt  }
0x4b: {  	_ =	shalt  }
0x4c: {  	_ =	shalt  }
0x4d: {  	_ =	shalt  }
0x4e: {  	_ =	shalt  }
0x4f: {  	_ =	shalt  }
0x50: {  	_ =	shalt  }
0x51: {  	_ =	shalt  }
0x52: {  	_ =	shalt  }
0x53: {  	_ =	shalt  }
0x54: {  	_ =	shalt  }
0x55: {  	_ =	shalt  }
0x56: {  	_ =	shalt  }
0x57: {  	_ =	shalt  }
0x58: {  	_ =	shalt  }
0x59: {  	_ =	shalt  }
0x5a: {  	_ =	shalt  }
0x5b: {  	_ =	shalt  }
0x5c: {  	_ =	shalt  }
0x5d: {  	_ =	shalt  }
0x5e: {  	_ =	shalt  }
0x5f: {  	_ =	shalt  }
0x60: {  	_ =	shalt  }
0x61: {  	_ =	shalt  }
0x62: {  	_ =	shalt  }
0x63: {  	_ =	shalt  }
0x64: {  	_ =	shalt  }
0x65: {  	_ =	shalt  }
0x66: {  	_ =	shalt  }
0x67: {  	_ =	shalt  }
0x68: {  	_ =	shalt  }
0x69: {  	_ =	shalt  }
0x6a: {  	_ =	shalt  }
0x6b: {  	_ =	shalt  }
0x6c: {  	_ =	shalt  }
0x6d: {  	_ =	shalt  }
0x6e: {  	_ =	shalt  }
0x6f: {  	_ =	shalt  }
0x70: {  	_ =	shalt  }
0x71: {  	_ =	shalt  }
0x72: {  	_ =	shalt  }
0x73: {  	_ =	shalt  }
0x74: {  	_ =	shalt  }
0x75: {  	_ =	shalt  }
0x76: {  	_ =	shalt  }
0x77: {  	_ =	shalt  }
0x78: {  	_ =	shalt  }
0x79: {  	_ =	shalt  }
0x7a: {  	_ =	shalt  }
0x7b: {  	_ =	shalt  }
0x7c: {  	_ =	shalt  }
0x7d: {  	_ =	shalt  }
0x7e: {  	_ =	shalt  }
0x7f: {  	_ =	shalt  }
0x80: {  	_ =	shalt  }
0x81: {  	_ =	shalt  }
0x82: {  	_ =	shalt  }
0x83: {  	_ =	shalt  }
0x84: {  	_ =	shalt  }
0x85: {  	_ =	shalt  }
0x86: {  	_ =	shalt  }
0x87: {  	_ =	shalt  }
.Lfunc_end0:
.L_simem_size_0:
called_computation_lowered:
.L_overlay_start_0:
0x88: {  	s2 =	sld [smem:$0x3FD9]  }
0x89: {  	s3 =	sld [smem:$0x3FFE];
	_ =	sdelay $0x1  }
0x8a: {  	s1 =	srdreg.scid  }
0x8b: {  	s0 =	sand.u32 $0x1, s1  }
0x8c: {  	s17 =	sshll.u32 s0, $0xA;
	s2 =	sadd.s32 s3, s2  }
0x8d: {  	s2 =	sadd.s32 s2, s17  }
0x8e: {  	[smem:$0x3FC6] =	sst s2  }
0x8f: {  	_ = 	snop  }
0x90: {  	s2 =	sld [smem:$0x3FC9]  }
0x91: {  	s18 =	sld [smem:$0x3FC8];
	(tm) =	ssettm $0x1  }
0x92: {  	s4 =	sld [smem:$0x3FFB];
	_ =	sdelay $0x3  }
0x93: {  	_ =	strace s4  }
0x94: {  	s4 =	sld [smem:$0x3FFC];
	_ =	sdelay $0x3  }
0x95: {  	_ =	strace s4  }
0x96: {  	s4 =	sld [smem:$0x3FFD];
	_ =	sdelay $0x3  }
0x97: {  	_ =	strace s4  }
0x98: {  	_ =	strace $0x8FFFFFFF  }
0x99: {  	s19 =	sld [smem:$0x3FDB];
	_ =	sdelay $0x1  }
0x9a: {  	s5 =	simm.s32 $_scs_section_size  }
0x9b: {  	s6 =	simm.s32 $_size__tile_overlayer_lowered;
	s7 =	simm.s32 $_tile_overlayer_lowered  }
0x9c: {  	s22 =	simm.s32 $0x1BFF;
	s21 =	sshll.u32 s7, $0x1;
	s4 =	sadd.s32 s5, s19  }
0x9d: {  	s8 =	simm.s32 $0x0;
	s20 =	sshll.u32 s6, $0x1;
	s6 =	sadd.s32 s21, s4  }
0x9e: {  	[timem:s8], [sflag:s22] =	dma.local [hbm:s6], s20  }
0x9f: {  	_ =	swait.ge [sflag:s22], s20  }
0xa0: {  	s5 =	ssub.s32 $0x0, s20;
	[sflag:s22] =	ssyncset.done $0x0  }
0xa1: {  	[sflag:s22] =	ssyncadd.s32 s5;
	_ =	sdelay $0x1  }
0xa2: {  	s23 =	simm.s32 $0x1B8B  }
0xa3: {  	_ =	swait.ge [sflag:s23], $0x1  }
0xa4: {  	[sflag:s23] =	ssyncset.done $0x0  }
0xa5: {  	s25 =	simm.s32 $0x1B8E;
	s24 =	sld [smem:$0x3FFE];
	[sflag:s23] =	ssyncadd.s32 $0xFFFFFFFF  }
0xa6: {  	s26 =	simm.s32 $execute0_lowered;
	[smem:$0x3FD2] =	sst s25  }
0xa7: {  	s6 =	sshll.u32 s26, $0x1;
	_ =	strace $0x80000046;
	[dreg:$0x1] =	wrdreg $0xFFFFFFFF  }
0xa8: {  	s28 =	simm.s32 $_size_execute0_lowered;
	s4 =	sadd.s32 s4, s6;
	[dreg:$0x0] =	wrdreg $0x0  }
0xa9: {  	s6 =	sshll.u32 s28, $0x1;
	[dreg:$0x2] =	wrdreg s4  }
0xaa: {  	[dreg:$0x3] =	wrdreg s6  }
0xab: {  	[dreg:$0x4] =	wrdreg $0xC0  }
0xac: {  	_ =	task [dreg:s8], $0x5FFFF  }
0xad: {  	[dreg:$0x1] =	wrdreg $0xFFFFFFFF  }
0xae: {  	[dreg:$0x0] =	wrdreg $0x60  }
0xaf: {  	[dreg:$0x2] =	wrdreg s2  }
0xb0: {  	[dreg:$0x3] =	wrdreg s18  }
0xb1: {  	[dreg:$0x4] =	wrdreg s24  }
0xb2: {  	[dreg:$0x5] =	wrdreg $0x140000  }
0xb3: {  	[dreg:$0x6] =	wrdreg $0x9  }
0xb4: {  	_ =	task.clear_ibuf [dreg:s8], $0x7FFFF;
	_ =	strace $0x90000046  }
0xb5: {  	s29 =	simm.s32 $0x9;
	_ =	strace $0x80000048  }
0xb6: {  	_ =	swait.ge [sflag:s29], $0x1  }
0xb7: {  	[sflag:s29] =	ssyncadd.s32 $0xFFFFFFFF  }
0xb8: {  	_ =	strace $0x90000048  }
0xb9: {  	_ =	sfence  }
0xba: {  	s30 =	sld [smem:$0x0];
	_ =	sdelay $0x2  }
0xbb: {  	s31 =	sshll.u32 s1, $0xD;
	s1 =	sshrl.u32 s1, $0x2  }
0xbc: {  	s3 =	sand.u32 $0x4000, s31;
	s1 =	sadd.s32 s1, s30  }
0xbd: {  	s0 =	sor.u32 s3, s0;
	s1 =	sshll.u32 s1, $0x11  }
0xbe: {  	s0 =	sor.u32 s1, s0  }
0xbf: {  	s0 =	sadd.s32 $0x8F2B, s0  }
0xc0: {  	[sflag:s0] =	ssyncadd.remote.s32 $0x1  }
0xc1: {  	_ =	sfence.sel $0xFFFF  }
0xc2: {  	[dreg:$0x0] =	wrdreg $0xFFFFFFFF;
	(pc) =	sbr.abs _section_cstart, $3  }
0xc3: {  	[dreg:$0x1] =	wrdreg $0xFFFFFFFF  }
0xc4: {  	_ =	task.clear_ibuf [dreg:s8], $0x2FFFF;
	_ =	strace $0x9FFFFFFF  }
0xc5: {  	(tm) =	ssettm $0x7FFFFFFF  }
tec
execute0_lowered:
.L_overlay_start_1:
0x0: {  	(tag) =	ssettag $0x1  }
0x1: {  	s0 =	rddreg [dreg:$0x0]  }
0x2: {  	s2 =	rddreg [dreg:$0x1]  }
0x3: {  	s3 =	rddreg [dreg:$0x2]  }
0x4: {  	s4 =	rddreg [dreg:$0x3];
	s1 =	simm.s32 $0x0;
	s5 =	srdreg.scid  }
0x5: {  	s10 =	stileid.u32;
	s28 =	simm.s32 $0x4000;
	s29 =	simm.s32 $0xC000  }
0x6: {  	s30 =	simm.s32 $0x1;
	s31 =	simm.s32 $0x3;
	[smem:$0x7FF] =	sst s1  }
0x7: {  	s5 =	sand.u32 $0x1, s5;
	s9 =	sshll.u32 s10, $0xF;
	s21 =	sshll.u32 s10, $0xD  }
0x8: {  	s22 =	sshll.u32 s10, $0x7;
	s24 =	sshll.u32 s10, $0xC;
	s25 =	sshll.u32 s10, $0x9  }
0x9: {  	_ =	strace $0x80000047;
	s6 =	sshll.u32 s5, $0x4;
	s7 =	ssub.s32 $0x2, s5  }
0xa: {  	s5 =	sshll.u32 s5, $0x6;
	s23 =	sand.u32 $0x380, s22;
	s8 =	sshrl.u32 s7, $0x1  }
0xb: {  	s3 =	sadd.s32 s6, s3;
	s5 =	sor.u32 s5, s9;
	s6 =	ssub.s32 s7, s8  }
0xc: {  	s8 =	sadd.s32 s0, s5;
	s9 =	sadd.s32 s2, s5;
	s11 =	sor.u32 $0x4000, s5  }
0xd: {  	s13 =	sor.u32 $0x10, s5;
	s15 =	sor.u32 $0x4010, s5;
	s17 =	sor.u32 $0x20, s5  }
0xe: {  	s19 =	sor.u32 $0x4020, s5;
	s20 =	sor.u32 $0x30, s5;
	[dreg:$0x5] =	wrdreg s8  }
0xf: {  	s5 =	sor.u32 $0x4030, s5;
	[dreg:$0x6] =	wrdreg s9;
	s12 =	sadd.s32 s0, s11  }
0x10: {  	s26 =	sadd.s32 s22, s3;
	s7 =	sadd.s32 s2, s11;
	[dreg:$0x7] =	wrdreg s12  }
0x11: {  	s3 =	simm.s32 $0x4;
	s14 =	sadd.s32 s0, s13;
	[dreg:$0x8] =	wrdreg s7  }
0x12: {  	s16 =	sadd.s32 s0, s15;
	s18 =	sadd.s32 s0, s17;
	[dreg:$0x9] =	wrdreg s14  }
0x13: {  	s22 =	sadd.s32 $0x1C00, s26;
	s26 =	simm.s32 $0x8000;
	[dreg:$0xb] =	wrdreg s16  }
0x14: {  	s7 =	sadd.s32 s2, s13;
	[dreg:$0xd] =	wrdreg s18;
	s13 =	sadd.s32 s0, s19  }
0x15: {  	s14 =	sadd.s32 s2, s19;
	s16 =	sadd.s32 s2, s20;
	s18 =	sadd.s32 s2, s5  }
0x16: {  	[dreg:$0xa] =	wrdreg s7;
	s7 =	sadd.s32 s2, s15;
	s15 =	sadd.s32 s0, s20  }
0x17: {  	s20 =	sadd.s32 s24, s4;
	s24 =	simm.s32 $0x80;
	[dreg:$0xc] =	wrdreg s7  }
0x18: {  	s7 =	sadd.s32 s2, s17;
	s17 =	sadd.s32 s0, s5;
	s0 =	simm.s32 $0x10000  }
0x19: {  	s2 =	simm.s32 $0x2;
	[dreg:$0xe] =	wrdreg s7;
	s7 =	sand.u32 $0x10000, s21  }
0x1a: {  	s21 =	sor.u32 $0x10000, s25;
	s25 =	simm.s32 $0x400;
	s7 =	sadd.s32 s7, s4  }
0x1b: {  	v0 =	vimm.s32 $0x0;
	v1 =	vimm.s32 $0x1;
	s4 =	simm.s32 $0x5;
	s19 =	sadd.s32 s23, s7;
	s23 =	smax.u32 s6, $0x1  }
.LBB2_1:
0x1c: {  	s5 =	simm.s32 $0x40;
	s6 =	simm.s32 $0x0  }
.LBB2_2:
0x1d: {  	p0 =	sne.s32 s5, $0x7FC0;
	[tilespmem:s6+$0x10000] =	vst v0;
	s6 =	smov.u32 s5;
	s5 =	sadd.s32 $0x40, s5  }
.Ltmp0:
0x1e: {  	(pc) =	sbr.rel @p0 .LBB2_2-.Ltmp0, $2  }
0x1f: {  	_ =	sdelay $0x2  }
0x20: {  	s6 =	sshra.s32 s6, $0x2  }
0x21: {  	[tilespmem:s6+$0x10000] =	vst v0;
	s5 =	simm.s32 $0x0;
	s9 =	rddreg [dreg:$0x5]  }
0x22: {  	[tilespmem:s5], [sflag:$0x1] =	stream.strided.gather [hbm4b:s9+s24], $0x4000, s25, s24, $0x38;
	[tilespmem:$0x16000] =	vst v63  }
0x23: {  	s10 =	rddreg [dreg:$0x6]  }
0x24: {  	[tilespmem:s26], [sflag:$0x3] =	stream.strided.gather [hbm4b:s10+s24], $0x4000, s25, s24, $0x38;
	[tilespmem:$0x16000] =	vst v63  }
0x25: {  	s11 =	rddreg [dreg:$0x7]  }
0x26: {  	[tilespmem:s28], [sflag:$0x2] =	stream.strided.gather [hbm4b:s11+s24], $0x4000, s25, s24, $0x38;
	[tilespmem:$0x16000] =	vst v63  }
0x27: {  	s12 =	rddreg [dreg:$0x8]  }
0x28: {  	[tilespmem:s29], [sflag:$0x4] =	stream.strided.gather [hbm4b:s12+s24], $0x4000, s25, s24, $0x38;
	[tilespmem:$0x16000] =	vst v63  }
0x29: {  	_ =	swait.ge [sflag:s30], $0x4000  }
0x2a: {  	[sflag:s30] =	ssyncset.done $0x0  }
0x2b: {  	[sflag:s30] =	ssyncadd.s32 $0xFFFFC000  }
0x2c: {  	_ =	swait.ge [sflag:s31], $0x4000  }
0x2d: {  	[sflag:s31] =	ssyncset.done $0x0  }
0x2e: {  	[sflag:s31] =	ssyncadd.s32 $0xFFFFC000  }
.LBB2_4:
0x2f: {  	s6 =	sshra.s32 s5, $0x2  }
0x30: {  	v2 =	vld [tilespmem:s6+$0x8000]  }
0x31: {  	v3 =	vld [tilespmem:s6+$0x0];
	_ =	sdelay $0x3  }
0x32: {  	vm0 =	veq.f32 v2, $0.0e+00  }
0x33: {  	v2 =	vshrl.u32 v3, $0x13;
	_ =	sdelay $0x4  }
0x34: {  	[tilespmem:v2+s0+$0x0] =	vst.idx.add.s32.msk vm0, v1  }
0x35: {  	v2 =	vld [tilespmem:s6+$0x8010]  }
0x36: {  	v3 =	vld [tilespmem:s6+$0x10];
	_ =	sdelay $0x3  }
0x37: {  	vm9 =	veq.f32 v2, $0.0e+00  }
0x38: {  	v2 =	vshrl.u32 v3, $0x13;
	_ =	sdelay $0x4  }
0x39: {  	[tilespmem:v2+s0+$0x0] =	vst.idx.add.s32.msk vm9, v1  }
0x3a: {  	v2 =	vld [tilespmem:s6+$0x8020]  }
0x3b: {  	v3 =	vld [tilespmem:s6+$0x20];
	_ =	sdelay $0x3  }
0x3c: {  	vm10 =	veq.f32 v2, $0.0e+00  }
0x3d: {  	v2 =	vshrl.u32 v3, $0x13;
	_ =	sdelay $0x4  }
0x3e: {  	[tilespmem:v2+s0+$0x0] =	vst.idx.add.s32.msk vm10, v1  }
0x3f: {  	v2 =	vld [tilespmem:s6+$0x8030]  }
0x40: {  	v3 =	vld [tilespmem:s6+$0x30];
	_ =	sdelay $0x3  }
0x41: {  	vm11 =	veq.f32 v2, $0.0e+00  }
0x42: {  	v2 =	vshrl.u32 v3, $0x13;
	_ =	sdelay $0x4  }
0x43: {  	[tilespmem:v2+s0+$0x0] =	vst.idx.add.s32.msk vm11, v1  }
0x44: {  	v2 =	vld [tilespmem:s6+$0x8040]  }
0x45: {  	v3 =	vld [tilespmem:s6+$0x40];
	_ =	sdelay $0x3  }
0x46: {  	vm12 =	veq.f32 v2, $0.0e+00  }
0x47: {  	v2 =	vshrl.u32 v3, $0x13;
	_ =	sdelay $0x4  }
0x48: {  	[tilespmem:v2+s0+$0x0] =	vst.idx.add.s32.msk vm12, v1  }
0x49: {  	v2 =	vld [tilespmem:s6+$0x8050]  }
0x4a: {  	v3 =	vld [tilespmem:s6+$0x50];
	_ =	sdelay $0x3  }
0x4b: {  	vm13 =	veq.f32 v2, $0.0e+00  }
0x4c: {  	v2 =	vshrl.u32 v3, $0x13;
	_ =	sdelay $0x4  }
0x4d: {  	[tilespmem:v2+s0+$0x0] =	vst.idx.add.s32.msk vm13, v1  }
0x4e: {  	v2 =	vld [tilespmem:s6+$0x8060]  }
0x4f: {  	v3 =	vld [tilespmem:s6+$0x60];
	_ =	sdelay $0x3  }
0x50: {  	vm14 =	veq.f32 v2, $0.0e+00  }
0x51: {  	v2 =	vshrl.u32 v3, $0x13;
	_ =	sdelay $0x4  }
0x52: {  	[tilespmem:v2+s0+$0x0] =	vst.idx.add.s32.msk vm14, v1  }
0x53: {  	v2 =	vld [tilespmem:s6+$0x8070]  }
0x54: {  	v3 =	vld [tilespmem:s6+$0x70];
	_ =	sdelay $0x3  }
0x55: {  	vm15 =	veq.f32 v2, $0.0e+00  }
0x56: {  	p0 =	sne.s32 s5, $0xFE00;
	v2 =	vshrl.u32 v3, $0x13  }
.Ltmp1:
0x57: {  	_ = 	snop;
	(pc) =	sbr.rel @p0 .LBB2_4-.Ltmp1, $2  }
0x58: {  	_ =	sdelay $0x2  }
0x59: {  	s5 =	sadd.s32 $0x200, s5;
	[tilespmem:v2+s0+$0x0] =	vst.idx.add.s32.msk vm15, v1  }
0x5a: {  	s5 =	simm.s32 $0x0;
	s6 =	rddreg [dreg:$0x9]  }
0x5b: {  	[tilespmem:s5], [sflag:$0x1] =	stream.strided.gather [hbm4b:s6+s24], $0x4000, s25, s24, $0x38;
	[tilespmem:$0x16000] =	vst v63  }
0x5c: {  	s12 =	rddreg [dreg:$0xa]  }
0x5d: {  	[tilespmem:s26], [sflag:$0x3] =	stream.strided.gather [hbm4b:s12+s24], $0x4000, s25, s24, $0x38;
	[tilespmem:$0x16000] =	vst v63  }
0x5e: {  	_ =	swait.ge [sflag:s2], $0x4000  }
0x5f: {  	[sflag:s2] =	ssyncset.done $0x0  }
0x60: {  	[sflag:s2] =	ssyncadd.s32 $0xFFFFC000  }
0x61: {  	_ =	swait.ge [sflag:s3], $0x4000  }
0x62: {  	[sflag:s3] =	ssyncset.done $0x0  }
0x63: {  	[sflag:s3] =	ssyncadd.s32 $0xFFFFC000  }
.LBB2_6:
0x64: {  	s6 =	sshra.s32 s5, $0x2  }
0x65: {  	v2 =	vld [tilespmem:s6+$0xC000]  }
0x66: {  	v3 =	vld [tilespmem:s6+$0x4000];
	_ =	sdelay $0x3  }
0x67: {  	vm0 =	veq.f32 v2, $0.0e+00  }
0x68: {  	v2 =	vshrl.u32 v3, $0x13;
	_ =	sdelay $0x4  }
0x69: {  	[tilespmem:v2+s0+$0x0] =	vst.idx.add.s32.msk vm0, v1  }
0x6a: {  	v2 =	vld [tilespmem:s6+$0xC010]  }
0x6b: {  	v3 =	vld [tilespmem:s6+$0x4010];
	_ =	sdelay $0x3  }
0x6c: {  	vm9 =	veq.f32 v2, $0.0e+00  }
0x6d: {  	v2 =	vshrl.u32 v3, $0x13;
	_ =	sdelay $0x4  }
0x6e: {  	[tilespmem:v2+s0+$0x0] =	vst.idx.add.s32.msk vm9, v1  }
0x6f: {  	v2 =	vld [tilespmem:s6+$0xC020]  }
0x70: {  	v3 =	vld [tilespmem:s6+$0x4020];
	_ =	sdelay $0x3  }
0x71: {  	vm10 =	veq.f32 v2, $0.0e+00  }
0x72: {  	v2 =	vshrl.u32 v3, $0x13;
	_ =	sdelay $0x4  }
0x73: {  	[tilespmem:v2+s0+$0x0] =	vst.idx.add.s32.msk vm10, v1  }
0x74: {  	v2 =	vld [tilespmem:s6+$0xC030]  }
0x75: {  	v3 =	vld [tilespmem:s6+$0x4030];
	_ =	sdelay $0x3  }
0x76: {  	vm11 =	veq.f32 v2, $0.0e+00  }
0x77: {  	v2 =	vshrl.u32 v3, $0x13;
	_ =	sdelay $0x4  }
0x78: {  	[tilespmem:v2+s0+$0x0] =	vst.idx.add.s32.msk vm11, v1  }
0x79: {  	v2 =	vld [tilespmem:s6+$0xC040]  }
0x7a: {  	v3 =	vld [tilespmem:s6+$0x4040];
	_ =	sdelay $0x3  }
0x7b: {  	vm12 =	veq.f32 v2, $0.0e+00  }
0x7c: {  	v2 =	vshrl.u32 v3, $0x13;
	_ =	sdelay $0x4  }
0x7d: {  	[tilespmem:v2+s0+$0x0] =	vst.idx.add.s32.msk vm12, v1  }
0x7e: {  	v2 =	vld [tilespmem:s6+$0xC050]  }
0x7f: {  	v3 =	vld [tilespmem:s6+$0x4050];
	_ =	sdelay $0x3  }
0x80: {  	vm13 =	veq.f32 v2, $0.0e+00  }
0x81: {  	v2 =	vshrl.u32 v3, $0x13;
	_ =	sdelay $0x4  }
0x82: {  	[tilespmem:v2+s0+$0x0] =	vst.idx.add.s32.msk vm13, v1  }
0x83: {  	v2 =	vld [tilespmem:s6+$0xC060]  }
0x84: {  	v3 =	vld [tilespmem:s6+$0x4060];
	_ =	sdelay $0x3  }
0x85: {  	vm14 =	veq.f32 v2, $0.0e+00  }
0x86: {  	v2 =	vshrl.u32 v3, $0x13;
	_ =	sdelay $0x4  }
0x87: {  	[tilespmem:v2+s0+$0x0] =	vst.idx.add.s32.msk vm14, v1  }
0x88: {  	v2 =	vld [tilespmem:s6+$0xC070]  }
0x89: {  	v3 =	vld [tilespmem:s6+$0x4070];
	_ =	sdelay $0x3  }
0x8a: {  	vm15 =	veq.f32 v2, $0.0e+00  }
0x8b: {  	p0 =	sne.s32 s5, $0xFE00;
	v2 =	vshrl.u32 v3, $0x13  }
.Ltmp2:
0x8c: {  	_ = 	snop;
	(pc) =	sbr.rel @p0 .LBB2_6-.Ltmp2, $2  }
0x8d: {  	_ =	sdelay $0x2  }
0x8e: {  	s5 =	sadd.s32 $0x200, s5;
	[tilespmem:v2+s0+$0x0] =	vst.idx.add.s32.msk vm15, v1  }
0x8f: {  	s5 =	rddreg [dreg:$0xb]  }
0x90: {  	[tilespmem:s28], [sflag:$0x2] =	stream.strided.gather [hbm4b:s5+s24], $0x4000, s25, s24, $0x38;
	[tilespmem:$0x16000] =	vst v63  }
0x91: {  	s12 =	rddreg [dreg:$0xc]  }
0x92: {  	[tilespmem:s29], [sflag:$0x4] =	stream.strided.gather [hbm4b:s12+s24], $0x4000, s25, s24, $0x38;
	[tilespmem:$0x16000] =	vst v63  }
0x93: {  	_ =	swait.ge [sflag:s30], $0x4000  }
0x94: {  	[sflag:s30] =	ssyncset.done $0x0  }
0x95: {  	[sflag:s30] =	ssyncadd.s32 $0xFFFFC000  }
0x96: {  	_ =	swait.ge [sflag:s31], $0x4000  }
0x97: {  	[sflag:s31] =	ssyncset.done $0x0  }
0x98: {  	s5 =	simm.s32 $0x0;
	[sflag:s31] =	ssyncadd.s32 $0xFFFFC000  }
.LBB2_8:
0x99: {  	s6 =	sshra.s32 s5, $0x2  }
0x9a: {  	v2 =	vld [tilespmem:s6+$0x8000]  }
0x9b: {  	v3 =	vld [tilespmem:s6+$0x0];
	_ =	sdelay $0x3  }
0x9c: {  	vm0 =	veq.f32 v2, $0.0e+00  }
0x9d: {  	v2 =	vshrl.u32 v3, $0x13;
	_ =	sdelay $0x4  }
0x9e: {  	[tilespmem:v2+s0+$0x0] =	vst.idx.add.s32.msk vm0, v1  }
0x9f: {  	v2 =	vld [tilespmem:s6+$0x8010]  }
0xa0: {  	v3 =	vld [tilespmem:s6+$0x10];
	_ =	sdelay $0x3  }
0xa1: {  	vm9 =	veq.f32 v2, $0.0e+00  }
0xa2: {  	v2 =	vshrl.u32 v3, $0x13;
	_ =	sdelay $0x4  }
0xa3: {  	[tilespmem:v2+s0+$0x0] =	vst.idx.add.s32.msk vm9, v1  }
0xa4: {  	v2 =	vld [tilespmem:s6+$0x8020]  }
0xa5: {  	v3 =	vld [tilespmem:s6+$0x20];
	_ =	sdelay $0x3  }
0xa6: {  	vm10 =	veq.f32 v2, $0.0e+00  }
0xa7: {  	v2 =	vshrl.u32 v3, $0x13;
	_ =	sdelay $0x4  }
0xa8: {  	[tilespmem:v2+s0+$0x0] =	vst.idx.add.s32.msk vm10, v1  }
0xa9: {  	v2 =	vld [tilespmem:s6+$0x8030]  }
0xaa: {  	v3 =	vld [tilespmem:s6+$0x30];
	_ =	sdelay $0x3  }
0xab: {  	vm11 =	veq.f32 v2, $0.0e+00  }
0xac: {  	v2 =	vshrl.u32 v3, $0x13;
	_ =	sdelay $0x4  }
0xad: {  	[tilespmem:v2+s0+$0x0] =	vst.idx.add.s32.msk vm11, v1  }
0xae: {  	v2 =	vld [tilespmem:s6+$0x8040]  }
0xaf: {  	v3 =	vld [tilespmem:s6+$0x40];
	_ =	sdelay $0x3  }
0xb0: {  	vm12 =	veq.f32 v2, $0.0e+00  }
0xb1: {  	v2 =	vshrl.u32 v3, $0x13;
	_ =	sdelay $0x4  }
0xb2: {  	[tilespmem:v2+s0+$0x0] =	vst.idx.add.s32.msk vm12, v1  }
0xb3: {  	v2 =	vld [tilespmem:s6+$0x8050]  }
0xb4: {  	v3 =	vld [tilespmem:s6+$0x50];
	_ =	sdelay $0x3  }
0xb5: {  	vm13 =	veq.f32 v2, $0.0e+00  }
0xb6: {  	v2 =	vshrl.u32 v3, $0x13;
	_ =	sdelay $0x4  }
0xb7: {  	[tilespmem:v2+s0+$0x0] =	vst.idx.add.s32.msk vm13, v1  }
0xb8: {  	v2 =	vld [tilespmem:s6+$0x8060]  }
0xb9: {  	v3 =	vld [tilespmem:s6+$0x60];
	_ =	sdelay $0x3  }
0xba: {  	vm14 =	veq.f32 v2, $0.0e+00  }
0xbb: {  	v2 =	vshrl.u32 v3, $0x13;
	_ =	sdelay $0x4  }
0xbc: {  	[tilespmem:v2+s0+$0x0] =	vst.idx.add.s32.msk vm14, v1  }
0xbd: {  	v2 =	vld [tilespmem:s6+$0x8070]  }
0xbe: {  	v3 =	vld [tilespmem:s6+$0x70];
	_ =	sdelay $0x3  }
0xbf: {  	vm15 =	veq.f32 v2, $0.0e+00  }
0xc0: {  	p0 =	sne.s32 s5, $0xFE00;
	v2 =	vshrl.u32 v3, $0x13  }
.Ltmp3:
0xc1: {  	_ = 	snop;
	(pc) =	sbr.rel @p0 .LBB2_8-.Ltmp3, $2  }
0xc2: {  	_ =	sdelay $0x2  }
0xc3: {  	s5 =	sadd.s32 $0x200, s5;
	[tilespmem:v2+s0+$0x0] =	vst.idx.add.s32.msk vm15, v1  }
0xc4: {  	s5 =	simm.s32 $0x0;
	s6 =	rddreg [dreg:$0xd]  }
0xc5: {  	[tilespmem:s5], [sflag:$0x1] =	stream.strided.gather [hbm4b:s6+s24], $0x4000, s25, s24, $0x38;
	[tilespmem:$0x16000] =	vst v63  }
0xc6: {  	s12 =	rddreg [dreg:$0xe]  }
0xc7: {  	[tilespmem:s26], [sflag:$0x3] =	stream.strided.gather [hbm4b:s12+s24], $0x4000, s25, s24, $0x38;
	[tilespmem:$0x16000] =	vst v63  }
0xc8: {  	_ =	swait.ge [sflag:s2], $0x4000  }
0xc9: {  	[sflag:s2] =	ssyncset.done $0x0  }
0xca: {  	[sflag:s2] =	ssyncadd.s32 $0xFFFFC000  }
0xcb: {  	_ =	swait.ge [sflag:s3], $0x4000  }
0xcc: {  	[sflag:s3] =	ssyncset.done $0x0  }
0xcd: {  	[sflag:s3] =	ssyncadd.s32 $0xFFFFC000  }
.LBB2_10:
0xce: {  	s6 =	sshra.s32 s5, $0x2  }
0xcf: {  	v2 =	vld [tilespmem:s6+$0xC000]  }
0xd0: {  	v3 =	vld [tilespmem:s6+$0x4000];
	_ =	sdelay $0x3  }
0xd1: {  	vm0 =	veq.f32 v2, $0.0e+00  }
0xd2: {  	v2 =	vshrl.u32 v3, $0x13;
	_ =	sdelay $0x4  }
0xd3: {  	[tilespmem:v2+s0+$0x0] =	vst.idx.add.s32.msk vm0, v1  }
0xd4: {  	v2 =	vld [tilespmem:s6+$0xC010]  }
0xd5: {  	v3 =	vld [tilespmem:s6+$0x4010];
	_ =	sdelay $0x3  }
0xd6: {  	vm9 =	veq.f32 v2, $0.0e+00  }
0xd7: {  	v2 =	vshrl.u32 v3, $0x13;
	_ =	sdelay $0x4  }
0xd8: {  	[tilespmem:v2+s0+$0x0] =	vst.idx.add.s32.msk vm9, v1  }
0xd9: {  	v2 =	vld [tilespmem:s6+$0xC020]  }
0xda: {  	v3 =	vld [tilespmem:s6+$0x4020];
	_ =	sdelay $0x3  }
0xdb: {  	vm10 =	veq.f32 v2, $0.0e+00  }
0xdc: {  	v2 =	vshrl.u32 v3, $0x13;
	_ =	sdelay $0x4  }
0xdd: {  	[tilespmem:v2+s0+$0x0] =	vst.idx.add.s32.msk vm10, v1  }
0xde: {  	v2 =	vld [tilespmem:s6+$0xC030]  }
0xdf: {  	v3 =	vld [tilespmem:s6+$0x4030];
	_ =	sdelay $0x3  }
0xe0: {  	vm11 =	veq.f32 v2, $0.0e+00  }
0xe1: {  	v2 =	vshrl.u32 v3, $0x13;
	_ =	sdelay $0x4  }
0xe2: {  	[tilespmem:v2+s0+$0x0] =	vst.idx.add.s32.msk vm11, v1  }
0xe3: {  	v2 =	vld [tilespmem:s6+$0xC040]  }
0xe4: {  	v3 =	vld [tilespmem:s6+$0x4040];
	_ =	sdelay $0x3  }
0xe5: {  	vm12 =	veq.f32 v2, $0.0e+00  }
0xe6: {  	v2 =	vshrl.u32 v3, $0x13;
	_ =	sdelay $0x4  }
0xe7: {  	[tilespmem:v2+s0+$0x0] =	vst.idx.add.s32.msk vm12, v1  }
0xe8: {  	v2 =	vld [tilespmem:s6+$0xC050]  }
0xe9: {  	v3 =	vld [tilespmem:s6+$0x4050];
	_ =	sdelay $0x3  }
0xea: {  	vm13 =	veq.f32 v2, $0.0e+00  }
0xeb: {  	v2 =	vshrl.u32 v3, $0x13;
	_ =	sdelay $0x4  }
0xec: {  	[tilespmem:v2+s0+$0x0] =	vst.idx.add.s32.msk vm13, v1  }
0xed: {  	v2 =	vld [tilespmem:s6+$0xC060]  }
0xee: {  	v3 =	vld [tilespmem:s6+$0x4060];
	_ =	sdelay $0x3  }
0xef: {  	vm14 =	veq.f32 v2, $0.0e+00  }
0xf0: {  	v2 =	vshrl.u32 v3, $0x13;
	_ =	sdelay $0x4  }
0xf1: {  	[tilespmem:v2+s0+$0x0] =	vst.idx.add.s32.msk vm14, v1  }
0xf2: {  	v2 =	vld [tilespmem:s6+$0xC070]  }
0xf3: {  	v3 =	vld [tilespmem:s6+$0x4070];
	_ =	sdelay $0x3  }
0xf4: {  	vm15 =	veq.f32 v2, $0.0e+00  }
0xf5: {  	p0 =	sne.s32 s5, $0xFE00;
	v2 =	vshrl.u32 v3, $0x13  }
.Ltmp4:
0xf6: {  	_ = 	snop;
	(pc) =	sbr.rel @p0 .LBB2_10-.Ltmp4, $2  }
0xf7: {  	_ =	sdelay $0x2  }
0xf8: {  	s5 =	sadd.s32 $0x200, s5;
	[tilespmem:v2+s0+$0x0] =	vst.idx.add.s32.msk vm15, v1  }
0xf9: {  	[tilespmem:s28], [sflag:$0x2] =	stream.strided.gather [hbm4b:s13+s24], $0x4000, s25, s24, $0x38;
	[tilespmem:$0x16000] =	vst v63  }
0xfa: {  	_ = 	snop  }
0xfb: {  	[tilespmem:s29], [sflag:$0x4] =	stream.strided.gather [hbm4b:s14+s24], $0x4000, s25, s24, $0x38;
	[tilespmem:$0x16000] =	vst v63  }
0xfc: {  	_ =	swait.ge [sflag:s30], $0x4000  }
0xfd: {  	[sflag:s30] =	ssyncset.done $0x0  }
0xfe: {  	[sflag:s30] =	ssyncadd.s32 $0xFFFFC000  }
0xff: {  	_ =	swait.ge [sflag:s31], $0x4000  }
0x100: {  	[sflag:s31] =	ssyncset.done $0x0  }
0x101: {  	s5 =	simm.s32 $0x0;
	[sflag:s31] =	ssyncadd.s32 $0xFFFFC000  }
.LBB2_12:
0x102: {  	s6 =	sshra.s32 s5, $0x2  }
0x103: {  	v2 =	vld [tilespmem:s6+$0x8000]  }
0x104: {  	v3 =	vld [tilespmem:s6+$0x0];
	_ =	sdelay $0x3  }
0x105: {  	vm0 =	veq.f32 v2, $0.0e+00  }
0x106: {  	v2 =	vshrl.u32 v3, $0x13;
	_ =	sdelay $0x4  }
0x107: {  	[tilespmem:v2+s0+$0x0] =	vst.idx.add.s32.msk vm0, v1  }
0x108: {  	v2 =	vld [tilespmem:s6+$0x8010]  }
0x109: {  	v3 =	vld [tilespmem:s6+$0x10];
	_ =	sdelay $0x3  }
0x10a: {  	vm9 =	veq.f32 v2, $0.0e+00  }
0x10b: {  	v2 =	vshrl.u32 v3, $0x13;
	_ =	sdelay $0x4  }
0x10c: {  	[tilespmem:v2+s0+$0x0] =	vst.idx.add.s32.msk vm9, v1  }
0x10d: {  	v2 =	vld [tilespmem:s6+$0x8020]  }
0x10e: {  	v3 =	vld [tilespmem:s6+$0x20];
	_ =	sdelay $0x3  }
0x10f: {  	vm10 =	veq.f32 v2, $0.0e+00  }
0x110: {  	v2 =	vshrl.u32 v3, $0x13;
	_ =	sdelay $0x4  }
0x111: {  	[tilespmem:v2+s0+$0x0] =	vst.idx.add.s32.msk vm10, v1  }
0x112: {  	v2 =	vld [tilespmem:s6+$0x8030]  }
0x113: {  	v3 =	vld [tilespmem:s6+$0x30];
	_ =	sdelay $0x3  }
0x114: {  	vm11 =	veq.f32 v2, $0.0e+00  }
0x115: {  	v2 =	vshrl.u32 v3, $0x13;
	_ =	sdelay $0x4  }
0x116: {  	[tilespmem:v2+s0+$0x0] =	vst.idx.add.s32.msk vm11, v1  }
0x117: {  	v2 =	vld [tilespmem:s6+$0x8040]  }
0x118: {  	v3 =	vld [tilespmem:s6+$0x40];
	_ =	sdelay $0x3  }
0x119: {  	vm12 =	veq.f32 v2, $0.0e+00  }
0x11a: {  	v2 =	vshrl.u32 v3, $0x13;
	_ =	sdelay $0x4  }
0x11b: {  	[tilespmem:v2+s0+$0x0] =	vst.idx.add.s32.msk vm12, v1  }
0x11c: {  	v2 =	vld [tilespmem:s6+$0x8050]  }
0x11d: {  	v3 =	vld [tilespmem:s6+$0x50];
	_ =	sdelay $0x3  }
0x11e: {  	vm13 =	veq.f32 v2, $0.0e+00  }
0x11f: {  	v2 =	vshrl.u32 v3, $0x13;
	_ =	sdelay $0x4  }
0x120: {  	[tilespmem:v2+s0+$0x0] =	vst.idx.add.s32.msk vm13, v1  }
0x121: {  	v2 =	vld [tilespmem:s6+$0x8060]  }
0x122: {  	v3 =	vld [tilespmem:s6+$0x60];
	_ =	sdelay $0x3  }
0x123: {  	vm14 =	veq.f32 v2, $0.0e+00  }
0x124: {  	v2 =	vshrl.u32 v3, $0x13;
	_ =	sdelay $0x4  }
0x125: {  	[tilespmem:v2+s0+$0x0] =	vst.idx.add.s32.msk vm14, v1  }
0x126: {  	v2 =	vld [tilespmem:s6+$0x8070]  }
0x127: {  	v3 =	vld [tilespmem:s6+$0x70];
	_ =	sdelay $0x3  }
0x128: {  	vm15 =	veq.f32 v2, $0.0e+00  }
0x129: {  	p0 =	sne.s32 s5, $0xFE00;
	v2 =	vshrl.u32 v3, $0x13  }
.Ltmp5:
0x12a: {  	_ = 	snop;
	(pc) =	sbr.rel @p0 .LBB2_12-.Ltmp5, $2  }
0x12b: {  	_ =	sdelay $0x2  }
0x12c: {  	s5 =	sadd.s32 $0x200, s5;
	[tilespmem:v2+s0+$0x0] =	vst.idx.add.s32.msk vm15, v1  }
0x12d: {  	s5 =	simm.s32 $0x0  }
0x12e: {  	[tilespmem:s5], [sflag:$0x1] =	stream.strided.gather [hbm4b:s15+s24], $0x4000, s25, s24, $0x38;
	[tilespmem:$0x16000] =	vst v63  }
0x12f: {  	_ = 	snop  }
0x130: {  	[tilespmem:s26], [sflag:$0x3] =	stream.strided.gather [hbm4b:s16+s24], $0x4000, s25, s24, $0x38;
	[tilespmem:$0x16000] =	vst v63  }
0x131: {  	_ =	swait.ge [sflag:s2], $0x4000  }
0x132: {  	[sflag:s2] =	ssyncset.done $0x0  }
0x133: {  	[sflag:s2] =	ssyncadd.s32 $0xFFFFC000  }
0x134: {  	_ =	swait.ge [sflag:s3], $0x4000  }
0x135: {  	[sflag:s3] =	ssyncset.done $0x0  }
0x136: {  	[sflag:s3] =	ssyncadd.s32 $0xFFFFC000  }
.LBB2_14:
0x137: {  	s6 =	sshra.s32 s5, $0x2  }
0x138: {  	v2 =	vld [tilespmem:s6+$0xC000]  }
0x139: {  	v3 =	vld [tilespmem:s6+$0x4000];
	_ =	sdelay $0x3  }
0x13a: {  	vm0 =	veq.f32 v2, $0.0e+00  }
0x13b: {  	v2 =	vshrl.u32 v3, $0x13;
	_ =	sdelay $0x4  }
0x13c: {  	[tilespmem:v2+s0+$0x0] =	vst.idx.add.s32.msk vm0, v1  }
0x13d: {  	v2 =	vld [tilespmem:s6+$0xC010]  }
0x13e: {  	v3 =	vld [tilespmem:s6+$0x4010];
	_ =	sdelay $0x3  }
0x13f: {  	vm9 =	veq.f32 v2, $0.0e+00  }
0x140: {  	v2 =	vshrl.u32 v3, $0x13;
	_ =	sdelay $0x4  }
0x141: {  	[tilespmem:v2+s0+$0x0] =	vst.idx.add.s32.msk vm9, v1  }
0x142: {  	v2 =	vld [tilespmem:s6+$0xC020]  }
0x143: {  	v3 =	vld [tilespmem:s6+$0x4020];
	_ =	sdelay $0x3  }
0x144: {  	vm10 =	veq.f32 v2, $0.0e+00  }
0x145: {  	v2 =	vshrl.u32 v3, $0x13;
	_ =	sdelay $0x4  }
0x146: {  	[tilespmem:v2+s0+$0x0] =	vst.idx.add.s32.msk vm10, v1  }
0x147: {  	v2 =	vld [tilespmem:s6+$0xC030]  }
0x148: {  	v3 =	vld [tilespmem:s6+$0x4030];
	_ =	sdelay $0x3  }
0x149: {  	vm11 =	veq.f32 v2, $0.0e+00  }
0x14a: {  	v2 =	vshrl.u32 v3, $0x13;
	_ =	sdelay $0x4  }
0x14b: {  	[tilespmem:v2+s0+$0x0] =	vst.idx.add.s32.msk vm11, v1  }
0x14c: {  	v2 =	vld [tilespmem:s6+$0xC040]  }
0x14d: {  	v3 =	vld [tilespmem:s6+$0x4040];
	_ =	sdelay $0x3  }
0x14e: {  	vm12 =	veq.f32 v2, $0.0e+00  }
0x14f: {  	v2 =	vshrl.u32 v3, $0x13;
	_ =	sdelay $0x4  }
0x150: {  	[tilespmem:v2+s0+$0x0] =	vst.idx.add.s32.msk vm12, v1  }
0x151: {  	v2 =	vld [tilespmem:s6+$0xC050]  }
0x152: {  	v3 =	vld [tilespmem:s6+$0x4050];
	_ =	sdelay $0x3  }
0x153: {  	vm13 =	veq.f32 v2, $0.0e+00  }
0x154: {  	v2 =	vshrl.u32 v3, $0x13;
	_ =	sdelay $0x4  }
0x155: {  	[tilespmem:v2+s0+$0x0] =	vst.idx.add.s32.msk vm13, v1  }
0x156: {  	v2 =	vld [tilespmem:s6+$0xC060]  }
0x157: {  	v3 =	vld [tilespmem:s6+$0x4060];
	_ =	sdelay $0x3  }
0x158: {  	vm14 =	veq.f32 v2, $0.0e+00  }
0x159: {  	v2 =	vshrl.u32 v3, $0x13;
	_ =	sdelay $0x4  }
0x15a: {  	[tilespmem:v2+s0+$0x0] =	vst.idx.add.s32.msk vm14, v1  }
0x15b: {  	v2 =	vld [tilespmem:s6+$0xC070]  }
0x15c: {  	v3 =	vld [tilespmem:s6+$0x4070];
	_ =	sdelay $0x3  }
0x15d: {  	vm15 =	veq.f32 v2, $0.0e+00  }
0x15e: {  	p0 =	sne.s32 s5, $0xFE00;
	v2 =	vshrl.u32 v3, $0x13  }
.Ltmp6:
0x15f: {  	_ = 	snop;
	(pc) =	sbr.rel @p0 .LBB2_14-.Ltmp6, $2  }
0x160: {  	_ =	sdelay $0x2  }
0x161: {  	s5 =	sadd.s32 $0x200, s5;
	[tilespmem:v2+s0+$0x0] =	vst.idx.add.s32.msk vm15, v1  }
0x162: {  	[tilespmem:s28], [sflag:$0x2] =	stream.strided.gather [hbm4b:s17+s24], $0x4000, s25, s24, $0x38;
	[tilespmem:$0x16000] =	vst v63  }
0x163: {  	_ = 	snop  }
0x164: {  	[tilespmem:s29], [sflag:$0x4] =	stream.strided.gather [hbm4b:s18+s24], $0x4000, s25, s24, $0x38;
	[tilespmem:$0x16000] =	vst v63  }
0x165: {  	_ =	swait.ge [sflag:s30], $0x4000  }
0x166: {  	[sflag:s30] =	ssyncset.done $0x0  }
0x167: {  	[sflag:s30] =	ssyncadd.s32 $0xFFFFC000  }
0x168: {  	_ =	swait.ge [sflag:s31], $0x4000  }
0x169: {  	[sflag:s31] =	ssyncset.done $0x0  }
0x16a: {  	s5 =	simm.s32 $0x0;
	[sflag:s31] =	ssyncadd.s32 $0xFFFFC000  }
.LBB2_16:
0x16b: {  	s6 =	sshra.s32 s5, $0x2  }
0x16c: {  	v2 =	vld [tilespmem:s6+$0x8000]  }
0x16d: {  	v3 =	vld [tilespmem:s6+$0x0];
	_ =	sdelay $0x3  }
0x16e: {  	vm0 =	veq.f32 v2, $0.0e+00  }
0x16f: {  	v2 =	vshrl.u32 v3, $0x13;
	_ =	sdelay $0x4  }
0x170: {  	[tilespmem:v2+s0+$0x0] =	vst.idx.add.s32.msk vm0, v1  }
0x171: {  	v2 =	vld [tilespmem:s6+$0x8010]  }
0x172: {  	v3 =	vld [tilespmem:s6+$0x10];
	_ =	sdelay $0x3  }
0x173: {  	vm9 =	veq.f32 v2, $0.0e+00  }
0x174: {  	v2 =	vshrl.u32 v3, $0x13;
	_ =	sdelay $0x4  }
0x175: {  	[tilespmem:v2+s0+$0x0] =	vst.idx.add.s32.msk vm9, v1  }
0x176: {  	v2 =	vld [tilespmem:s6+$0x8020]  }
0x177: {  	v3 =	vld [tilespmem:s6+$0x20];
	_ =	sdelay $0x3  }
0x178: {  	vm10 =	veq.f32 v2, $0.0e+00  }
0x179: {  	v2 =	vshrl.u32 v3, $0x13;
	_ =	sdelay $0x4  }
0x17a: {  	[tilespmem:v2+s0+$0x0] =	vst.idx.add.s32.msk vm10, v1  }
0x17b: {  	v2 =	vld [tilespmem:s6+$0x8030]  }
0x17c: {  	v3 =	vld [tilespmem:s6+$0x30];
	_ =	sdelay $0x3  }
0x17d: {  	vm11 =	veq.f32 v2, $0.0e+00  }
0x17e: {  	v2 =	vshrl.u32 v3, $0x13;
	_ =	sdelay $0x4  }
0x17f: {  	[tilespmem:v2+s0+$0x0] =	vst.idx.add.s32.msk vm11, v1  }
0x180: {  	v2 =	vld [tilespmem:s6+$0x8040]  }
0x181: {  	v3 =	vld [tilespmem:s6+$0x40];
	_ =	sdelay $0x3  }
0x182: {  	vm12 =	veq.f32 v2, $0.0e+00  }
0x183: {  	v2 =	vshrl.u32 v3, $0x13;
	_ =	sdelay $0x4  }
0x184: {  	[tilespmem:v2+s0+$0x0] =	vst.idx.add.s32.msk vm12, v1  }
0x185: {  	v2 =	vld [tilespmem:s6+$0x8050]  }
0x186: {  	v3 =	vld [tilespmem:s6+$0x50];
	_ =	sdelay $0x3  }
0x187: {  	vm13 =	veq.f32 v2, $0.0e+00  }
0x188: {  	v2 =	vshrl.u32 v3, $0x13;
	_ =	sdelay $0x4  }
0x189: {  	[tilespmem:v2+s0+$0x0] =	vst.idx.add.s32.msk vm13, v1  }
0x18a: {  	v2 =	vld [tilespmem:s6+$0x8060]  }
0x18b: {  	v3 =	vld [tilespmem:s6+$0x60];
	_ =	sdelay $0x3  }
0x18c: {  	vm14 =	veq.f32 v2, $0.0e+00  }
0x18d: {  	v2 =	vshrl.u32 v3, $0x13;
	_ =	sdelay $0x4  }
0x18e: {  	[tilespmem:v2+s0+$0x0] =	vst.idx.add.s32.msk vm14, v1  }
0x18f: {  	v2 =	vld [tilespmem:s6+$0x8070]  }
0x190: {  	v3 =	vld [tilespmem:s6+$0x70];
	_ =	sdelay $0x3  }
0x191: {  	vm15 =	veq.f32 v2, $0.0e+00  }
0x192: {  	p0 =	sne.s32 s5, $0xFE00;
	v2 =	vshrl.u32 v3, $0x13  }
.Ltmp7:
0x193: {  	_ = 	snop;
	(pc) =	sbr.rel @p0 .LBB2_16-.Ltmp7, $2  }
0x194: {  	_ =	sdelay $0x2  }
0x195: {  	s5 =	sadd.s32 $0x200, s5;
	[tilespmem:v2+s0+$0x0] =	vst.idx.add.s32.msk vm15, v1  }
0x196: {  	_ =	swait.ge [sflag:s2], $0x4000  }
0x197: {  	[sflag:s2] =	ssyncset.done $0x0  }
0x198: {  	[sflag:s2] =	ssyncadd.s32 $0xFFFFC000  }
0x199: {  	_ =	swait.ge [sflag:s3], $0x4000  }
0x19a: {  	[sflag:s3] =	ssyncset.done $0x0  }
0x19b: {  	s5 =	simm.s32 $0x0;
	[sflag:s3] =	ssyncadd.s32 $0xFFFFC000  }
.LBB2_18:
0x19c: {  	s6 =	sshra.s32 s5, $0x2  }
0x19d: {  	v2 =	vld [tilespmem:s6+$0xC000]  }
0x19e: {  	v3 =	vld [tilespmem:s6+$0x4000];
	_ =	sdelay $0x3  }
0x19f: {  	vm0 =	veq.f32 v2, $0.0e+00  }
0x1a0: {  	v2 =	vshrl.u32 v3, $0x13;
	_ =	sdelay $0x4  }
0x1a1: {  	[tilespmem:v2+s0+$0x0] =	vst.idx.add.s32.msk vm0, v1  }
0x1a2: {  	v2 =	vld [tilespmem:s6+$0xC010]  }
0x1a3: {  	v3 =	vld [tilespmem:s6+$0x4010];
	_ =	sdelay $0x3  }
0x1a4: {  	vm9 =	veq.f32 v2, $0.0e+00  }
0x1a5: {  	v2 =	vshrl.u32 v3, $0x13;
	_ =	sdelay $0x4  }
0x1a6: {  	[tilespmem:v2+s0+$0x0] =	vst.idx.add.s32.msk vm9, v1  }
0x1a7: {  	v2 =	vld [tilespmem:s6+$0xC020]  }
0x1a8: {  	v3 =	vld [tilespmem:s6+$0x4020];
	_ =	sdelay $0x3  }
0x1a9: {  	vm10 =	veq.f32 v2, $0.0e+00  }
0x1aa: {  	v2 =	vshrl.u32 v3, $0x13;
	_ =	sdelay $0x4  }
0x1ab: {  	[tilespmem:v2+s0+$0x0] =	vst.idx.add.s32.msk vm10, v1  }
0x1ac: {  	v2 =	vld [tilespmem:s6+$0xC030]  }
0x1ad: {  	v3 =	vld [tilespmem:s6+$0x4030];
	_ =	sdelay $0x3  }
0x1ae: {  	vm11 =	veq.f32 v2, $0.0e+00  }
0x1af: {  	v2 =	vshrl.u32 v3, $0x13;
	_ =	sdelay $0x4  }
0x1b0: {  	[tilespmem:v2+s0+$0x0] =	vst.idx.add.s32.msk vm11, v1  }
0x1b1: {  	v2 =	vld [tilespmem:s6+$0xC040]  }
0x1b2: {  	v3 =	vld [tilespmem:s6+$0x4040];
	_ =	sdelay $0x3  }
0x1b3: {  	vm12 =	veq.f32 v2, $0.0e+00  }
0x1b4: {  	v2 =	vshrl.u32 v3, $0x13;
	_ =	sdelay $0x4  }
0x1b5: {  	[tilespmem:v2+s0+$0x0] =	vst.idx.add.s32.msk vm12, v1  }
0x1b6: {  	v2 =	vld [tilespmem:s6+$0xC050]  }
0x1b7: {  	v3 =	vld [tilespmem:s6+$0x4050];
	_ =	sdelay $0x3  }
0x1b8: {  	vm13 =	veq.f32 v2, $0.0e+00  }
0x1b9: {  	v2 =	vshrl.u32 v3, $0x13;
	_ =	sdelay $0x4  }
0x1ba: {  	[tilespmem:v2+s0+$0x0] =	vst.idx.add.s32.msk vm13, v1  }
0x1bb: {  	v2 =	vld [tilespmem:s6+$0xC060]  }
0x1bc: {  	v3 =	vld [tilespmem:s6+$0x4060];
	_ =	sdelay $0x3  }
0x1bd: {  	vm14 =	veq.f32 v2, $0.0e+00  }
0x1be: {  	v2 =	vshrl.u32 v3, $0x13;
	_ =	sdelay $0x4  }
0x1bf: {  	[tilespmem:v2+s0+$0x0] =	vst.idx.add.s32.msk vm14, v1  }
0x1c0: {  	v2 =	vld [tilespmem:s6+$0xC070]  }
0x1c1: {  	v3 =	vld [tilespmem:s6+$0x4070];
	_ =	sdelay $0x3  }
0x1c2: {  	vm15 =	veq.f32 v2, $0.0e+00  }
0x1c3: {  	p0 =	sne.s32 s5, $0xFE00;
	v2 =	vshrl.u32 v3, $0x13  }
.Ltmp8:
0x1c4: {  	_ = 	snop;
	(pc) =	sbr.rel @p0 .LBB2_18-.Ltmp8, $2  }
0x1c5: {  	_ =	sdelay $0x2  }
0x1c6: {  	s5 =	sadd.s32 $0x200, s5;
	[tilespmem:v2+s0+$0x0] =	vst.idx.add.s32.msk vm15, v1  }
0x1c7: {  	[spmem:s19] =	stream.strided.scatter [tilespmem:s0], [sflag:$0x5], $0x2000, s25, s24, $0x38;
	[tilespmem:$0x16000] =	vst v63  }
0x1c8: {  	s5 =	simm.s32 $0x0;
	s6 =	simm.s32 $0x0  }
0x1c9: {  	s7 =	simm.s32 $0x0;
	_ =	swait.ge [sflag:s4], $0x2000;
	s8 =	sand.u32 $0x380, s5  }
0x1ca: {  	s6 =	sand.u32 $0x3FFFF000, s6;
	s7 =	sand.u32 $0x3FFF0000, s7;
	[sflag:s4] =	ssyncset.done $0x0  }
0x1cb: {  	s6 =	sor.u32 s8, s6;
	s7 =	sadd.s32 s7, s20;
	[sflag:s4] =	ssyncadd.s32 $0xFFFFE000  }
0x1cc: {  	s6 =	sadd.s32 $0x12000, s6;
	s7 =	sadd.s32 s8, s7;
	[bflag:$0x0] =	sbarrier.arrive $0xFFFF  }
0x1cd: {  	[tilespmem:s6], [sflag:$0x5] =	stream.linear.gather [spmem:s7], $0x80, $0x38;
	[tilespmem:$0x16000] =	vst v63  }
0x1ce: {  	s8 =	sadd.s32 $0x400, s7;
	s9 =	sor.u32 $0x400, s6  }
0x1cf: {  	[tilespmem:s9], [sflag:$0x5] =	stream.linear.gather [spmem:s8], $0x80, $0x38;
	[tilespmem:$0x16000] =	vst v63  }
0x1d0: {  	s11 =	sadd.s32 $0x800, s7;
	s12 =	sor.u32 $0x800, s6  }
0x1d1: {  	[tilespmem:s12], [sflag:$0x5] =	stream.linear.gather [spmem:s11], $0x80, $0x38;
	[tilespmem:$0x16000] =	vst v63  }
0x1d2: {  	s7 =	sadd.s32 $0xC00, s7;
	s6 =	sor.u32 $0xC00, s6  }
0x1d3: {  	[tilespmem:s6], [sflag:$0x5] =	stream.linear.gather [spmem:s7], $0x80, $0x38;
	[tilespmem:$0x16000] =	vst v63  }
0x1d4: {  	s8 =	simm.s32 $0x2;
	_ =	swait.ge [sflag:s4], $0x200  }
0x1d5: {  	s6 =	simm.s32 $0x1;
	s7 =	simm.s32 $0x80;
	[sflag:s4] =	ssyncset.done $0x0  }
.LBB2_20:
0x1d6: {  	s9 =	sshll.u32 s6, $0x9  }
0x1d7: {  	s10 =	sshll.u32 s6, $0xD;
	[sflag:s4] =	ssyncadd.s32 $0xFFFFFE00;
	s6 =	smov.u32 s8  }
0x1d8: {  	s11 =	sand.u32 $0x380, s7;
	s9 =	sand.u32 $0x3FFFF000, s9;
	s10 =	sand.u32 $0x3FFF0000, s10  }
0x1d9: {  	s12 =	sadd.s32 $0x1, s8;
	s9 =	sor.u32 s11, s9;
	s10 =	sadd.s32 s10, s20  }
0x1da: {  	p0 =	sne.s32 s8, $0xF;
	s8 =	sadd.s32 $0x12000, s9;
	s9 =	sadd.s32 s11, s10  }
0x1db: {  	[tilespmem:s8], [sflag:$0x5] =	stream.linear.gather [spmem:s9], $0x80, $0x38;
	[tilespmem:$0x16000] =	vst v63  }
0x1dc: {  	s10 =	sadd.s32 $0x400, s9;
	s11 =	sor.u32 $0x400, s8  }
0x1dd: {  	[tilespmem:s11], [sflag:$0x5] =	stream.linear.gather [spmem:s10], $0x80, $0x38;
	[tilespmem:$0x16000] =	vst v63  }
0x1de: {  	s10 =	sadd.s32 $0x800, s9;
	s11 =	sor.u32 $0x800, s8  }
0x1df: {  	[tilespmem:s11], [sflag:$0x5] =	stream.linear.gather [spmem:s10], $0x80, $0x38;
	[tilespmem:$0x16000] =	vst v63  }
.Ltmp9:
0x1e0: {  	_ = 	snop;
	(pc) =	sbr.rel @p0 .LBB2_20-.Ltmp9, $4  }
0x1e1: {  	s9 =	sadd.s32 $0xC00, s9;
	s8 =	sor.u32 $0xC00, s8  }
0x1e2: {  	[tilespmem:s8], [sflag:$0x5] =	stream.linear.gather [spmem:s9], $0x80, $0x38;
	[tilespmem:$0x16000] =	vst v63  }
0x1e3: {  	_ =	swait.ge [sflag:s4], $0x200  }
0x1e4: {  	s7 =	sadd.s32 $0x80, s7;
	s8 =	smov.u32 s12;
	[sflag:s4] =	ssyncset.done $0x0  }
0x1e5: {  	s8 =	sshll.u32 s6, $0x9;
	s9 =	sshll.u32 s6, $0xD  }
0x1e6: {  	s7 =	sand.u32 $0x380, s7;
	s8 =	sand.u32 $0x3FFFF000, s8;
	s6 =	sand.u32 $0x3FFF0000, s9  }
0x1e7: {  	s8 =	sor.u32 s7, s8;
	s6 =	sadd.s32 s6, s20  }
0x1e8: {  	[sflag:s4] =	ssyncadd.s32 $0xFFFFFE00;
	s8 =	sadd.s32 $0x12000, s8;
	s6 =	sadd.s32 s7, s6  }
0x1e9: {  	[tilespmem:s8], [sflag:$0x5] =	stream.linear.gather [spmem:s6], $0x80, $0x38;
	[tilespmem:$0x16000] =	vst v63  }
0x1ea: {  	s7 =	sadd.s32 $0x400, s6;
	s9 =	sor.u32 $0x400, s8  }
0x1eb: {  	[tilespmem:s9], [sflag:$0x5] =	stream.linear.gather [spmem:s7], $0x80, $0x38;
	[tilespmem:$0x16000] =	vst v63  }
0x1ec: {  	s10 =	sadd.s32 $0x800, s6;
	s11 =	sor.u32 $0x800, s8  }
0x1ed: {  	[tilespmem:s11], [sflag:$0x5] =	stream.linear.gather [spmem:s10], $0x80, $0x38;
	[tilespmem:$0x16000] =	vst v63  }
0x1ee: {  	s6 =	sadd.s32 $0xC00, s6;
	s12 =	sor.u32 $0xC00, s8  }
0x1ef: {  	[tilespmem:s12], [sflag:$0x5] =	stream.linear.gather [spmem:s6], $0x80, $0x38;
	[tilespmem:$0x16000] =	vst v63  }
0x1f0: {  	_ =	swait.ge [sflag:s4], $0x200  }
0x1f1: {  	[sflag:s4] =	ssyncset.done $0x0  }
0x1f2: {  	[sflag:s4] =	ssyncadd.s32 $0xFFFFFE00  }
.LBB2_22:
0x1f3: {  	s7 =	sshll.u32 s5, $0x4  }
0x1f4: {  	s6 =	sand.u32 $0x70, s7  }
0x1f5: {  	s8 =	sshll.u32 s5, $0x7;
	v2 =	vmov s6  }
0x1f6: {  	s9 =	simm.s32 $0x0;
	s8 =	sand.u32 $0xC00, s8  }
0x1f7: {  	s10 =	sand.u32 $0x1000, s9;
	s8 =	sor.u32 $0x12000, s8  }
0x1f8: {  	s9 =	sand.u32 $0x380, s9;
	s10 =	sadd.s32 s10, s8  }
0x1f9: {  	s10 =	sadd.s32 s9, s10  }
0x1fa: {  	v4 =	vld.idx.msk [tilespmem:v2+s10+$0x0 ss:$0x1], $0xffff  }
0x1fb: {  	v3 =	vimm.s32 $0x0;
	s9 =	simm.s32 $0x200;
	s10 =	simm.s32 $0x80  }
.LBB2_23:
0x1fc: {  	s11 =	sand.u32 $0x1000, s9;
	p0 =	sne.s32 s9, $0x1E00;
	s9 =	sadd.s32 $0x200, s9  }
.Ltmp10:
0x1fd: {  	s12 =	sand.u32 $0x380, s10;
	s11 =	sadd.s32 s11, s8;
	(pc) =	sbr.rel @p0 .LBB2_23-.Ltmp10, $3  }
0x1fe: {  	s11 =	sadd.s32 s12, s11  }
0x1ff: {  	v3 =	vadd.s32 v3, v4;
	v4 =	vld.idx.msk [tilespmem:v2+s11+$0x0 ss:$0x1], $0xffff;
	_ =	sdelay $0x1  }
0x200: {  	s10 =	sadd.s32 $0x80, s10  }
0x201: {  	s5 =	sadd.s32 $0x1, s5  }
0x202: {  	p0 =	sne.s32 s5, $0x20  }
.Ltmp11:
0x203: {  	_ = 	snop;
	(pc) =	sbr.rel @p0 .LBB2_22-.Ltmp11, $4  }
0x204: {  	s7 =	sand.u32 $0x180, s7  }
0x205: {  	s7 =	sadd.s32 s7, s21  }
0x206: {  	v2 =	vadd.s32 v3, v4;
	s6 =	sadd.s32 s6, s7  }
0x207: {  	[tilespmem:s6+$0x0] =	vst v2  }
0x208: {  	s1 =	sadd.s32 $0x1, s1  }
0x209: {  	p0 =	sne.s32 s1, s23  }
.Ltmp12:
0x20a: {  	s5 =	simm.s32 $0x100;
	(pc) =	sbr.rel @p0 .LBB2_1-.Ltmp12, $4  }
0x20b: {  	[hbm4b:s22+s24] =	stream.strided.scatter [tilespmem:s21], [sflag:$0x5], $0x200, s5, s24, $0x38;
	[tilespmem:$0x16000] =	vst v63  }
0x20c: {  	_ =	swait.ge [sflag:s4], $0x200  }
0x20d: {  	[sflag:s4] =	ssyncset.done $0x0  }
0x20e: {  	[sflag:s4] =	ssyncadd.s32 $0xFFFFFE00  }
0x20f: {  	_ =	sfence.sel $0x180000  }
0x210: {  	[bflag:$0x0] =	sbarrier.arrive $0xFFFF  }
0x211: {  	_ =	strace $0x90000047  }
0x212: {  	s0 =	stileid.u32;
	[bflag:$0x2] =	sbarrier.arrive $0xFFFF  }
0x213: {  	p0 =	sne.s32 s0, $0x0;
	s0 =	rddreg [dreg:$0x4]  }
0x214: {  	s0 =	sadd.s32 @!p0 $0x100000, s0  }
0x215: {  	[sflag:s0] =	ssyncadd.tile.s32 @!p0 $0x1;
	_ =	shalt  }
.Lfunc_end2:
_tile_overlayer_lowered:
.L_overlay_start_2:
0x216: {  	(tag) =	ssettag $0x2  }
0x217: {  	s0 =	rddreg [dreg:$0x0];
	s2 =	stileid.u32  }
0x218: {  	s1 =	rddreg [dreg:$0x1];
	p0 =	sne.s32 s2, $0x0  }
0x219: {  	s3 =	rddreg [dreg:$0x2];
	[bflag:$0x3] =	sbarrier.arrive $0xFFFF;
	s2 =	simm.s32 @!p0 $0x1C05  }
0x21a: {  	[timem:s3], [sflag:s2] =	dma.local @!p0 [hbm:s0], s1  }
0x21b: {  	s0 =	simm.s32 @!p0 $0x5  }
0x21c: {  	_ =	swait.ge @!p0 [sflag:s0], s1  }
0x21d: {  	s1 =	ssub.s32 @!p0 $0x0, s1;
	[sflag:s0] =	ssyncset.done @!p0 $0x0  }
0x21e: {  	[sflag:s0] =	ssyncadd.s32 @!p0 s1  }
0x21f: {  	[bflag:$0x3] =	sbarrier.arrive $0xFFFF  }
0x220: {  	_ =	shalt  }

// kernel: kernel.9.cloned.1.call-start
scs
__scs_entry_jumppad:
0x0: {  	(pc) =	sbr.rel $0x88, $3  }
0x1: {  	(tag) =	ssettag $0x0;
	lr =	simm.s32 $0x1  }
0x2: {  	[smem:$0x3F9F] =	sst lr;
	_ =	strace $0xD0000000  }
0x3: {  	_ = 	snop  }
0x4: {  	_ = 	snop  }
0x5: {  	_ = 	snop  }
0x6: {  	_ = 	snop  }
0x7: {  	_ = 	snop  }
__scs_overlays_trampoline_lowered:
0x8: {  	[smem:$0x3FAE] =	sst s0  }
0x9: {  	[smem:$0x3FAF] =	sst s1  }
0xa: {  	[smem:$0x3FB0] =	sst s2  }
0xb: {  	[smem:$0x3FB1] =	sst s3  }
0xc: {  	[smem:$0x3FB2] =	sst s4  }
0xd: {  	[smem:$0x3FB3] =	sst s5  }
0xe: {  	[smem:$0x3FB4] =	sst s6  }
0xf: {  	[smem:$0x3FB5] =	sst s7  }
0x10: {  	[smem:$0x3FB6] =	sst s8  }
0x11: {  	[smem:$0x3FB7] =	sst s9;
	s0 =	simm.s32 @!p0 $0x0  }
0x12: {  	s1 =	sld [smem:$0x3F9D];
	s0 =	simm.s32 @p0 $0x1  }
0x13: {  	[smem:$0x3FB8] =	sst s0;
	s0 =	simm.s32 @!p1 $0x0  }
0x14: {  	s2 =	sld [smem:$0x3F9C];
	s0 =	simm.s32 @p1 $0x1  }
0x15: {  	[smem:$0x3FB9] =	sst s0;
	s0 =	simm.s32 @!p2 $0x0  }
0x16: {  	s3 =	sld [smem:$0x3FDB];
	s0 =	simm.s32 @p2 $0x1  }
0x17: {  	s4 =	simm.s32 $0x1BF5;
	[smem:$0x3FBB] =	sst s0  }
0x18: {  	s0 =	sld [smem:$0x3F9E];
	_ =	swait.ge [sflag:s4], $0x0  }
0x19: {  	s7 =	sld [smem:$0x3F9F]  }
0x1a: {  	s8 =	sadd.s32 $0xFFFFE003, lr  }
0x1b: {  	s9 =	sadd.s32 $0xFFFFFEF7, lr;
	s5 =	simm.s32 $0xFFFFFFFF;
	p2 =	slt.u32 s8, $0xFFFFF086  }
0x1c: {  	p1 =	slt.u32 s9, $0xF7A;
	s5 =	simm.s32 @!p2 $0x0  }
0x1d: {  	s5 =	simm.s32 @p1 $0x1;
	p0 =	seq.s32 s7, s2  }
0x1e: {  	s7 =	smul.u32 @!p0 $0xF7A, s2;
	p2 =	seq.s32 @!p0 s5, $0x0  }
0x1f: {  	s9 =	smul.u32 $0xF7A, s1;
	s8 =	simm.s32 @!p0 $0x1BF5;
	p2 =	por !p2, p0  }
0x20: {  	[sflag:s8] =	ssyncset.s32 @!p0 $0xFFFFF086;
	s6 =	sadd.s32 @!p0 s3, s7;
	s7 =	simm.s32 @!p0 $0x108  }
0x21: {  	s3 =	sadd.s32 s3, s9;
	s6 =	sadd.s32 @!p0 $0x88, s6;
	s7 =	simm.s32 @p2 $0x1082  }
0x22: {  	[simem:s7], [sflag:s8] =	dma.local @!p0 [hbm:s6], $0xF7A  }
0x23: {  	s9 =	sor.u32 $0xD0000000, s2;
	s6 =	simm.s32 $0x108;
	_ =	swait.ge @!p0 [sflag:s8], $0x0  }
0x24: {  	s3 =	sadd.s32 $0x88, s3;
	s6 =	simm.s32 @!p1 $0x1082;
	[sflag:s4] =	ssyncset.s32 $0xFFFFF086  }
0x25: {  	[simem:s6], [sflag:s4] =	dma.local [hbm:s3], $0xF7A  }
0x26: {  	[smem:$0x3F9F] =	sst s1;
	(tag) =	ssettag s2;
	_ =	strace s9  }
0x27: {  	s1 =	sld [smem:$0x3FAF]  }
0x28: {  	s2 =	sld [smem:$0x3FB0]  }
0x29: {  	s4 =	sld [smem:$0x3FB2]  }
0x2a: {  	p0 =	seq.s32 s5, $0x0;
	s5 =	sld [smem:$0x3FB3]  }
0x2b: {  	s6 =	sld [smem:$0x3FB4]  }
0x2c: {  	s7 =	sld [smem:$0x3FB5]  }
0x2d: {  	s3 =	simm.s32 $0x108;
	s8 =	sld [smem:$0x3FB6]  }
0x2e: {  	s3 =	simm.s32 @!p0 $0x1082;
	s9 =	sld [smem:$0x3FB7]  }
0x2f: {  	lr =	sadd.s32 s0, s3;
	s0 =	sld [smem:$0x3FAE]  }
0x30: {  	s3 =	sld [smem:$0x3FB1]  }
0x31: {  	[smem:$0x3FBA] =	sst s10  }
0x32: {  	s10 =	sld [smem:$0x3FB8];
	_ =	sdelay $0x3  }
0x33: {  	p0 =	seq.s32 s10, $0x1;
	s10 =	sld [smem:$0x3FBA];
	_ =	sdelay $0x3  }
0x34: {  	[smem:$0x3FBA] =	sst s10  }
0x35: {  	s10 =	sld [smem:$0x3FB9];
	_ =	sdelay $0x3  }
0x36: {  	p1 =	seq.s32 s10, $0x1;
	s10 =	sld [smem:$0x3FBA];
	_ =	sdelay $0x3  }
0x37: {  	[smem:$0x3FBA] =	sst s10  }
0x38: {  	s10 =	sld [smem:$0x3FBB]  }
0x39: {  	_ = 	snop;
	(pc) =	sbr.ind lr, $3  }
0x3a: {  	_ = 	snop  }
0x3b: {  	_ = 	snop  }
0x3c: {  	p2 =	seq.s32 s10, $0x1;
	s10 =	sld [smem:$0x3FBA]  }
0x3d: {  	_ =	shalt  }
0x3e: {  	_ =	shalt  }
0x3f: {  	_ =	shalt  }
0x40: {  	_ =	shalt  }
0x41: {  	_ =	shalt  }
0x42: {  	_ =	shalt  }
0x43: {  	_ =	shalt  }
0x44: {  	_ =	shalt  }
0x45: {  	_ =	shalt  }
0x46: {  	_ =	shalt  }
0x47: {  	_ =	shalt  }
0x48: {  	_ =	shalt  }
0x49: {  	_ =	shalt  }
0x4a: {  	_ =	shalt  }
0x4b: {  	_ =	shalt  }
0x4c: {  	_ =	shalt  }
0x4d: {  	_ =	shalt  }
0x4e: {  	_ =	shalt  }
0x4f: {  	_ =	shalt  }
0x50: {  	_ =	shalt  }
0x51: {  	_ =	shalt  }
0x52: {  	_ =	shalt  }
0x53: {  	_ =	shalt  }
0x54: {  	_ =	shalt  }
0x55: {  	_ =	shalt  }
0x56: {  	_ =	shalt  }
0x57: {  	_ =	shalt  }
0x58: {  	_ =	shalt  }
0x59: {  	_ =	shalt  }
0x5a: {  	_ =	shalt  }
0x5b: {  	_ =	shalt  }
0x5c: {  	_ =	shalt  }
0x5d: {  	_ =	shalt  }
0x5e: {  	_ =	shalt  }
0x5f: {  	_ =	shalt  }
0x60: {  	_ =	shalt  }
0x61: {  	_ =	shalt  }
0x62: {  	_ =	shalt  }
0x63: {  	_ =	shalt  }
0x64: {  	_ =	shalt  }
0x65: {  	_ =	shalt  }
0x66: {  	_ =	shalt  }
0x67: {  	_ =	shalt  }
0x68: {  	_ =	shalt  }
0x69: {  	_ =	shalt  }
0x6a: {  	_ =	shalt  }
0x6b: {  	_ =	shalt  }
0x6c: {  	_ =	shalt  }
0x6d: {  	_ =	shalt  }
0x6e: {  	_ =	shalt  }
0x6f: {  	_ =	shalt  }
0x70: {  	_ =	shalt  }
0x71: {  	_ =	shalt  }
0x72: {  	_ =	shalt  }
0x73: {  	_ =	shalt  }
0x74: {  	_ =	shalt  }
0x75: {  	_ =	shalt  }
0x76: {  	_ =	shalt  }
0x77: {  	_ =	shalt  }
0x78: {  	_ =	shalt  }
0x79: {  	_ =	shalt  }
0x7a: {  	_ =	shalt  }
0x7b: {  	_ =	shalt  }
0x7c: {  	_ =	shalt  }
0x7d: {  	_ =	shalt  }
0x7e: {  	_ =	shalt  }
0x7f: {  	_ =	shalt  }
0x80: {  	_ =	shalt  }
0x81: {  	_ =	shalt  }
0x82: {  	_ =	shalt  }
0x83: {  	_ =	shalt  }
0x84: {  	_ =	shalt  }
0x85: {  	_ =	shalt  }
0x86: {  	_ =	shalt  }
0x87: {  	_ =	shalt  }
.Lfunc_end0:
.L_simem_size_0:
called_computation.1_lowered:
.L_overlay_start_0:
0x88: {  	s2 =	sld [smem:$0x3FD9]  }
0x89: {  	s3 =	sld [smem:$0x3FFE];
	_ =	sdelay $0x1  }
0x8a: {  	s1 =	srdreg.scid  }
0x8b: {  	s0 =	sand.u32 $0x1, s1  }
0x8c: {  	s17 =	sshll.u32 s0, $0xA;
	s2 =	sadd.s32 s3, s2  }
0x8d: {  	s2 =	sadd.s32 s2, s17  }
0x8e: {  	[smem:$0x3FC6] =	sst s2  }
0x8f: {  	_ = 	snop  }
0x90: {  	s2 =	sld [smem:$0x3FC9]  }
0x91: {  	s18 =	sld [smem:$0x3FC8];
	(tm) =	ssettm $0x1  }
0x92: {  	s4 =	sld [smem:$0x3FFB];
	_ =	sdelay $0x3  }
0x93: {  	_ =	strace s4  }
0x94: {  	s4 =	sld [smem:$0x3FFC];
	_ =	sdelay $0x3  }
0x95: {  	_ =	strace s4  }
0x96: {  	s4 =	sld [smem:$0x3FFD];
	_ =	sdelay $0x3  }
0x97: {  	_ =	strace s4  }
0x98: {  	_ =	strace $0x8FFFFFFF  }
0x99: {  	s19 =	sld [smem:$0x3FDB];
	_ =	sdelay $0x1  }
0x9a: {  	s5 =	simm.s32 $_scs_section_size  }
0x9b: {  	s6 =	simm.s32 $_size__tile_overlayer_lowered;
	s7 =	simm.s32 $_tile_overlayer_lowered  }
0x9c: {  	s22 =	simm.s32 $0x1BFF;
	s21 =	sshll.u32 s7, $0x1;
	s4 =	sadd.s32 s5, s19  }
0x9d: {  	s8 =	simm.s32 $0x0;
	s20 =	sshll.u32 s6, $0x1;
	s6 =	sadd.s32 s21, s4  }
0x9e: {  	[timem:s8], [sflag:s22] =	dma.local [hbm:s6], s20  }
0x9f: {  	_ =	swait.ge [sflag:s22], s20  }
0xa0: {  	s5 =	ssub.s32 $0x0, s20;
	[sflag:s22] =	ssyncset.done $0x0  }
0xa1: {  	[sflag:s22] =	ssyncadd.s32 s5;
	_ =	sdelay $0x1  }
0xa2: {  	s23 =	simm.s32 $0x1B8B  }
0xa3: {  	_ =	swait.ge [sflag:s23], $0x1  }
0xa4: {  	[sflag:s23] =	ssyncset.done $0x0  }
0xa5: {  	s25 =	simm.s32 $0x1B8E;
	s24 =	sld [smem:$0x3FFE];
	[sflag:s23] =	ssyncadd.s32 $0xFFFFFFFF  }
0xa6: {  	s26 =	simm.s32 $execute0_lowered;
	[smem:$0x3FD2] =	sst s25  }
0xa7: {  	s6 =	sshll.u32 s26, $0x1;
	_ =	strace $0x80000049;
	[dreg:$0x1] =	wrdreg $0xFFFFFFFF  }
0xa8: {  	s28 =	simm.s32 $_size_execute0_lowered;
	s4 =	sadd.s32 s4, s6;
	[dreg:$0x0] =	wrdreg $0x0  }
0xa9: {  	s6 =	sshll.u32 s28, $0x1;
	[dreg:$0x2] =	wrdreg s4  }
0xaa: {  	[dreg:$0x3] =	wrdreg s6  }
0xab: {  	[dreg:$0x4] =	wrdreg $0xC0  }
0xac: {  	_ =	task [dreg:s8], $0x5FFFF  }
0xad: {  	[dreg:$0x1] =	wrdreg $0xFFFFFFFF  }
0xae: {  	[dreg:$0x0] =	wrdreg $0x60  }
0xaf: {  	[dreg:$0x2] =	wrdreg s2  }
0xb0: {  	[dreg:$0x3] =	wrdreg s18  }
0xb1: {  	[dreg:$0x4] =	wrdreg s24  }
0xb2: {  	[dreg:$0x5] =	wrdreg $0x140000  }
0xb3: {  	[dreg:$0x6] =	wrdreg $0x9  }
0xb4: {  	_ =	task.clear_ibuf [dreg:s8], $0x7FFFF;
	_ =	strace $0x90000049  }
0xb5: {  	s29 =	simm.s32 $0x9;
	_ =	strace $0x8000004B  }
0xb6: {  	_ =	swait.ge [sflag:s29], $0x1  }
0xb7: {  	[sflag:s29] =	ssyncadd.s32 $0xFFFFFFFF  }
0xb8: {  	_ =	strace $0x9000004B  }
0xb9: {  	_ =	sfence  }
0xba: {  	s30 =	sld [smem:$0x0];
	_ =	sdelay $0x2  }
0xbb: {  	s31 =	sshll.u32 s1, $0xD;
	s1 =	sshrl.u32 s1, $0x2  }
0xbc: {  	s3 =	sand.u32 $0x4000, s31;
	s1 =	sadd.s32 s1, s30  }
0xbd: {  	s0 =	sor.u32 s3, s0;
	s1 =	sshll.u32 s1, $0x11  }
0xbe: {  	s0 =	sor.u32 s1, s0  }
0xbf: {  	s0 =	sadd.s32 $0x8F2B, s0  }
0xc0: {  	[sflag:s0] =	ssyncadd.remote.s32 $0x1  }
0xc1: {  	_ =	sfence.sel $0xFFFF  }
0xc2: {  	[dreg:$0x0] =	wrdreg $0xFFFFFFFF;
	(pc) =	sbr.abs _section_cstart, $3  }
0xc3: {  	[dreg:$0x1] =	wrdreg $0xFFFFFFFF  }
0xc4: {  	_ =	task.clear_ibuf [dreg:s8], $0x2FFFF;
	_ =	strace $0x9FFFFFFF  }
0xc5: {  	(tm) =	ssettm $0x7FFFFFFF  }
tec
execute0_lowered:
.L_overlay_start_1:
0x0: {  	(tag) =	ssettag $0x1  }
0x1: {  	s0 =	rddreg [dreg:$0x0]  }
0x2: {  	s1 =	rddreg [dreg:$0x1]  }
0x3: {  	s3 =	rddreg [dreg:$0x2]  }
0x4: {  	s4 =	rddreg [dreg:$0x3]  }
0x5: {  	s2 =	srdreg.scid;
	s10 =	stileid.u32  }
0x6: {  	s30 =	simm.s32 $0x5;
	s31 =	simm.s32 $0xC000;
	s5 =	sand.u32 $0x1, s2  }
0x7: {  	s7 =	sshll.u32 s10, $0xF;
	s2 =	simm.s32 $0x0;
	s8 =	sshll.u32 s5, $0x6  }
0x8: {  	s19 =	sshll.u32 s10, $0xD;
	s6 =	ssub.s32 $0x2, s5;
	s7 =	sor.u32 s8, s7  }
0x9: {  	[smem:$0x7FF] =	sst s2;
	s20 =	sand.u32 $0x10000, s19;
	s8 =	sadd.s32 s0, s7  }
0xa: {  	s21 =	sadd.s32 s1, s7;
	s22 =	sor.u32 $0x4000, s7;
	[dreg:$0x5] =	wrdreg s8  }
0xb: {  	s5 =	sshll.u32 s5, $0x4;
	[dreg:$0x6] =	wrdreg s21;
	s11 =	sadd.s32 s0, s22  }
0xc: {  	s23 =	sor.u32 $0x10, s7;
	s8 =	sadd.s32 s1, s22;
	[dreg:$0x7] =	wrdreg s11  }
0xd: {  	s9 =	sshrl.u32 s6, $0x1;
	s24 =	sadd.s32 s0, s23;
	[dreg:$0x8] =	wrdreg s8  }
0xe: {  	s26 =	sor.u32 $0x4010, s7;
	s25 =	sadd.s32 s1, s23;
	[dreg:$0x9] =	wrdreg s24  }
0xf: {  	s28 =	sor.u32 $0x20, s7;
	s29 =	sadd.s32 s0, s26;
	[dreg:$0xa] =	wrdreg s25  }
0x10: {  	s6 =	ssub.s32 s6, s9;
	s12 =	sadd.s32 s0, s28;
	[dreg:$0xb] =	wrdreg s29  }
0x11: {  	s14 =	sor.u32 $0x4020, s7;
	s13 =	sadd.s32 s1, s28;
	[dreg:$0xd] =	wrdreg s12  }
0x12: {  	s15 =	sor.u32 $0x30, s7;
	s16 =	sadd.s32 s0, s14;
	[dreg:$0xe] =	wrdreg s13  }
0x13: {  	s7 =	sor.u32 $0x4030, s7;
	s17 =	sadd.s32 s0, s15;
	[dreg:$0xf] =	wrdreg s16  }
0x14: {  	s18 =	sadd.s32 s1, s15;
	s0 =	sadd.s32 s0, s7;
	[dreg:$0x11] =	wrdreg s17  }
0x15: {  	s21 =	sshll.u32 s10, $0x7;
	s23 =	sshll.u32 s10, $0xC;
	[dreg:$0x12] =	wrdreg s18  }
0x16: {  	s28 =	sshll.u32 s10, $0x9;
	s8 =	sadd.s32 s1, s26;
	[dreg:$0x13] =	wrdreg s0  }
0x17: {  	s22 =	sand.u32 $0x380, s21;
	s0 =	sadd.s32 s20, s4;
	s24 =	sadd.s32 s5, s3  }
0x18: {  	s20 =	sadd.s32 s23, s4;
	s25 =	sadd.s32 $0x1C00, s3;
	s3 =	sadd.s32 $0x1C10, s3  }
0x19: {  	s23 =	sor.u32 $0x10000, s28;
	[dreg:$0xc] =	wrdreg s8;
	s8 =	sadd.s32 s1, s14  }
0x1a: {  	s29 =	smax.u32 s6, $0x1;
	s1 =	sadd.s32 s1, s7;
	[dreg:$0x10] =	wrdreg s8  }
0x1b: {  	s4 =	simm.s32 $0x3;
	s0 =	sadd.s32 s22, s0;
	[dreg:$0x14] =	wrdreg s1  }
0x1c: {  	s5 =	simm.s32 $0x10000;
	s6 =	simm.s32 $0x2;
	[dreg:$0x15] =	wrdreg s0  }
0x1d: {  	v0 =	vlaneseq.u32;
	s26 =	sadd.s32 s21, s24;
	_ =	strace $0x8000004A;
	[dreg:$0x16] =	wrdreg s25  }
0x1e: {  	v0 =	vmul.u32 $0xFFFFFFFF, v0;
	s7 =	simm.s32 $0x4;
	s0 =	sadd.s32 $0x2400, s26;
	[dreg:$0x17] =	wrdreg s3  }
0x1f: {  	s26 =	simm.s32 $0x80;
	s8 =	simm.s32 $0x100;
	[dreg:$0x18] =	wrdreg s0  }
0x20: {  	v1 =	vimm.s32 $0x0;
	v2 =	vimm.s32 $0x1;
	v0 =	vadd.s32 $0xF, v0;
	[dreg:$0x19] =	wrdreg s29;
	s0 =	simm.s32 $0x400;
	s3 =	simm.s32 $0x1  }
.LBB2_1:
0x21: {  	s1 =	rddreg [dreg:$0x16];
	s9 =	simm.s32 $0x16000  }
0x22: {  	[tilespmem:s9], [sflag:$0x5] =	stream.strided.gather [hbm4b:s1+s26], $0x2000, s8, s26, $0x38;
	[tilespmem:$0x1A000] =	vst v63  }
0x23: {  	_ =	swait.ge [sflag:s30], $0x2000  }
0x24: {  	[sflag:s30] =	ssyncset.done $0x0  }
0x25: {  	s21 =	simm.s32 $0x18000;
	s19 =	rddreg [dreg:$0x17];
	[sflag:s30] =	ssyncadd.s32 $0xFFFFE000  }
0x26: {  	[tilespmem:s21], [sflag:$0x5] =	stream.strided.gather [hbm4b:s19+s26], $0x2000, s8, s26, $0x38;
	[tilespmem:$0x1A000] =	vst v63  }
0x27: {  	_ =	swait.ge [sflag:s30], $0x2000  }
0x28: {  	[sflag:s30] =	ssyncset.done $0x0  }
0x29: {  	s22 =	simm.s32 $0x0;
	[sflag:s30] =	ssyncadd.s32 $0xFFFFE000  }
0x2a: {  	v3 =	vld [tilespmem:s22+$0x16000]  }
0x2b: {  	s24 =	simm.s32 $0x10;
	v4 =	vld [tilespmem:s22+$0x18000]  }
0x2c: {  	v5 =	vld [tilespmem:s24+$0x16000]  }
0x2d: {  	s25 =	simm.s32 $0x20;
	v6 =	vld [tilespmem:s24+$0x18000]  }
0x2e: {  	v7 =	vld [tilespmem:s25+$0x16000]  }
0x2f: {  	v8 =	vld [tilespmem:s25+$0x18000];
	_ =	sdelay $0x2  }
0x30: {  	v3 =	vadd.s32 v3, v4  }
0x31: {  	(xrf0) =	vadd.scan.msk.s32 $0xffff, v3;
	v3 =	vadd.s32 v5, v6  }
0x32: {  	s28 =	simm.s32 $0x30;
	(xrf0) =	vadd.scan.msk.s32 $0xffff, v3;
	v3 =	vadd.s32 v7, v8  }
0x33: {  	v4 =	vld [tilespmem:s28+$0x16000];
	(xrf0) =	vadd.scan.msk.s32 $0xffff, v3  }
0x34: {  	v5 =	vld [tilespmem:s28+$0x18000];
	_ =	sdelay $0x2  }
0x35: {  	v3, _, _ =	vpop (xrf0)  }
0x36: {  	(v2sf) =	vpush v3, $0xF;
	v3, _, _ =	vpop (xrf0)  }
0x37: {  	v4 =	vadd.s32 v4, v5;
	(v2sf) =	vpush v3, $0xF;
	v5, _, _ =	vpop (xrf0)  }
0x38: {  	(v2sf) =	vpush v5, $0xF;
	_ =	sdelay $0x6  }
0x39: {  	s29 =	simm.s32 $0x40  }
0x3a: {  	(xrf0) =	vadd.scan.msk.s32 $0xffff, v4;
	v4 =	vld [tilespmem:s29+$0x18000]  }
0x3b: {  	s9 =	simm.s32 $0x140;
	s8 =	simm.s32 $0x0;
	v3 =	vld [tilespmem:s29+$0x16000]  }
.LBB2_2:
0x3c: {  	p0 =	sne.s32 s9, $0x7FC0  }
.Ltmp0:
0x3d: {  	_ = 	snop;
	(pc) =	sbr.rel @p0 .LBB2_2-.Ltmp0, $4  }
0x3e: {  	_ = 	snop  }
0x3f: {  	s10 =	sshra.s32 s9, $0x2  }
0x40: {  	s11 =	spop (v2sf);
	v6 =	vadd.s32 v3, v4;
	v3 =	vld [tilespmem:s10+$0x16000];
	v5, _, _ =	vpop (xrf0)  }
0x41: {  	s9 =	sadd.s32 $0x40, s9;
	s8 =	sadd.s32 s8, s11;
	v4 =	vld [tilespmem:s10+$0x18000];
	(xrf0) =	vadd.scan.msk.s32 $0xffff, v6;
	(v2sf) =	vpush v5, $0xF  }
0x42: {  	_ =	sdelay $0x3  }
0x43: {  	v3 =	vadd.s32 v3, v4  }
0x44: {  	(xrf0) =	vadd.scan.msk.s32 $0xffff, v3;
	_ =	sdelay $0x4  }
0x45: {  	v3, _, _ =	vpop (xrf0)  }
0x46: {  	(v2sf) =	vpush v3, $0xF;
	v3, _, _ =	vpop (xrf0)  }
0x47: {  	(v2sf) =	vpush v3, $0xF;
	_ =	sdelay $0x1  }
0x48: {  	s9 =	simm.s32 $0xFF;
	p1 =	por $0x1, $0x1;
	s10 =	simm.s32 $0x0  }
0x49: {  	s10 =	smov.u32 @p1 s9  }
0x4a: {  	s16 =	sshll.u32 s10, $0x4  }
0x4b: {  	v4 =	vld [tilespmem:s16+$0x18000]  }
0x4c: {  	v3 =	vld [tilespmem:s16+$0x16000];
	_ =	sdelay $0x3  }
0x4d: {  	s17 =	spop (v2sf)  }
0x4e: {  	p0 =	por $0x1, $0x1;
	s11 =	simm.s32 $0xFE;
	s10 =	simm.s32 $0x1;
	v3 =	vadd.s32 v3, v4  }
0x4f: {  	s8 =	sadd.s32 s8, s17;
	s18 =	spop (v2sf);
	s10 =	smov.u32 @p0 s11;
	v4 =	vperm.xlane v3, v0  }
0x50: {  	s8 =	sadd.s32 s8, s18;
	s10 =	sshll.u32 s10, $0x4;
	s19 =	spop (v2sf);
	(xrf0) =	vadd.scan.msk.s32 $0xffff, v3  }
0x51: {  	v5 =	vld [tilespmem:s10+$0x18000];
	s8 =	sadd.s32 s8, s19;
	(xrf0) =	vadd.scan.msk.s32 $0xffff, v4;
	s21 =	spop (v2sf)  }
0x52: {  	v3 =	vld [tilespmem:s10+$0x16000];
	s8 =	sadd.s32 s8, s21;
	s22 =	spop (v2sf)  }
0x53: {  	s8 =	sadd.s32 s8, s22  }
0x54: {  	s9 =	ssub.s32 $0x400000, s8  }
0x55: {  	s9 =	scvt.s32.f32 s9  }
0x56: {  	v4, _, _ =	vpop (xrf0)  }
0x57: {  	v5 =	vadd.s32 v3, v5;
	v3, _, _ =	vpop (xrf0);
	s9 =	smul.f32 $3.000000000e+00, s9  }
0x58: {  	p1 =	por p1, p1;
	(xrf0) =	vadd.scan.msk.s32 $0xffff, v5;
	(v2sf) =	vpush v4, $0xF;
	v3 =	vperm.xlane v3, v0  }
0x59: {  	p2 =	por $0x1, $0x1;
	p1 =	por p1, p1;
	s9 =	scvt.f32.s32 s9  }
0x5a: {  	s12 =	simm.s32 $0xFD;
	s24 =	simm.s32 $0x0;
	s11 =	simm.s32 $0x2;
	v4 =	vpsel p1, v3, v4  }
0x5b: {  	s11 =	smov.u32 @p2 s12;
	v4 =	vadd.s32 s24, v4;
	p3 =	slt.s32 s9, s8  }
0x5c: {  	s11 =	sshll.u32 s11, $0x4;
	s8 =	smov.u32 @p3 s9  }
0x5d: {  	v6 =	vld [tilespmem:s11+$0x16000];
	v5 =	vperm.xlane v5, v0;
	v3 =	vmov s8  }
0x5e: {  	v7 =	vld [tilespmem:s11+$0x18000];
	vm0 =	vge.s32 v4, v3;
	v4, _, _ =	vpop (xrf0)  }
0x5f: {  	(xrf0) =	vadd.scan.msk.s32 $0xffff, v5;
	v5 =	vsel vm0, $0x1, v1;
	(v2sf) =	vpush v4, $0xF  }
0x60: {  	(xrf0) =	vadd.scan.msk.s32 $0xffff, v5;
	_ =	sdelay $0x2  }
0x61: {  	v5 =	vadd.s32 v6, v7  }
0x62: {  	(xrf0) =	vadd.scan.msk.s32 $0xffff, v5;
	v5 =	vperm.xlane v5, v0  }
0x63: {  	s12 =	simm.s32 $0xFC;
	s9 =	simm.s32 $0x3;
	p3 =	por $0x1, $0x1;
	v6, _, _ =	vpop (xrf0)  }
0x64: {  	p0 =	por p0, p0;
	s9 =	smov.u32 @p3 s12;
	v6 =	vperm.xlane v6, v0;
	v7, _, _ =	vpop (xrf0);
	(xrf0) =	vadd.scan.msk.s32 $0xffff, v5  }
0x65: {  	p5 =	por p0, p0;
	s12 =	sshll.u32 s9, $0x4;
	s25 =	spop (v2sf)  }
0x66: {  	v8 =	vld [tilespmem:s12+$0x18000];
	s14 =	sadd.s32 $0x0, s25;
	v4 =	vpsel p5, v6, v4  }
0x67: {  	v4 =	vadd.s32 s14, v4;
	(v2sf) =	vpush v7, $0xF;
	v7 =	vld [tilespmem:s12+$0x16000]  }
0x68: {  	v5, _, _ =	vpop (xrf0)  }
0x69: {  	(v2sf) =	vpush v5, $0xF  }
0x6a: {  	vm14 =	vge.s32 v4, v3;
	v4, _, _ =	vpop (xrf0)  }
0x6b: {  	p6 =	por p2, p2;
	v4 =	vperm.xlane v4, v0  }
0x6c: {  	p0 =	por p6, p6;
	v6 =	vsel vm14, $0x1, v1;
	v7 =	vadd.s32 v7, v8;
	s13 =	spop (v2sf)  }
0x6d: {  	(xrf0) =	vadd.scan.msk.s32 $0xffff, v6;
	v6 =	vperm.xlane v7, v0;
	s18 =	sadd.s32 s14, s13;
	v4 =	vpsel p0, v4, v5  }
0x6e: {  	p4 =	por $0x1, $0x1;
	(xrf0) =	vadd.scan.msk.s32 $0xffff, v7;
	v4 =	vadd.s32 s18, v4  }
0x6f: {  	s15 =	simm.s32 $0xFB;
	p2 =	por p5, p5;
	s19 =	simm.s32 $0xFA;
	(xrf0) =	vadd.scan.msk.s32 $0xffff, v6;
	vm15 =	vge.s32 v4, v3  }
0x70: {  	s21 =	simm.s32 $0x6;
	p1 =	por p1, p1;
	s9 =	simm.s32 $0x4;
	v5 =	vsel vm15, $0x1, v1  }
0x71: {  	s22 =	simm.s32 $0xFFF;
	p1 =	por p1, p1;
	s9 =	smov.u32 @p4 s15  }
0x72: {  	p6 =	por p3, p3;
	p3 =	por $0x1, $0x1;
	s13 =	sshll.u32 s9, $0x4  }
0x73: {  	p4 =	por p4, p4;
	p5 =	por p1, p1;
	p1 =	por p2, p2;
	v6 =	vld [tilespmem:s13+$0x18000];
	(xrf0) =	vadd.scan.msk.s32 $0xffff, v5;
	v5, _, _ =	vpop (xrf0)  }
0x74: {  	p2 =	por p6, p6;
	s9 =	simm.s32 $0x5;
	p0 =	por p0, p0;
	v4 =	vld [tilespmem:s13+$0x16000];
	v7, _, _ =	vpop (xrf0)  }
0x75: {  	p6 =	sgt.s32 s8, $0x0;
	s1 =	simm.s32 @!p0 $0x0;
	s9 =	smov.u32 @p3 s19;
	(v2sf) =	vpush v5, $0xF;
	v8, _, _ =	vpop (xrf0)  }
0x76: {  	s1 =	simm.s32 @p0 $0x1;
	s15 =	sshll.u32 s9, $0x4;
	s17 =	spop (v2sf);
	v8 =	vperm.xlane v8, v0  }
0x77: {  	[smem:$0x7FD] =	sst s1;
	s28 =	sadd.s32 s17, s16;
	s16 =	ssub.s32 s16, s17  }
0x78: {  	s29 =	spop (v2sf);
	(v2sf) =	vpush v7, $0xF;
	s9 =	sadd.s32 $0xFFFFFFFF, s28;
	s16 =	sadd.s32 $0x10, s16  }
0x79: {  	v5 =	vadd.s32 v4, v6;
	v4 =	vld [tilespmem:s15+$0x16000];
	s16 =	smov.u32 @p5 s9;
	p5 =	sge.s32 s14, s8;
	s9 =	simm.s32 $0xFFF  }
0x7a: {  	(xrf0) =	vadd.scan.msk.s32 $0xffff, v5;
	v6 =	vperm.xlane v5, v0;
	v5 =	vld [tilespmem:s15+$0x18000];
	s17 =	sadd.s32 s18, s29;
	v7 =	vpsel p2, v8, v7;
	s9 =	smov.u32 @p5 s16;
	s16 =	smov.u32 s18;
	v8, _, _ =	vpop (xrf0)  }
.LBB2_4:
0x7b: {  	p5 =	sne.s32 s21, $0x1FF;
	s22 =	smov.u32 @p6 s9  }
0x7c: {  	s9 =	smov.u32 s10;
	s10 =	smov.u32 s11;
	s11 =	smov.u32 s12  }
0x7d: {  	s12 =	smov.u32 s13;
	p6 =	por p1, p1;
	s1 =	sld [smem:$0x7FD]  }
0x7e: {  	s13 =	smov.u32 s15;
	s24 =	smov.u32 s18;
	s18 =	smov.u32 s17  }
0x7f: {  	s25 =	smov.u32 s14;
	s14 =	smov.u32 s16;
	s16 =	smov.u32 s17;
	(xrf0) =	vadd.scan.msk.s32 $0xffff, v6;
	v6 =	vadd.s32 s17, v7  }
0x80: {  	s19 =	sadd.s32 $0xFFFFFFFF, s19;
	s15 =	smov.u32 s21;
	vm0 =	vge.s32 v6, v3;
	p0 =	seq.s32 s1, $0x1  }
0x81: {  	v6 =	vsel vm0, $0x1, v1;
	p1 =	por p0, p0;
	p0 =	por p2, p2;
	p2 =	por p4, p4  }
0x82: {  	p4 =	por p3, p3;
	p3 =	slt.u32 s21, $0x100;
	s1 =	simm.s32 @!p0 $0x0;
	v7, _, _ =	vpop (xrf0);
	(xrf0) =	vadd.scan.msk.s32 $0xffff, v6  }
0x83: {  	s21 =	sadd.s32 $0x1, s21;
	s15 =	smov.u32 @p3 s19;
	s1 =	simm.s32 @p0 $0x1  }
.Ltmp1:
0x84: {  	s15 =	sshll.u32 s15, $0x4;
	s28 =	spop (v2sf);
	(pc) =	sbr.rel @p5 .LBB2_4-.Ltmp1, $4  }
0x85: {  	v5 =	vadd.s32 v4, v5;
	p0 =	sge.s32 s24, s8;
	v4, _, _ =	vpop (xrf0);
	s29 =	sadd.s32 s28, s9;
	s9 =	ssub.s32 s9, s28  }
0x86: {  	[smem:$0x7FD] =	sst s1;
	v9 =	vperm.xlane v4, v0;
	s1 =	sadd.s32 $0xFFFFFFFF, s29;
	s29 =	sadd.s32 $0x10, s9  }
0x87: {  	(v2sf) =	vpush v8, $0xF;
	v6 =	vperm.xlane v5, v0;
	(xrf0) =	vadd.scan.msk.s32 $0xffff, v5;
	v5 =	vld [tilespmem:s15+$0x18000];
	s28 =	spop (v2sf);
	s9 =	smov.u32 s22;
	s29 =	smov.u32 @p6 s1  }
0x88: {  	(v2sf) =	vpush v7, $0xF;
	v4 =	vld [tilespmem:s15+$0x16000];
	v7 =	vpsel p2, v9, v7;
	v8, _, _ =	vpop (xrf0);
	s17 =	sadd.s32 s17, s28;
	p6 =	slt.s32 s25, s8;
	s9 =	smov.u32 @p0 s29  }
0x89: {  	_ =	sdelay $0x3  }
0x8a: {  	(v2sf) =	vpush v8, $0xF;
	v56, _, _ =	vpop (xrf0)  }
0x8b: {  	(v2sf) =	vpush v56, $0xF;
	_ =	sdelay $0x1  }
0x8c: {  	v7 =	vadd.s32 s17, v7  }
0x8d: {  	vm0 =	vge.s32 v7, v3;
	(xrf0) =	vadd.scan.msk.s32 $0xffff, v6  }
0x8e: {  	v57 =	vsel vm0, $0x1, v1;
	v4 =	vadd.s32 v4, v5  }
0x8f: {  	(xrf0) =	vadd.scan.msk.s32 $0xffff, v57;
	v5 =	vperm.xlane v4, v0  }
0x90: {  	(xrf0) =	vadd.scan.msk.s32 $0xffff, v4  }
0x91: {  	(xrf0) =	vadd.scan.msk.s32 $0xffff, v5;
	_ =	sdelay $0x1  }
0x92: {  	v58, _, _ =	vpop (xrf0)  }
0x93: {  	v4 =	vperm.xlane v58, v0;
	s1 =	spop (v2sf)  }
0x94: {  	p4 =	por p4, p4;
	v59, _, _ =	vpop (xrf0);
	s19 =	spop (v2sf)  }
0x95: {  	v60, _, _ =	vpop (xrf0);
	v4 =	vpsel p4, v4, v56;
	s19 =	sadd.s32 s17, s19  }
0x96: {  	v61, _, _ =	vpop (xrf0);
	v4 =	vadd.s32 s19, v4  }
0x97: {  	p0 =	por p3, p3;
	v62 =	vperm.xlane v61, v0;
	s24 =	spop (v2sf);
	vm14 =	vge.s32 v4, v3  }
0x98: {  	p3 =	por p0, p0;
	v63 =	vsel vm14, $0x1, v1;
	s21 =	spop (v2sf)  }
0x99: {  	v4 =	vpsel p3, v62, v60;
	(xrf0) =	vadd.scan.msk.s32 $0xffff, v63;
	s21 =	sadd.s32 s19, s21  }
0x9a: {  	v4 =	vadd.s32 s21, v4  }
0x9b: {  	vm15 =	vge.s32 v4, v3  }
0x9c: {  	(v2sf) =	vpush v59, $0xF;
	v3 =	vsel vm15, $0x1, v1  }
0x9d: {  	(xrf0) =	vadd.scan.msk.s32 $0xffff, v3;
	_ =	sdelay $0x1  }
0x9e: {  	(v2sf) =	vpush v60, $0xF;
	v3, _, _ =	vpop (xrf0)  }
0x9f: {  	s29 =	sld [smem:$0x7FD];
	(v2sf) =	vpush v3, $0xF  }
0xa0: {  	s22 =	smov.u32 @p6 s9;
	p6 =	por p2, p2;
	p2 =	slt.s32 s16, s8  }
0xa1: {  	p0 =	por p1, p1;
	s28 =	sadd.s32 s1, s10;
	s1 =	ssub.s32 s10, s1  }
0xa2: {  	p5 =	seq.s32 s29, $0x1;
	s9 =	sadd.s32 $0xFFFFFFFF, s28;
	s1 =	sadd.s32 $0x10, s1;
	v3, _, _ =	vpop (xrf0)  }
0xa3: {  	p1 =	slt.s32 s14, s8;
	p5 =	por p5, p5;
	s1 =	smov.u32 @p0 s9;
	(v2sf) =	vpush v3, $0xF  }
0xa4: {  	p0 =	sge.s32 s18, s8;
	s9 =	smov.u32 s22;
	s10 =	sadd.s32 s24, s11  }
0xa5: {  	s11 =	ssub.s32 s11, s24;
	s9 =	smov.u32 @p0 s1;
	p0 =	por p5, p5  }
0xa6: {  	s1 =	sadd.s32 $0xFFFFFFFF, s10;
	p5 =	por p4, p4;
	s22 =	smov.u32 @p1 s9  }
0xa7: {  	s9 =	sadd.s32 $0x10, s11;
	p1 =	por p6, p6;
	p6 =	por p3, p3  }
0xa8: {  	s9 =	smov.u32 @p0 s1;
	p0 =	sge.s32 s17, s8;
	s1 =	smov.u32 s22  }
0xa9: {  	p3 =	slt.s32 s17, s8;
	s1 =	smov.u32 @p0 s9;
	p0 =	por p6, p6  }
0xaa: {  	s22 =	smov.u32 @p2 s1;
	p2 =	por p1, p1;
	s14 =	spop (v2sf)  }
0xab: {  	p1 =	por p5, p5;
	s16 =	sadd.s32 s14, s12;
	s1 =	ssub.s32 s12, s14  }
0xac: {  	p0 =	por p0, p0;
	s9 =	sadd.s32 $0xFFFFFFFF, s16;
	s1 =	sadd.s32 $0x10, s1  }
0xad: {  	p1 =	por p1, p1;
	s18 =	spop (v2sf);
	s1 =	smov.u32 @p2 s9  }
0xae: {  	p2 =	sge.s32 s19, s8;
	s9 =	smov.u32 s22;
	s24 =	spop (v2sf)  }
0xaf: {  	s9 =	smov.u32 @p2 s1;
	s25 =	sadd.s32 s24, s13;
	s1 =	ssub.s32 s13, s24  }
0xb0: {  	s22 =	smov.u32 @p3 s9;
	s9 =	sadd.s32 $0xFFFFFFFF, s25;
	s1 =	sadd.s32 $0x10, s1  }
0xb1: {  	s10 =	sadd.s32 s21, s18;
	p2 =	slt.s32 s19, s8;
	s1 =	smov.u32 @p1 s9  }
0xb2: {  	p1 =	sge.s32 s21, s8;
	s9 =	smov.u32 s22;
	s28 =	spop (v2sf)  }
0xb3: {  	s9 =	smov.u32 @p1 s1;
	s29 =	sadd.s32 s28, s15;
	s1 =	ssub.s32 s15, s28  }
0xb4: {  	s22 =	smov.u32 @p2 s9;
	s9 =	sadd.s32 $0xFFFFFFFF, s29;
	s1 =	sadd.s32 $0x10, s1  }
0xb5: {  	s1 =	smov.u32 @p0 s9;
	p0 =	sge.s32 s10, s8;
	s9 =	smov.u32 s22  }
0xb6: {  	p1 =	slt.s32 s21, s8;
	s9 =	smov.u32 @p0 s1  }
0xb7: {  	s8 =	simm.s32 $0x40;
	s22 =	smov.u32 @p1 s9;
	s9 =	simm.s32 $0x0  }
.LBB2_6:
0xb8: {  	p0 =	sne.s32 s8, $0x7FC0;
	[tilespmem:s9+$0x10000] =	vst v1;
	s1 =	smov.u32 s8;
	s8 =	sadd.s32 $0x40, s8  }
.Ltmp2:
0xb9: {  	(pc) =	sbr.rel @p0 .LBB2_6-.Ltmp2, $2  }
0xba: {  	_ =	sdelay $0x2  }
0xbb: {  	s9 =	sshra.s32 s1, $0x2  }
0xbc: {  	[tilespmem:s9+$0x10000] =	vst v1;
	s8 =	simm.s32 $0x0;
	s1 =	rddreg [dreg:$0x5]  }
0xbd: {  	[tilespmem:s8], [sflag:$0x1] =	stream.strided.gather [hbm4b:s1+s26], $0x4000, s0, s26, $0x38;
	[tilespmem:$0x1A000] =	vst v63  }
0xbe: {  	s25 =	rddreg [dreg:$0x6];
	s10 =	simm.s32 $0x8000  }
0xbf: {  	[tilespmem:s10], [sflag:$0x3] =	stream.strided.gather [hbm4b:s25+s26], $0x4000, s0, s26, $0x38;
	[tilespmem:$0x1A000] =	vst v63  }
0xc0: {  	s28 =	rddreg [dreg:$0x7];
	s11 =	simm.s32 $0x4000  }
0xc1: {  	[tilespmem:s11], [sflag:$0x2] =	stream.strided.gather [hbm4b:s28+s26], $0x4000, s0, s26, $0x38;
	[tilespmem:$0x1A000] =	vst v63  }
0xc2: {  	s29 =	rddreg [dreg:$0x8]  }
0xc3: {  	[tilespmem:s31], [sflag:$0x4] =	stream.strided.gather [hbm4b:s29+s26], $0x4000, s0, s26, $0x38;
	[tilespmem:$0x1A000] =	vst v63  }
0xc4: {  	_ =	swait.ge [sflag:s3], $0x4000  }
0xc5: {  	[sflag:s3] =	ssyncset.done $0x0  }
0xc6: {  	[sflag:s3] =	ssyncadd.s32 $0xFFFFC000  }
0xc7: {  	_ =	swait.ge [sflag:s4], $0x4000  }
0xc8: {  	[sflag:s4] =	ssyncset.done $0x0  }
0xc9: {  	v3 =	vmov s22;
	[sflag:s4] =	ssyncadd.s32 $0xFFFFC000  }
.LBB2_8:
0xca: {  	s9 =	sshra.s32 s8, $0x2  }
0xcb: {  	v4 =	vld [tilespmem:s9+$0x0]  }
0xcc: {  	v5 =	vld [tilespmem:s9+$0x8000];
	_ =	sdelay $0x3  }
0xcd: {  	v6 =	vshrl.u32 v4, $0x13  }
0xce: {  	vm0 =	veq.f32 v5, $0.0e+00;
	vm1 =	veq.s32 v6, v3  }
0xcf: {  	v4 =	vshrl.u32 v4, $0x6;
	vm0 =	vmand vm0, vm1  }
0xd0: {  	v4 =	vand.u32 $0x1FFF, v4;
	_ =	sdelay $0x4  }
0xd1: {  	[tilespmem:v4+s5+$0x0] =	vst.idx.add.s32.msk vm0, v2  }
0xd2: {  	v4 =	vld [tilespmem:s9+$0x10]  }
0xd3: {  	v5 =	vld [tilespmem:s9+$0x8010];
	_ =	sdelay $0x3  }
0xd4: {  	v57 =	vshrl.u32 v4, $0x13  }
0xd5: {  	vm14 =	veq.f32 v5, $0.0e+00;
	vm15 =	veq.s32 v57, v3  }
0xd6: {  	v4 =	vshrl.u32 v4, $0x6;
	vm0 =	vmand vm14, vm15  }
0xd7: {  	v4 =	vand.u32 $0x1FFF, v4;
	_ =	sdelay $0x4  }
0xd8: {  	[tilespmem:v4+s5+$0x0] =	vst.idx.add.s32.msk vm0, v2  }
0xd9: {  	v4 =	vld [tilespmem:s9+$0x20]  }
0xda: {  	v5 =	vld [tilespmem:s9+$0x8020];
	_ =	sdelay $0x3  }
0xdb: {  	v58 =	vshrl.u32 v4, $0x13  }
0xdc: {  	vm4 =	veq.f32 v5, $0.0e+00;
	vm5 =	veq.s32 v58, v3  }
0xdd: {  	v4 =	vshrl.u32 v4, $0x6;
	vm0 =	vmand vm4, vm5  }
0xde: {  	v4 =	vand.u32 $0x1FFF, v4;
	_ =	sdelay $0x4  }
0xdf: {  	[tilespmem:v4+s5+$0x0] =	vst.idx.add.s32.msk vm0, v2  }
0xe0: {  	v4 =	vld [tilespmem:s9+$0x30]  }
0xe1: {  	v5 =	vld [tilespmem:s9+$0x8030];
	_ =	sdelay $0x3  }
0xe2: {  	v59 =	vshrl.u32 v4, $0x13  }
0xe3: {  	vm6 =	veq.f32 v5, $0.0e+00;
	vm7 =	veq.s32 v59, v3  }
0xe4: {  	v4 =	vshrl.u32 v4, $0x6;
	vm0 =	vmand vm6, vm7  }
0xe5: {  	v4 =	vand.u32 $0x1FFF, v4;
	_ =	sdelay $0x4  }
0xe6: {  	[tilespmem:v4+s5+$0x0] =	vst.idx.add.s32.msk vm0, v2  }
0xe7: {  	v4 =	vld [tilespmem:s9+$0x40]  }
0xe8: {  	v5 =	vld [tilespmem:s9+$0x8040];
	_ =	sdelay $0x3  }
0xe9: {  	v60 =	vshrl.u32 v4, $0x13  }
0xea: {  	vm8 =	veq.f32 v5, $0.0e+00;
	vm9 =	veq.s32 v60, v3  }
0xeb: {  	v4 =	vshrl.u32 v4, $0x6;
	vm0 =	vmand vm8, vm9  }
0xec: {  	v4 =	vand.u32 $0x1FFF, v4;
	_ =	sdelay $0x4  }
0xed: {  	[tilespmem:v4+s5+$0x0] =	vst.idx.add.s32.msk vm0, v2  }
0xee: {  	v4 =	vld [tilespmem:s9+$0x50]  }
0xef: {  	v5 =	vld [tilespmem:s9+$0x8050];
	_ =	sdelay $0x3  }
0xf0: {  	v61 =	vshrl.u32 v4, $0x13  }
0xf1: {  	vm10 =	veq.f32 v5, $0.0e+00;
	vm11 =	veq.s32 v61, v3  }
0xf2: {  	v4 =	vshrl.u32 v4, $0x6;
	vm0 =	vmand vm10, vm11  }
0xf3: {  	v4 =	vand.u32 $0x1FFF, v4;
	_ =	sdelay $0x4  }
0xf4: {  	[tilespmem:v4+s5+$0x0] =	vst.idx.add.s32.msk vm0, v2  }
0xf5: {  	v4 =	vld [tilespmem:s9+$0x60]  }
0xf6: {  	v5 =	vld [tilespmem:s9+$0x8060];
	_ =	sdelay $0x3  }
0xf7: {  	v62 =	vshrl.u32 v4, $0x13  }
0xf8: {  	vm12 =	veq.f32 v5, $0.0e+00;
	vm13 =	veq.s32 v62, v3  }
0xf9: {  	v4 =	vshrl.u32 v4, $0x6;
	vm0 =	vmand vm12, vm13  }
0xfa: {  	v4 =	vand.u32 $0x1FFF, v4;
	_ =	sdelay $0x4  }
0xfb: {  	[tilespmem:v4+s5+$0x0] =	vst.idx.add.s32.msk vm0, v2  }
0xfc: {  	v4 =	vld [tilespmem:s9+$0x70]  }
0xfd: {  	v5 =	vld [tilespmem:s9+$0x8070];
	_ =	sdelay $0x3  }
0xfe: {  	v63 =	vshrl.u32 v4, $0x13  }
0xff: {  	vm14 =	veq.f32 v5, $0.0e+00;
	vm15 =	veq.s32 v63, v3  }
0x100: {  	v4 =	vshrl.u32 v4, $0x6;
	vm0 =	vmand vm14, vm15  }
0x101: {  	p0 =	sne.s32 s8, $0xFE00;
	v4 =	vand.u32 $0x1FFF, v4  }
.Ltmp3:
0x102: {  	_ = 	snop;
	(pc) =	sbr.rel @p0 .LBB2_8-.Ltmp3, $2  }
0x103: {  	_ =	sdelay $0x2  }
0x104: {  	s8 =	sadd.s32 $0x200, s8;
	[tilespmem:v4+s5+$0x0] =	vst.idx.add.s32.msk vm0, v2  }
0x105: {  	s8 =	simm.s32 $0x0;
	s1 =	rddreg [dreg:$0x9]  }
0x106: {  	[tilespmem:s8], [sflag:$0x1] =	stream.strided.gather [hbm4b:s1+s26], $0x4000, s0, s26, $0x38;
	[tilespmem:$0x1A000] =	vst v63  }
0x107: {  	s29 =	rddreg [dreg:$0xa]  }
0x108: {  	[tilespmem:s10], [sflag:$0x3] =	stream.strided.gather [hbm4b:s29+s26], $0x4000, s0, s26, $0x38;
	[tilespmem:$0x1A000] =	vst v63  }
0x109: {  	_ =	swait.ge [sflag:s6], $0x4000  }
0x10a: {  	[sflag:s6] =	ssyncset.done $0x0  }
0x10b: {  	[sflag:s6] =	ssyncadd.s32 $0xFFFFC000  }
0x10c: {  	_ =	swait.ge [sflag:s7], $0x4000  }
0x10d: {  	[sflag:s7] =	ssyncset.done $0x0  }
0x10e: {  	[sflag:s7] =	ssyncadd.s32 $0xFFFFC000  }
.LBB2_10:
0x10f: {  	s9 =	sshra.s32 s8, $0x2  }
0x110: {  	v4 =	vld [tilespmem:s9+$0x4000]  }
0x111: {  	v5 =	vld [tilespmem:s9+$0xC000];
	_ =	sdelay $0x3  }
0x112: {  	v6 =	vshrl.u32 v4, $0x13  }
0x113: {  	vm0 =	veq.f32 v5, $0.0e+00;
	vm1 =	veq.s32 v6, v3  }
0x114: {  	v4 =	vshrl.u32 v4, $0x6;
	vm0 =	vmand vm0, vm1  }
0x115: {  	v4 =	vand.u32 $0x1FFF, v4;
	_ =	sdelay $0x4  }
0x116: {  	[tilespmem:v4+s5+$0x0] =	vst.idx.add.s32.msk vm0, v2  }
0x117: {  	v4 =	vld [tilespmem:s9+$0x4010]  }
0x118: {  	v5 =	vld [tilespmem:s9+$0xC010];
	_ =	sdelay $0x3  }
0x119: {  	v57 =	vshrl.u32 v4, $0x13  }
0x11a: {  	vm14 =	veq.f32 v5, $0.0e+00;
	vm15 =	veq.s32 v57, v3  }
0x11b: {  	v4 =	vshrl.u32 v4, $0x6;
	vm0 =	vmand vm14, vm15  }
0x11c: {  	v4 =	vand.u32 $0x1FFF, v4;
	_ =	sdelay $0x4  }
0x11d: {  	[tilespmem:v4+s5+$0x0] =	vst.idx.add.s32.msk vm0, v2  }
0x11e: {  	v4 =	vld [tilespmem:s9+$0x4020]  }
0x11f: {  	v5 =	vld [tilespmem:s9+$0xC020];
	_ =	sdelay $0x3  }
0x120: {  	v58 =	vshrl.u32 v4, $0x13  }
0x121: {  	vm4 =	veq.f32 v5, $0.0e+00;
	vm5 =	veq.s32 v58, v3  }
0x122: {  	v4 =	vshrl.u32 v4, $0x6;
	vm0 =	vmand vm4, vm5  }
0x123: {  	v4 =	vand.u32 $0x1FFF, v4;
	_ =	sdelay $0x4  }
0x124: {  	[tilespmem:v4+s5+$0x0] =	vst.idx.add.s32.msk vm0, v2  }
0x125: {  	v4 =	vld [tilespmem:s9+$0x4030]  }
0x126: {  	v5 =	vld [tilespmem:s9+$0xC030];
	_ =	sdelay $0x3  }
0x127: {  	v59 =	vshrl.u32 v4, $0x13  }
0x128: {  	vm6 =	veq.f32 v5, $0.0e+00;
	vm7 =	veq.s32 v59, v3  }
0x129: {  	v4 =	vshrl.u32 v4, $0x6;
	vm0 =	vmand vm6, vm7  }
0x12a: {  	v4 =	vand.u32 $0x1FFF, v4;
	_ =	sdelay $0x4  }
0x12b: {  	[tilespmem:v4+s5+$0x0] =	vst.idx.add.s32.msk vm0, v2  }
0x12c: {  	v4 =	vld [tilespmem:s9+$0x4040]  }
0x12d: {  	v5 =	vld [tilespmem:s9+$0xC040];
	_ =	sdelay $0x3  }
0x12e: {  	v60 =	vshrl.u32 v4, $0x13  }
0x12f: {  	vm8 =	veq.f32 v5, $0.0e+00;
	vm9 =	veq.s32 v60, v3  }
0x130: {  	v4 =	vshrl.u32 v4, $0x6;
	vm0 =	vmand vm8, vm9  }
0x131: {  	v4 =	vand.u32 $0x1FFF, v4;
	_ =	sdelay $0x4  }
0x132: {  	[tilespmem:v4+s5+$0x0] =	vst.idx.add.s32.msk vm0, v2  }
0x133: {  	v4 =	vld [tilespmem:s9+$0x4050]  }
0x134: {  	v5 =	vld [tilespmem:s9+$0xC050];
	_ =	sdelay $0x3  }
0x135: {  	v61 =	vshrl.u32 v4, $0x13  }
0x136: {  	vm10 =	veq.f32 v5, $0.0e+00;
	vm11 =	veq.s32 v61, v3  }
0x137: {  	v4 =	vshrl.u32 v4, $0x6;
	vm0 =	vmand vm10, vm11  }
0x138: {  	v4 =	vand.u32 $0x1FFF, v4;
	_ =	sdelay $0x4  }
0x139: {  	[tilespmem:v4+s5+$0x0] =	vst.idx.add.s32.msk vm0, v2  }
0x13a: {  	v4 =	vld [tilespmem:s9+$0x4060]  }
0x13b: {  	v5 =	vld [tilespmem:s9+$0xC060];
	_ =	sdelay $0x3  }
0x13c: {  	v62 =	vshrl.u32 v4, $0x13  }
0x13d: {  	vm12 =	veq.f32 v5, $0.0e+00;
	vm13 =	veq.s32 v62, v3  }
0x13e: {  	v4 =	vshrl.u32 v4, $0x6;
	vm0 =	vmand vm12, vm13  }
0x13f: {  	v4 =	vand.u32 $0x1FFF, v4;
	_ =	sdelay $0x4  }
0x140: {  	[tilespmem:v4+s5+$0x0] =	vst.idx.add.s32.msk vm0, v2  }
0x141: {  	v4 =	vld [tilespmem:s9+$0x4070]  }
0x142: {  	v5 =	vld [tilespmem:s9+$0xC070];
	_ =	sdelay $0x3  }
0x143: {  	v63 =	vshrl.u32 v4, $0x13  }
0x144: {  	vm14 =	veq.f32 v5, $0.0e+00;
	vm15 =	veq.s32 v63, v3  }
0x145: {  	v4 =	vshrl.u32 v4, $0x6;
	vm0 =	vmand vm14, vm15  }
0x146: {  	p0 =	sne.s32 s8, $0xFE00;
	v4 =	vand.u32 $0x1FFF, v4  }
.Ltmp4:
0x147: {  	_ = 	snop;
	(pc) =	sbr.rel @p0 .LBB2_10-.Ltmp4, $2  }
0x148: {  	_ =	sdelay $0x2  }
0x149: {  	s8 =	sadd.s32 $0x200, s8;
	[tilespmem:v4+s5+$0x0] =	vst.idx.add.s32.msk vm0, v2  }
0x14a: {  	s1 =	rddreg [dreg:$0xb]  }
0x14b: {  	[tilespmem:s11], [sflag:$0x2] =	stream.strided.gather [hbm4b:s1+s26], $0x4000, s0, s26, $0x38;
	[tilespmem:$0x1A000] =	vst v63  }
0x14c: {  	s29 =	rddreg [dreg:$0xc]  }
0x14d: {  	[tilespmem:s31], [sflag:$0x4] =	stream.strided.gather [hbm4b:s29+s26], $0x4000, s0, s26, $0x38;
	[tilespmem:$0x1A000] =	vst v63  }
0x14e: {  	_ =	swait.ge [sflag:s3], $0x4000  }
0x14f: {  	[sflag:s3] =	ssyncset.done $0x0  }
0x150: {  	[sflag:s3] =	ssyncadd.s32 $0xFFFFC000  }
0x151: {  	_ =	swait.ge [sflag:s4], $0x4000  }
0x152: {  	[sflag:s4] =	ssyncset.done $0x0  }
0x153: {  	s8 =	simm.s32 $0x0;
	[sflag:s4] =	ssyncadd.s32 $0xFFFFC000  }
.LBB2_12:
0x154: {  	s9 =	sshra.s32 s8, $0x2  }
0x155: {  	v4 =	vld [tilespmem:s9+$0x0]  }
0x156: {  	v5 =	vld [tilespmem:s9+$0x8000];
	_ =	sdelay $0x3  }
0x157: {  	v6 =	vshrl.u32 v4, $0x13  }
0x158: {  	vm0 =	veq.f32 v5, $0.0e+00;
	vm1 =	veq.s32 v6, v3  }
0x159: {  	v4 =	vshrl.u32 v4, $0x6;
	vm0 =	vmand vm0, vm1  }
0x15a: {  	v4 =	vand.u32 $0x1FFF, v4;
	_ =	sdelay $0x4  }
0x15b: {  	[tilespmem:v4+s5+$0x0] =	vst.idx.add.s32.msk vm0, v2  }
0x15c: {  	v4 =	vld [tilespmem:s9+$0x10]  }
0x15d: {  	v5 =	vld [tilespmem:s9+$0x8010];
	_ =	sdelay $0x3  }
0x15e: {  	v57 =	vshrl.u32 v4, $0x13  }
0x15f: {  	vm14 =	veq.f32 v5, $0.0e+00;
	vm15 =	veq.s32 v57, v3  }
0x160: {  	v4 =	vshrl.u32 v4, $0x6;
	vm0 =	vmand vm14, vm15  }
0x161: {  	v4 =	vand.u32 $0x1FFF, v4;
	_ =	sdelay $0x4  }
0x162: {  	[tilespmem:v4+s5+$0x0] =	vst.idx.add.s32.msk vm0, v2  }
0x163: {  	v4 =	vld [tilespmem:s9+$0x20]  }
0x164: {  	v5 =	vld [tilespmem:s9+$0x8020];
	_ =	sdelay $0x3  }
0x165: {  	v58 =	vshrl.u32 v4, $0x13  }
0x166: {  	vm4 =	veq.f32 v5, $0.0e+00;
	vm5 =	veq.s32 v58, v3  }
0x167: {  	v4 =	vshrl.u32 v4, $0x6;
	vm0 =	vmand vm4, vm5  }
0x168: {  	v4 =	vand.u32 $0x1FFF, v4;
	_ =	sdelay $0x4  }
0x169: {  	[tilespmem:v4+s5+$0x0] =	vst.idx.add.s32.msk vm0, v2  }
0x16a: {  	v4 =	vld [tilespmem:s9+$0x30]  }
0x16b: {  	v5 =	vld [tilespmem:s9+$0x8030];
	_ =	sdelay $0x3  }
0x16c: {  	v59 =	vshrl.u32 v4, $0x13  }
0x16d: {  	vm6 =	veq.f32 v5, $0.0e+00;
	vm7 =	veq.s32 v59, v3  }
0x16e: {  	v4 =	vshrl.u32 v4, $0x6;
	vm0 =	vmand vm6, vm7  }
0x16f: {  	v4 =	vand.u32 $0x1FFF, v4;
	_ =	sdelay $0x4  }
0x170: {  	[tilespmem:v4+s5+$0x0] =	vst.idx.add.s32.msk vm0, v2  }
0x171: {  	v4 =	vld [tilespmem:s9+$0x40]  }
0x172: {  	v5 =	vld [tilespmem:s9+$0x8040];
	_ =	sdelay $0x3  }
0x173: {  	v60 =	vshrl.u32 v4, $0x13  }
0x174: {  	vm8 =	veq.f32 v5, $0.0e+00;
	vm9 =	veq.s32 v60, v3  }
0x175: {  	v4 =	vshrl.u32 v4, $0x6;
	vm0 =	vmand vm8, vm9  }
0x176: {  	v4 =	vand.u32 $0x1FFF, v4;
	_ =	sdelay $0x4  }
0x177: {  	[tilespmem:v4+s5+$0x0] =	vst.idx.add.s32.msk vm0, v2  }
0x178: {  	v4 =	vld [tilespmem:s9+$0x50]  }
0x179: {  	v5 =	vld [tilespmem:s9+$0x8050];
	_ =	sdelay $0x3  }
0x17a: {  	v61 =	vshrl.u32 v4, $0x13  }
0x17b: {  	vm10 =	veq.f32 v5, $0.0e+00;
	vm11 =	veq.s32 v61, v3  }
0x17c: {  	v4 =	vshrl.u32 v4, $0x6;
	vm0 =	vmand vm10, vm11  }
0x17d: {  	v4 =	vand.u32 $0x1FFF, v4;
	_ =	sdelay $0x4  }
0x17e: {  	[tilespmem:v4+s5+$0x0] =	vst.idx.add.s32.msk vm0, v2  }
0x17f: {  	v4 =	vld [tilespmem:s9+$0x60]  }
0x180: {  	v5 =	vld [tilespmem:s9+$0x8060];
	_ =	sdelay $0x3  }
0x181: {  	v62 =	vshrl.u32 v4, $0x13  }
0x182: {  	vm12 =	veq.f32 v5, $0.0e+00;
	vm13 =	veq.s32 v62, v3  }
0x183: {  	v4 =	vshrl.u32 v4, $0x6;
	vm0 =	vmand vm12, vm13  }
0x184: {  	v4 =	vand.u32 $0x1FFF, v4;
	_ =	sdelay $0x4  }
0x185: {  	[tilespmem:v4+s5+$0x0] =	vst.idx.add.s32.msk vm0, v2  }
0x186: {  	v4 =	vld [tilespmem:s9+$0x70]  }
0x187: {  	v5 =	vld [tilespmem:s9+$0x8070];
	_ =	sdelay $0x3  }
0x188: {  	v63 =	vshrl.u32 v4, $0x13  }
0x189: {  	vm14 =	veq.f32 v5, $0.0e+00;
	vm15 =	veq.s32 v63, v3  }
0x18a: {  	v4 =	vshrl.u32 v4, $0x6;
	vm0 =	vmand vm14, vm15  }
0x18b: {  	p0 =	sne.s32 s8, $0xFE00;
	v4 =	vand.u32 $0x1FFF, v4  }
.Ltmp5:
0x18c: {  	_ = 	snop;
	(pc) =	sbr.rel @p0 .LBB2_12-.Ltmp5, $2  }
0x18d: {  	_ =	sdelay $0x2  }
0x18e: {  	s8 =	sadd.s32 $0x200, s8;
	[tilespmem:v4+s5+$0x0] =	vst.idx.add.s32.msk vm0, v2  }
0x18f: {  	s8 =	simm.s32 $0x0;
	s1 =	rddreg [dreg:$0xd]  }
0x190: {  	[tilespmem:s8], [sflag:$0x1] =	stream.strided.gather [hbm4b:s1+s26], $0x4000, s0, s26, $0x38;
	[tilespmem:$0x1A000] =	vst v63  }
0x191: {  	s29 =	rddreg [dreg:$0xe]  }
0x192: {  	[tilespmem:s10], [sflag:$0x3] =	stream.strided.gather [hbm4b:s29+s26], $0x4000, s0, s26, $0x38;
	[tilespmem:$0x1A000] =	vst v63  }
0x193: {  	_ =	swait.ge [sflag:s6], $0x4000  }
0x194: {  	[sflag:s6] =	ssyncset.done $0x0  }
0x195: {  	[sflag:s6] =	ssyncadd.s32 $0xFFFFC000  }
0x196: {  	_ =	swait.ge [sflag:s7], $0x4000  }
0x197: {  	[sflag:s7] =	ssyncset.done $0x0  }
0x198: {  	[sflag:s7] =	ssyncadd.s32 $0xFFFFC000  }
.LBB2_14:
0x199: {  	s9 =	sshra.s32 s8, $0x2  }
0x19a: {  	v4 =	vld [tilespmem:s9+$0x4000]  }
0x19b: {  	v5 =	vld [tilespmem:s9+$0xC000];
	_ =	sdelay $0x3  }
0x19c: {  	v6 =	vshrl.u32 v4, $0x13  }
0x19d: {  	vm0 =	veq.f32 v5, $0.0e+00;
	vm1 =	veq.s32 v6, v3  }
0x19e: {  	v4 =	vshrl.u32 v4, $0x6;
	vm0 =	vmand vm0, vm1  }
0x19f: {  	v4 =	vand.u32 $0x1FFF, v4;
	_ =	sdelay $0x4  }
0x1a0: {  	[tilespmem:v4+s5+$0x0] =	vst.idx.add.s32.msk vm0, v2  }
0x1a1: {  	v4 =	vld [tilespmem:s9+$0x4010]  }
0x1a2: {  	v5 =	vld [tilespmem:s9+$0xC010];
	_ =	sdelay $0x3  }
0x1a3: {  	v57 =	vshrl.u32 v4, $0x13  }
0x1a4: {  	vm14 =	veq.f32 v5, $0.0e+00;
	vm15 =	veq.s32 v57, v3  }
0x1a5: {  	v4 =	vshrl.u32 v4, $0x6;
	vm0 =	vmand vm14, vm15  }
0x1a6: {  	v4 =	vand.u32 $0x1FFF, v4;
	_ =	sdelay $0x4  }
0x1a7: {  	[tilespmem:v4+s5+$0x0] =	vst.idx.add.s32.msk vm0, v2  }
0x1a8: {  	v4 =	vld [tilespmem:s9+$0x4020]  }
0x1a9: {  	v5 =	vld [tilespmem:s9+$0xC020];
	_ =	sdelay $0x3  }
0x1aa: {  	v58 =	vshrl.u32 v4, $0x13  }
0x1ab: {  	vm4 =	veq.f32 v5, $0.0e+00;
	vm5 =	veq.s32 v58, v3  }
0x1ac: {  	v4 =	vshrl.u32 v4, $0x6;
	vm0 =	vmand vm4, vm5  }
0x1ad: {  	v4 =	vand.u32 $0x1FFF, v4;
	_ =	sdelay $0x4  }
0x1ae: {  	[tilespmem:v4+s5+$0x0] =	vst.idx.add.s32.msk vm0, v2  }
0x1af: {  	v4 =	vld [tilespmem:s9+$0x4030]  }
0x1b0: {  	v5 =	vld [tilespmem:s9+$0xC030];
	_ =	sdelay $0x3  }
0x1b1: {  	v59 =	vshrl.u32 v4, $0x13  }
0x1b2: {  	vm6 =	veq.f32 v5, $0.0e+00;
	vm7 =	veq.s32 v59, v3  }
0x1b3: {  	v4 =	vshrl.u32 v4, $0x6;
	vm0 =	vmand vm6, vm7  }
0x1b4: {  	v4 =	vand.u32 $0x1FFF, v4;
	_ =	sdelay $0x4  }
0x1b5: {  	[tilespmem:v4+s5+$0x0] =	vst.idx.add.s32.msk vm0, v2  }
0x1b6: {  	v4 =	vld [tilespmem:s9+$0x4040]  }
0x1b7: {  	v5 =	vld [tilespmem:s9+$0xC040];
	_ =	sdelay $0x3  }
0x1b8: {  	v60 =	vshrl.u32 v4, $0x13  }
0x1b9: {  	vm8 =	veq.f32 v5, $0.0e+00;
	vm9 =	veq.s32 v60, v3  }
0x1ba: {  	v4 =	vshrl.u32 v4, $0x6;
	vm0 =	vmand vm8, vm9  }
0x1bb: {  	v4 =	vand.u32 $0x1FFF, v4;
	_ =	sdelay $0x4  }
0x1bc: {  	[tilespmem:v4+s5+$0x0] =	vst.idx.add.s32.msk vm0, v2  }
0x1bd: {  	v4 =	vld [tilespmem:s9+$0x4050]  }
0x1be: {  	v5 =	vld [tilespmem:s9+$0xC050];
	_ =	sdelay $0x3  }
0x1bf: {  	v61 =	vshrl.u32 v4, $0x13  }
0x1c0: {  	vm10 =	veq.f32 v5, $0.0e+00;
	vm11 =	veq.s32 v61, v3  }
0x1c1: {  	v4 =	vshrl.u32 v4, $0x6;
	vm0 =	vmand vm10, vm11  }
0x1c2: {  	v4 =	vand.u32 $0x1FFF, v4;
	_ =	sdelay $0x4  }
0x1c3: {  	[tilespmem:v4+s5+$0x0] =	vst.idx.add.s32.msk vm0, v2  }
0x1c4: {  	v4 =	vld [tilespmem:s9+$0x4060]  }
0x1c5: {  	v5 =	vld [tilespmem:s9+$0xC060];
	_ =	sdelay $0x3  }
0x1c6: {  	v62 =	vshrl.u32 v4, $0x13  }
0x1c7: {  	vm12 =	veq.f32 v5, $0.0e+00;
	vm13 =	veq.s32 v62, v3  }
0x1c8: {  	v4 =	vshrl.u32 v4, $0x6;
	vm0 =	vmand vm12, vm13  }
0x1c9: {  	v4 =	vand.u32 $0x1FFF, v4;
	_ =	sdelay $0x4  }
0x1ca: {  	[tilespmem:v4+s5+$0x0] =	vst.idx.add.s32.msk vm0, v2  }
0x1cb: {  	v4 =	vld [tilespmem:s9+$0x4070]  }
0x1cc: {  	v5 =	vld [tilespmem:s9+$0xC070];
	_ =	sdelay $0x3  }
0x1cd: {  	v63 =	vshrl.u32 v4, $0x13  }
0x1ce: {  	vm14 =	veq.f32 v5, $0.0e+00;
	vm15 =	veq.s32 v63, v3  }
0x1cf: {  	v4 =	vshrl.u32 v4, $0x6;
	vm0 =	vmand vm14, vm15  }
0x1d0: {  	p0 =	sne.s32 s8, $0xFE00;
	v4 =	vand.u32 $0x1FFF, v4  }
.Ltmp6:
0x1d1: {  	_ = 	snop;
	(pc) =	sbr.rel @p0 .LBB2_14-.Ltmp6, $2  }
0x1d2: {  	_ =	sdelay $0x2  }
0x1d3: {  	s8 =	sadd.s32 $0x200, s8;
	[tilespmem:v4+s5+$0x0] =	vst.idx.add.s32.msk vm0, v2  }
0x1d4: {  	s1 =	rddreg [dreg:$0xf]  }
0x1d5: {  	[tilespmem:s11], [sflag:$0x2] =	stream.strided.gather [hbm4b:s1+s26], $0x4000, s0, s26, $0x38;
	[tilespmem:$0x1A000] =	vst v63  }
0x1d6: {  	s29 =	rddreg [dreg:$0x10]  }
0x1d7: {  	[tilespmem:s31], [sflag:$0x4] =	stream.strided.gather [hbm4b:s29+s26], $0x4000, s0, s26, $0x38;
	[tilespmem:$0x1A000] =	vst v63  }
0x1d8: {  	_ =	swait.ge [sflag:s3], $0x4000  }
0x1d9: {  	[sflag:s3] =	ssyncset.done $0x0  }
0x1da: {  	[sflag:s3] =	ssyncadd.s32 $0xFFFFC000  }
0x1db: {  	_ =	swait.ge [sflag:s4], $0x4000  }
0x1dc: {  	[sflag:s4] =	ssyncset.done $0x0  }
0x1dd: {  	s8 =	simm.s32 $0x0;
	[sflag:s4] =	ssyncadd.s32 $0xFFFFC000  }
.LBB2_16:
0x1de: {  	s9 =	sshra.s32 s8, $0x2  }
0x1df: {  	v4 =	vld [tilespmem:s9+$0x0]  }
0x1e0: {  	v5 =	vld [tilespmem:s9+$0x8000];
	_ =	sdelay $0x3  }
0x1e1: {  	v6 =	vshrl.u32 v4, $0x13  }
0x1e2: {  	vm0 =	veq.f32 v5, $0.0e+00;
	vm1 =	veq.s32 v6, v3  }
0x1e3: {  	v4 =	vshrl.u32 v4, $0x6;
	vm0 =	vmand vm0, vm1  }
0x1e4: {  	v4 =	vand.u32 $0x1FFF, v4;
	_ =	sdelay $0x4  }
0x1e5: {  	[tilespmem:v4+s5+$0x0] =	vst.idx.add.s32.msk vm0, v2  }
0x1e6: {  	v4 =	vld [tilespmem:s9+$0x10]  }
0x1e7: {  	v5 =	vld [tilespmem:s9+$0x8010];
	_ =	sdelay $0x3  }
0x1e8: {  	v57 =	vshrl.u32 v4, $0x13  }
0x1e9: {  	vm14 =	veq.f32 v5, $0.0e+00;
	vm15 =	veq.s32 v57, v3  }
0x1ea: {  	v4 =	vshrl.u32 v4, $0x6;
	vm0 =	vmand vm14, vm15  }
0x1eb: {  	v4 =	vand.u32 $0x1FFF, v4;
	_ =	sdelay $0x4  }
0x1ec: {  	[tilespmem:v4+s5+$0x0] =	vst.idx.add.s32.msk vm0, v2  }
0x1ed: {  	v4 =	vld [tilespmem:s9+$0x20]  }
0x1ee: {  	v5 =	vld [tilespmem:s9+$0x8020];
	_ =	sdelay $0x3  }
0x1ef: {  	v58 =	vshrl.u32 v4, $0x13  }
0x1f0: {  	vm4 =	veq.f32 v5, $0.0e+00;
	vm5 =	veq.s32 v58, v3  }
0x1f1: {  	v4 =	vshrl.u32 v4, $0x6;
	vm0 =	vmand vm4, vm5  }
0x1f2: {  	v4 =	vand.u32 $0x1FFF, v4;
	_ =	sdelay $0x4  }
0x1f3: {  	[tilespmem:v4+s5+$0x0] =	vst.idx.add.s32.msk vm0, v2  }
0x1f4: {  	v4 =	vld [tilespmem:s9+$0x30]  }
0x1f5: {  	v5 =	vld [tilespmem:s9+$0x8030];
	_ =	sdelay $0x3  }
0x1f6: {  	v59 =	vshrl.u32 v4, $0x13  }
0x1f7: {  	vm6 =	veq.f32 v5, $0.0e+00;
	vm7 =	veq.s32 v59, v3  }
0x1f8: {  	v4 =	vshrl.u32 v4, $0x6;
	vm0 =	vmand vm6, vm7  }
0x1f9: {  	v4 =	vand.u32 $0x1FFF, v4;
	_ =	sdelay $0x4  }
0x1fa: {  	[tilespmem:v4+s5+$0x0] =	vst.idx.add.s32.msk vm0, v2  }
0x1fb: {  	v4 =	vld [tilespmem:s9+$0x40]  }
0x1fc: {  	v5 =	vld [tilespmem:s9+$0x8040];
	_ =	sdelay $0x3  }
0x1fd: {  	v60 =	vshrl.u32 v4, $0x13  }
0x1fe: {  	vm8 =	veq.f32 v5, $0.0e+00;
	vm9 =	veq.s32 v60, v3  }
0x1ff: {  	v4 =	vshrl.u32 v4, $0x6;
	vm0 =	vmand vm8, vm9  }
0x200: {  	v4 =	vand.u32 $0x1FFF, v4;
	_ =	sdelay $0x4  }
0x201: {  	[tilespmem:v4+s5+$0x0] =	vst.idx.add.s32.msk vm0, v2  }
0x202: {  	v4 =	vld [tilespmem:s9+$0x50]  }
0x203: {  	v5 =	vld [tilespmem:s9+$0x8050];
	_ =	sdelay $0x3  }
0x204: {  	v61 =	vshrl.u32 v4, $0x13  }
0x205: {  	vm10 =	veq.f32 v5, $0.0e+00;
	vm11 =	veq.s32 v61, v3  }
0x206: {  	v4 =	vshrl.u32 v4, $0x6;
	vm0 =	vmand vm10, vm11  }
0x207: {  	v4 =	vand.u32 $0x1FFF, v4;
	_ =	sdelay $0x4  }
0x208: {  	[tilespmem:v4+s5+$0x0] =	vst.idx.add.s32.msk vm0, v2  }
0x209: {  	v4 =	vld [tilespmem:s9+$0x60]  }
0x20a: {  	v5 =	vld [tilespmem:s9+$0x8060];
	_ =	sdelay $0x3  }
0x20b: {  	v62 =	vshrl.u32 v4, $0x13  }
0x20c: {  	vm12 =	veq.f32 v5, $0.0e+00;
	vm13 =	veq.s32 v62, v3  }
0x20d: {  	v4 =	vshrl.u32 v4, $0x6;
	vm0 =	vmand vm12, vm13  }
0x20e: {  	v4 =	vand.u32 $0x1FFF, v4;
	_ =	sdelay $0x4  }
0x20f: {  	[tilespmem:v4+s5+$0x0] =	vst.idx.add.s32.msk vm0, v2  }
0x210: {  	v4 =	vld [tilespmem:s9+$0x70]  }
0x211: {  	v5 =	vld [tilespmem:s9+$0x8070];
	_ =	sdelay $0x3  }
0x212: {  	v63 =	vshrl.u32 v4, $0x13  }
0x213: {  	vm14 =	veq.f32 v5, $0.0e+00;
	vm15 =	veq.s32 v63, v3  }
0x214: {  	v4 =	vshrl.u32 v4, $0x6;
	vm0 =	vmand vm14, vm15  }
0x215: {  	p0 =	sne.s32 s8, $0xFE00;
	v4 =	vand.u32 $0x1FFF, v4  }
.Ltmp7:
0x216: {  	_ = 	snop;
	(pc) =	sbr.rel @p0 .LBB2_16-.Ltmp7, $2  }
0x217: {  	_ =	sdelay $0x2  }
0x218: {  	s8 =	sadd.s32 $0x200, s8;
	[tilespmem:v4+s5+$0x0] =	vst.idx.add.s32.msk vm0, v2  }
0x219: {  	s8 =	simm.s32 $0x0;
	s1 =	rddreg [dreg:$0x11]  }
0x21a: {  	[tilespmem:s8], [sflag:$0x1] =	stream.strided.gather [hbm4b:s1+s26], $0x4000, s0, s26, $0x38;
	[tilespmem:$0x1A000] =	vst v63  }
0x21b: {  	s29 =	rddreg [dreg:$0x12]  }
0x21c: {  	[tilespmem:s10], [sflag:$0x3] =	stream.strided.gather [hbm4b:s29+s26], $0x4000, s0, s26, $0x38;
	[tilespmem:$0x1A000] =	vst v63  }
0x21d: {  	_ =	swait.ge [sflag:s6], $0x4000  }
0x21e: {  	[sflag:s6] =	ssyncset.done $0x0  }
0x21f: {  	[sflag:s6] =	ssyncadd.s32 $0xFFFFC000  }
0x220: {  	_ =	swait.ge [sflag:s7], $0x4000  }
0x221: {  	[sflag:s7] =	ssyncset.done $0x0  }
0x222: {  	[sflag:s7] =	ssyncadd.s32 $0xFFFFC000  }
.LBB2_18:
0x223: {  	s9 =	sshra.s32 s8, $0x2  }
0x224: {  	v4 =	vld [tilespmem:s9+$0x4000]  }
0x225: {  	v5 =	vld [tilespmem:s9+$0xC000];
	_ =	sdelay $0x3  }
0x226: {  	v6 =	vshrl.u32 v4, $0x13  }
0x227: {  	vm0 =	veq.f32 v5, $0.0e+00;
	vm1 =	veq.s32 v6, v3  }
0x228: {  	v4 =	vshrl.u32 v4, $0x6;
	vm0 =	vmand vm0, vm1  }
0x229: {  	v4 =	vand.u32 $0x1FFF, v4;
	_ =	sdelay $0x4  }
0x22a: {  	[tilespmem:v4+s5+$0x0] =	vst.idx.add.s32.msk vm0, v2  }
0x22b: {  	v4 =	vld [tilespmem:s9+$0x4010]  }
0x22c: {  	v5 =	vld [tilespmem:s9+$0xC010];
	_ =	sdelay $0x3  }
0x22d: {  	v57 =	vshrl.u32 v4, $0x13  }
0x22e: {  	vm14 =	veq.f32 v5, $0.0e+00;
	vm15 =	veq.s32 v57, v3  }
0x22f: {  	v4 =	vshrl.u32 v4, $0x6;
	vm0 =	vmand vm14, vm15  }
0x230: {  	v4 =	vand.u32 $0x1FFF, v4;
	_ =	sdelay $0x4  }
0x231: {  	[tilespmem:v4+s5+$0x0] =	vst.idx.add.s32.msk vm0, v2  }
0x232: {  	v4 =	vld [tilespmem:s9+$0x4020]  }
0x233: {  	v5 =	vld [tilespmem:s9+$0xC020];
	_ =	sdelay $0x3  }
0x234: {  	v58 =	vshrl.u32 v4, $0x13  }
0x235: {  	vm4 =	veq.f32 v5, $0.0e+00;
	vm5 =	veq.s32 v58, v3  }
0x236: {  	v4 =	vshrl.u32 v4, $0x6;
	vm0 =	vmand vm4, vm5  }
0x237: {  	v4 =	vand.u32 $0x1FFF, v4;
	_ =	sdelay $0x4  }
0x238: {  	[tilespmem:v4+s5+$0x0] =	vst.idx.add.s32.msk vm0, v2  }
0x239: {  	v4 =	vld [tilespmem:s9+$0x4030]  }
0x23a: {  	v5 =	vld [tilespmem:s9+$0xC030];
	_ =	sdelay $0x3  }
0x23b: {  	v59 =	vshrl.u32 v4, $0x13  }
0x23c: {  	vm6 =	veq.f32 v5, $0.0e+00;
	vm7 =	veq.s32 v59, v3  }
0x23d: {  	v4 =	vshrl.u32 v4, $0x6;
	vm0 =	vmand vm6, vm7  }
0x23e: {  	v4 =	vand.u32 $0x1FFF, v4;
	_ =	sdelay $0x4  }
0x23f: {  	[tilespmem:v4+s5+$0x0] =	vst.idx.add.s32.msk vm0, v2  }
0x240: {  	v4 =	vld [tilespmem:s9+$0x4040]  }
0x241: {  	v5 =	vld [tilespmem:s9+$0xC040];
	_ =	sdelay $0x3  }
0x242: {  	v60 =	vshrl.u32 v4, $0x13  }
0x243: {  	vm8 =	veq.f32 v5, $0.0e+00;
	vm9 =	veq.s32 v60, v3  }
0x244: {  	v4 =	vshrl.u32 v4, $0x6;
	vm0 =	vmand vm8, vm9  }
0x245: {  	v4 =	vand.u32 $0x1FFF, v4;
	_ =	sdelay $0x4  }
0x246: {  	[tilespmem:v4+s5+$0x0] =	vst.idx.add.s32.msk vm0, v2  }
0x247: {  	v4 =	vld [tilespmem:s9+$0x4050]  }
0x248: {  	v5 =	vld [tilespmem:s9+$0xC050];
	_ =	sdelay $0x3  }
0x249: {  	v61 =	vshrl.u32 v4, $0x13  }
0x24a: {  	vm10 =	veq.f32 v5, $0.0e+00;
	vm11 =	veq.s32 v61, v3  }
0x24b: {  	v4 =	vshrl.u32 v4, $0x6;
	vm0 =	vmand vm10, vm11  }
0x24c: {  	v4 =	vand.u32 $0x1FFF, v4;
	_ =	sdelay $0x4  }
0x24d: {  	[tilespmem:v4+s5+$0x0] =	vst.idx.add.s32.msk vm0, v2  }
0x24e: {  	v4 =	vld [tilespmem:s9+$0x4060]  }
0x24f: {  	v5 =	vld [tilespmem:s9+$0xC060];
	_ =	sdelay $0x3  }
0x250: {  	v62 =	vshrl.u32 v4, $0x13  }
0x251: {  	vm12 =	veq.f32 v5, $0.0e+00;
	vm13 =	veq.s32 v62, v3  }
0x252: {  	v4 =	vshrl.u32 v4, $0x6;
	vm0 =	vmand vm12, vm13  }
0x253: {  	v4 =	vand.u32 $0x1FFF, v4;
	_ =	sdelay $0x4  }
0x254: {  	[tilespmem:v4+s5+$0x0] =	vst.idx.add.s32.msk vm0, v2  }
0x255: {  	v4 =	vld [tilespmem:s9+$0x4070]  }
0x256: {  	v5 =	vld [tilespmem:s9+$0xC070];
	_ =	sdelay $0x3  }
0x257: {  	v63 =	vshrl.u32 v4, $0x13  }
0x258: {  	vm14 =	veq.f32 v5, $0.0e+00;
	vm15 =	veq.s32 v63, v3  }
0x259: {  	v4 =	vshrl.u32 v4, $0x6;
	vm0 =	vmand vm14, vm15  }
0x25a: {  	p0 =	sne.s32 s8, $0xFE00;
	v4 =	vand.u32 $0x1FFF, v4  }
.Ltmp8:
0x25b: {  	_ = 	snop;
	(pc) =	sbr.rel @p0 .LBB2_18-.Ltmp8, $2  }
0x25c: {  	_ =	sdelay $0x2  }
0x25d: {  	s8 =	sadd.s32 $0x200, s8;
	[tilespmem:v4+s5+$0x0] =	vst.idx.add.s32.msk vm0, v2  }
0x25e: {  	s1 =	rddreg [dreg:$0x13]  }
0x25f: {  	[tilespmem:s11], [sflag:$0x2] =	stream.strided.gather [hbm4b:s1+s26], $0x4000, s0, s26, $0x38;
	[tilespmem:$0x1A000] =	vst v63  }
0x260: {  	s29 =	rddreg [dreg:$0x14]  }
0x261: {  	[tilespmem:s31], [sflag:$0x4] =	stream.strided.gather [hbm4b:s29+s26], $0x4000, s0, s26, $0x38;
	[tilespmem:$0x1A000] =	vst v63  }
0x262: {  	_ =	swait.ge [sflag:s3], $0x4000  }
0x263: {  	[sflag:s3] =	ssyncset.done $0x0  }
0x264: {  	[sflag:s3] =	ssyncadd.s32 $0xFFFFC000  }
0x265: {  	_ =	swait.ge [sflag:s4], $0x4000  }
0x266: {  	[sflag:s4] =	ssyncset.done $0x0  }
0x267: {  	s8 =	simm.s32 $0x0;
	[sflag:s4] =	ssyncadd.s32 $0xFFFFC000  }
.LBB2_20:
0x268: {  	s9 =	sshra.s32 s8, $0x2  }
0x269: {  	v4 =	vld [tilespmem:s9+$0x0]  }
0x26a: {  	v5 =	vld [tilespmem:s9+$0x8000];
	_ =	sdelay $0x3  }
0x26b: {  	v6 =	vshrl.u32 v4, $0x13  }
0x26c: {  	vm0 =	veq.f32 v5, $0.0e+00;
	vm1 =	veq.s32 v6, v3  }
0x26d: {  	v4 =	vshrl.u32 v4, $0x6;
	vm0 =	vmand vm0, vm1  }
0x26e: {  	v4 =	vand.u32 $0x1FFF, v4;
	_ =	sdelay $0x4  }
0x26f: {  	[tilespmem:v4+s5+$0x0] =	vst.idx.add.s32.msk vm0, v2  }
0x270: {  	v4 =	vld [tilespmem:s9+$0x10]  }
0x271: {  	v5 =	vld [tilespmem:s9+$0x8010];
	_ =	sdelay $0x3  }
0x272: {  	v57 =	vshrl.u32 v4, $0x13  }
0x273: {  	vm14 =	veq.f32 v5, $0.0e+00;
	vm15 =	veq.s32 v57, v3  }
0x274: {  	v4 =	vshrl.u32 v4, $0x6;
	vm0 =	vmand vm14, vm15  }
0x275: {  	v4 =	vand.u32 $0x1FFF, v4;
	_ =	sdelay $0x4  }
0x276: {  	[tilespmem:v4+s5+$0x0] =	vst.idx.add.s32.msk vm0, v2  }
0x277: {  	v4 =	vld [tilespmem:s9+$0x20]  }
0x278: {  	v5 =	vld [tilespmem:s9+$0x8020];
	_ =	sdelay $0x3  }
0x279: {  	v58 =	vshrl.u32 v4, $0x13  }
0x27a: {  	vm4 =	veq.f32 v5, $0.0e+00;
	vm5 =	veq.s32 v58, v3  }
0x27b: {  	v4 =	vshrl.u32 v4, $0x6;
	vm0 =	vmand vm4, vm5  }
0x27c: {  	v4 =	vand.u32 $0x1FFF, v4;
	_ =	sdelay $0x4  }
0x27d: {  	[tilespmem:v4+s5+$0x0] =	vst.idx.add.s32.msk vm0, v2  }
0x27e: {  	v4 =	vld [tilespmem:s9+$0x30]  }
0x27f: {  	v5 =	vld [tilespmem:s9+$0x8030];
	_ =	sdelay $0x3  }
0x280: {  	v59 =	vshrl.u32 v4, $0x13  }
0x281: {  	vm6 =	veq.f32 v5, $0.0e+00;
	vm7 =	veq.s32 v59, v3  }
0x282: {  	v4 =	vshrl.u32 v4, $0x6;
	vm0 =	vmand vm6, vm7  }
0x283: {  	v4 =	vand.u32 $0x1FFF, v4;
	_ =	sdelay $0x4  }
0x284: {  	[tilespmem:v4+s5+$0x0] =	vst.idx.add.s32.msk vm0, v2  }
0x285: {  	v4 =	vld [tilespmem:s9+$0x40]  }
0x286: {  	v5 =	vld [tilespmem:s9+$0x8040];
	_ =	sdelay $0x3  }
0x287: {  	v60 =	vshrl.u32 v4, $0x13  }
0x288: {  	vm8 =	veq.f32 v5, $0.0e+00;
	vm9 =	veq.s32 v60, v3  }
0x289: {  	v4 =	vshrl.u32 v4, $0x6;
	vm0 =	vmand vm8, vm9  }
0x28a: {  	v4 =	vand.u32 $0x1FFF, v4;
	_ =	sdelay $0x4  }
0x28b: {  	[tilespmem:v4+s5+$0x0] =	vst.idx.add.s32.msk vm0, v2  }
0x28c: {  	v4 =	vld [tilespmem:s9+$0x50]  }
0x28d: {  	v5 =	vld [tilespmem:s9+$0x8050];
	_ =	sdelay $0x3  }
0x28e: {  	v61 =	vshrl.u32 v4, $0x13  }
0x28f: {  	vm10 =	veq.f32 v5, $0.0e+00;
	vm11 =	veq.s32 v61, v3  }
0x290: {  	v4 =	vshrl.u32 v4, $0x6;
	vm0 =	vmand vm10, vm11  }
0x291: {  	v4 =	vand.u32 $0x1FFF, v4;
	_ =	sdelay $0x4  }
0x292: {  	[tilespmem:v4+s5+$0x0] =	vst.idx.add.s32.msk vm0, v2  }
0x293: {  	v4 =	vld [tilespmem:s9+$0x60]  }
0x294: {  	v5 =	vld [tilespmem:s9+$0x8060];
	_ =	sdelay $0x3  }
0x295: {  	v62 =	vshrl.u32 v4, $0x13  }
0x296: {  	vm12 =	veq.f32 v5, $0.0e+00;
	vm13 =	veq.s32 v62, v3  }
0x297: {  	v4 =	vshrl.u32 v4, $0x6;
	vm0 =	vmand vm12, vm13  }
0x298: {  	v4 =	vand.u32 $0x1FFF, v4;
	_ =	sdelay $0x4  }
0x299: {  	[tilespmem:v4+s5+$0x0] =	vst.idx.add.s32.msk vm0, v2  }
0x29a: {  	v4 =	vld [tilespmem:s9+$0x70]  }
0x29b: {  	v5 =	vld [tilespmem:s9+$0x8070];
	_ =	sdelay $0x3  }
0x29c: {  	v63 =	vshrl.u32 v4, $0x13  }
0x29d: {  	vm14 =	veq.f32 v5, $0.0e+00;
	vm15 =	veq.s32 v63, v3  }
0x29e: {  	v4 =	vshrl.u32 v4, $0x6;
	vm0 =	vmand vm14, vm15  }
0x29f: {  	p0 =	sne.s32 s8, $0xFE00;
	v4 =	vand.u32 $0x1FFF, v4  }
.Ltmp9:
0x2a0: {  	_ = 	snop;
	(pc) =	sbr.rel @p0 .LBB2_20-.Ltmp9, $2  }
0x2a1: {  	_ =	sdelay $0x2  }
0x2a2: {  	s8 =	sadd.s32 $0x200, s8;
	[tilespmem:v4+s5+$0x0] =	vst.idx.add.s32.msk vm0, v2  }
0x2a3: {  	_ =	swait.ge [sflag:s6], $0x4000  }
0x2a4: {  	[sflag:s6] =	ssyncset.done $0x0  }
0x2a5: {  	[sflag:s6] =	ssyncadd.s32 $0xFFFFC000  }
0x2a6: {  	_ =	swait.ge [sflag:s7], $0x4000  }
0x2a7: {  	[sflag:s7] =	ssyncset.done $0x0  }
0x2a8: {  	s8 =	simm.s32 $0x0;
	[sflag:s7] =	ssyncadd.s32 $0xFFFFC000  }
.LBB2_22:
0x2a9: {  	s9 =	sshra.s32 s8, $0x2  }
0x2aa: {  	v4 =	vld [tilespmem:s9+$0x4000]  }
0x2ab: {  	v5 =	vld [tilespmem:s9+$0xC000];
	_ =	sdelay $0x3  }
0x2ac: {  	v6 =	vshrl.u32 v4, $0x13  }
0x2ad: {  	vm0 =	veq.f32 v5, $0.0e+00;
	vm1 =	veq.s32 v6, v3  }
0x2ae: {  	v4 =	vshrl.u32 v4, $0x6;
	vm0 =	vmand vm0, vm1  }
0x2af: {  	v4 =	vand.u32 $0x1FFF, v4;
	_ =	sdelay $0x4  }
0x2b0: {  	[tilespmem:v4+s5+$0x0] =	vst.idx.add.s32.msk vm0, v2  }
0x2b1: {  	v4 =	vld [tilespmem:s9+$0x4010]  }
0x2b2: {  	v5 =	vld [tilespmem:s9+$0xC010];
	_ =	sdelay $0x3  }
0x2b3: {  	v57 =	vshrl.u32 v4, $0x13  }
0x2b4: {  	vm14 =	veq.f32 v5, $0.0e+00;
	vm15 =	veq.s32 v57, v3  }
0x2b5: {  	v4 =	vshrl.u32 v4, $0x6;
	vm0 =	vmand vm14, vm15  }
0x2b6: {  	v4 =	vand.u32 $0x1FFF, v4;
	_ =	sdelay $0x4  }
0x2b7: {  	[tilespmem:v4+s5+$0x0] =	vst.idx.add.s32.msk vm0, v2  }
0x2b8: {  	v4 =	vld [tilespmem:s9+$0x4020]  }
0x2b9: {  	v5 =	vld [tilespmem:s9+$0xC020];
	_ =	sdelay $0x3  }
0x2ba: {  	v58 =	vshrl.u32 v4, $0x13  }
0x2bb: {  	vm4 =	veq.f32 v5, $0.0e+00;
	vm5 =	veq.s32 v58, v3  }
0x2bc: {  	v4 =	vshrl.u32 v4, $0x6;
	vm0 =	vmand vm4, vm5  }
0x2bd: {  	v4 =	vand.u32 $0x1FFF, v4;
	_ =	sdelay $0x4  }
0x2be: {  	[tilespmem:v4+s5+$0x0] =	vst.idx.add.s32.msk vm0, v2  }
0x2bf: {  	v4 =	vld [tilespmem:s9+$0x4030]  }
0x2c0: {  	v5 =	vld [tilespmem:s9+$0xC030];
	_ =	sdelay $0x3  }
0x2c1: {  	v59 =	vshrl.u32 v4, $0x13  }
0x2c2: {  	vm6 =	veq.f32 v5, $0.0e+00;
	vm7 =	veq.s32 v59, v3  }
0x2c3: {  	v4 =	vshrl.u32 v4, $0x6;
	vm0 =	vmand vm6, vm7  }
0x2c4: {  	v4 =	vand.u32 $0x1FFF, v4;
	_ =	sdelay $0x4  }
0x2c5: {  	[tilespmem:v4+s5+$0x0] =	vst.idx.add.s32.msk vm0, v2  }
0x2c6: {  	v4 =	vld [tilespmem:s9+$0x4040]  }
0x2c7: {  	v5 =	vld [tilespmem:s9+$0xC040];
	_ =	sdelay $0x3  }
0x2c8: {  	v60 =	vshrl.u32 v4, $0x13  }
0x2c9: {  	vm8 =	veq.f32 v5, $0.0e+00;
	vm9 =	veq.s32 v60, v3  }
0x2ca: {  	v4 =	vshrl.u32 v4, $0x6;
	vm0 =	vmand vm8, vm9  }
0x2cb: {  	v4 =	vand.u32 $0x1FFF, v4;
	_ =	sdelay $0x4  }
0x2cc: {  	[tilespmem:v4+s5+$0x0] =	vst.idx.add.s32.msk vm0, v2  }
0x2cd: {  	v4 =	vld [tilespmem:s9+$0x4050]  }
0x2ce: {  	v5 =	vld [tilespmem:s9+$0xC050];
	_ =	sdelay $0x3  }
0x2cf: {  	v61 =	vshrl.u32 v4, $0x13  }
0x2d0: {  	vm10 =	veq.f32 v5, $0.0e+00;
	vm11 =	veq.s32 v61, v3  }
0x2d1: {  	v4 =	vshrl.u32 v4, $0x6;
	vm0 =	vmand vm10, vm11  }
0x2d2: {  	v4 =	vand.u32 $0x1FFF, v4;
	_ =	sdelay $0x4  }
0x2d3: {  	[tilespmem:v4+s5+$0x0] =	vst.idx.add.s32.msk vm0, v2  }
0x2d4: {  	v4 =	vld [tilespmem:s9+$0x4060]  }
0x2d5: {  	v5 =	vld [tilespmem:s9+$0xC060];
	_ =	sdelay $0x3  }
0x2d6: {  	v62 =	vshrl.u32 v4, $0x13  }
0x2d7: {  	vm12 =	veq.f32 v5, $0.0e+00;
	vm13 =	veq.s32 v62, v3  }
0x2d8: {  	v4 =	vshrl.u32 v4, $0x6;
	vm0 =	vmand vm12, vm13  }
0x2d9: {  	v4 =	vand.u32 $0x1FFF, v4;
	_ =	sdelay $0x4  }
0x2da: {  	[tilespmem:v4+s5+$0x0] =	vst.idx.add.s32.msk vm0, v2  }
0x2db: {  	v4 =	vld [tilespmem:s9+$0x4070]  }
0x2dc: {  	v5 =	vld [tilespmem:s9+$0xC070];
	_ =	sdelay $0x3  }
0x2dd: {  	v63 =	vshrl.u32 v4, $0x13  }
0x2de: {  	vm14 =	veq.f32 v5, $0.0e+00;
	vm15 =	veq.s32 v63, v3  }
0x2df: {  	v4 =	vshrl.u32 v4, $0x6;
	vm0 =	vmand vm14, vm15  }
0x2e0: {  	p0 =	sne.s32 s8, $0xFE00;
	v4 =	vand.u32 $0x1FFF, v4  }
.Ltmp10:
0x2e1: {  	_ = 	snop;
	(pc) =	sbr.rel @p0 .LBB2_22-.Ltmp10, $2  }
0x2e2: {  	_ =	sdelay $0x2  }
0x2e3: {  	s8 =	sadd.s32 $0x200, s8;
	[tilespmem:v4+s5+$0x0] =	vst.idx.add.s32.msk vm0, v2  }
0x2e4: {  	s1 =	rddreg [dreg:$0x15];
	s8 =	simm.s32 $0x0;
	s25 =	simm.s32 $0x0  }
0x2e5: {  	[spmem:s1] =	stream.strided.scatter [tilespmem:s5], [sflag:$0x5], $0x2000, s0, s26, $0x38;
	[tilespmem:$0x1A000] =	vst v63  }
0x2e6: {  	s9 =	simm.s32 $0x0;
	s10 =	sand.u32 $0x380, s8;
	_ =	swait.ge [sflag:s30], $0x2000  }
0x2e7: {  	s1 =	sand.u32 $0x3FFFF000, s25;
	s9 =	sand.u32 $0x3FFF0000, s9;
	[sflag:s30] =	ssyncset.done $0x0  }
0x2e8: {  	s1 =	sor.u32 s10, s1;
	s9 =	sadd.s32 s9, s20;
	[sflag:s30] =	ssyncadd.s32 $0xFFFFE000  }
0x2e9: {  	s1 =	sadd.s32 $0x12000, s1;
	s9 =	sadd.s32 s10, s9;
	[bflag:$0x0] =	sbarrier.arrive $0xFFFF  }
0x2ea: {  	[tilespmem:s1], [sflag:$0x5] =	stream.linear.gather [spmem:s9], $0x80, $0x38;
	[tilespmem:$0x1A000] =	vst v63  }
0x2eb: {  	s10 =	sadd.s32 $0x400, s9;
	s11 =	sor.u32 $0x400, s1  }
0x2ec: {  	[tilespmem:s11], [sflag:$0x5] =	stream.linear.gather [spmem:s10], $0x80, $0x38;
	[tilespmem:$0x1A000] =	vst v63  }
0x2ed: {  	s28 =	sadd.s32 $0x800, s9;
	s29 =	sor.u32 $0x800, s1  }
0x2ee: {  	[tilespmem:s29], [sflag:$0x5] =	stream.linear.gather [spmem:s28], $0x80, $0x38;
	[tilespmem:$0x1A000] =	vst v63  }
0x2ef: {  	s9 =	sadd.s32 $0xC00, s9;
	s1 =	sor.u32 $0xC00, s1  }
0x2f0: {  	[tilespmem:s1], [sflag:$0x5] =	stream.linear.gather [spmem:s9], $0x80, $0x38;
	[tilespmem:$0x1A000] =	vst v63  }
0x2f1: {  	s11 =	simm.s32 $0x2;
	_ =	swait.ge [sflag:s30], $0x200  }
0x2f2: {  	s10 =	simm.s32 $0x80;
	s9 =	simm.s32 $0x1;
	[sflag:s30] =	ssyncset.done $0x0  }
.LBB2_24:
0x2f3: {  	s1 =	sshll.u32 s9, $0x9  }
0x2f4: {  	s12 =	sshll.u32 s9, $0xD;
	[sflag:s30] =	ssyncadd.s32 $0xFFFFFE00;
	s9 =	smov.u32 s11  }
0x2f5: {  	s13 =	sand.u32 $0x380, s10;
	s1 =	sand.u32 $0x3FFFF000, s1;
	s12 =	sand.u32 $0x3FFF0000, s12  }
0x2f6: {  	s14 =	sadd.s32 $0x1, s11;
	s1 =	sor.u32 s13, s1;
	s12 =	sadd.s32 s12, s20  }
0x2f7: {  	p0 =	sne.s32 s11, $0xF;
	s1 =	sadd.s32 $0x12000, s1;
	s11 =	sadd.s32 s13, s12  }
0x2f8: {  	[tilespmem:s1], [sflag:$0x5] =	stream.linear.gather [spmem:s11], $0x80, $0x38;
	[tilespmem:$0x1A000] =	vst v63  }
0x2f9: {  	s12 =	sadd.s32 $0x400, s11;
	s13 =	sor.u32 $0x400, s1  }
0x2fa: {  	[tilespmem:s13], [sflag:$0x5] =	stream.linear.gather [spmem:s12], $0x80, $0x38;
	[tilespmem:$0x1A000] =	vst v63  }
0x2fb: {  	s12 =	sadd.s32 $0x800, s11;
	s13 =	sor.u32 $0x800, s1  }
0x2fc: {  	[tilespmem:s13], [sflag:$0x5] =	stream.linear.gather [spmem:s12], $0x80, $0x38;
	[tilespmem:$0x1A000] =	vst v63  }
.Ltmp11:
0x2fd: {  	_ = 	snop;
	(pc) =	sbr.rel @p0 .LBB2_24-.Ltmp11, $4  }
0x2fe: {  	s11 =	sadd.s32 $0xC00, s11;
	s1 =	sor.u32 $0xC00, s1  }
0x2ff: {  	[tilespmem:s1], [sflag:$0x5] =	stream.linear.gather [spmem:s11], $0x80, $0x38;
	[tilespmem:$0x1A000] =	vst v63  }
0x300: {  	_ =	swait.ge [sflag:s30], $0x200  }
0x301: {  	s10 =	sadd.s32 $0x80, s10;
	s11 =	smov.u32 s14;
	[sflag:s30] =	ssyncset.done $0x0  }
0x302: {  	s1 =	sshll.u32 s9, $0x9;
	s25 =	sshll.u32 s9, $0xD  }
0x303: {  	s10 =	sand.u32 $0x380, s10;
	s1 =	sand.u32 $0x3FFFF000, s1;
	s9 =	sand.u32 $0x3FFF0000, s25  }
0x304: {  	s1 =	sor.u32 s10, s1;
	s9 =	sadd.s32 s9, s20  }
0x305: {  	[sflag:s30] =	ssyncadd.s32 $0xFFFFFE00;
	s1 =	sadd.s32 $0x12000, s1;
	s9 =	sadd.s32 s10, s9  }
0x306: {  	[tilespmem:s1], [sflag:$0x5] =	stream.linear.gather [spmem:s9], $0x80, $0x38;
	[tilespmem:$0x1A000] =	vst v63  }
0x307: {  	s10 =	sadd.s32 $0x400, s9;
	s11 =	sor.u32 $0x400, s1  }
0x308: {  	[tilespmem:s11], [sflag:$0x5] =	stream.linear.gather [spmem:s10], $0x80, $0x38;
	[tilespmem:$0x1A000] =	vst v63  }
0x309: {  	s28 =	sadd.s32 $0x800, s9;
	s29 =	sor.u32 $0x800, s1  }
0x30a: {  	[tilespmem:s29], [sflag:$0x5] =	stream.linear.gather [spmem:s28], $0x80, $0x38;
	[tilespmem:$0x1A000] =	vst v63  }
0x30b: {  	s9 =	sadd.s32 $0xC00, s9;
	s1 =	sor.u32 $0xC00, s1  }
0x30c: {  	[tilespmem:s1], [sflag:$0x5] =	stream.linear.gather [spmem:s9], $0x80, $0x38;
	[tilespmem:$0x1A000] =	vst v63  }
0x30d: {  	_ =	swait.ge [sflag:s30], $0x200  }
0x30e: {  	[sflag:s30] =	ssyncset.done $0x0  }
0x30f: {  	[sflag:s30] =	ssyncadd.s32 $0xFFFFFE00  }
.LBB2_26:
0x310: {  	s10 =	sshll.u32 s8, $0x4  }
0x311: {  	s9 =	sand.u32 $0x70, s10  }
0x312: {  	s1 =	sshll.u32 s8, $0x7;
	v3 =	vmov s9  }
0x313: {  	s12 =	simm.s32 $0x0;
	s1 =	sand.u32 $0xC00, s1  }
0x314: {  	s29 =	sand.u32 $0x1000, s12;
	s11 =	sor.u32 $0x12000, s1  }
0x315: {  	s12 =	sand.u32 $0x380, s12;
	s1 =	sadd.s32 s29, s11  }
0x316: {  	s1 =	sadd.s32 s12, s1  }
0x317: {  	v5 =	vld.idx.msk [tilespmem:v3+s1+$0x0 ss:$0x1], $0xffff  }
0x318: {  	v4 =	vimm.s32 $0x0;
	s13 =	simm.s32 $0x80;
	s12 =	simm.s32 $0x200  }
.LBB2_27:
0x319: {  	s1 =	sand.u32 $0x1000, s12;
	p0 =	sne.s32 s12, $0x1E00;
	s12 =	sadd.s32 $0x200, s12  }
.Ltmp12:
0x31a: {  	s14 =	sand.u32 $0x380, s13;
	s1 =	sadd.s32 s1, s11;
	(pc) =	sbr.rel @p0 .LBB2_27-.Ltmp12, $3  }
0x31b: {  	s1 =	sadd.s32 s14, s1  }
0x31c: {  	v4 =	vadd.s32 v4, v5;
	v5 =	vld.idx.msk [tilespmem:v3+s1+$0x0 ss:$0x1], $0xffff;
	_ =	sdelay $0x1  }
0x31d: {  	s13 =	sadd.s32 $0x80, s13  }
0x31e: {  	s8 =	sadd.s32 $0x1, s8  }
0x31f: {  	p0 =	sne.s32 s8, $0x20  }
.Ltmp13:
0x320: {  	_ = 	snop;
	(pc) =	sbr.rel @p0 .LBB2_26-.Ltmp13, $4  }
0x321: {  	s1 =	sand.u32 $0x180, s10  }
0x322: {  	s1 =	sadd.s32 s1, s23  }
0x323: {  	v3 =	vadd.s32 v4, v5;
	s1 =	sadd.s32 s9, s1  }
0x324: {  	[tilespmem:s1+$0x0] =	vst v3  }
0x325: {  	s1 =	rddreg [dreg:$0x18];
	s8 =	simm.s32 $0x100  }
0x326: {  	[hbm4b:s1+s26] =	stream.strided.scatter [tilespmem:s23], [sflag:$0x5], $0x200, s8, s26, $0x38;
	[tilespmem:$0x1A000] =	vst v63  }
0x327: {  	_ =	swait.ge [sflag:s30], $0x200  }
0x328: {  	s2 =	sadd.s32 $0x1, s2;
	s29 =	rddreg [dreg:$0x19]  }
0x329: {  	p0 =	sne.s32 s2, s29  }
.Ltmp14:
0x32a: {  	_ = 	snop;
	(pc) =	sbr.rel @p0 .LBB2_1-.Ltmp14, $3  }
0x32b: {  	_ =	sdelay $0x1  }
0x32c: {  	[sflag:s30] =	ssyncset.done $0x0  }
0x32d: {  	[sflag:s30] =	ssyncadd.s32 $0xFFFFFE00  }
0x32e: {  	_ =	sfence.sel $0x180000  }
0x32f: {  	[bflag:$0x0] =	sbarrier.arrive $0xFFFF  }
0x330: {  	_ =	strace $0x9000004A  }
0x331: {  	s0 =	stileid.u32;
	[bflag:$0x2] =	sbarrier.arrive $0xFFFF  }
0x332: {  	p0 =	sne.s32 s0, $0x0;
	s0 =	rddreg [dreg:$0x4]  }
0x333: {  	s0 =	sadd.s32 @!p0 $0x100000, s0  }
0x334: {  	[sflag:s0] =	ssyncadd.tile.s32 @!p0 $0x1;
	_ =	shalt  }
.Lfunc_end2:
_tile_overlayer_lowered:
.L_overlay_start_2:
0x335: {  	(tag) =	ssettag $0x2  }
0x336: {  	s0 =	rddreg [dreg:$0x0];
	s2 =	stileid.u32  }
0x337: {  	s1 =	rddreg [dreg:$0x1];
	p0 =	sne.s32 s2, $0x0  }
0x338: {  	s3 =	rddreg [dreg:$0x2];
	[bflag:$0x3] =	sbarrier.arrive $0xFFFF;
	s2 =	simm.s32 @!p0 $0x1C05  }
0x339: {  	[timem:s3], [sflag:s2] =	dma.local @!p0 [hbm:s0], s1  }
0x33a: {  	s0 =	simm.s32 @!p0 $0x5  }
0x33b: {  	_ =	swait.ge @!p0 [sflag:s0], s1  }
0x33c: {  	s1 =	ssub.s32 @!p0 $0x0, s1;
	[sflag:s0] =	ssyncset.done @!p0 $0x0  }
0x33d: {  	[sflag:s0] =	ssyncadd.s32 @!p0 s1  }
0x33e: {  	[bflag:$0x3] =	sbarrier.arrive $0xFFFF  }
0x33f: {  	_ =	shalt  }

</sc_bundles>
